<compile_context>
chip_gen: v7x
topology: tpu7x:2x2x1
jax: 0.10.2.dev20260603
libtpu: 0.0.44.dev20260713+nightly
codegen_flags: <defaults>
</compile_context>

<pallas_src>
import functools

import jax
import jax.numpy as jnp
from jax import lax
from jax.experimental import pallas as pl
from jax.experimental.pallas import tpu as pltpu
from jax.experimental.pallas import tpu_sc as plsc

NUM_FREQ = 4
IN_DIM = 4
OUT_DIM = 4
NUM_BINS = 34
ROW = OUT_DIM * IN_DIM * NUM_FREQ
E = 800000
ETILES = E // 128

NC = 2
NS = 16
NW = NC * NS
L = 16

ST = 5
EPB = ST * 128
NSUP = ETILES // ST
NIT = -(-NSUP // NW)

_MAGIC = 8388608.0


def _bins_from_dists(d):
    x = jnp.clip((d - 2.4) / 0.4, 0.0, 33.0)
    r = (x + _MAGIC) - _MAGIC
    return r.astype(jnp.int32)


_mesh = plsc.VectorSubcoreMesh(core_axis_name="c", subcore_axis_name="s")


@functools.partial(
    pl.kernel,
    mesh=_mesh,
    out_type=jax.ShapeDtypeStruct((ROW // NUM_FREQ, ETILES, NUM_FREQ, 128),
                                  jnp.float32),
    scratch_types=[
        pltpu.VMEM((L * (NUM_BINS * 80 + 1),), jnp.float32),
        [pltpu.VMEM((EPB,), jnp.float32) for _ in range(2)],
        [pltpu.VMEM((EPB,), jnp.int32) for _ in range(2)],
        [pltpu.VMEM((ROW // NUM_FREQ, ST, NUM_FREQ, 128), jnp.float32)
         for _ in range(2)],
        [pltpu.SemaphoreType.DMA for _ in range(2)],
        [pltpu.SemaphoreType.DMA for _ in range(2)],
    ],
    compiler_params=pltpu.CompilerParams(use_tc_tiling_on_sc=False,
                                         needs_layout_passes=False),
)
def _radial_sc(dists_hbm, table_hbm, out_hbm, tbl_v, d_v, bin_v, tbuf, sem_w,
               sem_d):
    wid = lax.axis_index("s") * NC + lax.axis_index("c")

    pltpu.sync_copy(table_hbm, tbl_v)
    lane_off = lax.iota(jnp.int32, L) * (NUM_BINS * 80 + 1)

    def prefetch(s, b):
        pltpu.async_copy(dists_hbm.at[pl.ds(s * EPB, EPB)], d_v[b], sem_d[b])

    prefetch(wid, 0)
    prefetch(wid + NW, 1)

    def drain(b):
        pltpu.make_async_copy(
            tbuf[b], out_hbm.at[:, pl.ds(0, ST)], sem_w[b]).wait()

    def process(s, b):
        pltpu.make_async_copy(dists_hbm.at[pl.ds(0, EPB)], d_v[b],
                              sem_d[b]).wait()

        @pl.loop(0, EPB // L)
        def _(g):
            bin_v[b][pl.ds(g * L, L)] = _bins_from_dists(d_v[b][pl.ds(g * L, L)])

        @pl.when(s + 2 * NW < NSUP)
        def _():
            prefetch(s + 2 * NW, b)

        @pl.loop(0, ST)
        def _(t):
            @pl.loop(0, 128 // L // 2)
            def _(eh):
                bases = [
                    bin_v[b][pl.ds(t * 128 + (2 * eh + h) * L, L)] * 80
                    + lane_off
                    for h in range(2)
                ]
                idxs = [[base + f for f in range(NUM_FREQ)] for base in bases]
                for oi in range(ROW // NUM_FREQ):
                    for h in range(2):
                        for f in range(NUM_FREQ):
                            v = plsc.load_gather(tbl_v, [idxs[h][f]])
                            tbuf[b][oi, t, f, pl.ds((2 * eh + h) * L, L)] = v
                    if oi < ROW // NUM_FREQ - 1:
                        idxs = [[i + NUM_FREQ for i in row] for row in idxs]

        pltpu.async_copy(tbuf[b], out_hbm.at[:, pl.ds(s * ST, ST)], sem_w[b])

    @pl.loop(0, NIT, step=2)
    def _(j):
        for b in range(2):
            k = j + b
            s = wid + k * NW

            @pl.when(k >= 2)
            def _():
                drain(b)

            @pl.when(s < NSUP)
            def _():
                process(s, b)

    drain((NIT - 2) % 2)

    @pl.when(wid < NSUP - (NIT - 1) * NW)
    def _():
        drain((NIT - 1) % 2)


def kernel(dists, bin_embedding):
    t80 = jnp.pad(bin_embedding, ((0, 0), (0, 16))).reshape(NUM_BINS * 80)
    rep = jnp.tile(jnp.pad(t80, (0, 1)), L)
    x = _radial_sc(dists.reshape(E), rep)
    x = x.reshape(OUT_DIM, IN_DIM, ETILES, NUM_FREQ, 128)
    x = x.transpose(2, 4, 0, 1, 3).reshape(E, OUT_DIM, IN_DIM, NUM_FREQ)
    return x[:, :, None, :, None, :]

# --- scband reference (transcript-rebuilt; emitter-appended) ---
"""Pipeline reference for scband-radial-kernel-80736795230647 (READ-ONLY COPY).

The authoritative reference and input builder live on the scoring server;
editing this copy changes nothing except your own understanding.
"""

import jax, jax.numpy as jnp
import numpy as np

NUM_FREQ = 4
IN_DIM = 4
OUT_DIM = 4
NUM_BINS = 34
E = 800000


def setup_inputs(seed: int = 0) -> dict:
    key = jax.random.key(seed)
    k1, k2 = jax.random.split(key)
    # edge distances, scaled to span the binning range [2.4, 15.6]
    dists = jax.random.uniform(k1, (E, 1), dtype=jnp.float32, minval=0.0, maxval=16.0)
    # learned parameter: nn.Embedding(34, num_freq*in_dim*out_dim) weight
    bin_embedding = jax.random.normal(k2, (NUM_BINS, NUM_FREQ * IN_DIM * OUT_DIM), dtype=jnp.float32)
    return {"dists": dists, "bin_embedding": bin_embedding}


def reference(dists, bin_embedding):
    # bin_embedding(arange(34)) is just the full table [34, O*I*F]
    kernels_table = bin_embedding
    # histogram binning of distances into 34 bins of width 0.4 starting at 2.4
    actual_bins = jnp.round(jnp.clip((dists - 2.4) / 0.4, 0.0, 33.0)).astype(jnp.int32)
    # gather per-edge kernels: dists is [E, 1] -> gathered [E, 1, O*I*F]
    kernels = jnp.take(kernels_table, actual_bins, axis=0)
    # squeeze(-2): removes the trailing singleton bin axis -> [E, O*I*F]
    kernels = jnp.squeeze(kernels, axis=-2)
    # rearrange '... (o i f) -> ... o () i () f'
    lead = kernels.shape[:-1]
    kernels = kernels.reshape(lead + (OUT_DIM, IN_DIM, NUM_FREQ))
    kernels = kernels[..., :, None, :, None, :]
    return kernels

if __name__ == "__main__":
    import jax
    _d = setup_inputs()
    print(jax.jit(kernel)(*tuple(_d.values())))

</pallas_src>

<mosaic_0001>
#map = affine_map<(d0, d1) -> (0)>
#map1 = affine_map<(d0, d1) -> (0, 0, 0, 0)>
module attributes {stable_mosaic.version = 14 : i64} {
  func.func @_radial_sc(%arg0: i32, %arg1: i32, %arg2: memref<800000xf32, #tpu.memory_space<hbm>>, %arg3: memref<43536xf32, #tpu.memory_space<hbm>>, %arg4: memref<16x6250x4x128xf32, #tpu.memory_space<hbm>>, %arg5: memref<43536xf32, #tpu.memory_space<vmem>>, %arg6: memref<640xf32, #tpu.memory_space<vmem>>, %arg7: memref<640xf32, #tpu.memory_space<vmem>>, %arg8: memref<640xi32, #tpu.memory_space<vmem>>, %arg9: memref<640xi32, #tpu.memory_space<vmem>>, %arg10: memref<16x5x4x128xf32, #tpu.memory_space<vmem>>, %arg11: memref<16x5x4x128xf32, #tpu.memory_space<vmem>>, %arg12: memref<!tpu.dma_semaphore, #tpu.memory_space<semaphore_mem>>, %arg13: memref<!tpu.dma_semaphore, #tpu.memory_space<semaphore_mem>>, %arg14: memref<!tpu.dma_semaphore, #tpu.memory_space<semaphore_mem>>, %arg15: memref<!tpu.dma_semaphore, #tpu.memory_space<semaphore_mem>>) attributes {dimension_semantics = [#tpu.dimension_semantics<core_parallel>, #tpu.dimension_semantics<subcore_parallel>], iteration_bounds = array<i64: 2, 16>, scalar_prefetch = 0 : i64, scratch_operands = 11 : i64, tpu.core_type = #tpu.core_type<sc_vector_subcore>, window_params = [{transform_indices = #map}, {transform_indices = #map}, {transform_indices = #map1}]} {
    %mul3A = arith.constant 2 : i32
    %mul3A_0 = arith.muli %arg1, %mul3A : i32
    %add3A = arith.addi %mul3A_0, %arg0 : i32
    "tpu.region"() ({
      %run_scoped3A = tpu.sem_alloc : memref<!tpu.dma_semaphore, #tpu.memory_space<semaphore_mem>>
      tpu.enqueue_dma source(%arg3 : memref<43536xf32, #tpu.memory_space<hbm>>) target(%arg5 : memref<43536xf32, #tpu.memory_space<vmem>>) target_semaphore(%run_scoped3A : memref<!tpu.dma_semaphore, #tpu.memory_space<semaphore_mem>>)
      tpu.wait_dma2 semaphore(%run_scoped3A : memref<!tpu.dma_semaphore, #tpu.memory_space<semaphore_mem>>) src(%arg3 : memref<43536xf32, #tpu.memory_space<hbm>>) dst(%arg5 : memref<43536xf32, #tpu.memory_space<vmem>>)
      tpu.yield
    }) : () -> ()
    %iota3A = tpu.iota {dimensions = array<i32: 0>} : vector<16xi32>
    %mul3A_1 = arith.constant 2721 : i32
    %mul3A_2 = vector.broadcast %mul3A_1 : i32 to vector<16xi32>
    %mul3A_3 = arith.muli %iota3A, %mul3A_2 : vector<16xi32>
    %mul3A_4 = arith.constant 640 : i32
    %mul3A_5 = arith.muli %add3A, %mul3A_4 : i32
    %dma_start3A = tpu.memref_slice %arg2[%mul3A_5] : memref<800000xf32, #tpu.memory_space<hbm>> -> memref<640xf32, #tpu.memory_space<hbm>>
    %dma_start3A_6 = tpu.memref_slice %arg2[%mul3A_5] : memref<800000xf32, #tpu.memory_space<hbm>> -> memref<640xf32, #tpu.memory_space<hbm>>
    tpu.enqueue_dma source(%dma_start3A_6 : memref<640xf32, #tpu.memory_space<hbm>>) target(%arg6 : memref<640xf32, #tpu.memory_space<vmem>>) target_semaphore(%arg14 : memref<!tpu.dma_semaphore, #tpu.memory_space<semaphore_mem>>)
    %add3A_7 = arith.constant 32 : i32
    %add3A_8 = arith.addi %add3A, %add3A_7 : i32
    %mul3A_9 = arith.constant 640 : i32
    %mul3A_10 = arith.muli %add3A_8, %mul3A_9 : i32
    %dma_start3A_11 = tpu.memref_slice %arg2[%mul3A_10] : memref<800000xf32, #tpu.memory_space<hbm>> -> memref<640xf32, #tpu.memory_space<hbm>>
    %dma_start3A_12 = tpu.memref_slice %arg2[%mul3A_10] : memref<800000xf32, #tpu.memory_space<hbm>> -> memref<640xf32, #tpu.memory_space<hbm>>
    tpu.enqueue_dma source(%dma_start3A_12 : memref<640xf32, #tpu.memory_space<hbm>>) target(%arg7 : memref<640xf32, #tpu.memory_space<vmem>>) target_semaphore(%arg15 : memref<!tpu.dma_semaphore, #tpu.memory_space<semaphore_mem>>)
    %scan3A = arith.constant 0 : i32
    %scan3A_13 = arith.constant 20 : i32
    %scan3A_14 = arith.addi %scan3A, %scan3A_13 : i32
    %scan3A_15 = arith.constant 1 : i32
    scf.for %scan3A_28 = %scan3A to %scan3A_14 step %scan3A_15  : i32 {
      %mul3A_29 = arith.constant 2 : i32
      %mul3A_30 = arith.muli %scan3A_28, %mul3A_29 : i32
      %add3A_31 = arith.constant 0 : i32
      %add3A_32 = arith.addi %add3A_31, %mul3A_30 : i32
      %add3A_33 = arith.constant 0 : i32
      %add3A_34 = arith.addi %add3A_32, %add3A_33 : i32
      %mul3A_35 = arith.constant 32 : i32
      %mul3A_36 = arith.muli %add3A_34, %mul3A_35 : i32
      %add3A_37 = arith.addi %add3A, %mul3A_36 : i32
      %ge3A = arith.constant 2 : i32
      %ge3A_38 = arith.cmpi sge, %add3A_34, %ge3A : i32
      %convert_element_type3A_39 = arith.extui %ge3A_38 : i1 to i32
      %cond3A_40 = arith.constant 0 : i32
      %cond3A_41 = arith.cmpi ne, %convert_element_type3A_39, %cond3A_40 : i32
      scf.if %cond3A_41 {
        %dma_wait3A_62 = arith.constant 0 : i32
        %dma_wait3A_63 = arith.constant 0 : i32
        %dma_wait3A_64 = arith.constant 0 : i32
        %dma_wait3A_65 = arith.constant 0 : i32
        %dma_wait3A_66 = tpu.memref_slice %arg4[%dma_wait3A_62, %dma_wait3A_63, %dma_wait3A_64, %dma_wait3A_65] : memref<16x6250x4x128xf32, #tpu.memory_space<hbm>> -> memref<16x5x4x128xf32, #tpu.memory_space<hbm>>
        %dma_wait3A_67 = arith.constant 0 : i32
        %dma_wait3A_68 = arith.constant 0 : i32
        %dma_wait3A_69 = arith.constant 0 : i32
        %dma_wait3A_70 = arith.constant 0 : i32
        %dma_wait3A_71 = tpu.memref_slice %arg4[%dma_wait3A_67, %dma_wait3A_68, %dma_wait3A_69, %dma_wait3A_70] : memref<16x6250x4x128xf32, #tpu.memory_space<hbm>> -> memref<16x5x4x128xf32, #tpu.memory_space<hbm>>
        tpu.wait_dma2 semaphore(%arg12 : memref<!tpu.dma_semaphore, #tpu.memory_space<semaphore_mem>>) src(%arg10 : memref<16x5x4x128xf32, #tpu.memory_space<vmem>>) dst(%dma_wait3A_71 : memref<16x5x4x128xf32, #tpu.memory_space<hbm>>)
      } else {
      }
      %lt3A_42 = arith.constant 1250 : i32
      %lt3A_43 = arith.cmpi slt, %add3A_37, %lt3A_42 : i32
      %convert_element_type3A_44 = arith.extui %lt3A_43 : i1 to i32
      %cond3A_45 = arith.constant 0 : i32
      %cond3A_46 = arith.cmpi ne, %convert_element_type3A_44, %cond3A_45 : i32
      scf.if %cond3A_46 {
        %dma_wait3A_62 = arith.constant 0 : i32
        %dma_wait3A_63 = tpu.memref_slice %arg2[%dma_wait3A_62] : memref<800000xf32, #tpu.memory_space<hbm>> -> memref<640xf32, #tpu.memory_space<hbm>>
        %dma_wait3A_64 = arith.constant 0 : i32
        %dma_wait3A_65 = tpu.memref_slice %arg2[%dma_wait3A_64] : memref<800000xf32, #tpu.memory_space<hbm>> -> memref<640xf32, #tpu.memory_space<hbm>>
        tpu.wait_dma2 semaphore(%arg14 : memref<!tpu.dma_semaphore, #tpu.memory_space<semaphore_mem>>) src(%dma_wait3A_65 : memref<640xf32, #tpu.memory_space<hbm>>) dst(%arg6 : memref<640xf32, #tpu.memory_space<vmem>>)
        %scan3A_66 = arith.constant 0 : i32
        %scan3A_67 = arith.constant 40 : i32
        %scan3A_68 = arith.addi %scan3A_66, %scan3A_67 : i32
        %scan3A_69 = arith.constant 1 : i32
        scf.for %scan3A_93 = %scan3A_66 to %scan3A_68 step %scan3A_69  : i32 {
          %mul3A_94 = arith.constant 1 : i32
          %mul3A_95 = arith.muli %scan3A_93, %mul3A_94 : i32
          %add3A_96 = arith.constant 0 : i32
          %add3A_97 = arith.addi %add3A_96, %mul3A_95 : i32
          %mul3A_98 = arith.constant 16 : i32
          %mul3A_99 = arith.muli %add3A_97, %mul3A_98 : i32
          %get3A = arith.index_cast %mul3A_99 : i32 to index
          %get3A_100 = tpu.vector_load %arg6[%get3A] {strides = array<i32>} : memref<640xf32, #tpu.memory_space<vmem>>, vector<16xf32>,
          %sub3A = arith.constant 2.400000e+00 : f32
          %sub3A_101 = vector.broadcast %sub3A : f32 to vector<16xf32>
          %sub3A_102 = arith.subf %get3A_100, %sub3A_101 : vector<16xf32>
          %div3A = arith.constant 4.000000e-01 : f32
          %div3A_103 = vector.broadcast %div3A : f32 to vector<16xf32>
          %div3A_104 = arith.divf %sub3A_102, %div3A_103 : vector<16xf32>
          %jit3A = arith.constant 0.000000e+00 : f32
          %jit3A_105 = arith.constant 3.300000e+01 : f32
          %max3A = vector.broadcast %jit3A : f32 to vector<16xf32>
          %max3A_106 = arith.maximumf %max3A, %div3A_104 : vector<16xf32>
          %min3A = vector.broadcast %jit3A_105 : f32 to vector<16xf32>
          %min3A_107 = arith.minimumf %min3A, %max3A_106 : vector<16xf32>
          %add3A_108 = arith.constant 0x4B000000 : f32
          %add3A_109 = vector.broadcast %add3A_108 : f32 to vector<16xf32>
          %add3A_110 = arith.addf %min3A_107, %add3A_109 : vector<16xf32>
          %sub3A_111 = arith.constant 0x4B000000 : f32
          %sub3A_112 = vector.broadcast %sub3A_111 : f32 to vector<16xf32>
          %sub3A_113 = arith.subf %add3A_110, %sub3A_112 : vector<16xf32>
          %convert_element_type3A_114 = arith.fptosi %sub3A_113 : vector<16xf32> to vector<16xi32>
          %mul3A_115 = arith.constant 16 : i32
          %mul3A_116 = arith.muli %add3A_97, %mul3A_115 : i32
          %swap3A = arith.index_cast %mul3A_116 : i32 to index
          %swap3A_117 = tpu.vector_load %arg8[%swap3A] {strides = array<i32>} : memref<640xi32, #tpu.memory_space<vmem>>, vector<16xi32>,
          tpu.vector_store %arg8[%swap3A], %convert_element_type3A_114 {strides = array<i32>} : memref<640xi32, #tpu.memory_space<vmem>>, vector<16xi32>,
        }
        %scan3A_70 = arith.constant 40 : i32
        %add3A_71 = arith.constant 64 : i32
        %add3A_72 = arith.addi %add3A_37, %add3A_71 : i32
        %lt3A_73 = arith.constant 1250 : i32
        %lt3A_74 = arith.cmpi slt, %add3A_72, %lt3A_73 : i32
        %convert_element_type3A_75 = arith.extui %lt3A_74 : i1 to i32
        %cond3A_76 = arith.constant 0 : i32
        %cond3A_77 = arith.cmpi ne, %convert_element_type3A_75, %cond3A_76 : i32
        scf.if %cond3A_77 {
          %add3A_93 = arith.constant 64 : i32
          %add3A_94 = arith.addi %add3A_37, %add3A_93 : i32
          %mul3A_95 = arith.constant 640 : i32
          %mul3A_96 = arith.muli %add3A_94, %mul3A_95 : i32
          %dma_start3A_97 = tpu.memref_slice %arg2[%mul3A_96] : memref<800000xf32, #tpu.memory_space<hbm>> -> memref<640xf32, #tpu.memory_space<hbm>>
          %dma_start3A_98 = tpu.memref_slice %arg2[%mul3A_96] : memref<800000xf32, #tpu.memory_space<hbm>> -> memref<640xf32, #tpu.memory_space<hbm>>
          tpu.enqueue_dma source(%dma_start3A_98 : memref<640xf32, #tpu.memory_space<hbm>>) target(%arg6 : memref<640xf32, #tpu.memory_space<vmem>>) target_semaphore(%arg14 : memref<!tpu.dma_semaphore, #tpu.memory_space<semaphore_mem>>)
        } else {
        }
        %scan3A_78 = arith.constant 0 : i32
        %scan3A_79 = arith.constant 5 : i32
        %scan3A_80 = arith.addi %scan3A_78, %scan3A_79 : i32
        %scan3A_81 = arith.constant 1 : i32
        scf.for %scan3A_93 = %scan3A_78 to %scan3A_80 step %scan3A_81  : i32 {
          %mul3A_94 = arith.constant 1 : i32
          %mul3A_95 = arith.muli %scan3A_93, %mul3A_94 : i32
          %add3A_96 = arith.constant 0 : i32
          %add3A_97 = arith.addi %add3A_96, %mul3A_95 : i32
          %scan3A_98 = arith.constant 0 : i32
          %scan3A_99 = arith.constant 4 : i32
          %scan3A_100 = arith.addi %scan3A_98, %scan3A_99 : i32
          %scan3A_101 = arith.constant 1 : i32
          scf.for %scan3A_103 = %scan3A_98 to %scan3A_100 step %scan3A_101  : i32 {
            %mul3A_104 = arith.constant 1 : i32
            %mul3A_105 = arith.muli %scan3A_103, %mul3A_104 : i32
            %add3A_106 = arith.constant 0 : i32
            %add3A_107 = arith.addi %add3A_106, %mul3A_105 : i32
            %mul3A_108 = arith.constant 128 : i32
            %mul3A_109 = arith.muli %add3A_97, %mul3A_108 : i32
            %mul3A_110 = arith.constant 2 : i32
            %mul3A_111 = arith.muli %mul3A_110, %add3A_107 : i32
            %add3A_112 = arith.constant 0 : i32
            %add3A_113 = arith.addi %mul3A_111, %add3A_112 : i32
            %mul3A_114 = arith.constant 16 : i32
            %mul3A_115 = arith.muli %add3A_113, %mul3A_114 : i32
            %add3A_116 = arith.addi %mul3A_109, %mul3A_115 : i32
            %get3A = arith.index_cast %add3A_116 : i32 to index
            %get3A_117 = tpu.vector_load %arg8[%get3A] {strides = array<i32>} : memref<640xi32, #tpu.memory_space<vmem>>, vector<16xi32>,
            %mul3A_118 = arith.constant 80 : i32
            %mul3A_119 = vector.broadcast %mul3A_118 : i32 to vector<16xi32>
            %mul3A_120 = arith.muli %get3A_117, %mul3A_119 : vector<16xi32>
            %add3A_121 = arith.addi %mul3A_120, %mul3A_3 : vector<16xi32>
            %mul3A_122 = arith.constant 128 : i32
            %mul3A_123 = arith.muli %add3A_97, %mul3A_122 : i32
            %mul3A_124 = arith.constant 2 : i32
            %mul3A_125 = arith.muli %mul3A_124, %add3A_107 : i32
            %add3A_126 = arith.constant 1 : i32
            %add3A_127 = arith.addi %mul3A_125, %add3A_126 : i32
            %mul3A_128 = arith.constant 16 : i32
            %mul3A_129 = arith.muli %add3A_127, %mul3A_128 : i32
            %add3A_130 = arith.addi %mul3A_123, %mul3A_129 : i32
            %get3A_131 = arith.index_cast %add3A_130 : i32 to index
            %get3A_132 = tpu.vector_load %arg8[%get3A_131] {strides = array<i32>} : memref<640xi32, #tpu.memory_space<vmem>>, vector<16xi32>,
            %mul3A_133 = arith.constant 80 : i32
            %mul3A_134 = vector.broadcast %mul3A_133 : i32 to vector<16xi32>
            %mul3A_135 = arith.muli %get3A_132, %mul3A_134 : vector<16xi32>
            %add3A_136 = arith.addi %mul3A_135, %mul3A_3 : vector<16xi32>
            %add3A_137 = arith.constant 0 : i32
            %add3A_138 = vector.broadcast %add3A_137 : i32 to vector<16xi32>
            %add3A_139 = arith.addi %add3A_121, %add3A_138 : vector<16xi32>
            %add3A_140 = arith.constant 1 : i32
            %add3A_141 = vector.broadcast %add3A_140 : i32 to vector<16xi32>
            %add3A_142 = arith.addi %add3A_121, %add3A_141 : vector<16xi32>
            %add3A_143 = arith.constant 2 : i32
            %add3A_144 = vector.broadcast %add3A_143 : i32 to vector<16xi32>
            %add3A_145 = arith.addi %add3A_121, %add3A_144 : vector<16xi32>
            %add3A_146 = arith.constant 3 : i32
            %add3A_147 = vector.broadcast %add3A_146 : i32 to vector<16xi32>
            %add3A_148 = arith.addi %add3A_121, %add3A_147 : vector<16xi32>
            %add3A_149 = arith.constant 0 : i32
            %add3A_150 = vector.broadcast %add3A_149 : i32 to vector<16xi32>
            %add3A_151 = arith.addi %add3A_136, %add3A_150 : vector<16xi32>
            %add3A_152 = arith.constant 1 : i32
            %add3A_153 = vector.broadcast %add3A_152 : i32 to vector<16xi32>
            %add3A_154 = arith.addi %add3A_136, %add3A_153 : vector<16xi32>
            %add3A_155 = arith.constant 2 : i32
            %add3A_156 = vector.broadcast %add3A_155 : i32 to vector<16xi32>
            %add3A_157 = arith.addi %add3A_136, %add3A_156 : vector<16xi32>
            %add3A_158 = arith.constant 3 : i32
            %add3A_159 = vector.broadcast %add3A_158 : i32 to vector<16xi32>
            %add3A_160 = arith.addi %add3A_136, %add3A_159 : vector<16xi32>
            %gather3A = tpu.vector_load_idx %arg5[%add3A_139] : memref<43536xf32, #tpu.memory_space<vmem>>[vector<16xi32>], vector<16xf32>,
            %mul3A_161 = arith.constant 2 : i32
            %mul3A_162 = arith.muli %mul3A_161, %add3A_107 : i32
            %add3A_163 = arith.constant 0 : i32
            %add3A_164 = arith.addi %mul3A_162, %add3A_163 : i32
            %mul3A_165 = arith.constant 16 : i32
            %mul3A_166 = arith.muli %add3A_164, %mul3A_165 : i32
            %swap3A = arith.constant 0 : i32
            %swap3A_167 = arith.constant 0 : i32
            %swap3A_168 = arith.index_cast %swap3A : i32 to index
            %swap3A_169 = arith.index_cast %add3A_97 : i32 to index
            %swap3A_170 = arith.index_cast %swap3A_167 : i32 to index
            %swap3A_171 = arith.index_cast %mul3A_166 : i32 to index
            %swap3A_172 = tpu.vector_load %arg10[%swap3A_168, %swap3A_169, %swap3A_170, %swap3A_171] {strides = array<i32>} : memref<16x5x4x128xf32, #tpu.memory_space<vmem>>, vector<16xf32>,
            tpu.vector_store %arg10[%swap3A_168, %swap3A_169, %swap3A_170, %swap3A_171], %gather3A {strides = array<i32>} : memref<16x5x4x128xf32, #tpu.memory_space<vmem>>, vector<16xf32>,
            %gather3A_173 = tpu.vector_load_idx %arg5[%add3A_142] : memref<43536xf32, #tpu.memory_space<vmem>>[vector<16xi32>], vector<16xf32>,
            %mul3A_174 = arith.constant 2 : i32
            %mul3A_175 = arith.muli %mul3A_174, %add3A_107 : i32
            %add3A_176 = arith.constant 0 : i32
            %add3A_177 = arith.addi %mul3A_175, %add3A_176 : i32
            %mul3A_178 = arith.constant 16 : i32
            %mul3A_179 = arith.muli %add3A_177, %mul3A_178 : i32
            %swap3A_180 = arith.constant 0 : i32
            %swap3A_181 = arith.constant 1 : i32
            %swap3A_182 = arith.index_cast %swap3A_180 : i32 to index
            %swap3A_183 = arith.index_cast %add3A_97 : i32 to index
            %swap3A_184 = arith.index_cast %swap3A_181 : i32 to index
            %swap3A_185 = arith.index_cast %mul3A_179 : i32 to index
            %swap3A_186 = tpu.vector_load %arg10[%swap3A_182, %swap3A_183, %swap3A_184, %swap3A_185] {strides = array<i32>} : memref<16x5x4x128xf32, #tpu.memory_space<vmem>>, vector<16xf32>,
            tpu.vector_store %arg10[%swap3A_182, %swap3A_183, %swap3A_184, %swap3A_185], %gather3A_173 {strides = array<i32>} : memref<16x5x4x128xf32, #tpu.memory_space<vmem>>, vector<16xf32>,
            %gather3A_187 = tpu.vector_load_idx %arg5[%add3A_145] : memref<43536xf32, #tpu.memory_space<vmem>>[vector<16xi32>], vector<16xf32>,
            %mul3A_188 = arith.constant 2 : i32
            %mul3A_189 = arith.muli %mul3A_188, %add3A_107 : i32
            %add3A_190 = arith.constant 0 : i32
            %add3A_191 = arith.addi %mul3A_189, %add3A_190 : i32
            %mul3A_192 = arith.constant 16 : i32
            %mul3A_193 = arith.muli %add3A_191, %mul3A_192 : i32
            %swap3A_194 = arith.constant 0 : i32
            %swap3A_195 = arith.constant 2 : i32
            %swap3A_196 = arith.index_cast %swap3A_194 : i32 to index
            %swap3A_197 = arith.index_cast %add3A_97 : i32 to index
            %swap3A_198 = arith.index_cast %swap3A_195 : i32 to index
            %swap3A_199 = arith.index_cast %mul3A_193 : i32 to index
            %swap3A_200 = tpu.vector_load %arg10[%swap3A_196, %swap3A_197, %swap3A_198, %swap3A_199] {strides = array<i32>} : memref<16x5x4x128xf32, #tpu.memory_space<vmem>>, vector<16xf32>,
            tpu.vector_store %arg10[%swap3A_196, %swap3A_197, %swap3A_198, %swap3A_199], %gather3A_187 {strides = array<i32>} : memref<16x5x4x128xf32, #tpu.memory_space<vmem>>, vector<16xf32>,
            %gather3A_201 = tpu.vector_load_idx %arg5[%add3A_148] : memref<43536xf32, #tpu.memory_space<vmem>>[vector<16xi32>], vector<16xf32>,
            %mul3A_202 = arith.constant 2 : i32
            %mul3A_203 = arith.muli %mul3A_202, %add3A_107 : i32
            %add3A_204 = arith.constant 0 : i32
            %add3A_205 = arith.addi %mul3A_203, %add3A_204 : i32
            %mul3A_206 = arith.constant 16 : i32
            %mul3A_207 = arith.muli %add3A_205, %mul3A_206 : i32
            %swap3A_208 = arith.constant 0 : i32
            %swap3A_209 = arith.constant 3 : i32
            %swap3A_210 = arith.index_cast %swap3A_208 : i32 to index
            %swap3A_211 = arith.index_cast %add3A_97 : i32 to index
            %swap3A_212 = arith.index_cast %swap3A_209 : i32 to index
            %swap3A_213 = arith.index_cast %mul3A_207 : i32 to index
            %swap3A_214 = tpu.vector_load %arg10[%swap3A_210, %swap3A_211, %swap3A_212, %swap3A_213] {strides = array<i32>} : memref<16x5x4x128xf32, #tpu.memory_space<vmem>>, vector<16xf32>,
            tpu.vector_store %arg10[%swap3A_210, %swap3A_211, %swap3A_212, %swap3A_213], %gather3A_201 {strides = array<i32>} : memref<16x5x4x128xf32, #tpu.memory_space<vmem>>, vector<16xf32>,
            %gather3A_215 = tpu.vector_load_idx %arg5[%add3A_151] : memref<43536xf32, #tpu.memory_space<vmem>>[vector<16xi32>], vector<16xf32>,
            %mul3A_216 = arith.constant 2 : i32
            %mul3A_217 = arith.muli %mul3A_216, %add3A_107 : i32
            %add3A_218 = arith.constant 1 : i32
            %add3A_219 = arith.addi %mul3A_217, %add3A_218 : i32
            %mul3A_220 = arith.constant 16 : i32
            %mul3A_221 = arith.muli %add3A_219, %mul3A_220 : i32
            %swap3A_222 = arith.constant 0 : i32
            %swap3A_223 = arith.constant 0 : i32
            %swap3A_224 = arith.index_cast %swap3A_222 : i32 to index
            %swap3A_225 = arith.index_cast %add3A_97 : i32 to index
            %swap3A_226 = arith.index_cast %swap3A_223 : i32 to index
            %swap3A_227 = arith.index_cast %mul3A_221 : i32 to index
            %swap3A_228 = tpu.vector_load %arg10[%swap3A_224, %swap3A_225, %swap3A_226, %swap3A_227] {strides = array<i32>} : memref<16x5x4x128xf32, #tpu.memory_space<vmem>>, vector<16xf32>,
            tpu.vector_store %arg10[%swap3A_224, %swap3A_225, %swap3A_226, %swap3A_227], %gather3A_215 {strides = array<i32>} : memref<16x5x4x128xf32, #tpu.memory_space<vmem>>, vector<16xf32>,
            %gather3A_229 = tpu.vector_load_idx %arg5[%add3A_154] : memref<43536xf32, #tpu.memory_space<vmem>>[vector<16xi32>], vector<16xf32>,
            %mul3A_230 = arith.constant 2 : i32
            %mul3A_231 = arith.muli %mul3A_230, %add3A_107 : i32
            %add3A_232 = arith.constant 1 : i32
            %add3A_233 = arith.addi %mul3A_231, %add3A_232 : i32
            %mul3A_234 = arith.constant 16 : i32
            %mul3A_235 = arith.muli %add3A_233, %mul3A_234 : i32
            %swap3A_236 = arith.constant 0 : i32
            %swap3A_237 = arith.constant 1 : i32
            %swap3A_238 = arith.index_cast %swap3A_236 : i32 to index
            %swap3A_239 = arith.index_cast %add3A_97 : i32 to index
            %swap3A_240 = arith.index_cast %swap3A_237 : i32 to index
            %swap3A_241 = arith.index_cast %mul3A_235 : i32 to index
            %swap3A_242 = tpu.vector_load %arg10[%swap3A_238, %swap3A_239, %swap3A_240, %swap3A_241] {strides = array<i32>} : memref<16x5x4x128xf32, #tpu.memory_space<vmem>>, vector<16xf32>,
            tpu.vector_store %arg10[%swap3A_238, %swap3A_239, %swap3A_240, %swap3A_241], %gather3A_229 {strides = array<i32>} : memref<16x5x4x128xf32, #tpu.memory_space<vmem>>, vector<16xf32>,
            %gather3A_243 = tpu.vector_load_idx %arg5[%add3A_157] : memref<43536xf32, #tpu.memory_space<vmem>>[vector<16xi32>], vector<16xf32>,
            %mul3A_244 = arith.constant 2 : i32
            %mul3A_245 = arith.muli %mul3A_244, %add3A_107 : i32
            %add3A_246 = arith.constant 1 : i32
            %add3A_247 = arith.addi %mul3A_245, %add3A_246 : i32
            %mul3A_248 = arith.constant 16 : i32
            %mul3A_249 = arith.muli %add3A_247, %mul3A_248 : i32
            %swap3A_250 = arith.constant 0 : i32
            %swap3A_251 = arith.constant 2 : i32
            %swap3A_252 = arith.index_cast %swap3A_250 : i32 to index
            %swap3A_253 = arith.index_cast %add3A_97 : i32 to index
            %swap3A_254 = arith.index_cast %swap3A_251 : i32 to index
            %swap3A_255 = arith.index_cast %mul3A_249 : i32 to index
            %swap3A_256 = tpu.vector_load %arg10[%swap3A_252, %swap3A_253, %swap3A_254, %swap3A_255] {strides = array<i32>} : memref<16x5x4x128xf32, #tpu.memory_space<vmem>>, vector<16xf32>,
            tpu.vector_store %arg10[%swap3A_252, %swap3A_253, %swap3A_254, %swap3A_255], %gather3A_243 {strides = array<i32>} : memref<16x5x4x128xf32, #tpu.memory_space<vmem>>, vector<16xf32>,
            %gather3A_257 = tpu.vector_load_idx %arg5[%add3A_160] : memref<43536xf32, #tpu.memory_space<vmem>>[vector<16xi32>], vector<16xf32>,
            %mul3A_258 = arith.constant 2 : i32
            %mul3A_259 = arith.muli %mul3A_258, %add3A_107 : i32
            %add3A_260 = arith.constant 1 : i32
            %add3A_261 = arith.addi %mul3A_259, %add3A_260 : i32
            %mul3A_262 = arith.constant 16 : i32
            %mul3A_263 = arith.muli %add3A_261, %mul3A_262 : i32
            %swap3A_264 = arith.constant 0 : i32
            %swap3A_265 = arith.constant 3 : i32
            %swap3A_266 = arith.index_cast %swap3A_264 : i32 to index
            %swap3A_267 = arith.index_cast %add3A_97 : i32 to index
            %swap3A_268 = arith.index_cast %swap3A_265 : i32 to index
            %swap3A_269 = arith.index_cast %mul3A_263 : i32 to index
            %swap3A_270 = tpu.vector_load %arg10[%swap3A_266, %swap3A_267, %swap3A_268, %swap3A_269] {strides = array<i32>} : memref<16x5x4x128xf32, #tpu.memory_space<vmem>>, vector<16xf32>,
            tpu.vector_store %arg10[%swap3A_266, %swap3A_267, %swap3A_268, %swap3A_269], %gather3A_257 {strides = array<i32>} : memref<16x5x4x128xf32, #tpu.memory_space<vmem>>, vector<16xf32>,
            %add3A_271 = arith.constant 4 : i32
            %add3A_272 = vector.broadcast %add3A_271 : i32 to vector<16xi32>
            %add3A_273 = arith.addi %add3A_139, %add3A_272 : vector<16xi32>
            %add3A_274 = arith.constant 4 : i32
            %add3A_275 = vector.broadcast %add3A_274 : i32 to vector<16xi32>
            %add3A_276 = arith.addi %add3A_142, %add3A_275 : vector<16xi32>
            %add3A_277 = arith.constant 4 : i32
            %add3A_278 = vector.broadcast %add3A_277 : i32 to vector<16xi32>
            %add3A_279 = arith.addi %add3A_145, %add3A_278 : vector<16xi32>
            %add3A_280 = arith.constant 4 : i32
            %add3A_281 = vector.broadcast %add3A_280 : i32 to vector<16xi32>
            %add3A_282 = arith.addi %add3A_148, %add3A_281 : vector<16xi32>
            %add3A_283 = arith.constant 4 : i32
            %add3A_284 = vector.broadcast %add3A_283 : i32 to vector<16xi32>
            %add3A_285 = arith.addi %add3A_151, %add3A_284 : vector<16xi32>
            %add3A_286 = arith.constant 4 : i32
            %add3A_287 = vector.broadcast %add3A_286 : i32 to vector<16xi32>
            %add3A_288 = arith.addi %add3A_154, %add3A_287 : vector<16xi32>
            %add3A_289 = arith.constant 4 : i32
            %add3A_290 = vector.broadcast %add3A_289 : i32 to vector<16xi32>
            %add3A_291 = arith.addi %add3A_157, %add3A_290 : vector<16xi32>
            %add3A_292 = arith.constant 4 : i32
            %add3A_293 = vector.broadcast %add3A_292 : i32 to vector<16xi32>
            %add3A_294 = arith.addi %add3A_160, %add3A_293 : vector<16xi32>
            %gather3A_295 = tpu.vector_load_idx %arg5[%add3A_273] : memref<43536xf32, #tpu.memory_space<vmem>>[vector<16xi32>], vector<16xf32>,
            %mul3A_296 = arith.constant 2 : i32
            %mul3A_297 = arith.muli %mul3A_296, %add3A_107 : i32
            %add3A_298 = arith.constant 0 : i32
            %add3A_299 = arith.addi %mul3A_297, %add3A_298 : i32
            %mul3A_300 = arith.constant 16 : i32
            %mul3A_301 = arith.muli %add3A_299, %mul3A_300 : i32
            %swap3A_302 = arith.constant 1 : i32
            %swap3A_303 = arith.constant 0 : i32
            %swap3A_304 = arith.index_cast %swap3A_302 : i32 to index
            %swap3A_305 = arith.index_cast %add3A_97 : i32 to index
            %swap3A_306 = arith.index_cast %swap3A_303 : i32 to index
            %swap3A_307 = arith.index_cast %mul3A_301 : i32 to index
            %swap3A_308 = tpu.vector_load %arg10[%swap3A_304, %swap3A_305, %swap3A_306, %swap3A_307] {strides = array<i32>} : memref<16x5x4x128xf32, #tpu.memory_space<vmem>>, vector<16xf32>,
            tpu.vector_store %arg10[%swap3A_304, %swap3A_305, %swap3A_306, %swap3A_307], %gather3A_295 {strides = array<i32>} : memref<16x5x4x128xf32, #tpu.memory_space<vmem>>, vector<16xf32>,
            %gather3A_309 = tpu.vector_load_idx %arg5[%add3A_276] : memref<43536xf32, #tpu.memory_space<vmem>>[vector<16xi32>], vector<16xf32>,
            %mul3A_310 = arith.constant 2 : i32
            %mul3A_311 = arith.muli %mul3A_310, %add3A_107 : i32
            %add3A_312 = arith.constant 0 : i32
            %add3A_313 = arith.addi %mul3A_311, %add3A_312 : i32
            %mul3A_314 = arith.constant 16 : i32
            %mul3A_315 = arith.muli %add3A_313, %mul3A_314 : i32
            %swap3A_316 = arith.constant 1 : i32
            %swap3A_317 = arith.constant 1 : i32
            %swap3A_318 = arith.index_cast %swap3A_316 : i32 to index
            %swap3A_319 = arith.index_cast %add3A_97 : i32 to index
            %swap3A_320 = arith.index_cast %swap3A_317 : i32 to index
            %swap3A_321 = arith.index_cast %mul3A_315 : i32 to index
            %swap3A_322 = tpu.vector_load %arg10[%swap3A_318, %swap3A_319, %swap3A_320, %swap3A_321] {strides = array<i32>} : memref<16x5x4x128xf32, #tpu.memory_space<vmem>>, vector<16xf32>,
            tpu.vector_store %arg10[%swap3A_318, %swap3A_319, %swap3A_320, %swap3A_321], %gather3A_309 {strides = array<i32>} : memref<16x5x4x128xf32, #tpu.memory_space<vmem>>, vector<16xf32>,
            %gather3A_323 = tpu.vector_load_idx %arg5[%add3A_279] : memref<43536xf32, #tpu.memory_space<vmem>>[vector<16xi32>], vector<16xf32>,
            %mul3A_324 = arith.constant 2 : i32
            %mul3A_325 = arith.muli %mul3A_324, %add3A_107 : i32
            %add3A_326 = arith.constant 0 : i32
            %add3A_327 = arith.addi %mul3A_325, %add3A_326 : i32
            %mul3A_328 = arith.constant 16 : i32
            %mul3A_329 = arith.muli %add3A_327, %mul3A_328 : i32
            %swap3A_330 = arith.constant 1 : i32
            %swap3A_331 = arith.constant 2 : i32
            %swap3A_332 = arith.index_cast %swap3A_330 : i32 to index
            %swap3A_333 = arith.index_cast %add3A_97 : i32 to index
            %swap3A_334 = arith.index_cast %swap3A_331 : i32 to index
            %swap3A_335 = arith.index_cast %mul3A_329 : i32 to index
            %swap3A_336 = tpu.vector_load %arg10[%swap3A_332, %swap3A_333, %swap3A_334, %swap3A_335] {strides = array<i32>} : memref<16x5x4x128xf32, #tpu.memory_space<vmem>>, vector<16xf32>,
            tpu.vector_store %arg10[%swap3A_332, %swap3A_333, %swap3A_334, %swap3A_335], %gather3A_323 {strides = array<i32>} : memref<16x5x4x128xf32, #tpu.memory_space<vmem>>, vector<16xf32>,
            %gather3A_337 = tpu.vector_load_idx %arg5[%add3A_282] : memref<43536xf32, #tpu.memory_space<vmem>>[vector<16xi32>], vector<16xf32>,
            %mul3A_338 = arith.constant 2 : i32
            %mul3A_339 = arith.muli %mul3A_338, %add3A_107 : i32
            %add3A_340 = arith.constant 0 : i32
            %add3A_341 = arith.addi %mul3A_339, %add3A_340 : i32
            %mul3A_342 = arith.constant 16 : i32
            %mul3A_343 = arith.muli %add3A_341, %mul3A_342 : i32
            %swap3A_344 = arith.constant 1 : i32
            %swap3A_345 = arith.constant 3 : i32
            %swap3A_346 = arith.index_cast %swap3A_344 : i32 to index
            %swap3A_347 = arith.index_cast %add3A_97 : i32 to index
            %swap3A_348 = arith.index_cast %swap3A_345 : i32 to index
            %swap3A_349 = arith.index_cast %mul3A_343 : i32 to index
            %swap3A_350 = tpu.vector_load %arg10[%swap3A_346, %swap3A_347, %swap3A_348, %swap3A_349] {strides = array<i32>} : memref<16x5x4x128xf32, #tpu.memory_space<vmem>>, vector<16xf32>,
            tpu.vector_store %arg10[%swap3A_346, %swap3A_347, %swap3A_348, %swap3A_349], %gather3A_337 {strides = array<i32>} : memref<16x5x4x128xf32, #tpu.memory_space<vmem>>, vector<16xf32>,
            %gather3A_351 = tpu.vector_load_idx %arg5[%add3A_285] : memref<43536xf32, #tpu.memory_space<vmem>>[vector<16xi32>], vector<16xf32>,
            %mul3A_352 = arith.constant 2 : i32
            %mul3A_353 = arith.muli %mul3A_352, %add3A_107 : i32
            %add3A_354 = arith.constant 1 : i32
            %add3A_355 = arith.addi %mul3A_353, %add3A_354 : i32
            %mul3A_356 = arith.constant 16 : i32
            %mul3A_357 = arith.muli %add3A_355, %mul3A_356 : i32
            %swap3A_358 = arith.constant 1 : i32
            %swap3A_359 = arith.constant 0 : i32
            %swap3A_360 = arith.index_cast %swap3A_358 : i32 to index
            %swap3A_361 = arith.index_cast %add3A_97 : i32 to index
            %swap3A_362 = arith.index_cast %swap3A_359 : i32 to index
            %swap3A_363 = arith.index_cast %mul3A_357 : i32 to index
            %swap3A_364 = tpu.vector_load %arg10[%swap3A_360, %swap3A_361, %swap3A_362, %swap3A_363] {strides = array<i32>} : memref<16x5x4x128xf32, #tpu.memory_space<vmem>>, vector<16xf32>,
            tpu.vector_store %arg10[%swap3A_360, %swap3A_361, %swap3A_362, %swap3A_363], %gather3A_351 {strides = array<i32>} : memref<16x5x4x128xf32, #tpu.memory_space<vmem>>, vector<16xf32>,
            %gather3A_365 = tpu.vector_load_idx %arg5[%add3A_288] : memref<43536xf32, #tpu.memory_space<vmem>>[vector<16xi32>], vector<16xf32>,
            %mul3A_366 = arith.constant 2 : i32
            %mul3A_367 = arith.muli %mul3A_366, %add3A_107 : i32
            %add3A_368 = arith.constant 1 : i32
            %add3A_369 = arith.addi %mul3A_367, %add3A_368 : i32
            %mul3A_370 = arith.constant 16 : i32
            %mul3A_371 = arith.muli %add3A_369, %mul3A_370 : i32
            %swap3A_372 = arith.constant 1 : i32
            %swap3A_373 = arith.constant 1 : i32
            %swap3A_374 = arith.index_cast %swap3A_372 : i32 to index
            %swap3A_375 = arith.index_cast %add3A_97 : i32 to index
            %swap3A_376 = arith.index_cast %swap3A_373 : i32 to index
            %swap3A_377 = arith.index_cast %mul3A_371 : i32 to index
            %swap3A_378 = tpu.vector_load %arg10[%swap3A_374, %swap3A_375, %swap3A_376, %swap3A_377] {strides = array<i32>} : memref<16x5x4x128xf32, #tpu.memory_space<vmem>>, vector<16xf32>,
            tpu.vector_store %arg10[%swap3A_374, %swap3A_375, %swap3A_376, %swap3A_377], %gather3A_365 {strides = array<i32>} : memref<16x5x4x128xf32, #tpu.memory_space<vmem>>, vector<16xf32>,
            %gather3A_379 = tpu.vector_load_idx %arg5[%add3A_291] : memref<43536xf32, #tpu.memory_space<vmem>>[vector<16xi32>], vector<16xf32>,
            %mul3A_380 = arith.constant 2 : i32
            %mul3A_381 = arith.muli %mul3A_380, %add3A_107 : i32
            %add3A_382 = arith.constant 1 : i32
            %add3A_383 = arith.addi %mul3A_381, %add3A_382 : i32
            %mul3A_384 = arith.constant 16 : i32
            %mul3A_385 = arith.muli %add3A_383, %mul3A_384 : i32
            %swap3A_386 = arith.constant 1 : i32
            %swap3A_387 = arith.constant 2 : i32
            %swap3A_388 = arith.index_cast %swap3A_386 : i32 to index
            %swap3A_389 = arith.index_cast %add3A_97 : i32 to index
            %swap3A_390 = arith.index_cast %swap3A_387 : i32 to index
            %swap3A_391 = arith.index_cast %mul3A_385 : i32 to index
            %swap3A_392 = tpu.vector_load %arg10[%swap3A_388, %swap3A_389, %swap3A_390, %swap3A_391] {strides = array<i32>} : memref<16x5x4x128xf32, #tpu.memory_space<vmem>>, vector<16xf32>,
            tpu.vector_store %arg10[%swap3A_388, %swap3A_389, %swap3A_390, %swap3A_391], %gather3A_379 {strides = array<i32>} : memref<16x5x4x128xf32, #tpu.memory_space<vmem>>, vector<16xf32>,
            %gather3A_393 = tpu.vector_load_idx %arg5[%add3A_294] : memref<43536xf32, #tpu.memory_space<vmem>>[vector<16xi32>], vector<16xf32>,
            %mul3A_394 = arith.constant 2 : i32
            %mul3A_395 = arith.muli %mul3A_394, %add3A_107 : i32
            %add3A_396 = arith.constant 1 : i32
            %add3A_397 = arith.addi %mul3A_395, %add3A_396 : i32
            %mul3A_398 = arith.constant 16 : i32
            %mul3A_399 = arith.muli %add3A_397, %mul3A_398 : i32
            %swap3A_400 = arith.constant 1 : i32
            %swap3A_401 = arith.constant 3 : i32
            %swap3A_402 = arith.index_cast %swap3A_400 : i32 to index
            %swap3A_403 = arith.index_cast %add3A_97 : i32 to index
            %swap3A_404 = arith.index_cast %swap3A_401 : i32 to index
            %swap3A_405 = arith.index_cast %mul3A_399 : i32 to index
            %swap3A_406 = tpu.vector_load %arg10[%swap3A_402, %swap3A_403, %swap3A_404, %swap3A_405] {strides = array<i32>} : memref<16x5x4x128xf32, #tpu.memory_space<vmem>>, vector<16xf32>,
            tpu.vector_store %arg10[%swap3A_402, %swap3A_403, %swap3A_404, %swap3A_405], %gather3A_393 {strides = array<i32>} : memref<16x5x4x128xf32, #tpu.memory_space<vmem>>, vector<16xf32>,
            %add3A_407 = arith.constant 4 : i32
            %add3A_408 = vector.broadcast %add3A_407 : i32 to vector<16xi32>
            %add3A_409 = arith.addi %add3A_273, %add3A_408 : vector<16xi32>
            %add3A_410 = arith.constant 4 : i32
            %add3A_411 = vector.broadcast %add3A_410 : i32 to vector<16xi32>
            %add3A_412 = arith.addi %add3A_276, %add3A_411 : vector<16xi32>
            %add3A_413 = arith.constant 4 : i32
            %add3A_414 = vector.broadcast %add3A_413 : i32 to vector<16xi32>
            %add3A_415 = arith.addi %add3A_279, %add3A_414 : vector<16xi32>
            %add3A_416 = arith.constant 4 : i32
            %add3A_417 = vector.broadcast %add3A_416 : i32 to vector<16xi32>
            %add3A_418 = arith.addi %add3A_282, %add3A_417 : vector<16xi32>
            %add3A_419 = arith.constant 4 : i32
            %add3A_420 = vector.broadcast %add3A_419 : i32 to vector<16xi32>
            %add3A_421 = arith.addi %add3A_285, %add3A_420 : vector<16xi32>
            %add3A_422 = arith.constant 4 : i32
            %add3A_423 = vector.broadcast %add3A_422 : i32 to vector<16xi32>
            %add3A_424 = arith.addi %add3A_288, %add3A_423 : vector<16xi32>
            %add3A_425 = arith.constant 4 : i32
            %add3A_426 = vector.broadcast %add3A_425 : i32 to vector<16xi32>
            %add3A_427 = arith.addi %add3A_291, %add3A_426 : vector<16xi32>
            %add3A_428 = arith.constant 4 : i32
            %add3A_429 = vector.broadcast %add3A_428 : i32 to vector<16xi32>
            %add3A_430 = arith.addi %add3A_294, %add3A_429 : vector<16xi32>
            %gather3A_431 = tpu.vector_load_idx %arg5[%add3A_409] : memref<43536xf32, #tpu.memory_space<vmem>>[vector<16xi32>], vector<16xf32>,
            %mul3A_432 = arith.constant 2 : i32
            %mul3A_433 = arith.muli %mul3A_432, %add3A_107 : i32
            %add3A_434 = arith.constant 0 : i32
            %add3A_435 = arith.addi %mul3A_433, %add3A_434 : i32
            %mul3A_436 = arith.constant 16 : i32
            %mul3A_437 = arith.muli %add3A_435, %mul3A_436 : i32
            %swap3A_438 = arith.constant 2 : i32
            %swap3A_439 = arith.constant 0 : i32
            %swap3A_440 = arith.index_cast %swap3A_438 : i32 to index
            %swap3A_441 = arith.index_cast %add3A_97 : i32 to index
            %swap3A_442 = arith.index_cast %swap3A_439 : i32 to index
            %swap3A_443 = arith.index_cast %mul3A_437 : i32 to index
            %swap3A_444 = tpu.vector_load %arg10[%swap3A_440, %swap3A_441, %swap3A_442, %swap3A_443] {strides = array<i32>} : memref<16x5x4x128xf32, #tpu.memory_space<vmem>>, vector<16xf32>,
            tpu.vector_store %arg10[%swap3A_440, %swap3A_441, %swap3A_442, %swap3A_443], %gather3A_431 {strides = array<i32>} : memref<16x5x4x128xf32, #tpu.memory_space<vmem>>, vector<16xf32>,
            %gather3A_445 = tpu.vector_load_idx %arg5[%add3A_412] : memref<43536xf32, #tpu.memory_space<vmem>>[vector<16xi32>], vector<16xf32>,
            %mul3A_446 = arith.constant 2 : i32
            %mul3A_447 = arith.muli %mul3A_446, %add3A_107 : i32
            %add3A_448 = arith.constant 0 : i32
            %add3A_449 = arith.addi %mul3A_447, %add3A_448 : i32
            %mul3A_450 = arith.constant 16 : i32
            %mul3A_451 = arith.muli %add3A_449, %mul3A_450 : i32
            %swap3A_452 = arith.constant 2 : i32
            %swap3A_453 = arith.constant 1 : i32
            %swap3A_454 = arith.index_cast %swap3A_452 : i32 to index
            %swap3A_455 = arith.index_cast %add3A_97 : i32 to index
            %swap3A_456 = arith.index_cast %swap3A_453 : i32 to index
            %swap3A_457 = arith.index_cast %mul3A_451 : i32 to index
            %swap3A_458 = tpu.vector_load %arg10[%swap3A_454, %swap3A_455, %swap3A_456, %swap3A_457] {strides = array<i32>} : memref<16x5x4x128xf32, #tpu.memory_space<vmem>>, vector<16xf32>,
            tpu.vector_store %arg10[%swap3A_454, %swap3A_455, %swap3A_456, %swap3A_457], %gather3A_445 {strides = array<i32>} : memref<16x5x4x128xf32, #tpu.memory_space<vmem>>, vector<16xf32>,
            %gather3A_459 = tpu.vector_load_idx %arg5[%add3A_415] : memref<43536xf32, #tpu.memory_space<vmem>>[vector<16xi32>], vector<16xf32>,
            %mul3A_460 = arith.constant 2 : i32
            %mul3A_461 = arith.muli %mul3A_460, %add3A_107 : i32
            %add3A_462 = arith.constant 0 : i32
            %add3A_463 = arith.addi %mul3A_461, %add3A_462 : i32
            %mul3A_464 = arith.constant 16 : i32
            %mul3A_465 = arith.muli %add3A_463, %mul3A_464 : i32
            %swap3A_466 = arith.constant 2 : i32
            %swap3A_467 = arith.constant 2 : i32
            %swap3A_468 = arith.index_cast %swap3A_466 : i32 to index
            %swap3A_469 = arith.index_cast %add3A_97 : i32 to index
            %swap3A_470 = arith.index_cast %swap3A_467 : i32 to index
            %swap3A_471 = arith.index_cast %mul3A_465 : i32 to index
            %swap3A_472 = tpu.vector_load %arg10[%swap3A_468, %swap3A_469, %swap3A_470, %swap3A_471] {strides = array<i32>} : memref<16x5x4x128xf32, #tpu.memory_space<vmem>>, vector<16xf32>,
            tpu.vector_store %arg10[%swap3A_468, %swap3A_469, %swap3A_470, %swap3A_471], %gather3A_459 {strides = array<i32>} : memref<16x5x4x128xf32, #tpu.memory_space<vmem>>, vector<16xf32>,
            %gather3A_473 = tpu.vector_load_idx %arg5[%add3A_418] : memref<43536xf32, #tpu.memory_space<vmem>>[vector<16xi32>], vector<16xf32>,
            %mul3A_474 = arith.constant 2 : i32
            %mul3A_475 = arith.muli %mul3A_474, %add3A_107 : i32
            %add3A_476 = arith.constant 0 : i32
            %add3A_477 = arith.addi %mul3A_475, %add3A_476 : i32
            %mul3A_478 = arith.constant 16 : i32
            %mul3A_479 = arith.muli %add3A_477, %mul3A_478 : i32
            %swap3A_480 = arith.constant 2 : i32
            %swap3A_481 = arith.constant 3 : i32
            %swap3A_482 = arith.index_cast %swap3A_480 : i32 to index
            %swap3A_483 = arith.index_cast %add3A_97 : i32 to index
            %swap3A_484 = arith.index_cast %swap3A_481 : i32 to index
            %swap3A_485 = arith.index_cast %mul3A_479 : i32 to index
            %swap3A_486 = tpu.vector_load %arg10[%swap3A_482, %swap3A_483, %swap3A_484, %swap3A_485] {strides = array<i32>} : memref<16x5x4x128xf32, #tpu.memory_space<vmem>>, vector<16xf32>,
            tpu.vector_store %arg10[%swap3A_482, %swap3A_483, %swap3A_484, %swap3A_485], %gather3A_473 {strides = array<i32>} : memref<16x5x4x128xf32, #tpu.memory_space<vmem>>, vector<16xf32>,
            %gather3A_487 = tpu.vector_load_idx %arg5[%add3A_421] : memref<43536xf32, #tpu.memory_space<vmem>>[vector<16xi32>], vector<16xf32>,
            %mul3A_488 = arith.constant 2 : i32
            %mul3A_489 = arith.muli %mul3A_488, %add3A_107 : i32
            %add3A_490 = arith.constant 1 : i32
            %add3A_491 = arith.addi %mul3A_489, %add3A_490 : i32
            %mul3A_492 = arith.constant 16 : i32
            %mul3A_493 = arith.muli %add3A_491, %mul3A_492 : i32
            %swap3A_494 = arith.constant 2 : i32
            %swap3A_495 = arith.constant 0 : i32
            %swap3A_496 = arith.index_cast %swap3A_494 : i32 to index
            %swap3A_497 = arith.index_cast %add3A_97 : i32 to index
            %swap3A_498 = arith.index_cast %swap3A_495 : i32 to index
            %swap3A_499 = arith.index_cast %mul3A_493 : i32 to index
            %swap3A_500 = tpu.vector_load %arg10[%swap3A_496, %swap3A_497, %swap3A_498, %swap3A_499] {strides = array<i32>} : memref<16x5x4x128xf32, #tpu.memory_space<vmem>>, vector<16xf32>,
            tpu.vector_store %arg10[%swap3A_496, %swap3A_497, %swap3A_498, %swap3A_499], %gather3A_487 {strides = array<i32>} : memref<16x5x4x128xf32, #tpu.memory_space<vmem>>, vector<16xf32>,
            %gather3A_501 = tpu.vector_load_idx %arg5[%add3A_424] : memref<43536xf32, #tpu.memory_space<vmem>>[vector<16xi32>], vector<16xf32>,
            %mul3A_502 = arith.constant 2 : i32
            %mul3A_503 = arith.muli %mul3A_502, %add3A_107 : i32
            %add3A_504 = arith.constant 1 : i32
            %add3A_505 = arith.addi %mul3A_503, %add3A_504 : i32
            %mul3A_506 = arith.constant 16 : i32
            %mul3A_507 = arith.muli %add3A_505, %mul3A_506 : i32
            %swap3A_508 = arith.constant 2 : i32
            %swap3A_509 = arith.constant 1 : i32
            %swap3A_510 = arith.index_cast %swap3A_508 : i32 to index
            %swap3A_511 = arith.index_cast %add3A_97 : i32 to index
            %swap3A_512 = arith.index_cast %swap3A_509 : i32 to index
            %swap3A_513 = arith.index_cast %mul3A_507 : i32 to index
            %swap3A_514 = tpu.vector_load %arg10[%swap3A_510, %swap3A_511, %swap3A_512, %swap3A_513] {strides = array<i32>} : memref<16x5x4x128xf32, #tpu.memory_space<vmem>>, vector<16xf32>,
            tpu.vector_store %arg10[%swap3A_510, %swap3A_511, %swap3A_512, %swap3A_513], %gather3A_501 {strides = array<i32>} : memref<16x5x4x128xf32, #tpu.memory_space<vmem>>, vector<16xf32>,
            %gather3A_515 = tpu.vector_load_idx %arg5[%add3A_427] : memref<43536xf32, #tpu.memory_space<vmem>>[vector<16xi32>], vector<16xf32>,
            %mul3A_516 = arith.constant 2 : i32
            %mul3A_517 = arith.muli %mul3A_516, %add3A_107 : i32
            %add3A_518 = arith.constant 1 : i32
            %add3A_519 = arith.addi %mul3A_517, %add3A_518 : i32
            %mul3A_520 = arith.constant 16 : i32
            %mul3A_521 = arith.muli %add3A_519, %mul3A_520 : i32
            %swap3A_522 = arith.constant 2 : i32
            %swap3A_523 = arith.constant 2 : i32
            %swap3A_524 = arith.index_cast %swap3A_522 : i32 to index
            %swap3A_525 = arith.index_cast %add3A_97 : i32 to index
            %swap3A_526 = arith.index_cast %swap3A_523 : i32 to index
            %swap3A_527 = arith.index_cast %mul3A_521 : i32 to index
            %swap3A_528 = tpu.vector_load %arg10[%swap3A_524, %swap3A_525, %swap3A_526, %swap3A_527] {strides = array<i32>} : memref<16x5x4x128xf32, #tpu.memory_space<vmem>>, vector<16xf32>,
            tpu.vector_store %arg10[%swap3A_524, %swap3A_525, %swap3A_526, %swap3A_527], %gather3A_515 {strides = array<i32>} : memref<16x5x4x128xf32, #tpu.memory_space<vmem>>, vector<16xf32>,
            %gather3A_529 = tpu.vector_load_idx %arg5[%add3A_430] : memref<43536xf32, #tpu.memory_space<vmem>>[vector<16xi32>], vector<16xf32>,
            %mul3A_530 = arith.constant 2 : i32
            %mul3A_531 = arith.muli %mul3A_530, %add3A_107 : i32
            %add3A_532 = arith.constant 1 : i32
            %add3A_533 = arith.addi %mul3A_531, %add3A_532 : i32
            %mul3A_534 = arith.constant 16 : i32
            %mul3A_535 = arith.muli %add3A_533, %mul3A_534 : i32
            %swap3A_536 = arith.constant 2 : i32
            %swap3A_537 = arith.constant 3 : i32
            %swap3A_538 = arith.index_cast %swap3A_536 : i32 to index
            %swap3A_539 = arith.index_cast %add3A_97 : i32 to index
            %swap3A_540 = arith.index_cast %swap3A_537 : i32 to index
            %swap3A_541 = arith.index_cast %mul3A_535 : i32 to index
            %swap3A_542 = tpu.vector_load %arg10[%swap3A_538, %swap3A_539, %swap3A_540, %swap3A_541] {strides = array<i32>} : memref<16x5x4x128xf32, #tpu.memory_space<vmem>>, vector<16xf32>,
            tpu.vector_store %arg10[%swap3A_538, %swap3A_539, %swap3A_540, %swap3A_541], %gather3A_529 {strides = array<i32>} : memref<16x5x4x128xf32, #tpu.memory_space<vmem>>, vector<16xf32>,
            %add3A_543 = arith.constant 4 : i32
            %add3A_544 = vector.broadcast %add3A_543 : i32 to vector<16xi32>
            %add3A_545 = arith.addi %add3A_409, %add3A_544 : vector<16xi32>
            %add3A_546 = arith.constant 4 : i32
            %add3A_547 = vector.broadcast %add3A_546 : i32 to vector<16xi32>
            %add3A_548 = arith.addi %add3A_412, %add3A_547 : vector<16xi32>
            %add3A_549 = arith.constant 4 : i32
            %add3A_550 = vector.broadcast %add3A_549 : i32 to vector<16xi32>
            %add3A_551 = arith.addi %add3A_415, %add3A_550 : vector<16xi32>
            %add3A_552 = arith.constant 4 : i32
            %add3A_553 = vector.broadcast %add3A_552 : i32 to vector<16xi32>
            %add3A_554 = arith.addi %add3A_418, %add3A_553 : vector<16xi32>
            %add3A_555 = arith.constant 4 : i32
            %add3A_556 = vector.broadcast %add3A_555 : i32 to vector<16xi32>
            %add3A_557 = arith.addi %add3A_421, %add3A_556 : vector<16xi32>
            %add3A_558 = arith.constant 4 : i32
            %add3A_559 = vector.broadcast %add3A_558 : i32 to vector<16xi32>
            %add3A_560 = arith.addi %add3A_424, %add3A_559 : vector<16xi32>
            %add3A_561 = arith.constant 4 : i32
            %add3A_562 = vector.broadcast %add3A_561 : i32 to vector<16xi32>
            %add3A_563 = arith.addi %add3A_427, %add3A_562 : vector<16xi32>
            %add3A_564 = arith.constant 4 : i32
            %add3A_565 = vector.broadcast %add3A_564 : i32 to vector<16xi32>
            %add3A_566 = arith.addi %add3A_430, %add3A_565 : vector<16xi32>
            %gather3A_567 = tpu.vector_load_idx %arg5[%add3A_545] : memref<43536xf32, #tpu.memory_space<vmem>>[vector<16xi32>], vector<16xf32>,
            %mul3A_568 = arith.constant 2 : i32
            %mul3A_569 = arith.muli %mul3A_568, %add3A_107 : i32
            %add3A_570 = arith.constant 0 : i32
            %add3A_571 = arith.addi %mul3A_569, %add3A_570 : i32
            %mul3A_572 = arith.constant 16 : i32
            %mul3A_573 = arith.muli %add3A_571, %mul3A_572 : i32
            %swap3A_574 = arith.constant 3 : i32
            %swap3A_575 = arith.constant 0 : i32
            %swap3A_576 = arith.index_cast %swap3A_574 : i32 to index
            %swap3A_577 = arith.index_cast %add3A_97 : i32 to index
            %swap3A_578 = arith.index_cast %swap3A_575 : i32 to index
            %swap3A_579 = arith.index_cast %mul3A_573 : i32 to index
            %swap3A_580 = tpu.vector_load %arg10[%swap3A_576, %swap3A_577, %swap3A_578, %swap3A_579] {strides = array<i32>} : memref<16x5x4x128xf32, #tpu.memory_space<vmem>>, vector<16xf32>,
            tpu.vector_store %arg10[%swap3A_576, %swap3A_577, %swap3A_578, %swap3A_579], %gather3A_567 {strides = array<i32>} : memref<16x5x4x128xf32, #tpu.memory_space<vmem>>, vector<16xf32>,
            %gather3A_581 = tpu.vector_load_idx %arg5[%add3A_548] : memref<43536xf32, #tpu.memory_space<vmem>>[vector<16xi32>], vector<16xf32>,
            %mul3A_582 = arith.constant 2 : i32
            %mul3A_583 = arith.muli %mul3A_582, %add3A_107 : i32
            %add3A_584 = arith.constant 0 : i32
            %add3A_585 = arith.addi %mul3A_583, %add3A_584 : i32
            %mul3A_586 = arith.constant 16 : i32
            %mul3A_587 = arith.muli %add3A_585, %mul3A_586 : i32
            %swap3A_588 = arith.constant 3 : i32
            %swap3A_589 = arith.constant 1 : i32
            %swap3A_590 = arith.index_cast %swap3A_588 : i32 to index
            %swap3A_591 = arith.index_cast %add3A_97 : i32 to index
            %swap3A_592 = arith.index_cast %swap3A_589 : i32 to index
            %swap3A_593 = arith.index_cast %mul3A_587 : i32 to index
            %swap3A_594 = tpu.vector_load %arg10[%swap3A_590, %swap3A_591, %swap3A_592, %swap3A_593] {strides = array<i32>} : memref<16x5x4x128xf32, #tpu.memory_space<vmem>>, vector<16xf32>,
            tpu.vector_store %arg10[%swap3A_590, %swap3A_591, %swap3A_592, %swap3A_593], %gather3A_581 {strides = array<i32>} : memref<16x5x4x128xf32, #tpu.memory_space<vmem>>, vector<16xf32>,
            %gather3A_595 = tpu.vector_load_idx %arg5[%add3A_551] : memref<43536xf32, #tpu.memory_space<vmem>>[vector<16xi32>], vector<16xf32>,
            %mul3A_596 = arith.constant 2 : i32
            %mul3A_597 = arith.muli %mul3A_596, %add3A_107 : i32
            %add3A_598 = arith.constant 0 : i32
            %add3A_599 = arith.addi %mul3A_597, %add3A_598 : i32
            %mul3A_600 = arith.constant 16 : i32
            %mul3A_601 = arith.muli %add3A_599, %mul3A_600 : i32
            %swap3A_602 = arith.constant 3 : i32
            %swap3A_603 = arith.constant 2 : i32
            %swap3A_604 = arith.index_cast %swap3A_602 : i32 to index
            %swap3A_605 = arith.index_cast %add3A_97 : i32 to index
            %swap3A_606 = arith.index_cast %swap3A_603 : i32 to index
            %swap3A_607 = arith.index_cast %mul3A_601 : i32 to index
            %swap3A_608 = tpu.vector_load %arg10[%swap3A_604, %swap3A_605, %swap3A_606, %swap3A_607] {strides = array<i32>} : memref<16x5x4x128xf32, #tpu.memory_space<vmem>>, vector<16xf32>,
            tpu.vector_store %arg10[%swap3A_604, %swap3A_605, %swap3A_606, %swap3A_607], %gather3A_595 {strides = array<i32>} : memref<16x5x4x128xf32, #tpu.memory_space<vmem>>, vector<16xf32>,
            %gather3A_609 = tpu.vector_load_idx %arg5[%add3A_554] : memref<43536xf32, #tpu.memory_space<vmem>>[vector<16xi32>], vector<16xf32>,
            %mul3A_610 = arith.constant 2 : i32
            %mul3A_611 = arith.muli %mul3A_610, %add3A_107 : i32
            %add3A_612 = arith.constant 0 : i32
            %add3A_613 = arith.addi %mul3A_611, %add3A_612 : i32
            %mul3A_614 = arith.constant 16 : i32
            %mul3A_615 = arith.muli %add3A_613, %mul3A_614 : i32
            %swap3A_616 = arith.constant 3 : i32
            %swap3A_617 = arith.constant 3 : i32
            %swap3A_618 = arith.index_cast %swap3A_616 : i32 to index
            %swap3A_619 = arith.index_cast %add3A_97 : i32 to index
            %swap3A_620 = arith.index_cast %swap3A_617 : i32 to index
            %swap3A_621 = arith.index_cast %mul3A_615 : i32 to index
            %swap3A_622 = tpu.vector_load %arg10[%swap3A_618, %swap3A_619, %swap3A_620, %swap3A_621] {strides = array<i32>} : memref<16x5x4x128xf32, #tpu.memory_space<vmem>>, vector<16xf32>,
            tpu.vector_store %arg10[%swap3A_618, %swap3A_619, %swap3A_620, %swap3A_621], %gather3A_609 {strides = array<i32>} : memref<16x5x4x128xf32, #tpu.memory_space<vmem>>, vector<16xf32>,
            %gather3A_623 = tpu.vector_load_idx %arg5[%add3A_557] : memref<43536xf32, #tpu.memory_space<vmem>>[vector<16xi32>], vector<16xf32>,
            %mul3A_624 = arith.constant 2 : i32
            %mul3A_625 = arith.muli %mul3A_624, %add3A_107 : i32
            %add3A_626 = arith.constant 1 : i32
            %add3A_627 = arith.addi %mul3A_625, %add3A_626 : i32
            %mul3A_628 = arith.constant 16 : i32
            %mul3A_629 = arith.muli %add3A_627, %mul3A_628 : i32
            %swap3A_630 = arith.constant 3 : i32
            %swap3A_631 = arith.constant 0 : i32
            %swap3A_632 = arith.index_cast %swap3A_630 : i32 to index
            %swap3A_633 = arith.index_cast %add3A_97 : i32 to index
            %swap3A_634 = arith.index_cast %swap3A_631 : i32 to index
            %swap3A_635 = arith.index_cast %mul3A_629 : i32 to index
            %swap3A_636 = tpu.vector_load %arg10[%swap3A_632, %swap3A_633, %swap3A_634, %swap3A_635] {strides = array<i32>} : memref<16x5x4x128xf32, #tpu.memory_space<vmem>>, vector<16xf32>,
            tpu.vector_store %arg10[%swap3A_632, %swap3A_633, %swap3A_634, %swap3A_635], %gather3A_623 {strides = array<i32>} : memref<16x5x4x128xf32, #tpu.memory_space<vmem>>, vector<16xf32>,
            %gather3A_637 = tpu.vector_load_idx %arg5[%add3A_560] : memref<43536xf32, #tpu.memory_space<vmem>>[vector<16xi32>], vector<16xf32>,
            %mul3A_638 = arith.constant 2 : i32
            %mul3A_639 = arith.muli %mul3A_638, %add3A_107 : i32
            %add3A_640 = arith.constant 1 : i32
            %add3A_641 = arith.addi %mul3A_639, %add3A_640 : i32
            %mul3A_642 = arith.constant 16 : i32
            %mul3A_643 = arith.muli %add3A_641, %mul3A_642 : i32
            %swap3A_644 = arith.constant 3 : i32
            %swap3A_645 = arith.constant 1 : i32
            %swap3A_646 = arith.index_cast %swap3A_644 : i32 to index
            %swap3A_647 = arith.index_cast %add3A_97 : i32 to index
            %swap3A_648 = arith.index_cast %swap3A_645 : i32 to index
            %swap3A_649 = arith.index_cast %mul3A_643 : i32 to index
            %swap3A_650 = tpu.vector_load %arg10[%swap3A_646, %swap3A_647, %swap3A_648, %swap3A_649] {strides = array<i32>} : memref<16x5x4x128xf32, #tpu.memory_space<vmem>>, vector<16xf32>,
            tpu.vector_store %arg10[%swap3A_646, %swap3A_647, %swap3A_648, %swap3A_649], %gather3A_637 {strides = array<i32>} : memref<16x5x4x128xf32, #tpu.memory_space<vmem>>, vector<16xf32>,
            %gather3A_651 = tpu.vector_load_idx %arg5[%add3A_563] : memref<43536xf32, #tpu.memory_space<vmem>>[vector<16xi32>], vector<16xf32>,
            %mul3A_652 = arith.constant 2 : i32
            %mul3A_653 = arith.muli %mul3A_652, %add3A_107 : i32
            %add3A_654 = arith.constant 1 : i32
            %add3A_655 = arith.addi %mul3A_653, %add3A_654 : i32
            %mul3A_656 = arith.constant 16 : i32
            %mul3A_657 = arith.muli %add3A_655, %mul3A_656 : i32
            %swap3A_658 = arith.constant 3 : i32
            %swap3A_659 = arith.constant 2 : i32
            %swap3A_660 = arith.index_cast %swap3A_658 : i32 to index
            %swap3A_661 = arith.index_cast %add3A_97 : i32 to index
            %swap3A_662 = arith.index_cast %swap3A_659 : i32 to index
            %swap3A_663 = arith.index_cast %mul3A_657 : i32 to index
            %swap3A_664 = tpu.vector_load %arg10[%swap3A_660, %swap3A_661, %swap3A_662, %swap3A_663] {strides = array<i32>} : memref<16x5x4x128xf32, #tpu.memory_space<vmem>>, vector<16xf32>,
            tpu.vector_store %arg10[%swap3A_660, %swap3A_661, %swap3A_662, %swap3A_663], %gather3A_651 {strides = array<i32>} : memref<16x5x4x128xf32, #tpu.memory_space<vmem>>, vector<16xf32>,
            %gather3A_665 = tpu.vector_load_idx %arg5[%add3A_566] : memref<43536xf32, #tpu.memory_space<vmem>>[vector<16xi32>], vector<16xf32>,
            %mul3A_666 = arith.constant 2 : i32
            %mul3A_667 = arith.muli %mul3A_666, %add3A_107 : i32
            %add3A_668 = arith.constant 1 : i32
            %add3A_669 = arith.addi %mul3A_667, %add3A_668 : i32
            %mul3A_670 = arith.constant 16 : i32
            %mul3A_671 = arith.muli %add3A_669, %mul3A_670 : i32
            %swap3A_672 = arith.constant 3 : i32
            %swap3A_673 = arith.constant 3 : i32
            %swap3A_674 = arith.index_cast %swap3A_672 : i32 to index
            %swap3A_675 = arith.index_cast %add3A_97 : i32 to index
            %swap3A_676 = arith.index_cast %swap3A_673 : i32 to index
            %swap3A_677 = arith.index_cast %mul3A_671 : i32 to index
            %swap3A_678 = tpu.vector_load %arg10[%swap3A_674, %swap3A_675, %swap3A_676, %swap3A_677] {strides = array<i32>} : memref<16x5x4x128xf32, #tpu.memory_space<vmem>>, vector<16xf32>,
            tpu.vector_store %arg10[%swap3A_674, %swap3A_675, %swap3A_676, %swap3A_677], %gather3A_665 {strides = array<i32>} : memref<16x5x4x128xf32, #tpu.memory_space<vmem>>, vector<16xf32>,
            %add3A_679 = arith.constant 4 : i32
            %add3A_680 = vector.broadcast %add3A_679 : i32 to vector<16xi32>
            %add3A_681 = arith.addi %add3A_545, %add3A_680 : vector<16xi32>
            %add3A_682 = arith.constant 4 : i32
            %add3A_683 = vector.broadcast %add3A_682 : i32 to vector<16xi32>
            %add3A_684 = arith.addi %add3A_548, %add3A_683 : vector<16xi32>
            %add3A_685 = arith.constant 4 : i32
            %add3A_686 = vector.broadcast %add3A_685 : i32 to vector<16xi32>
            %add3A_687 = arith.addi %add3A_551, %add3A_686 : vector<16xi32>
            %add3A_688 = arith.constant 4 : i32
            %add3A_689 = vector.broadcast %add3A_688 : i32 to vector<16xi32>
            %add3A_690 = arith.addi %add3A_554, %add3A_689 : vector<16xi32>
            %add3A_691 = arith.constant 4 : i32
            %add3A_692 = vector.broadcast %add3A_691 : i32 to vector<16xi32>
            %add3A_693 = arith.addi %add3A_557, %add3A_692 : vector<16xi32>
            %add3A_694 = arith.constant 4 : i32
            %add3A_695 = vector.broadcast %add3A_694 : i32 to vector<16xi32>
            %add3A_696 = arith.addi %add3A_560, %add3A_695 : vector<16xi32>
            %add3A_697 = arith.constant 4 : i32
            %add3A_698 = vector.broadcast %add3A_697 : i32 to vector<16xi32>
            %add3A_699 = arith.addi %add3A_563, %add3A_698 : vector<16xi32>
            %add3A_700 = arith.constant 4 : i32
            %add3A_701 = vector.broadcast %add3A_700 : i32 to vector<16xi32>
            %add3A_702 = arith.addi %add3A_566, %add3A_701 : vector<16xi32>
            %gather3A_703 = tpu.vector_load_idx %arg5[%add3A_681] : memref<43536xf32, #tpu.memory_space<vmem>>[vector<16xi32>], vector<16xf32>,
            %mul3A_704 = arith.constant 2 : i32
            %mul3A_705 = arith.muli %mul3A_704, %add3A_107 : i32
            %add3A_706 = arith.constant 0 : i32
            %add3A_707 = arith.addi %mul3A_705, %add3A_706 : i32
            %mul3A_708 = arith.constant 16 : i32
            %mul3A_709 = arith.muli %add3A_707, %mul3A_708 : i32
            %swap3A_710 = arith.constant 4 : i32
            %swap3A_711 = arith.constant 0 : i32
            %swap3A_712 = arith.index_cast %swap3A_710 : i32 to index
            %swap3A_713 = arith.index_cast %add3A_97 : i32 to index
            %swap3A_714 = arith.index_cast %swap3A_711 : i32 to index
            %swap3A_715 = arith.index_cast %mul3A_709 : i32 to index
            %swap3A_716 = tpu.vector_load %arg10[%swap3A_712, %swap3A_713, %swap3A_714, %swap3A_715] {strides = array<i32>} : memref<16x5x4x128xf32, #tpu.memory_space<vmem>>, vector<16xf32>,
            tpu.vector_store %arg10[%swap3A_712, %swap3A_713, %swap3A_714, %swap3A_715], %gather3A_703 {strides = array<i32>} : memref<16x5x4x128xf32, #tpu.memory_space<vmem>>, vector<16xf32>,
            %gather3A_717 = tpu.vector_load_idx %arg5[%add3A_684] : memref<43536xf32, #tpu.memory_space<vmem>>[vector<16xi32>], vector<16xf32>,
            %mul3A_718 = arith.constant 2 : i32
            %mul3A_719 = arith.muli %mul3A_718, %add3A_107 : i32
            %add3A_720 = arith.constant 0 : i32
            %add3A_721 = arith.addi %mul3A_719, %add3A_720 : i32
            %mul3A_722 = arith.constant 16 : i32
            %mul3A_723 = arith.muli %add3A_721, %mul3A_722 : i32
            %swap3A_724 = arith.constant 4 : i32
            %swap3A_725 = arith.constant 1 : i32
            %swap3A_726 = arith.index_cast %swap3A_724 : i32 to index
            %swap3A_727 = arith.index_cast %add3A_97 : i32 to index
            %swap3A_728 = arith.index_cast %swap3A_725 : i32 to index
            %swap3A_729 = arith.index_cast %mul3A_723 : i32 to index
            %swap3A_730 = tpu.vector_load %arg10[%swap3A_726, %swap3A_727, %swap3A_728, %swap3A_729] {strides = array<i32>} : memref<16x5x4x128xf32, #tpu.memory_space<vmem>>, vector<16xf32>,
            tpu.vector_store %arg10[%swap3A_726, %swap3A_727, %swap3A_728, %swap3A_729], %gather3A_717 {strides = array<i32>} : memref<16x5x4x128xf32, #tpu.memory_space<vmem>>, vector<16xf32>,
            %gather3A_731 = tpu.vector_load_idx %arg5[%add3A_687] : memref<43536xf32, #tpu.memory_space<vmem>>[vector<16xi32>], vector<16xf32>,
            %mul3A_732 = arith.constant 2 : i32
            %mul3A_733 = arith.muli %mul3A_732, %add3A_107 : i32
            %add3A_734 = arith.constant 0 : i32
            %add3A_735 = arith.addi %mul3A_733, %add3A_734 : i32
            %mul3A_736 = arith.constant 16 : i32
            %mul3A_737 = arith.muli %add3A_735, %mul3A_736 : i32
            %swap3A_738 = arith.constant 4 : i32
            %swap3A_739 = arith.constant 2 : i32
            %swap3A_740 = arith.index_cast %swap3A_738 : i32 to index
            %swap3A_741 = arith.index_cast %add3A_97 : i32 to index
            %swap3A_742 = arith.index_cast %swap3A_739 : i32 to index
            %swap3A_743 = arith.index_cast %mul3A_737 : i32 to index
            %swap3A_744 = tpu.vector_load %arg10[%swap3A_740, %swap3A_741, %swap3A_742, %swap3A_743] {strides = array<i32>} : memref<16x5x4x128xf32, #tpu.memory_space<vmem>>, vector<16xf32>,
            tpu.vector_store %arg10[%swap3A_740, %swap3A_741, %swap3A_742, %swap3A_743], %gather3A_731 {strides = array<i32>} : memref<16x5x4x128xf32, #tpu.memory_space<vmem>>, vector<16xf32>,
            %gather3A_745 = tpu.vector_load_idx %arg5[%add3A_690] : memref<43536xf32, #tpu.memory_space<vmem>>[vector<16xi32>], vector<16xf32>,
            %mul3A_746 = arith.constant 2 : i32
            %mul3A_747 = arith.muli %mul3A_746, %add3A_107 : i32
            %add3A_748 = arith.constant 0 : i32
            %add3A_749 = arith.addi %mul3A_747, %add3A_748 : i32
            %mul3A_750 = arith.constant 16 : i32
            %mul3A_751 = arith.muli %add3A_749, %mul3A_750 : i32
            %swap3A_752 = arith.constant 4 : i32
            %swap3A_753 = arith.constant 3 : i32
            %swap3A_754 = arith.index_cast %swap3A_752 : i32 to index
            %swap3A_755 = arith.index_cast %add3A_97 : i32 to index
            %swap3A_756 = arith.index_cast %swap3A_753 : i32 to index
            %swap3A_757 = arith.index_cast %mul3A_751 : i32 to index
            %swap3A_758 = tpu.vector_load %arg10[%swap3A_754, %swap3A_755, %swap3A_756, %swap3A_757] {strides = array<i32>} : memref<16x5x4x128xf32, #tpu.memory_space<vmem>>, vector<16xf32>,
            tpu.vector_store %arg10[%swap3A_754, %swap3A_755, %swap3A_756, %swap3A_757], %gather3A_745 {strides = array<i32>} : memref<16x5x4x128xf32, #tpu.memory_space<vmem>>, vector<16xf32>,
            %gather3A_759 = tpu.vector_load_idx %arg5[%add3A_693] : memref<43536xf32, #tpu.memory_space<vmem>>[vector<16xi32>], vector<16xf32>,
            %mul3A_760 = arith.constant 2 : i32
            %mul3A_761 = arith.muli %mul3A_760, %add3A_107 : i32
            %add3A_762 = arith.constant 1 : i32
            %add3A_763 = arith.addi %mul3A_761, %add3A_762 : i32
            %mul3A_764 = arith.constant 16 : i32
            %mul3A_765 = arith.muli %add3A_763, %mul3A_764 : i32
            %swap3A_766 = arith.constant 4 : i32
            %swap3A_767 = arith.constant 0 : i32
            %swap3A_768 = arith.index_cast %swap3A_766 : i32 to index
            %swap3A_769 = arith.index_cast %add3A_97 : i32 to index
            %swap3A_770 = arith.index_cast %swap3A_767 : i32 to index
            %swap3A_771 = arith.index_cast %mul3A_765 : i32 to index
            %swap3A_772 = tpu.vector_load %arg10[%swap3A_768, %swap3A_769, %swap3A_770, %swap3A_771] {strides = array<i32>} : memref<16x5x4x128xf32, #tpu.memory_space<vmem>>, vector<16xf32>,
            tpu.vector_store %arg10[%swap3A_768, %swap3A_769, %swap3A_770, %swap3A_771], %gather3A_759 {strides = array<i32>} : memref<16x5x4x128xf32, #tpu.memory_space<vmem>>, vector<16xf32>,
            %gather3A_773 = tpu.vector_load_idx %arg5[%add3A_696] : memref<43536xf32, #tpu.memory_space<vmem>>[vector<16xi32>], vector<16xf32>,
            %mul3A_774 = arith.constant 2 : i32
            %mul3A_775 = arith.muli %mul3A_774, %add3A_107 : i32
            %add3A_776 = arith.constant 1 : i32
            %add3A_777 = arith.addi %mul3A_775, %add3A_776 : i32
            %mul3A_778 = arith.constant 16 : i32
            %mul3A_779 = arith.muli %add3A_777, %mul3A_778 : i32
            %swap3A_780 = arith.constant 4 : i32
            %swap3A_781 = arith.constant 1 : i32
            %swap3A_782 = arith.index_cast %swap3A_780 : i32 to index
            %swap3A_783 = arith.index_cast %add3A_97 : i32 to index
            %swap3A_784 = arith.index_cast %swap3A_781 : i32 to index
            %swap3A_785 = arith.index_cast %mul3A_779 : i32 to index
            %swap3A_786 = tpu.vector_load %arg10[%swap3A_782, %swap3A_783, %swap3A_784, %swap3A_785] {strides = array<i32>} : memref<16x5x4x128xf32, #tpu.memory_space<vmem>>, vector<16xf32>,
            tpu.vector_store %arg10[%swap3A_782, %swap3A_783, %swap3A_784, %swap3A_785], %gather3A_773 {strides = array<i32>} : memref<16x5x4x128xf32, #tpu.memory_space<vmem>>, vector<16xf32>,
            %gather3A_787 = tpu.vector_load_idx %arg5[%add3A_699] : memref<43536xf32, #tpu.memory_space<vmem>>[vector<16xi32>], vector<16xf32>,
            %mul3A_788 = arith.constant 2 : i32
            %mul3A_789 = arith.muli %mul3A_788, %add3A_107 : i32
            %add3A_790 = arith.constant 1 : i32
            %add3A_791 = arith.addi %mul3A_789, %add3A_790 : i32
            %mul3A_792 = arith.constant 16 : i32
            %mul3A_793 = arith.muli %add3A_791, %mul3A_792 : i32
            %swap3A_794 = arith.constant 4 : i32
            %swap3A_795 = arith.constant 2 : i32
            %swap3A_796 = arith.index_cast %swap3A_794 : i32 to index
            %swap3A_797 = arith.index_cast %add3A_97 : i32 to index
            %swap3A_798 = arith.index_cast %swap3A_795 : i32 to index
            %swap3A_799 = arith.index_cast %mul3A_793 : i32 to index
            %swap3A_800 = tpu.vector_load %arg10[%swap3A_796, %swap3A_797, %swap3A_798, %swap3A_799] {strides = array<i32>} : memref<16x5x4x128xf32, #tpu.memory_space<vmem>>, vector<16xf32>,
            tpu.vector_store %arg10[%swap3A_796, %swap3A_797, %swap3A_798, %swap3A_799], %gather3A_787 {strides = array<i32>} : memref<16x5x4x128xf32, #tpu.memory_space<vmem>>, vector<16xf32>,
            %gather3A_801 = tpu.vector_load_idx %arg5[%add3A_702] : memref<43536xf32, #tpu.memory_space<vmem>>[vector<16xi32>], vector<16xf32>,
            %mul3A_802 = arith.constant 2 : i32
            %mul3A_803 = arith.muli %mul3A_802, %add3A_107 : i32
            %add3A_804 = arith.constant 1 : i32
            %add3A_805 = arith.addi %mul3A_803, %add3A_804 : i32
            %mul3A_806 = arith.constant 16 : i32
            %mul3A_807 = arith.muli %add3A_805, %mul3A_806 : i32
            %swap3A_808 = arith.constant 4 : i32
            %swap3A_809 = arith.constant 3 : i32
            %swap3A_810 = arith.index_cast %swap3A_808 : i32 to index
            %swap3A_811 = arith.index_cast %add3A_97 : i32 to index
            %swap3A_812 = arith.index_cast %swap3A_809 : i32 to index
            %swap3A_813 = arith.index_cast %mul3A_807 : i32 to index
            %swap3A_814 = tpu.vector_load %arg10[%swap3A_810, %swap3A_811, %swap3A_812, %swap3A_813] {strides = array<i32>} : memref<16x5x4x128xf32, #tpu.memory_space<vmem>>, vector<16xf32>,
            tpu.vector_store %arg10[%swap3A_810, %swap3A_811, %swap3A_812, %swap3A_813], %gather3A_801 {strides = array<i32>} : memref<16x5x4x128xf32, #tpu.memory_space<vmem>>, vector<16xf32>,
            %add3A_815 = arith.constant 4 : i32
            %add3A_816 = vector.broadcast %add3A_815 : i32 to vector<16xi32>
            %add3A_817 = arith.addi %add3A_681, %add3A_816 : vector<16xi32>
            %add3A_818 = arith.constant 4 : i32
            %add3A_819 = vector.broadcast %add3A_818 : i32 to vector<16xi32>
            %add3A_820 = arith.addi %add3A_684, %add3A_819 : vector<16xi32>
            %add3A_821 = arith.constant 4 : i32
            %add3A_822 = vector.broadcast %add3A_821 : i32 to vector<16xi32>
            %add3A_823 = arith.addi %add3A_687, %add3A_822 : vector<16xi32>
            %add3A_824 = arith.constant 4 : i32
            %add3A_825 = vector.broadcast %add3A_824 : i32 to vector<16xi32>
            %add3A_826 = arith.addi %add3A_690, %add3A_825 : vector<16xi32>
            %add3A_827 = arith.constant 4 : i32
            %add3A_828 = vector.broadcast %add3A_827 : i32 to vector<16xi32>
            %add3A_829 = arith.addi %add3A_693, %add3A_828 : vector<16xi32>
            %add3A_830 = arith.constant 4 : i32
            %add3A_831 = vector.broadcast %add3A_830 : i32 to vector<16xi32>
            %add3A_832 = arith.addi %add3A_696, %add3A_831 : vector<16xi32>
            %add3A_833 = arith.constant 4 : i32
            %add3A_834 = vector.broadcast %add3A_833 : i32 to vector<16xi32>
            %add3A_835 = arith.addi %add3A_699, %add3A_834 : vector<16xi32>
            %add3A_836 = arith.constant 4 : i32
            %add3A_837 = vector.broadcast %add3A_836 : i32 to vector<16xi32>
            %add3A_838 = arith.addi %add3A_702, %add3A_837 : vector<16xi32>
            %gather3A_839 = tpu.vector_load_idx %arg5[%add3A_817] : memref<43536xf32, #tpu.memory_space<vmem>>[vector<16xi32>], vector<16xf32>,
            %mul3A_840 = arith.constant 2 : i32
            %mul3A_841 = arith.muli %mul3A_840, %add3A_107 : i32
            %add3A_842 = arith.constant 0 : i32
            %add3A_843 = arith.addi %mul3A_841, %add3A_842 : i32
            %mul3A_844 = arith.constant 16 : i32
            %mul3A_845 = arith.muli %add3A_843, %mul3A_844 : i32
            %swap3A_846 = arith.constant 5 : i32
            %swap3A_847 = arith.constant 0 : i32
            %swap3A_848 = arith.index_cast %swap3A_846 : i32 to index
            %swap3A_849 = arith.index_cast %add3A_97 : i32 to index
            %swap3A_850 = arith.index_cast %swap3A_847 : i32 to index
            %swap3A_851 = arith.index_cast %mul3A_845 : i32 to index
            %swap3A_852 = tpu.vector_load %arg10[%swap3A_848, %swap3A_849, %swap3A_850, %swap3A_851] {strides = array<i32>} : memref<16x5x4x128xf32, #tpu.memory_space<vmem>>, vector<16xf32>,
            tpu.vector_store %arg10[%swap3A_848, %swap3A_849, %swap3A_850, %swap3A_851], %gather3A_839 {strides = array<i32>} : memref<16x5x4x128xf32, #tpu.memory_space<vmem>>, vector<16xf32>,
            %gather3A_853 = tpu.vector_load_idx %arg5[%add3A_820] : memref<43536xf32, #tpu.memory_space<vmem>>[vector<16xi32>], vector<16xf32>,
            %mul3A_854 = arith.constant 2 : i32
            %mul3A_855 = arith.muli %mul3A_854, %add3A_107 : i32
            %add3A_856 = arith.constant 0 : i32
            %add3A_857 = arith.addi %mul3A_855, %add3A_856 : i32
            %mul3A_858 = arith.constant 16 : i32
            %mul3A_859 = arith.muli %add3A_857, %mul3A_858 : i32
            %swap3A_860 = arith.constant 5 : i32
            %swap3A_861 = arith.constant 1 : i32
            %swap3A_862 = arith.index_cast %swap3A_860 : i32 to index
            %swap3A_863 = arith.index_cast %add3A_97 : i32 to index
            %swap3A_864 = arith.index_cast %swap3A_861 : i32 to index
            %swap3A_865 = arith.index_cast %mul3A_859 : i32 to index
            %swap3A_866 = tpu.vector_load %arg10[%swap3A_862, %swap3A_863, %swap3A_864, %swap3A_865] {strides = array<i32>} : memref<16x5x4x128xf32, #tpu.memory_space<vmem>>, vector<16xf32>,
            tpu.vector_store %arg10[%swap3A_862, %swap3A_863, %swap3A_864, %swap3A_865], %gather3A_853 {strides = array<i32>} : memref<16x5x4x128xf32, #tpu.memory_space<vmem>>, vector<16xf32>,
            %gather3A_867 = tpu.vector_load_idx %arg5[%add3A_823] : memref<43536xf32, #tpu.memory_space<vmem>>[vector<16xi32>], vector<16xf32>,
            %mul3A_868 = arith.constant 2 : i32
            %mul3A_869 = arith.muli %mul3A_868, %add3A_107 : i32
            %add3A_870 = arith.constant 0 : i32
            %add3A_871 = arith.addi %mul3A_869, %add3A_870 : i32
            %mul3A_872 = arith.constant 16 : i32
            %mul3A_873 = arith.muli %add3A_871, %mul3A_872 : i32
            %swap3A_874 = arith.constant 5 : i32
            %swap3A_875 = arith.constant 2 : i32
            %swap3A_876 = arith.index_cast %swap3A_874 : i32 to index
            %swap3A_877 = arith.index_cast %add3A_97 : i32 to index
            %swap3A_878 = arith.index_cast %swap3A_875 : i32 to index
            %swap3A_879 = arith.index_cast %mul3A_873 : i32 to index
            %swap3A_880 = tpu.vector_load %arg10[%swap3A_876, %swap3A_877, %swap3A_878, %swap3A_879] {strides = array<i32>} : memref<16x5x4x128xf32, #tpu.memory_space<vmem>>, vector<16xf32>,
            tpu.vector_store %arg10[%swap3A_876, %swap3A_877, %swap3A_878, %swap3A_879], %gather3A_867 {strides = array<i32>} : memref<16x5x4x128xf32, #tpu.memory_space<vmem>>, vector<16xf32>,
            %gather3A_881 = tpu.vector_load_idx %arg5[%add3A_826] : memref<43536xf32, #tpu.memory_space<vmem>>[vector<16xi32>], vector<16xf32>,
            %mul3A_882 = arith.constant 2 : i32
            %mul3A_883 = arith.muli %mul3A_882, %add3A_107 : i32
            %add3A_884 = arith.constant 0 : i32
            %add3A_885 = arith.addi %mul3A_883, %add3A_884 : i32
            %mul3A_886 = arith.constant 16 : i32
            %mul3A_887 = arith.muli %add3A_885, %mul3A_886 : i32
            %swap3A_888 = arith.constant 5 : i32
            %swap3A_889 = arith.constant 3 : i32
            %swap3A_890 = arith.index_cast %swap3A_888 : i32 to index
            %swap3A_891 = arith.index_cast %add3A_97 : i32 to index
            %swap3A_892 = arith.index_cast %swap3A_889 : i32 to index
            %swap3A_893 = arith.index_cast %mul3A_887 : i32 to index
            %swap3A_894 = tpu.vector_load %arg10[%swap3A_890, %swap3A_891, %swap3A_892, %swap3A_893] {strides = array<i32>} : memref<16x5x4x128xf32, #tpu.memory_space<vmem>>, vector<16xf32>,
            tpu.vector_store %arg10[%swap3A_890, %swap3A_891, %swap3A_892, %swap3A_893], %gather3A_881 {strides = array<i32>} : memref<16x5x4x128xf32, #tpu.memory_space<vmem>>, vector<16xf32>,
            %gather3A_895 = tpu.vector_load_idx %arg5[%add3A_829] : memref<43536xf32, #tpu.memory_space<vmem>>[vector<16xi32>], vector<16xf32>,
            %mul3A_896 = arith.constant 2 : i32
            %mul3A_897 = arith.muli %mul3A_896, %add3A_107 : i32
            %add3A_898 = arith.constant 1 : i32
            %add3A_899 = arith.addi %mul3A_897, %add3A_898 : i32
            %mul3A_900 = arith.constant 16 : i32
            %mul3A_901 = arith.muli %add3A_899, %mul3A_900 : i32
            %swap3A_902 = arith.constant 5 : i32
            %swap3A_903 = arith.constant 0 : i32
            %swap3A_904 = arith.index_cast %swap3A_902 : i32 to index
            %swap3A_905 = arith.index_cast %add3A_97 : i32 to index
            %swap3A_906 = arith.index_cast %swap3A_903 : i32 to index
            %swap3A_907 = arith.index_cast %mul3A_901 : i32 to index
            %swap3A_908 = tpu.vector_load %arg10[%swap3A_904, %swap3A_905, %swap3A_906, %swap3A_907] {strides = array<i32>} : memref<16x5x4x128xf32, #tpu.memory_space<vmem>>, vector<16xf32>,
            tpu.vector_store %arg10[%swap3A_904, %swap3A_905, %swap3A_906, %swap3A_907], %gather3A_895 {strides = array<i32>} : memref<16x5x4x128xf32, #tpu.memory_space<vmem>>, vector<16xf32>,
            %gather3A_909 = tpu.vector_load_idx %arg5[%add3A_832] : memref<43536xf32, #tpu.memory_space<vmem>>[vector<16xi32>], vector<16xf32>,
            %mul3A_910 = arith.constant 2 : i32
            %mul3A_911 = arith.muli %mul3A_910, %add3A_107 : i32
            %add3A_912 = arith.constant 1 : i32
            %add3A_913 = arith.addi %mul3A_911, %add3A_912 : i32
            %mul3A_914 = arith.constant 16 : i32
            %mul3A_915 = arith.muli %add3A_913, %mul3A_914 : i32
            %swap3A_916 = arith.constant 5 : i32
            %swap3A_917 = arith.constant 1 : i32
            %swap3A_918 = arith.index_cast %swap3A_916 : i32 to index
            %swap3A_919 = arith.index_cast %add3A_97 : i32 to index
            %swap3A_920 = arith.index_cast %swap3A_917 : i32 to index
            %swap3A_921 = arith.index_cast %mul3A_915 : i32 to index
            %swap3A_922 = tpu.vector_load %arg10[%swap3A_918, %swap3A_919, %swap3A_920, %swap3A_921] {strides = array<i32>} : memref<16x5x4x128xf32, #tpu.memory_space<vmem>>, vector<16xf32>,
            tpu.vector_store %arg10[%swap3A_918, %swap3A_919, %swap3A_920, %swap3A_921], %gather3A_909 {strides = array<i32>} : memref<16x5x4x128xf32, #tpu.memory_space<vmem>>, vector<16xf32>,
            %gather3A_923 = tpu.vector_load_idx %arg5[%add3A_835] : memref<43536xf32, #tpu.memory_space<vmem>>[vector<16xi32>], vector<16xf32>,
            %mul3A_924 = arith.constant 2 : i32
            %mul3A_925 = arith.muli %mul3A_924, %add3A_107 : i32
            %add3A_926 = arith.constant 1 : i32
            %add3A_927 = arith.addi %mul3A_925, %add3A_926 : i32
            %mul3A_928 = arith.constant 16 : i32
            %mul3A_929 = arith.muli %add3A_927, %mul3A_928 : i32
            %swap3A_930 = arith.constant 5 : i32
            %swap3A_931 = arith.constant 2 : i32
            %swap3A_932 = arith.index_cast %swap3A_930 : i32 to index
            %swap3A_933 = arith.index_cast %add3A_97 : i32 to index
            %swap3A_934 = arith.index_cast %swap3A_931 : i32 to index
            %swap3A_935 = arith.index_cast %mul3A_929 : i32 to index
            %swap3A_936 = tpu.vector_load %arg10[%swap3A_932, %swap3A_933, %swap3A_934, %swap3A_935] {strides = array<i32>} : memref<16x5x4x128xf32, #tpu.memory_space<vmem>>, vector<16xf32>,
            tpu.vector_store %arg10[%swap3A_932, %swap3A_933, %swap3A_934, %swap3A_935], %gather3A_923 {strides = array<i32>} : memref<16x5x4x128xf32, #tpu.memory_space<vmem>>, vector<16xf32>,
            %gather3A_937 = tpu.vector_load_idx %arg5[%add3A_838] : memref<43536xf32, #tpu.memory_space<vmem>>[vector<16xi32>], vector<16xf32>,
            %mul3A_938 = arith.constant 2 : i32
            %mul3A_939 = arith.muli %mul3A_938, %add3A_107 : i32
            %add3A_940 = arith.constant 1 : i32
            %add3A_941 = arith.addi %mul3A_939, %add3A_940 : i32
            %mul3A_942 = arith.constant 16 : i32
            %mul3A_943 = arith.muli %add3A_941, %mul3A_942 : i32
            %swap3A_944 = arith.constant 5 : i32
            %swap3A_945 = arith.constant 3 : i32
            %swap3A_946 = arith.index_cast %swap3A_944 : i32 to index
            %swap3A_947 = arith.index_cast %add3A_97 : i32 to index
            %swap3A_948 = arith.index_cast %swap3A_945 : i32 to index
            %swap3A_949 = arith.index_cast %mul3A_943 : i32 to index
            %swap3A_950 = tpu.vector_load %arg10[%swap3A_946, %swap3A_947, %swap3A_948, %swap3A_949] {strides = array<i32>} : memref<16x5x4x128xf32, #tpu.memory_space<vmem>>, vector<16xf32>,
            tpu.vector_store %arg10[%swap3A_946, %swap3A_947, %swap3A_948, %swap3A_949], %gather3A_937 {strides = array<i32>} : memref<16x5x4x128xf32, #tpu.memory_space<vmem>>, vector<16xf32>,
            %add3A_951 = arith.constant 4 : i32
            %add3A_952 = vector.broadcast %add3A_951 : i32 to vector<16xi32>
            %add3A_953 = arith.addi %add3A_817, %add3A_952 : vector<16xi32>
            %add3A_954 = arith.constant 4 : i32
            %add3A_955 = vector.broadcast %add3A_954 : i32 to vector<16xi32>
            %add3A_956 = arith.addi %add3A_820, %add3A_955 : vector<16xi32>
            %add3A_957 = arith.constant 4 : i32
            %add3A_958 = vector.broadcast %add3A_957 : i32 to vector<16xi32>
            %add3A_959 = arith.addi %add3A_823, %add3A_958 : vector<16xi32>
            %add3A_960 = arith.constant 4 : i32
            %add3A_961 = vector.broadcast %add3A_960 : i32 to vector<16xi32>
            %add3A_962 = arith.addi %add3A_826, %add3A_961 : vector<16xi32>
            %add3A_963 = arith.constant 4 : i32
            %add3A_964 = vector.broadcast %add3A_963 : i32 to vector<16xi32>
            %add3A_965 = arith.addi %add3A_829, %add3A_964 : vector<16xi32>
            %add3A_966 = arith.constant 4 : i32
            %add3A_967 = vector.broadcast %add3A_966 : i32 to vector<16xi32>
            %add3A_968 = arith.addi %add3A_832, %add3A_967 : vector<16xi32>
            %add3A_969 = arith.constant 4 : i32
            %add3A_970 = vector.broadcast %add3A_969 : i32 to vector<16xi32>
            %add3A_971 = arith.addi %add3A_835, %add3A_970 : vector<16xi32>
            %add3A_972 = arith.constant 4 : i32
            %add3A_973 = vector.broadcast %add3A_972 : i32 to vector<16xi32>
            %add3A_974 = arith.addi %add3A_838, %add3A_973 : vector<16xi32>
            %gather3A_975 = tpu.vector_load_idx %arg5[%add3A_953] : memref<43536xf32, #tpu.memory_space<vmem>>[vector<16xi32>], vector<16xf32>,
            %mul3A_976 = arith.constant 2 : i32
            %mul3A_977 = arith.muli %mul3A_976, %add3A_107 : i32
            %add3A_978 = arith.constant 0 : i32
            %add3A_979 = arith.addi %mul3A_977, %add3A_978 : i32
            %mul3A_980 = arith.constant 16 : i32
            %mul3A_981 = arith.muli %add3A_979, %mul3A_980 : i32
            %swap3A_982 = arith.constant 6 : i32
            %swap3A_983 = arith.constant 0 : i32
            %swap3A_984 = arith.index_cast %swap3A_982 : i32 to index
            %swap3A_985 = arith.index_cast %add3A_97 : i32 to index
            %swap3A_986 = arith.index_cast %swap3A_983 : i32 to index
            %swap3A_987 = arith.index_cast %mul3A_981 : i32 to index
            %swap3A_988 = tpu.vector_load %arg10[%swap3A_984, %swap3A_985, %swap3A_986, %swap3A_987] {strides = array<i32>} : memref<16x5x4x128xf32, #tpu.memory_space<vmem>>, vector<16xf32>,
            tpu.vector_store %arg10[%swap3A_984, %swap3A_985, %swap3A_986, %swap3A_987], %gather3A_975 {strides = array<i32>} : memref<16x5x4x128xf32, #tpu.memory_space<vmem>>, vector<16xf32>,
            %gather3A_989 = tpu.vector_load_idx %arg5[%add3A_956] : memref<43536xf32, #tpu.memory_space<vmem>>[vector<16xi32>], vector<16xf32>,
            %mul3A_990 = arith.constant 2 : i32
            %mul3A_991 = arith.muli %mul3A_990, %add3A_107 : i32
            %add3A_992 = arith.constant 0 : i32
            %add3A_993 = arith.addi %mul3A_991, %add3A_992 : i32
            %mul3A_994 = arith.constant 16 : i32
            %mul3A_995 = arith.muli %add3A_993, %mul3A_994 : i32
            %swap3A_996 = arith.constant 6 : i32
            %swap3A_997 = arith.constant 1 : i32
            %swap3A_998 = arith.index_cast %swap3A_996 : i32 to index
            %swap3A_999 = arith.index_cast %add3A_97 : i32 to index
            %swap3A_1000 = arith.index_cast %swap3A_997 : i32 to index
            %swap3A_1001 = arith.index_cast %mul3A_995 : i32 to index
            %swap3A_1002 = tpu.vector_load %arg10[%swap3A_998, %swap3A_999, %swap3A_1000, %swap3A_1001] {strides = array<i32>} : memref<16x5x4x128xf32, #tpu.memory_space<vmem>>, vector<16xf32>,
            tpu.vector_store %arg10[%swap3A_998, %swap3A_999, %swap3A_1000, %swap3A_1001], %gather3A_989 {strides = array<i32>} : memref<16x5x4x128xf32, #tpu.memory_space<vmem>>, vector<16xf32>,
            %gather3A_1003 = tpu.vector_load_idx %arg5[%add3A_959] : memref<43536xf32, #tpu.memory_space<vmem>>[vector<16xi32>], vector<16xf32>,
            %mul3A_1004 = arith.constant 2 : i32
            %mul3A_1005 = arith.muli %mul3A_1004, %add3A_107 : i32
            %add3A_1006 = arith.constant 0 : i32
            %add3A_1007 = arith.addi %mul3A_1005, %add3A_1006 : i32
            %mul3A_1008 = arith.constant 16 : i32
            %mul3A_1009 = arith.muli %add3A_1007, %mul3A_1008 : i32
            %swap3A_1010 = arith.constant 6 : i32
            %swap3A_1011 = arith.constant 2 : i32
            %swap3A_1012 = arith.index_cast %swap3A_1010 : i32 to index
            %swap3A_1013 = arith.index_cast %add3A_97 : i32 to index
            %swap3A_1014 = arith.index_cast %swap3A_1011 : i32 to index
            %swap3A_1015 = arith.index_cast %mul3A_1009 : i32 to index
            %swap3A_1016 = tpu.vector_load %arg10[%swap3A_1012, %swap3A_1013, %swap3A_1014, %swap3A_1015] {strides = array<i32>} : memref<16x5x4x128xf32, #tpu.memory_space<vmem>>, vector<16xf32>,
            tpu.vector_store %arg10[%swap3A_1012, %swap3A_1013, %swap3A_1014, %swap3A_1015], %gather3A_1003 {strides = array<i32>} : memref<16x5x4x128xf32, #tpu.memory_space<vmem>>, vector<16xf32>,
            %gather3A_1017 = tpu.vector_load_idx %arg5[%add3A_962] : memref<43536xf32, #tpu.memory_space<vmem>>[vector<16xi32>], vector<16xf32>,
            %mul3A_1018 = arith.constant 2 : i32
            %mul3A_1019 = arith.muli %mul3A_1018, %add3A_107 : i32
            %add3A_1020 = arith.constant 0 : i32
            %add3A_1021 = arith.addi %mul3A_1019, %add3A_1020 : i32
            %mul3A_1022 = arith.constant 16 : i32
            %mul3A_1023 = arith.muli %add3A_1021, %mul3A_1022 : i32
            %swap3A_1024 = arith.constant 6 : i32
            %swap3A_1025 = arith.constant 3 : i32
            %swap3A_1026 = arith.index_cast %swap3A_1024 : i32 to index
            %swap3A_1027 = arith.index_cast %add3A_97 : i32 to index
            %swap3A_1028 = arith.index_cast %swap3A_1025 : i32 to index
            %swap3A_1029 = arith.index_cast %mul3A_1023 : i32 to index
            %swap3A_1030 = tpu.vector_load %arg10[%swap3A_1026, %swap3A_1027, %swap3A_1028, %swap3A_1029] {strides = array<i32>} : memref<16x5x4x128xf32, #tpu.memory_space<vmem>>, vector<16xf32>,
            tpu.vector_store %arg10[%swap3A_1026, %swap3A_1027, %swap3A_1028, %swap3A_1029], %gather3A_1017 {strides = array<i32>} : memref<16x5x4x128xf32, #tpu.memory_space<vmem>>, vector<16xf32>,
            %gather3A_1031 = tpu.vector_load_idx %arg5[%add3A_965] : memref<43536xf32, #tpu.memory_space<vmem>>[vector<16xi32>], vector<16xf32>,
            %mul3A_1032 = arith.constant 2 : i32
            %mul3A_1033 = arith.muli %mul3A_1032, %add3A_107 : i32
            %add3A_1034 = arith.constant 1 : i32
            %add3A_1035 = arith.addi %mul3A_1033, %add3A_1034 : i32
            %mul3A_1036 = arith.constant 16 : i32
            %mul3A_1037 = arith.muli %add3A_1035, %mul3A_1036 : i32
            %swap3A_1038 = arith.constant 6 : i32
            %swap3A_1039 = arith.constant 0 : i32
            %swap3A_1040 = arith.index_cast %swap3A_1038 : i32 to index
            %swap3A_1041 = arith.index_cast %add3A_97 : i32 to index
            %swap3A_1042 = arith.index_cast %swap3A_1039 : i32 to index
            %swap3A_1043 = arith.index_cast %mul3A_1037 : i32 to index
            %swap3A_1044 = tpu.vector_load %arg10[%swap3A_1040, %swap3A_1041, %swap3A_1042, %swap3A_1043] {strides = array<i32>} : memref<16x5x4x128xf32, #tpu.memory_space<vmem>>, vector<16xf32>,
            tpu.vector_store %arg10[%swap3A_1040, %swap3A_1041, %swap3A_1042, %swap3A_1043], %gather3A_1031 {strides = array<i32>} : memref<16x5x4x128xf32, #tpu.memory_space<vmem>>, vector<16xf32>,
            %gather3A_1045 = tpu.vector_load_idx %arg5[%add3A_968] : memref<43536xf32, #tpu.memory_space<vmem>>[vector<16xi32>], vector<16xf32>,
            %mul3A_1046 = arith.constant 2 : i32
            %mul3A_1047 = arith.muli %mul3A_1046, %add3A_107 : i32
            %add3A_1048 = arith.constant 1 : i32
            %add3A_1049 = arith.addi %mul3A_1047, %add3A_1048 : i32
            %mul3A_1050 = arith.constant 16 : i32
            %mul3A_1051 = arith.muli %add3A_1049, %mul3A_1050 : i32
            %swap3A_1052 = arith.constant 6 : i32
            %swap3A_1053 = arith.constant 1 : i32
            %swap3A_1054 = arith.index_cast %swap3A_1052 : i32 to index
            %swap3A_1055 = arith.index_cast %add3A_97 : i32 to index
            %swap3A_1056 = arith.index_cast %swap3A_1053 : i32 to index
            %swap3A_1057 = arith.index_cast %mul3A_1051 : i32 to index
            %swap3A_1058 = tpu.vector_load %arg10[%swap3A_1054, %swap3A_1055, %swap3A_1056, %swap3A_1057] {strides = array<i32>} : memref<16x5x4x128xf32, #tpu.memory_space<vmem>>, vector<16xf32>,
            tpu.vector_store %arg10[%swap3A_1054, %swap3A_1055, %swap3A_1056, %swap3A_1057], %gather3A_1045 {strides = array<i32>} : memref<16x5x4x128xf32, #tpu.memory_space<vmem>>, vector<16xf32>,
            %gather3A_1059 = tpu.vector_load_idx %arg5[%add3A_971] : memref<43536xf32, #tpu.memory_space<vmem>>[vector<16xi32>], vector<16xf32>,
            %mul3A_1060 = arith.constant 2 : i32
            %mul3A_1061 = arith.muli %mul3A_1060, %add3A_107 : i32
            %add3A_1062 = arith.constant 1 : i32
            %add3A_1063 = arith.addi %mul3A_1061, %add3A_1062 : i32
            %mul3A_1064 = arith.constant 16 : i32
            %mul3A_1065 = arith.muli %add3A_1063, %mul3A_1064 : i32
            %swap3A_1066 = arith.constant 6 : i32
            %swap3A_1067 = arith.constant 2 : i32
            %swap3A_1068 = arith.index_cast %swap3A_1066 : i32 to index
            %swap3A_1069 = arith.index_cast %add3A_97 : i32 to index
            %swap3A_1070 = arith.index_cast %swap3A_1067 : i32 to index
            %swap3A_1071 = arith.index_cast %mul3A_1065 : i32 to index
            %swap3A_1072 = tpu.vector_load %arg10[%swap3A_1068, %swap3A_1069, %swap3A_1070, %swap3A_1071] {strides = array<i32>} : memref<16x5x4x128xf32, #tpu.memory_space<vmem>>, vector<16xf32>,
            tpu.vector_store %arg10[%swap3A_1068, %swap3A_1069, %swap3A_1070, %swap3A_1071], %gather3A_1059 {strides = array<i32>} : memref<16x5x4x128xf32, #tpu.memory_space<vmem>>, vector<16xf32>,
            %gather3A_1073 = tpu.vector_load_idx %arg5[%add3A_974] : memref<43536xf32, #tpu.memory_space<vmem>>[vector<16xi32>], vector<16xf32>,
            %mul3A_1074 = arith.constant 2 : i32
            %mul3A_1075 = arith.muli %mul3A_1074, %add3A_107 : i32
            %add3A_1076 = arith.constant 1 : i32
            %add3A_1077 = arith.addi %mul3A_1075, %add3A_1076 : i32
            %mul3A_1078 = arith.constant 16 : i32
            %mul3A_1079 = arith.muli %add3A_1077, %mul3A_1078 : i32
            %swap3A_1080 = arith.constant 6 : i32
            %swap3A_1081 = arith.constant 3 : i32
            %swap3A_1082 = arith.index_cast %swap3A_1080 : i32 to index
            %swap3A_1083 = arith.index_cast %add3A_97 : i32 to index
            %swap3A_1084 = arith.index_cast %swap3A_1081 : i32 to index
            %swap3A_1085 = arith.index_cast %mul3A_1079 : i32 to index
            %swap3A_1086 = tpu.vector_load %arg10[%swap3A_1082, %swap3A_1083, %swap3A_1084, %swap3A_1085] {strides = array<i32>} : memref<16x5x4x128xf32, #tpu.memory_space<vmem>>, vector<16xf32>,
            tpu.vector_store %arg10[%swap3A_1082, %swap3A_1083, %swap3A_1084, %swap3A_1085], %gather3A_1073 {strides = array<i32>} : memref<16x5x4x128xf32, #tpu.memory_space<vmem>>, vector<16xf32>,
            %add3A_1087 = arith.constant 4 : i32
            %add3A_1088 = vector.broadcast %add3A_1087 : i32 to vector<16xi32>
            %add3A_1089 = arith.addi %add3A_953, %add3A_1088 : vector<16xi32>
            %add3A_1090 = arith.constant 4 : i32
            %add3A_1091 = vector.broadcast %add3A_1090 : i32 to vector<16xi32>
            %add3A_1092 = arith.addi %add3A_956, %add3A_1091 : vector<16xi32>
            %add3A_1093 = arith.constant 4 : i32
            %add3A_1094 = vector.broadcast %add3A_1093 : i32 to vector<16xi32>
            %add3A_1095 = arith.addi %add3A_959, %add3A_1094 : vector<16xi32>
            %add3A_1096 = arith.constant 4 : i32
            %add3A_1097 = vector.broadcast %add3A_1096 : i32 to vector<16xi32>
            %add3A_1098 = arith.addi %add3A_962, %add3A_1097 : vector<16xi32>
            %add3A_1099 = arith.constant 4 : i32
            %add3A_1100 = vector.broadcast %add3A_1099 : i32 to vector<16xi32>
            %add3A_1101 = arith.addi %add3A_965, %add3A_1100 : vector<16xi32>
            %add3A_1102 = arith.constant 4 : i32
            %add3A_1103 = vector.broadcast %add3A_1102 : i32 to vector<16xi32>
            %add3A_1104 = arith.addi %add3A_968, %add3A_1103 : vector<16xi32>
            %add3A_1105 = arith.constant 4 : i32
            %add3A_1106 = vector.broadcast %add3A_1105 : i32 to vector<16xi32>
            %add3A_1107 = arith.addi %add3A_971, %add3A_1106 : vector<16xi32>
            %add3A_1108 = arith.constant 4 : i32
            %add3A_1109 = vector.broadcast %add3A_1108 : i32 to vector<16xi32>
            %add3A_1110 = arith.addi %add3A_974, %add3A_1109 : vector<16xi32>
            %gather3A_1111 = tpu.vector_load_idx %arg5[%add3A_1089] : memref<43536xf32, #tpu.memory_space<vmem>>[vector<16xi32>], vector<16xf32>,
            %mul3A_1112 = arith.constant 2 : i32
            %mul3A_1113 = arith.muli %mul3A_1112, %add3A_107 : i32
            %add3A_1114 = arith.constant 0 : i32
            %add3A_1115 = arith.addi %mul3A_1113, %add3A_1114 : i32
            %mul3A_1116 = arith.constant 16 : i32
            %mul3A_1117 = arith.muli %add3A_1115, %mul3A_1116 : i32
            %swap3A_1118 = arith.constant 7 : i32
            %swap3A_1119 = arith.constant 0 : i32
            %swap3A_1120 = arith.index_cast %swap3A_1118 : i32 to index
            %swap3A_1121 = arith.index_cast %add3A_97 : i32 to index
            %swap3A_1122 = arith.index_cast %swap3A_1119 : i32 to index
            %swap3A_1123 = arith.index_cast %mul3A_1117 : i32 to index
            %swap3A_1124 = tpu.vector_load %arg10[%swap3A_1120, %swap3A_1121, %swap3A_1122, %swap3A_1123] {strides = array<i32>} : memref<16x5x4x128xf32, #tpu.memory_space<vmem>>, vector<16xf32>,
            tpu.vector_store %arg10[%swap3A_1120, %swap3A_1121, %swap3A_1122, %swap3A_1123], %gather3A_1111 {strides = array<i32>} : memref<16x5x4x128xf32, #tpu.memory_space<vmem>>, vector<16xf32>,
            %gather3A_1125 = tpu.vector_load_idx %arg5[%add3A_1092] : memref<43536xf32, #tpu.memory_space<vmem>>[vector<16xi32>], vector<16xf32>,
            %mul3A_1126 = arith.constant 2 : i32
            %mul3A_1127 = arith.muli %mul3A_1126, %add3A_107 : i32
            %add3A_1128 = arith.constant 0 : i32
            %add3A_1129 = arith.addi %mul3A_1127, %add3A_1128 : i32
            %mul3A_1130 = arith.constant 16 : i32
            %mul3A_1131 = arith.muli %add3A_1129, %mul3A_1130 : i32
            %swap3A_1132 = arith.constant 7 : i32
            %swap3A_1133 = arith.constant 1 : i32
            %swap3A_1134 = arith.index_cast %swap3A_1132 : i32 to index
            %swap3A_1135 = arith.index_cast %add3A_97 : i32 to index
            %swap3A_1136 = arith.index_cast %swap3A_1133 : i32 to index
            %swap3A_1137 = arith.index_cast %mul3A_1131 : i32 to index
            %swap3A_1138 = tpu.vector_load %arg10[%swap3A_1134, %swap3A_1135, %swap3A_1136, %swap3A_1137] {strides = array<i32>} : memref<16x5x4x128xf32, #tpu.memory_space<vmem>>, vector<16xf32>,
            tpu.vector_store %arg10[%swap3A_1134, %swap3A_1135, %swap3A_1136, %swap3A_1137], %gather3A_1125 {strides = array<i32>} : memref<16x5x4x128xf32, #tpu.memory_space<vmem>>, vector<16xf32>,
            %gather3A_1139 = tpu.vector_load_idx %arg5[%add3A_1095] : memref<43536xf32, #tpu.memory_space<vmem>>[vector<16xi32>], vector<16xf32>,
            %mul3A_1140 = arith.constant 2 : i32
            %mul3A_1141 = arith.muli %mul3A_1140, %add3A_107 : i32
            %add3A_1142 = arith.constant 0 : i32
            %add3A_1143 = arith.addi %mul3A_1141, %add3A_1142 : i32
            %mul3A_1144 = arith.constant 16 : i32
            %mul3A_1145 = arith.muli %add3A_1143, %mul3A_1144 : i32
            %swap3A_1146 = arith.constant 7 : i32
            %swap3A_1147 = arith.constant 2 : i32
            %swap3A_1148 = arith.index_cast %swap3A_1146 : i32 to index
            %swap3A_1149 = arith.index_cast %add3A_97 : i32 to index
            %swap3A_1150 = arith.index_cast %swap3A_1147 : i32 to index
            %swap3A_1151 = arith.index_cast %mul3A_1145 : i32 to index
            %swap3A_1152 = tpu.vector_load %arg10[%swap3A_1148, %swap3A_1149, %swap3A_1150, %swap3A_1151] {strides = array<i32>} : memref<16x5x4x128xf32, #tpu.memory_space<vmem>>, vector<16xf32>,
            tpu.vector_store %arg10[%swap3A_1148, %swap3A_1149, %swap3A_1150, %swap3A_1151], %gather3A_1139 {strides = array<i32>} : memref<16x5x4x128xf32, #tpu.memory_space<vmem>>, vector<16xf32>,
            %gather3A_1153 = tpu.vector_load_idx %arg5[%add3A_1098] : memref<43536xf32, #tpu.memory_space<vmem>>[vector<16xi32>], vector<16xf32>,
            %mul3A_1154 = arith.constant 2 : i32
            %mul3A_1155 = arith.muli %mul3A_1154, %add3A_107 : i32
            %add3A_1156 = arith.constant 0 : i32
            %add3A_1157 = arith.addi %mul3A_1155, %add3A_1156 : i32
            %mul3A_1158 = arith.constant 16 : i32
            %mul3A_1159 = arith.muli %add3A_1157, %mul3A_1158 : i32
            %swap3A_1160 = arith.constant 7 : i32
            %swap3A_1161 = arith.constant 3 : i32
            %swap3A_1162 = arith.index_cast %swap3A_1160 : i32 to index
            %swap3A_1163 = arith.index_cast %add3A_97 : i32 to index
            %swap3A_1164 = arith.index_cast %swap3A_1161 : i32 to index
            %swap3A_1165 = arith.index_cast %mul3A_1159 : i32 to index
            %swap3A_1166 = tpu.vector_load %arg10[%swap3A_1162, %swap3A_1163, %swap3A_1164, %swap3A_1165] {strides = array<i32>} : memref<16x5x4x128xf32, #tpu.memory_space<vmem>>, vector<16xf32>,
            tpu.vector_store %arg10[%swap3A_1162, %swap3A_1163, %swap3A_1164, %swap3A_1165], %gather3A_1153 {strides = array<i32>} : memref<16x5x4x128xf32, #tpu.memory_space<vmem>>, vector<16xf32>,
            %gather3A_1167 = tpu.vector_load_idx %arg5[%add3A_1101] : memref<43536xf32, #tpu.memory_space<vmem>>[vector<16xi32>], vector<16xf32>,
            %mul3A_1168 = arith.constant 2 : i32
            %mul3A_1169 = arith.muli %mul3A_1168, %add3A_107 : i32
            %add3A_1170 = arith.constant 1 : i32
            %add3A_1171 = arith.addi %mul3A_1169, %add3A_1170 : i32
            %mul3A_1172 = arith.constant 16 : i32
            %mul3A_1173 = arith.muli %add3A_1171, %mul3A_1172 : i32
            %swap3A_1174 = arith.constant 7 : i32
            %swap3A_1175 = arith.constant 0 : i32
            %swap3A_1176 = arith.index_cast %swap3A_1174 : i32 to index
            %swap3A_1177 = arith.index_cast %add3A_97 : i32 to index
            %swap3A_1178 = arith.index_cast %swap3A_1175 : i32 to index
            %swap3A_1179 = arith.index_cast %mul3A_1173 : i32 to index
            %swap3A_1180 = tpu.vector_load %arg10[%swap3A_1176, %swap3A_1177, %swap3A_1178, %swap3A_1179] {strides = array<i32>} : memref<16x5x4x128xf32, #tpu.memory_space<vmem>>, vector<16xf32>,
            tpu.vector_store %arg10[%swap3A_1176, %swap3A_1177, %swap3A_1178, %swap3A_1179], %gather3A_1167 {strides = array<i32>} : memref<16x5x4x128xf32, #tpu.memory_space<vmem>>, vector<16xf32>,
            %gather3A_1181 = tpu.vector_load_idx %arg5[%add3A_1104] : memref<43536xf32, #tpu.memory_space<vmem>>[vector<16xi32>], vector<16xf32>,
            %mul3A_1182 = arith.constant 2 : i32
            %mul3A_1183 = arith.muli %mul3A_1182, %add3A_107 : i32
            %add3A_1184 = arith.constant 1 : i32
            %add3A_1185 = arith.addi %mul3A_1183, %add3A_1184 : i32
            %mul3A_1186 = arith.constant 16 : i32
            %mul3A_1187 = arith.muli %add3A_1185, %mul3A_1186 : i32
            %swap3A_1188 = arith.constant 7 : i32
            %swap3A_1189 = arith.constant 1 : i32
            %swap3A_1190 = arith.index_cast %swap3A_1188 : i32 to index
            %swap3A_1191 = arith.index_cast %add3A_97 : i32 to index
            %swap3A_1192 = arith.index_cast %swap3A_1189 : i32 to index
            %swap3A_1193 = arith.index_cast %mul3A_1187 : i32 to index
            %swap3A_1194 = tpu.vector_load %arg10[%swap3A_1190, %swap3A_1191, %swap3A_1192, %swap3A_1193] {strides = array<i32>} : memref<16x5x4x128xf32, #tpu.memory_space<vmem>>, vector<16xf32>,
            tpu.vector_store %arg10[%swap3A_1190, %swap3A_1191, %swap3A_1192, %swap3A_1193], %gather3A_1181 {strides = array<i32>} : memref<16x5x4x128xf32, #tpu.memory_space<vmem>>, vector<16xf32>,
            %gather3A_1195 = tpu.vector_load_idx %arg5[%add3A_1107] : memref<43536xf32, #tpu.memory_space<vmem>>[vector<16xi32>], vector<16xf32>,
            %mul3A_1196 = arith.constant 2 : i32
            %mul3A_1197 = arith.muli %mul3A_1196, %add3A_107 : i32
            %add3A_1198 = arith.constant 1 : i32
            %add3A_1199 = arith.addi %mul3A_1197, %add3A_1198 : i32
            %mul3A_1200 = arith.constant 16 : i32
            %mul3A_1201 = arith.muli %add3A_1199, %mul3A_1200 : i32
            %swap3A_1202 = arith.constant 7 : i32
            %swap3A_1203 = arith.constant 2 : i32
            %swap3A_1204 = arith.index_cast %swap3A_1202 : i32 to index
            %swap3A_1205 = arith.index_cast %add3A_97 : i32 to index
            %swap3A_1206 = arith.index_cast %swap3A_1203 : i32 to index
            %swap3A_1207 = arith.index_cast %mul3A_1201 : i32 to index
            %swap3A_1208 = tpu.vector_load %arg10[%swap3A_1204, %swap3A_1205, %swap3A_1206, %swap3A_1207] {strides = array<i32>} : memref<16x5x4x128xf32, #tpu.memory_space<vmem>>, vector<16xf32>,
            tpu.vector_store %arg10[%swap3A_1204, %swap3A_1205, %swap3A_1206, %swap3A_1207], %gather3A_1195 {strides = array<i32>} : memref<16x5x4x128xf32, #tpu.memory_space<vmem>>, vector<16xf32>,
            %gather3A_1209 = tpu.vector_load_idx %arg5[%add3A_1110] : memref<43536xf32, #tpu.memory_space<vmem>>[vector<16xi32>], vector<16xf32>,
            %mul3A_1210 = arith.constant 2 : i32
            %mul3A_1211 = arith.muli %mul3A_1210, %add3A_107 : i32
            %add3A_1212 = arith.constant 1 : i32
            %add3A_1213 = arith.addi %mul3A_1211, %add3A_1212 : i32
            %mul3A_1214 = arith.constant 16 : i32
            %mul3A_1215 = arith.muli %add3A_1213, %mul3A_1214 : i32
            %swap3A_1216 = arith.constant 7 : i32
            %swap3A_1217 = arith.constant 3 : i32
            %swap3A_1218 = arith.index_cast %swap3A_1216 : i32 to index
            %swap3A_1219 = arith.index_cast %add3A_97 : i32 to index
            %swap3A_1220 = arith.index_cast %swap3A_1217 : i32 to index
            %swap3A_1221 = arith.index_cast %mul3A_1215 : i32 to index
            %swap3A_1222 = tpu.vector_load %arg10[%swap3A_1218, %swap3A_1219, %swap3A_1220, %swap3A_1221] {strides = array<i32>} : memref<16x5x4x128xf32, #tpu.memory_space<vmem>>, vector<16xf32>,
            tpu.vector_store %arg10[%swap3A_1218, %swap3A_1219, %swap3A_1220, %swap3A_1221], %gather3A_1209 {strides = array<i32>} : memref<16x5x4x128xf32, #tpu.memory_space<vmem>>, vector<16xf32>,
            %add3A_1223 = arith.constant 4 : i32
            %add3A_1224 = vector.broadcast %add3A_1223 : i32 to vector<16xi32>
            %add3A_1225 = arith.addi %add3A_1089, %add3A_1224 : vector<16xi32>
            %add3A_1226 = arith.constant 4 : i32
            %add3A_1227 = vector.broadcast %add3A_1226 : i32 to vector<16xi32>
            %add3A_1228 = arith.addi %add3A_1092, %add3A_1227 : vector<16xi32>
            %add3A_1229 = arith.constant 4 : i32
            %add3A_1230 = vector.broadcast %add3A_1229 : i32 to vector<16xi32>
            %add3A_1231 = arith.addi %add3A_1095, %add3A_1230 : vector<16xi32>
            %add3A_1232 = arith.constant 4 : i32
            %add3A_1233 = vector.broadcast %add3A_1232 : i32 to vector<16xi32>
            %add3A_1234 = arith.addi %add3A_1098, %add3A_1233 : vector<16xi32>
            %add3A_1235 = arith.constant 4 : i32
            %add3A_1236 = vector.broadcast %add3A_1235 : i32 to vector<16xi32>
            %add3A_1237 = arith.addi %add3A_1101, %add3A_1236 : vector<16xi32>
            %add3A_1238 = arith.constant 4 : i32
            %add3A_1239 = vector.broadcast %add3A_1238 : i32 to vector<16xi32>
            %add3A_1240 = arith.addi %add3A_1104, %add3A_1239 : vector<16xi32>
            %add3A_1241 = arith.constant 4 : i32
            %add3A_1242 = vector.broadcast %add3A_1241 : i32 to vector<16xi32>
            %add3A_1243 = arith.addi %add3A_1107, %add3A_1242 : vector<16xi32>
            %add3A_1244 = arith.constant 4 : i32
            %add3A_1245 = vector.broadcast %add3A_1244 : i32 to vector<16xi32>
            %add3A_1246 = arith.addi %add3A_1110, %add3A_1245 : vector<16xi32>
            %gather3A_1247 = tpu.vector_load_idx %arg5[%add3A_1225] : memref<43536xf32, #tpu.memory_space<vmem>>[vector<16xi32>], vector<16xf32>,
            %mul3A_1248 = arith.constant 2 : i32
            %mul3A_1249 = arith.muli %mul3A_1248, %add3A_107 : i32
            %add3A_1250 = arith.constant 0 : i32
            %add3A_1251 = arith.addi %mul3A_1249, %add3A_1250 : i32
            %mul3A_1252 = arith.constant 16 : i32
            %mul3A_1253 = arith.muli %add3A_1251, %mul3A_1252 : i32
            %swap3A_1254 = arith.constant 8 : i32
            %swap3A_1255 = arith.constant 0 : i32
            %swap3A_1256 = arith.index_cast %swap3A_1254 : i32 to index
            %swap3A_1257 = arith.index_cast %add3A_97 : i32 to index
            %swap3A_1258 = arith.index_cast %swap3A_1255 : i32 to index
            %swap3A_1259 = arith.index_cast %mul3A_1253 : i32 to index
            %swap3A_1260 = tpu.vector_load %arg10[%swap3A_1256, %swap3A_1257, %swap3A_1258, %swap3A_1259] {strides = array<i32>} : memref<16x5x4x128xf32, #tpu.memory_space<vmem>>, vector<16xf32>,
            tpu.vector_store %arg10[%swap3A_1256, %swap3A_1257, %swap3A_1258, %swap3A_1259], %gather3A_1247 {strides = array<i32>} : memref<16x5x4x128xf32, #tpu.memory_space<vmem>>, vector<16xf32>,
            %gather3A_1261 = tpu.vector_load_idx %arg5[%add3A_1228] : memref<43536xf32, #tpu.memory_space<vmem>>[vector<16xi32>], vector<16xf32>,
            %mul3A_1262 = arith.constant 2 : i32
            %mul3A_1263 = arith.muli %mul3A_1262, %add3A_107 : i32
            %add3A_1264 = arith.constant 0 : i32
            %add3A_1265 = arith.addi %mul3A_1263, %add3A_1264 : i32
            %mul3A_1266 = arith.constant 16 : i32
            %mul3A_1267 = arith.muli %add3A_1265, %mul3A_1266 : i32
            %swap3A_1268 = arith.constant 8 : i32
            %swap3A_1269 = arith.constant 1 : i32
            %swap3A_1270 = arith.index_cast %swap3A_1268 : i32 to index
            %swap3A_1271 = arith.index_cast %add3A_97 : i32 to index
            %swap3A_1272 = arith.index_cast %swap3A_1269 : i32 to index
            %swap3A_1273 = arith.index_cast %mul3A_1267 : i32 to index
            %swap3A_1274 = tpu.vector_load %arg10[%swap3A_1270, %swap3A_1271, %swap3A_1272, %swap3A_1273] {strides = array<i32>} : memref<16x5x4x128xf32, #tpu.memory_space<vmem>>, vector<16xf32>,
            tpu.vector_store %arg10[%swap3A_1270, %swap3A_1271, %swap3A_1272, %swap3A_1273], %gather3A_1261 {strides = array<i32>} : memref<16x5x4x128xf32, #tpu.memory_space<vmem>>, vector<16xf32>,
            %gather3A_1275 = tpu.vector_load_idx %arg5[%add3A_1231] : memref<43536xf32, #tpu.memory_space<vmem>>[vector<16xi32>], vector<16xf32>,
            %mul3A_1276 = arith.constant 2 : i32
            %mul3A_1277 = arith.muli %mul3A_1276, %add3A_107 : i32
            %add3A_1278 = arith.constant 0 : i32
            %add3A_1279 = arith.addi %mul3A_1277, %add3A_1278 : i32
            %mul3A_1280 = arith.constant 16 : i32
            %mul3A_1281 = arith.muli %add3A_1279, %mul3A_1280 : i32
            %swap3A_1282 = arith.constant 8 : i32
            %swap3A_1283 = arith.constant 2 : i32
            %swap3A_1284 = arith.index_cast %swap3A_1282 : i32 to index
            %swap3A_1285 = arith.index_cast %add3A_97 : i32 to index
            %swap3A_1286 = arith.index_cast %swap3A_1283 : i32 to index
            %swap3A_1287 = arith.index_cast %mul3A_1281 : i32 to index
            %swap3A_1288 = tpu.vector_load %arg10[%swap3A_1284, %swap3A_1285, %swap3A_1286, %swap3A_1287] {strides = array<i32>} : memref<16x5x4x128xf32, #tpu.memory_space<vmem>>, vector<16xf32>,
            tpu.vector_store %arg10[%swap3A_1284, %swap3A_1285, %swap3A_1286, %swap3A_1287], %gather3A_1275 {strides = array<i32>} : memref<16x5x4x128xf32, #tpu.memory_space<vmem>>, vector<16xf32>,
            %gather3A_1289 = tpu.vector_load_idx %arg5[%add3A_1234] : memref<43536xf32, #tpu.memory_space<vmem>>[vector<16xi32>], vector<16xf32>,
            %mul3A_1290 = arith.constant 2 : i32
            %mul3A_1291 = arith.muli %mul3A_1290, %add3A_107 : i32
            %add3A_1292 = arith.constant 0 : i32
            %add3A_1293 = arith.addi %mul3A_1291, %add3A_1292 : i32
            %mul3A_1294 = arith.constant 16 : i32
            %mul3A_1295 = arith.muli %add3A_1293, %mul3A_1294 : i32
            %swap3A_1296 = arith.constant 8 : i32
            %swap3A_1297 = arith.constant 3 : i32
            %swap3A_1298 = arith.index_cast %swap3A_1296 : i32 to index
            %swap3A_1299 = arith.index_cast %add3A_97 : i32 to index
            %swap3A_1300 = arith.index_cast %swap3A_1297 : i32 to index
            %swap3A_1301 = arith.index_cast %mul3A_1295 : i32 to index
            %swap3A_1302 = tpu.vector_load %arg10[%swap3A_1298, %swap3A_1299, %swap3A_1300, %swap3A_1301] {strides = array<i32>} : memref<16x5x4x128xf32, #tpu.memory_space<vmem>>, vector<16xf32>,
            tpu.vector_store %arg10[%swap3A_1298, %swap3A_1299, %swap3A_1300, %swap3A_1301], %gather3A_1289 {strides = array<i32>} : memref<16x5x4x128xf32, #tpu.memory_space<vmem>>, vector<16xf32>,
            %gather3A_1303 = tpu.vector_load_idx %arg5[%add3A_1237] : memref<43536xf32, #tpu.memory_space<vmem>>[vector<16xi32>], vector<16xf32>,
            %mul3A_1304 = arith.constant 2 : i32
            %mul3A_1305 = arith.muli %mul3A_1304, %add3A_107 : i32
            %add3A_1306 = arith.constant 1 : i32
            %add3A_1307 = arith.addi %mul3A_1305, %add3A_1306 : i32
            %mul3A_1308 = arith.constant 16 : i32
            %mul3A_1309 = arith.muli %add3A_1307, %mul3A_1308 : i32
            %swap3A_1310 = arith.constant 8 : i32
            %swap3A_1311 = arith.constant 0 : i32
            %swap3A_1312 = arith.index_cast %swap3A_1310 : i32 to index
            %swap3A_1313 = arith.index_cast %add3A_97 : i32 to index
            %swap3A_1314 = arith.index_cast %swap3A_1311 : i32 to index
            %swap3A_1315 = arith.index_cast %mul3A_1309 : i32 to index
            %swap3A_1316 = tpu.vector_load %arg10[%swap3A_1312, %swap3A_1313, %swap3A_1314, %swap3A_1315] {strides = array<i32>} : memref<16x5x4x128xf32, #tpu.memory_space<vmem>>, vector<16xf32>,
            tpu.vector_store %arg10[%swap3A_1312, %swap3A_1313, %swap3A_1314, %swap3A_1315], %gather3A_1303 {strides = array<i32>} : memref<16x5x4x128xf32, #tpu.memory_space<vmem>>, vector<16xf32>,
            %gather3A_1317 = tpu.vector_load_idx %arg5[%add3A_1240] : memref<43536xf32, #tpu.memory_space<vmem>>[vector<16xi32>], vector<16xf32>,
            %mul3A_1318 = arith.constant 2 : i32
            %mul3A_1319 = arith.muli %mul3A_1318, %add3A_107 : i32
            %add3A_1320 = arith.constant 1 : i32
            %add3A_1321 = arith.addi %mul3A_1319, %add3A_1320 : i32
            %mul3A_1322 = arith.constant 16 : i32
            %mul3A_1323 = arith.muli %add3A_1321, %mul3A_1322 : i32
            %swap3A_1324 = arith.constant 8 : i32
            %swap3A_1325 = arith.constant 1 : i32
            %swap3A_1326 = arith.index_cast %swap3A_1324 : i32 to index
            %swap3A_1327 = arith.index_cast %add3A_97 : i32 to index
            %swap3A_1328 = arith.index_cast %swap3A_1325 : i32 to index
            %swap3A_1329 = arith.index_cast %mul3A_1323 : i32 to index
            %swap3A_1330 = tpu.vector_load %arg10[%swap3A_1326, %swap3A_1327, %swap3A_1328, %swap3A_1329] {strides = array<i32>} : memref<16x5x4x128xf32, #tpu.memory_space<vmem>>, vector<16xf32>,
            tpu.vector_store %arg10[%swap3A_1326, %swap3A_1327, %swap3A_1328, %swap3A_1329], %gather3A_1317 {strides = array<i32>} : memref<16x5x4x128xf32, #tpu.memory_space<vmem>>, vector<16xf32>,
            %gather3A_1331 = tpu.vector_load_idx %arg5[%add3A_1243] : memref<43536xf32, #tpu.memory_space<vmem>>[vector<16xi32>], vector<16xf32>,
            %mul3A_1332 = arith.constant 2 : i32
            %mul3A_1333 = arith.muli %mul3A_1332, %add3A_107 : i32
            %add3A_1334 = arith.constant 1 : i32
            %add3A_1335 = arith.addi %mul3A_1333, %add3A_1334 : i32
            %mul3A_1336 = arith.constant 16 : i32
            %mul3A_1337 = arith.muli %add3A_1335, %mul3A_1336 : i32
            %swap3A_1338 = arith.constant 8 : i32
            %swap3A_1339 = arith.constant 2 : i32
            %swap3A_1340 = arith.index_cast %swap3A_1338 : i32 to index
            %swap3A_1341 = arith.index_cast %add3A_97 : i32 to index
            %swap3A_1342 = arith.index_cast %swap3A_1339 : i32 to index
            %swap3A_1343 = arith.index_cast %mul3A_1337 : i32 to index
            %swap3A_1344 = tpu.vector_load %arg10[%swap3A_1340, %swap3A_1341, %swap3A_1342, %swap3A_1343] {strides = array<i32>} : memref<16x5x4x128xf32, #tpu.memory_space<vmem>>, vector<16xf32>,
            tpu.vector_store %arg10[%swap3A_1340, %swap3A_1341, %swap3A_1342, %swap3A_1343], %gather3A_1331 {strides = array<i32>} : memref<16x5x4x128xf32, #tpu.memory_space<vmem>>, vector<16xf32>,
            %gather3A_1345 = tpu.vector_load_idx %arg5[%add3A_1246] : memref<43536xf32, #tpu.memory_space<vmem>>[vector<16xi32>], vector<16xf32>,
            %mul3A_1346 = arith.constant 2 : i32
            %mul3A_1347 = arith.muli %mul3A_1346, %add3A_107 : i32
            %add3A_1348 = arith.constant 1 : i32
            %add3A_1349 = arith.addi %mul3A_1347, %add3A_1348 : i32
            %mul3A_1350 = arith.constant 16 : i32
            %mul3A_1351 = arith.muli %add3A_1349, %mul3A_1350 : i32
            %swap3A_1352 = arith.constant 8 : i32
            %swap3A_1353 = arith.constant 3 : i32
            %swap3A_1354 = arith.index_cast %swap3A_1352 : i32 to index
            %swap3A_1355 = arith.index_cast %add3A_97 : i32 to index
            %swap3A_1356 = arith.index_cast %swap3A_1353 : i32 to index
            %swap3A_1357 = arith.index_cast %mul3A_1351 : i32 to index
            %swap3A_1358 = tpu.vector_load %arg10[%swap3A_1354, %swap3A_1355, %swap3A_1356, %swap3A_1357] {strides = array<i32>} : memref<16x5x4x128xf32, #tpu.memory_space<vmem>>, vector<16xf32>,
            tpu.vector_store %arg10[%swap3A_1354, %swap3A_1355, %swap3A_1356, %swap3A_1357], %gather3A_1345 {strides = array<i32>} : memref<16x5x4x128xf32, #tpu.memory_space<vmem>>, vector<16xf32>,
            %add3A_1359 = arith.constant 4 : i32
            %add3A_1360 = vector.broadcast %add3A_1359 : i32 to vector<16xi32>
            %add3A_1361 = arith.addi %add3A_1225, %add3A_1360 : vector<16xi32>
            %add3A_1362 = arith.constant 4 : i32
            %add3A_1363 = vector.broadcast %add3A_1362 : i32 to vector<16xi32>
            %add3A_1364 = arith.addi %add3A_1228, %add3A_1363 : vector<16xi32>
            %add3A_1365 = arith.constant 4 : i32
            %add3A_1366 = vector.broadcast %add3A_1365 : i32 to vector<16xi32>
            %add3A_1367 = arith.addi %add3A_1231, %add3A_1366 : vector<16xi32>
            %add3A_1368 = arith.constant 4 : i32
            %add3A_1369 = vector.broadcast %add3A_1368 : i32 to vector<16xi32>
            %add3A_1370 = arith.addi %add3A_1234, %add3A_1369 : vector<16xi32>
            %add3A_1371 = arith.constant 4 : i32
            %add3A_1372 = vector.broadcast %add3A_1371 : i32 to vector<16xi32>
            %add3A_1373 = arith.addi %add3A_1237, %add3A_1372 : vector<16xi32>
            %add3A_1374 = arith.constant 4 : i32
            %add3A_1375 = vector.broadcast %add3A_1374 : i32 to vector<16xi32>
            %add3A_1376 = arith.addi %add3A_1240, %add3A_1375 : vector<16xi32>
            %add3A_1377 = arith.constant 4 : i32
            %add3A_1378 = vector.broadcast %add3A_1377 : i32 to vector<16xi32>
            %add3A_1379 = arith.addi %add3A_1243, %add3A_1378 : vector<16xi32>
            %add3A_1380 = arith.constant 4 : i32
            %add3A_1381 = vector.broadcast %add3A_1380 : i32 to vector<16xi32>
            %add3A_1382 = arith.addi %add3A_1246, %add3A_1381 : vector<16xi32>
            %gather3A_1383 = tpu.vector_load_idx %arg5[%add3A_1361] : memref<43536xf32, #tpu.memory_space<vmem>>[vector<16xi32>], vector<16xf32>,
            %mul3A_1384 = arith.constant 2 : i32
            %mul3A_1385 = arith.muli %mul3A_1384, %add3A_107 : i32
            %add3A_1386 = arith.constant 0 : i32
            %add3A_1387 = arith.addi %mul3A_1385, %add3A_1386 : i32
            %mul3A_1388 = arith.constant 16 : i32
            %mul3A_1389 = arith.muli %add3A_1387, %mul3A_1388 : i32
            %swap3A_1390 = arith.constant 9 : i32
            %swap3A_1391 = arith.constant 0 : i32
            %swap3A_1392 = arith.index_cast %swap3A_1390 : i32 to index
            %swap3A_1393 = arith.index_cast %add3A_97 : i32 to index
            %swap3A_1394 = arith.index_cast %swap3A_1391 : i32 to index
            %swap3A_1395 = arith.index_cast %mul3A_1389 : i32 to index
            %swap3A_1396 = tpu.vector_load %arg10[%swap3A_1392, %swap3A_1393, %swap3A_1394, %swap3A_1395] {strides = array<i32>} : memref<16x5x4x128xf32, #tpu.memory_space<vmem>>, vector<16xf32>,
            tpu.vector_store %arg10[%swap3A_1392, %swap3A_1393, %swap3A_1394, %swap3A_1395], %gather3A_1383 {strides = array<i32>} : memref<16x5x4x128xf32, #tpu.memory_space<vmem>>, vector<16xf32>,
            %gather3A_1397 = tpu.vector_load_idx %arg5[%add3A_1364] : memref<43536xf32, #tpu.memory_space<vmem>>[vector<16xi32>], vector<16xf32>,
            %mul3A_1398 = arith.constant 2 : i32
            %mul3A_1399 = arith.muli %mul3A_1398, %add3A_107 : i32
            %add3A_1400 = arith.constant 0 : i32
            %add3A_1401 = arith.addi %mul3A_1399, %add3A_1400 : i32
            %mul3A_1402 = arith.constant 16 : i32
            %mul3A_1403 = arith.muli %add3A_1401, %mul3A_1402 : i32
            %swap3A_1404 = arith.constant 9 : i32
            %swap3A_1405 = arith.constant 1 : i32
            %swap3A_1406 = arith.index_cast %swap3A_1404 : i32 to index
            %swap3A_1407 = arith.index_cast %add3A_97 : i32 to index
            %swap3A_1408 = arith.index_cast %swap3A_1405 : i32 to index
            %swap3A_1409 = arith.index_cast %mul3A_1403 : i32 to index
            %swap3A_1410 = tpu.vector_load %arg10[%swap3A_1406, %swap3A_1407, %swap3A_1408, %swap3A_1409] {strides = array<i32>} : memref<16x5x4x128xf32, #tpu.memory_space<vmem>>, vector<16xf32>,
            tpu.vector_store %arg10[%swap3A_1406, %swap3A_1407, %swap3A_1408, %swap3A_1409], %gather3A_1397 {strides = array<i32>} : memref<16x5x4x128xf32, #tpu.memory_space<vmem>>, vector<16xf32>,
            %gather3A_1411 = tpu.vector_load_idx %arg5[%add3A_1367] : memref<43536xf32, #tpu.memory_space<vmem>>[vector<16xi32>], vector<16xf32>,
            %mul3A_1412 = arith.constant 2 : i32
            %mul3A_1413 = arith.muli %mul3A_1412, %add3A_107 : i32
            %add3A_1414 = arith.constant 0 : i32
            %add3A_1415 = arith.addi %mul3A_1413, %add3A_1414 : i32
            %mul3A_1416 = arith.constant 16 : i32
            %mul3A_1417 = arith.muli %add3A_1415, %mul3A_1416 : i32
            %swap3A_1418 = arith.constant 9 : i32
            %swap3A_1419 = arith.constant 2 : i32
            %swap3A_1420 = arith.index_cast %swap3A_1418 : i32 to index
            %swap3A_1421 = arith.index_cast %add3A_97 : i32 to index
            %swap3A_1422 = arith.index_cast %swap3A_1419 : i32 to index
            %swap3A_1423 = arith.index_cast %mul3A_1417 : i32 to index
            %swap3A_1424 = tpu.vector_load %arg10[%swap3A_1420, %swap3A_1421, %swap3A_1422, %swap3A_1423] {strides = array<i32>} : memref<16x5x4x128xf32, #tpu.memory_space<vmem>>, vector<16xf32>,
            tpu.vector_store %arg10[%swap3A_1420, %swap3A_1421, %swap3A_1422, %swap3A_1423], %gather3A_1411 {strides = array<i32>} : memref<16x5x4x128xf32, #tpu.memory_space<vmem>>, vector<16xf32>,
            %gather3A_1425 = tpu.vector_load_idx %arg5[%add3A_1370] : memref<43536xf32, #tpu.memory_space<vmem>>[vector<16xi32>], vector<16xf32>,
            %mul3A_1426 = arith.constant 2 : i32
            %mul3A_1427 = arith.muli %mul3A_1426, %add3A_107 : i32
            %add3A_1428 = arith.constant 0 : i32
            %add3A_1429 = arith.addi %mul3A_1427, %add3A_1428 : i32
            %mul3A_1430 = arith.constant 16 : i32
            %mul3A_1431 = arith.muli %add3A_1429, %mul3A_1430 : i32
            %swap3A_1432 = arith.constant 9 : i32
            %swap3A_1433 = arith.constant 3 : i32
            %swap3A_1434 = arith.index_cast %swap3A_1432 : i32 to index
            %swap3A_1435 = arith.index_cast %add3A_97 : i32 to index
            %swap3A_1436 = arith.index_cast %swap3A_1433 : i32 to index
            %swap3A_1437 = arith.index_cast %mul3A_1431 : i32 to index
            %swap3A_1438 = tpu.vector_load %arg10[%swap3A_1434, %swap3A_1435, %swap3A_1436, %swap3A_1437] {strides = array<i32>} : memref<16x5x4x128xf32, #tpu.memory_space<vmem>>, vector<16xf32>,
            tpu.vector_store %arg10[%swap3A_1434, %swap3A_1435, %swap3A_1436, %swap3A_1437], %gather3A_1425 {strides = array<i32>} : memref<16x5x4x128xf32, #tpu.memory_space<vmem>>, vector<16xf32>,
            %gather3A_1439 = tpu.vector_load_idx %arg5[%add3A_1373] : memref<43536xf32, #tpu.memory_space<vmem>>[vector<16xi32>], vector<16xf32>,
            %mul3A_1440 = arith.constant 2 : i32
            %mul3A_1441 = arith.muli %mul3A_1440, %add3A_107 : i32
            %add3A_1442 = arith.constant 1 : i32
            %add3A_1443 = arith.addi %mul3A_1441, %add3A_1442 : i32
            %mul3A_1444 = arith.constant 16 : i32
            %mul3A_1445 = arith.muli %add3A_1443, %mul3A_1444 : i32
            %swap3A_1446 = arith.constant 9 : i32
            %swap3A_1447 = arith.constant 0 : i32
            %swap3A_1448 = arith.index_cast %swap3A_1446 : i32 to index
            %swap3A_1449 = arith.index_cast %add3A_97 : i32 to index
            %swap3A_1450 = arith.index_cast %swap3A_1447 : i32 to index
            %swap3A_1451 = arith.index_cast %mul3A_1445 : i32 to index
            %swap3A_1452 = tpu.vector_load %arg10[%swap3A_1448, %swap3A_1449, %swap3A_1450, %swap3A_1451] {strides = array<i32>} : memref<16x5x4x128xf32, #tpu.memory_space<vmem>>, vector<16xf32>,
            tpu.vector_store %arg10[%swap3A_1448, %swap3A_1449, %swap3A_1450, %swap3A_1451], %gather3A_1439 {strides = array<i32>} : memref<16x5x4x128xf32, #tpu.memory_space<vmem>>, vector<16xf32>,
            %gather3A_1453 = tpu.vector_load_idx %arg5[%add3A_1376] : memref<43536xf32, #tpu.memory_space<vmem>>[vector<16xi32>], vector<16xf32>,
            %mul3A_1454 = arith.constant 2 : i32
            %mul3A_1455 = arith.muli %mul3A_1454, %add3A_107 : i32
            %add3A_1456 = arith.constant 1 : i32
            %add3A_1457 = arith.addi %mul3A_1455, %add3A_1456 : i32
            %mul3A_1458 = arith.constant 16 : i32
            %mul3A_1459 = arith.muli %add3A_1457, %mul3A_1458 : i32
            %swap3A_1460 = arith.constant 9 : i32
            %swap3A_1461 = arith.constant 1 : i32
            %swap3A_1462 = arith.index_cast %swap3A_1460 : i32 to index
            %swap3A_1463 = arith.index_cast %add3A_97 : i32 to index
            %swap3A_1464 = arith.index_cast %swap3A_1461 : i32 to index
            %swap3A_1465 = arith.index_cast %mul3A_1459 : i32 to index
            %swap3A_1466 = tpu.vector_load %arg10[%swap3A_1462, %swap3A_1463, %swap3A_1464, %swap3A_1465] {strides = array<i32>} : memref<16x5x4x128xf32, #tpu.memory_space<vmem>>, vector<16xf32>,
            tpu.vector_store %arg10[%swap3A_1462, %swap3A_1463, %swap3A_1464, %swap3A_1465], %gather3A_1453 {strides = array<i32>} : memref<16x5x4x128xf32, #tpu.memory_space<vmem>>, vector<16xf32>,
            %gather3A_1467 = tpu.vector_load_idx %arg5[%add3A_1379] : memref<43536xf32, #tpu.memory_space<vmem>>[vector<16xi32>], vector<16xf32>,
            %mul3A_1468 = arith.constant 2 : i32
            %mul3A_1469 = arith.muli %mul3A_1468, %add3A_107 : i32
            %add3A_1470 = arith.constant 1 : i32
            %add3A_1471 = arith.addi %mul3A_1469, %add3A_1470 : i32
            %mul3A_1472 = arith.constant 16 : i32
            %mul3A_1473 = arith.muli %add3A_1471, %mul3A_1472 : i32
            %swap3A_1474 = arith.constant 9 : i32
            %swap3A_1475 = arith.constant 2 : i32
            %swap3A_1476 = arith.index_cast %swap3A_1474 : i32 to index
            %swap3A_1477 = arith.index_cast %add3A_97 : i32 to index
            %swap3A_1478 = arith.index_cast %swap3A_1475 : i32 to index
            %swap3A_1479 = arith.index_cast %mul3A_1473 : i32 to index
            %swap3A_1480 = tpu.vector_load %arg10[%swap3A_1476, %swap3A_1477, %swap3A_1478, %swap3A_1479] {strides = array<i32>} : memref<16x5x4x128xf32, #tpu.memory_space<vmem>>, vector<16xf32>,
            tpu.vector_store %arg10[%swap3A_1476, %swap3A_1477, %swap3A_1478, %swap3A_1479], %gather3A_1467 {strides = array<i32>} : memref<16x5x4x128xf32, #tpu.memory_space<vmem>>, vector<16xf32>,
            %gather3A_1481 = tpu.vector_load_idx %arg5[%add3A_1382] : memref<43536xf32, #tpu.memory_space<vmem>>[vector<16xi32>], vector<16xf32>,
            %mul3A_1482 = arith.constant 2 : i32
            %mul3A_1483 = arith.muli %mul3A_1482, %add3A_107 : i32
            %add3A_1484 = arith.constant 1 : i32
            %add3A_1485 = arith.addi %mul3A_1483, %add3A_1484 : i32
            %mul3A_1486 = arith.constant 16 : i32
            %mul3A_1487 = arith.muli %add3A_1485, %mul3A_1486 : i32
            %swap3A_1488 = arith.constant 9 : i32
            %swap3A_1489 = arith.constant 3 : i32
            %swap3A_1490 = arith.index_cast %swap3A_1488 : i32 to index
            %swap3A_1491 = arith.index_cast %add3A_97 : i32 to index
            %swap3A_1492 = arith.index_cast %swap3A_1489 : i32 to index
            %swap3A_1493 = arith.index_cast %mul3A_1487 : i32 to index
            %swap3A_1494 = tpu.vector_load %arg10[%swap3A_1490, %swap3A_1491, %swap3A_1492, %swap3A_1493] {strides = array<i32>} : memref<16x5x4x128xf32, #tpu.memory_space<vmem>>, vector<16xf32>,
            tpu.vector_store %arg10[%swap3A_1490, %swap3A_1491, %swap3A_1492, %swap3A_1493], %gather3A_1481 {strides = array<i32>} : memref<16x5x4x128xf32, #tpu.memory_space<vmem>>, vector<16xf32>,
            %add3A_1495 = arith.constant 4 : i32
            %add3A_1496 = vector.broadcast %add3A_1495 : i32 to vector<16xi32>
            %add3A_1497 = arith.addi %add3A_1361, %add3A_1496 : vector<16xi32>
            %add3A_1498 = arith.constant 4 : i32
            %add3A_1499 = vector.broadcast %add3A_1498 : i32 to vector<16xi32>
            %add3A_1500 = arith.addi %add3A_1364, %add3A_1499 : vector<16xi32>
            %add3A_1501 = arith.constant 4 : i32
            %add3A_1502 = vector.broadcast %add3A_1501 : i32 to vector<16xi32>
            %add3A_1503 = arith.addi %add3A_1367, %add3A_1502 : vector<16xi32>
            %add3A_1504 = arith.constant 4 : i32
            %add3A_1505 = vector.broadcast %add3A_1504 : i32 to vector<16xi32>
            %add3A_1506 = arith.addi %add3A_1370, %add3A_1505 : vector<16xi32>
            %add3A_1507 = arith.constant 4 : i32
            %add3A_1508 = vector.broadcast %add3A_1507 : i32 to vector<16xi32>
            %add3A_1509 = arith.addi %add3A_1373, %add3A_1508 : vector<16xi32>
            %add3A_1510 = arith.constant 4 : i32
            %add3A_1511 = vector.broadcast %add3A_1510 : i32 to vector<16xi32>
            %add3A_1512 = arith.addi %add3A_1376, %add3A_1511 : vector<16xi32>
            %add3A_1513 = arith.constant 4 : i32
            %add3A_1514 = vector.broadcast %add3A_1513 : i32 to vector<16xi32>
            %add3A_1515 = arith.addi %add3A_1379, %add3A_1514 : vector<16xi32>
            %add3A_1516 = arith.constant 4 : i32
            %add3A_1517 = vector.broadcast %add3A_1516 : i32 to vector<16xi32>
            %add3A_1518 = arith.addi %add3A_1382, %add3A_1517 : vector<16xi32>
            %gather3A_1519 = tpu.vector_load_idx %arg5[%add3A_1497] : memref<43536xf32, #tpu.memory_space<vmem>>[vector<16xi32>], vector<16xf32>,
            %mul3A_1520 = arith.constant 2 : i32
            %mul3A_1521 = arith.muli %mul3A_1520, %add3A_107 : i32
            %add3A_1522 = arith.constant 0 : i32
            %add3A_1523 = arith.addi %mul3A_1521, %add3A_1522 : i32
            %mul3A_1524 = arith.constant 16 : i32
            %mul3A_1525 = arith.muli %add3A_1523, %mul3A_1524 : i32
            %swap3A_1526 = arith.constant 10 : i32
            %swap3A_1527 = arith.constant 0 : i32
            %swap3A_1528 = arith.index_cast %swap3A_1526 : i32 to index
            %swap3A_1529 = arith.index_cast %add3A_97 : i32 to index
            %swap3A_1530 = arith.index_cast %swap3A_1527 : i32 to index
            %swap3A_1531 = arith.index_cast %mul3A_1525 : i32 to index
            %swap3A_1532 = tpu.vector_load %arg10[%swap3A_1528, %swap3A_1529, %swap3A_1530, %swap3A_1531] {strides = array<i32>} : memref<16x5x4x128xf32, #tpu.memory_space<vmem>>, vector<16xf32>,
            tpu.vector_store %arg10[%swap3A_1528, %swap3A_1529, %swap3A_1530, %swap3A_1531], %gather3A_1519 {strides = array<i32>} : memref<16x5x4x128xf32, #tpu.memory_space<vmem>>, vector<16xf32>,
            %gather3A_1533 = tpu.vector_load_idx %arg5[%add3A_1500] : memref<43536xf32, #tpu.memory_space<vmem>>[vector<16xi32>], vector<16xf32>,
            %mul3A_1534 = arith.constant 2 : i32
            %mul3A_1535 = arith.muli %mul3A_1534, %add3A_107 : i32
            %add3A_1536 = arith.constant 0 : i32
            %add3A_1537 = arith.addi %mul3A_1535, %add3A_1536 : i32
            %mul3A_1538 = arith.constant 16 : i32
            %mul3A_1539 = arith.muli %add3A_1537, %mul3A_1538 : i32
            %swap3A_1540 = arith.constant 10 : i32
            %swap3A_1541 = arith.constant 1 : i32
            %swap3A_1542 = arith.index_cast %swap3A_1540 : i32 to index
            %swap3A_1543 = arith.index_cast %add3A_97 : i32 to index
            %swap3A_1544 = arith.index_cast %swap3A_1541 : i32 to index
            %swap3A_1545 = arith.index_cast %mul3A_1539 : i32 to index
            %swap3A_1546 = tpu.vector_load %arg10[%swap3A_1542, %swap3A_1543, %swap3A_1544, %swap3A_1545] {strides = array<i32>} : memref<16x5x4x128xf32, #tpu.memory_space<vmem>>, vector<16xf32>,
            tpu.vector_store %arg10[%swap3A_1542, %swap3A_1543, %swap3A_1544, %swap3A_1545], %gather3A_1533 {strides = array<i32>} : memref<16x5x4x128xf32, #tpu.memory_space<vmem>>, vector<16xf32>,
            %gather3A_1547 = tpu.vector_load_idx %arg5[%add3A_1503] : memref<43536xf32, #tpu.memory_space<vmem>>[vector<16xi32>], vector<16xf32>,
            %mul3A_1548 = arith.constant 2 : i32
            %mul3A_1549 = arith.muli %mul3A_1548, %add3A_107 : i32
            %add3A_1550 = arith.constant 0 : i32
            %add3A_1551 = arith.addi %mul3A_1549, %add3A_1550 : i32
            %mul3A_1552 = arith.constant 16 : i32
            %mul3A_1553 = arith.muli %add3A_1551, %mul3A_1552 : i32
            %swap3A_1554 = arith.constant 10 : i32
            %swap3A_1555 = arith.constant 2 : i32
            %swap3A_1556 = arith.index_cast %swap3A_1554 : i32 to index
            %swap3A_1557 = arith.index_cast %add3A_97 : i32 to index
            %swap3A_1558 = arith.index_cast %swap3A_1555 : i32 to index
            %swap3A_1559 = arith.index_cast %mul3A_1553 : i32 to index
            %swap3A_1560 = tpu.vector_load %arg10[%swap3A_1556, %swap3A_1557, %swap3A_1558, %swap3A_1559] {strides = array<i32>} : memref<16x5x4x128xf32, #tpu.memory_space<vmem>>, vector<16xf32>,
            tpu.vector_store %arg10[%swap3A_1556, %swap3A_1557, %swap3A_1558, %swap3A_1559], %gather3A_1547 {strides = array<i32>} : memref<16x5x4x128xf32, #tpu.memory_space<vmem>>, vector<16xf32>,
            %gather3A_1561 = tpu.vector_load_idx %arg5[%add3A_1506] : memref<43536xf32, #tpu.memory_space<vmem>>[vector<16xi32>], vector<16xf32>,
            %mul3A_1562 = arith.constant 2 : i32
            %mul3A_1563 = arith.muli %mul3A_1562, %add3A_107 : i32
            %add3A_1564 = arith.constant 0 : i32
            %add3A_1565 = arith.addi %mul3A_1563, %add3A_1564 : i32
            %mul3A_1566 = arith.constant 16 : i32
            %mul3A_1567 = arith.muli %add3A_1565, %mul3A_1566 : i32
            %swap3A_1568 = arith.constant 10 : i32
            %swap3A_1569 = arith.constant 3 : i32
            %swap3A_1570 = arith.index_cast %swap3A_1568 : i32 to index
            %swap3A_1571 = arith.index_cast %add3A_97 : i32 to index
            %swap3A_1572 = arith.index_cast %swap3A_1569 : i32 to index
            %swap3A_1573 = arith.index_cast %mul3A_1567 : i32 to index
            %swap3A_1574 = tpu.vector_load %arg10[%swap3A_1570, %swap3A_1571, %swap3A_1572, %swap3A_1573] {strides = array<i32>} : memref<16x5x4x128xf32, #tpu.memory_space<vmem>>, vector<16xf32>,
            tpu.vector_store %arg10[%swap3A_1570, %swap3A_1571, %swap3A_1572, %swap3A_1573], %gather3A_1561 {strides = array<i32>} : memref<16x5x4x128xf32, #tpu.memory_space<vmem>>, vector<16xf32>,
            %gather3A_1575 = tpu.vector_load_idx %arg5[%add3A_1509] : memref<43536xf32, #tpu.memory_space<vmem>>[vector<16xi32>], vector<16xf32>,
            %mul3A_1576 = arith.constant 2 : i32
            %mul3A_1577 = arith.muli %mul3A_1576, %add3A_107 : i32
            %add3A_1578 = arith.constant 1 : i32
            %add3A_1579 = arith.addi %mul3A_1577, %add3A_1578 : i32
            %mul3A_1580 = arith.constant 16 : i32
            %mul3A_1581 = arith.muli %add3A_1579, %mul3A_1580 : i32
            %swap3A_1582 = arith.constant 10 : i32
            %swap3A_1583 = arith.constant 0 : i32
            %swap3A_1584 = arith.index_cast %swap3A_1582 : i32 to index
            %swap3A_1585 = arith.index_cast %add3A_97 : i32 to index
            %swap3A_1586 = arith.index_cast %swap3A_1583 : i32 to index
            %swap3A_1587 = arith.index_cast %mul3A_1581 : i32 to index
            %swap3A_1588 = tpu.vector_load %arg10[%swap3A_1584, %swap3A_1585, %swap3A_1586, %swap3A_1587] {strides = array<i32>} : memref<16x5x4x128xf32, #tpu.memory_space<vmem>>, vector<16xf32>,
            tpu.vector_store %arg10[%swap3A_1584, %swap3A_1585, %swap3A_1586, %swap3A_1587], %gather3A_1575 {strides = array<i32>} : memref<16x5x4x128xf32, #tpu.memory_space<vmem>>, vector<16xf32>,
            %gather3A_1589 = tpu.vector_load_idx %arg5[%add3A_1512] : memref<43536xf32, #tpu.memory_space<vmem>>[vector<16xi32>], vector<16xf32>,
            %mul3A_1590 = arith.constant 2 : i32
            %mul3A_1591 = arith.muli %mul3A_1590, %add3A_107 : i32
            %add3A_1592 = arith.constant 1 : i32
            %add3A_1593 = arith.addi %mul3A_1591, %add3A_1592 : i32
            %mul3A_1594 = arith.constant 16 : i32
            %mul3A_1595 = arith.muli %add3A_1593, %mul3A_1594 : i32
            %swap3A_1596 = arith.constant 10 : i32
            %swap3A_1597 = arith.constant 1 : i32
            %swap3A_1598 = arith.index_cast %swap3A_1596 : i32 to index
            %swap3A_1599 = arith.index_cast %add3A_97 : i32 to index
            %swap3A_1600 = arith.index_cast %swap3A_1597 : i32 to index
            %swap3A_1601 = arith.index_cast %mul3A_1595 : i32 to index
            %swap3A_1602 = tpu.vector_load %arg10[%swap3A_1598, %swap3A_1599, %swap3A_1600, %swap3A_1601] {strides = array<i32>} : memref<16x5x4x128xf32, #tpu.memory_space<vmem>>, vector<16xf32>,
            tpu.vector_store %arg10[%swap3A_1598, %swap3A_1599, %swap3A_1600, %swap3A_1601], %gather3A_1589 {strides = array<i32>} : memref<16x5x4x128xf32, #tpu.memory_space<vmem>>, vector<16xf32>,
            %gather3A_1603 = tpu.vector_load_idx %arg5[%add3A_1515] : memref<43536xf32, #tpu.memory_space<vmem>>[vector<16xi32>], vector<16xf32>,
            %mul3A_1604 = arith.constant 2 : i32
            %mul3A_1605 = arith.muli %mul3A_1604, %add3A_107 : i32
            %add3A_1606 = arith.constant 1 : i32
            %add3A_1607 = arith.addi %mul3A_1605, %add3A_1606 : i32
            %mul3A_1608 = arith.constant 16 : i32
            %mul3A_1609 = arith.muli %add3A_1607, %mul3A_1608 : i32
            %swap3A_1610 = arith.constant 10 : i32
            %swap3A_1611 = arith.constant 2 : i32
            %swap3A_1612 = arith.index_cast %swap3A_1610 : i32 to index
            %swap3A_1613 = arith.index_cast %add3A_97 : i32 to index
            %swap3A_1614 = arith.index_cast %swap3A_1611 : i32 to index
            %swap3A_1615 = arith.index_cast %mul3A_1609 : i32 to index
            %swap3A_1616 = tpu.vector_load %arg10[%swap3A_1612, %swap3A_1613, %swap3A_1614, %swap3A_1615] {strides = array<i32>} : memref<16x5x4x128xf32, #tpu.memory_space<vmem>>, vector<16xf32>,
            tpu.vector_store %arg10[%swap3A_1612, %swap3A_1613, %swap3A_1614, %swap3A_1615], %gather3A_1603 {strides = array<i32>} : memref<16x5x4x128xf32, #tpu.memory_space<vmem>>, vector<16xf32>,
            %gather3A_1617 = tpu.vector_load_idx %arg5[%add3A_1518] : memref<43536xf32, #tpu.memory_space<vmem>>[vector<16xi32>], vector<16xf32>,
            %mul3A_1618 = arith.constant 2 : i32
            %mul3A_1619 = arith.muli %mul3A_1618, %add3A_107 : i32
            %add3A_1620 = arith.constant 1 : i32
            %add3A_1621 = arith.addi %mul3A_1619, %add3A_1620 : i32
            %mul3A_1622 = arith.constant 16 : i32
            %mul3A_1623 = arith.muli %add3A_1621, %mul3A_1622 : i32
            %swap3A_1624 = arith.constant 10 : i32
            %swap3A_1625 = arith.constant 3 : i32
            %swap3A_1626 = arith.index_cast %swap3A_1624 : i32 to index
            %swap3A_1627 = arith.index_cast %add3A_97 : i32 to index
            %swap3A_1628 = arith.index_cast %swap3A_1625 : i32 to index
            %swap3A_1629 = arith.index_cast %mul3A_1623 : i32 to index
            %swap3A_1630 = tpu.vector_load %arg10[%swap3A_1626, %swap3A_1627, %swap3A_1628, %swap3A_1629] {strides = array<i32>} : memref<16x5x4x128xf32, #tpu.memory_space<vmem>>, vector<16xf32>,
            tpu.vector_store %arg10[%swap3A_1626, %swap3A_1627, %swap3A_1628, %swap3A_1629], %gather3A_1617 {strides = array<i32>} : memref<16x5x4x128xf32, #tpu.memory_space<vmem>>, vector<16xf32>,
            %add3A_1631 = arith.constant 4 : i32
            %add3A_1632 = vector.broadcast %add3A_1631 : i32 to vector<16xi32>
            %add3A_1633 = arith.addi %add3A_1497, %add3A_1632 : vector<16xi32>
            %add3A_1634 = arith.constant 4 : i32
            %add3A_1635 = vector.broadcast %add3A_1634 : i32 to vector<16xi32>
            %add3A_1636 = arith.addi %add3A_1500, %add3A_1635 : vector<16xi32>
            %add3A_1637 = arith.constant 4 : i32
            %add3A_1638 = vector.broadcast %add3A_1637 : i32 to vector<16xi32>
            %add3A_1639 = arith.addi %add3A_1503, %add3A_1638 : vector<16xi32>
            %add3A_1640 = arith.constant 4 : i32
            %add3A_1641 = vector.broadcast %add3A_1640 : i32 to vector<16xi32>
            %add3A_1642 = arith.addi %add3A_1506, %add3A_1641 : vector<16xi32>
            %add3A_1643 = arith.constant 4 : i32
            %add3A_1644 = vector.broadcast %add3A_1643 : i32 to vector<16xi32>
            %add3A_1645 = arith.addi %add3A_1509, %add3A_1644 : vector<16xi32>
            %add3A_1646 = arith.constant 4 : i32
            %add3A_1647 = vector.broadcast %add3A_1646 : i32 to vector<16xi32>
            %add3A_1648 = arith.addi %add3A_1512, %add3A_1647 : vector<16xi32>
            %add3A_1649 = arith.constant 4 : i32
            %add3A_1650 = vector.broadcast %add3A_1649 : i32 to vector<16xi32>
            %add3A_1651 = arith.addi %add3A_1515, %add3A_1650 : vector<16xi32>
            %add3A_1652 = arith.constant 4 : i32
            %add3A_1653 = vector.broadcast %add3A_1652 : i32 to vector<16xi32>
            %add3A_1654 = arith.addi %add3A_1518, %add3A_1653 : vector<16xi32>
            %gather3A_1655 = tpu.vector_load_idx %arg5[%add3A_1633] : memref<43536xf32, #tpu.memory_space<vmem>>[vector<16xi32>], vector<16xf32>,
            %mul3A_1656 = arith.constant 2 : i32
            %mul3A_1657 = arith.muli %mul3A_1656, %add3A_107 : i32
            %add3A_1658 = arith.constant 0 : i32
            %add3A_1659 = arith.addi %mul3A_1657, %add3A_1658 : i32
            %mul3A_1660 = arith.constant 16 : i32
            %mul3A_1661 = arith.muli %add3A_1659, %mul3A_1660 : i32
            %swap3A_1662 = arith.constant 11 : i32
            %swap3A_1663 = arith.constant 0 : i32
            %swap3A_1664 = arith.index_cast %swap3A_1662 : i32 to index
            %swap3A_1665 = arith.index_cast %add3A_97 : i32 to index
            %swap3A_1666 = arith.index_cast %swap3A_1663 : i32 to index
            %swap3A_1667 = arith.index_cast %mul3A_1661 : i32 to index
            %swap3A_1668 = tpu.vector_load %arg10[%swap3A_1664, %swap3A_1665, %swap3A_1666, %swap3A_1667] {strides = array<i32>} : memref<16x5x4x128xf32, #tpu.memory_space<vmem>>, vector<16xf32>,
            tpu.vector_store %arg10[%swap3A_1664, %swap3A_1665, %swap3A_1666, %swap3A_1667], %gather3A_1655 {strides = array<i32>} : memref<16x5x4x128xf32, #tpu.memory_space<vmem>>, vector<16xf32>,
            %gather3A_1669 = tpu.vector_load_idx %arg5[%add3A_1636] : memref<43536xf32, #tpu.memory_space<vmem>>[vector<16xi32>], vector<16xf32>,
            %mul3A_1670 = arith.constant 2 : i32
            %mul3A_1671 = arith.muli %mul3A_1670, %add3A_107 : i32
            %add3A_1672 = arith.constant 0 : i32
            %add3A_1673 = arith.addi %mul3A_1671, %add3A_1672 : i32
            %mul3A_1674 = arith.constant 16 : i32
            %mul3A_1675 = arith.muli %add3A_1673, %mul3A_1674 : i32
            %swap3A_1676 = arith.constant 11 : i32
            %swap3A_1677 = arith.constant 1 : i32
            %swap3A_1678 = arith.index_cast %swap3A_1676 : i32 to index
            %swap3A_1679 = arith.index_cast %add3A_97 : i32 to index
            %swap3A_1680 = arith.index_cast %swap3A_1677 : i32 to index
            %swap3A_1681 = arith.index_cast %mul3A_1675 : i32 to index
            %swap3A_1682 = tpu.vector_load %arg10[%swap3A_1678, %swap3A_1679, %swap3A_1680, %swap3A_1681] {strides = array<i32>} : memref<16x5x4x128xf32, #tpu.memory_space<vmem>>, vector<16xf32>,
            tpu.vector_store %arg10[%swap3A_1678, %swap3A_1679, %swap3A_1680, %swap3A_1681], %gather3A_1669 {strides = array<i32>} : memref<16x5x4x128xf32, #tpu.memory_space<vmem>>, vector<16xf32>,
            %gather3A_1683 = tpu.vector_load_idx %arg5[%add3A_1639] : memref<43536xf32, #tpu.memory_space<vmem>>[vector<16xi32>], vector<16xf32>,
            %mul3A_1684 = arith.constant 2 : i32
            %mul3A_1685 = arith.muli %mul3A_1684, %add3A_107 : i32
            %add3A_1686 = arith.constant 0 : i32
            %add3A_1687 = arith.addi %mul3A_1685, %add3A_1686 : i32
            %mul3A_1688 = arith.constant 16 : i32
            %mul3A_1689 = arith.muli %add3A_1687, %mul3A_1688 : i32
            %swap3A_1690 = arith.constant 11 : i32
            %swap3A_1691 = arith.constant 2 : i32
            %swap3A_1692 = arith.index_cast %swap3A_1690 : i32 to index
            %swap3A_1693 = arith.index_cast %add3A_97 : i32 to index
            %swap3A_1694 = arith.index_cast %swap3A_1691 : i32 to index
            %swap3A_1695 = arith.index_cast %mul3A_1689 : i32 to index
            %swap3A_1696 = tpu.vector_load %arg10[%swap3A_1692, %swap3A_1693, %swap3A_1694, %swap3A_1695] {strides = array<i32>} : memref<16x5x4x128xf32, #tpu.memory_space<vmem>>, vector<16xf32>,
            tpu.vector_store %arg10[%swap3A_1692, %swap3A_1693, %swap3A_1694, %swap3A_1695], %gather3A_1683 {strides = array<i32>} : memref<16x5x4x128xf32, #tpu.memory_space<vmem>>, vector<16xf32>,
            %gather3A_1697 = tpu.vector_load_idx %arg5[%add3A_1642] : memref<43536xf32, #tpu.memory_space<vmem>>[vector<16xi32>], vector<16xf32>,
            %mul3A_1698 = arith.constant 2 : i32
            %mul3A_1699 = arith.muli %mul3A_1698, %add3A_107 : i32
            %add3A_1700 = arith.constant 0 : i32
            %add3A_1701 = arith.addi %mul3A_1699, %add3A_1700 : i32
            %mul3A_1702 = arith.constant 16 : i32
            %mul3A_1703 = arith.muli %add3A_1701, %mul3A_1702 : i32
            %swap3A_1704 = arith.constant 11 : i32
            %swap3A_1705 = arith.constant 3 : i32
            %swap3A_1706 = arith.index_cast %swap3A_1704 : i32 to index
            %swap3A_1707 = arith.index_cast %add3A_97 : i32 to index
            %swap3A_1708 = arith.index_cast %swap3A_1705 : i32 to index
            %swap3A_1709 = arith.index_cast %mul3A_1703 : i32 to index
            %swap3A_1710 = tpu.vector_load %arg10[%swap3A_1706, %swap3A_1707, %swap3A_1708, %swap3A_1709] {strides = array<i32>} : memref<16x5x4x128xf32, #tpu.memory_space<vmem>>, vector<16xf32>,
            tpu.vector_store %arg10[%swap3A_1706, %swap3A_1707, %swap3A_1708, %swap3A_1709], %gather3A_1697 {strides = array<i32>} : memref<16x5x4x128xf32, #tpu.memory_space<vmem>>, vector<16xf32>,
            %gather3A_1711 = tpu.vector_load_idx %arg5[%add3A_1645] : memref<43536xf32, #tpu.memory_space<vmem>>[vector<16xi32>], vector<16xf32>,
            %mul3A_1712 = arith.constant 2 : i32
            %mul3A_1713 = arith.muli %mul3A_1712, %add3A_107 : i32
            %add3A_1714 = arith.constant 1 : i32
            %add3A_1715 = arith.addi %mul3A_1713, %add3A_1714 : i32
            %mul3A_1716 = arith.constant 16 : i32
            %mul3A_1717 = arith.muli %add3A_1715, %mul3A_1716 : i32
            %swap3A_1718 = arith.constant 11 : i32
            %swap3A_1719 = arith.constant 0 : i32
            %swap3A_1720 = arith.index_cast %swap3A_1718 : i32 to index
            %swap3A_1721 = arith.index_cast %add3A_97 : i32 to index
            %swap3A_1722 = arith.index_cast %swap3A_1719 : i32 to index
            %swap3A_1723 = arith.index_cast %mul3A_1717 : i32 to index
            %swap3A_1724 = tpu.vector_load %arg10[%swap3A_1720, %swap3A_1721, %swap3A_1722, %swap3A_1723] {strides = array<i32>} : memref<16x5x4x128xf32, #tpu.memory_space<vmem>>, vector<16xf32>,
            tpu.vector_store %arg10[%swap3A_1720, %swap3A_1721, %swap3A_1722, %swap3A_1723], %gather3A_1711 {strides = array<i32>} : memref<16x5x4x128xf32, #tpu.memory_space<vmem>>, vector<16xf32>,
            %gather3A_1725 = tpu.vector_load_idx %arg5[%add3A_1648] : memref<43536xf32, #tpu.memory_space<vmem>>[vector<16xi32>], vector<16xf32>,
            %mul3A_1726 = arith.constant 2 : i32
            %mul3A_1727 = arith.muli %mul3A_1726, %add3A_107 : i32
            %add3A_1728 = arith.constant 1 : i32
            %add3A_1729 = arith.addi %mul3A_1727, %add3A_1728 : i32
            %mul3A_1730 = arith.constant 16 : i32
            %mul3A_1731 = arith.muli %add3A_1729, %mul3A_1730 : i32
            %swap3A_1732 = arith.constant 11 : i32
            %swap3A_1733 = arith.constant 1 : i32
            %swap3A_1734 = arith.index_cast %swap3A_1732 : i32 to index
            %swap3A_1735 = arith.index_cast %add3A_97 : i32 to index
            %swap3A_1736 = arith.index_cast %swap3A_1733 : i32 to index
            %swap3A_1737 = arith.index_cast %mul3A_1731 : i32 to index
            %swap3A_1738 = tpu.vector_load %arg10[%swap3A_1734, %swap3A_1735, %swap3A_1736, %swap3A_1737] {strides = array<i32>} : memref<16x5x4x128xf32, #tpu.memory_space<vmem>>, vector<16xf32>,
            tpu.vector_store %arg10[%swap3A_1734, %swap3A_1735, %swap3A_1736, %swap3A_1737], %gather3A_1725 {strides = array<i32>} : memref<16x5x4x128xf32, #tpu.memory_space<vmem>>, vector<16xf32>,
            %gather3A_1739 = tpu.vector_load_idx %arg5[%add3A_1651] : memref<43536xf32, #tpu.memory_space<vmem>>[vector<16xi32>], vector<16xf32>,
            %mul3A_1740 = arith.constant 2 : i32
            %mul3A_1741 = arith.muli %mul3A_1740, %add3A_107 : i32
            %add3A_1742 = arith.constant 1 : i32
            %add3A_1743 = arith.addi %mul3A_1741, %add3A_1742 : i32
            %mul3A_1744 = arith.constant 16 : i32
            %mul3A_1745 = arith.muli %add3A_1743, %mul3A_1744 : i32
            %swap3A_1746 = arith.constant 11 : i32
            %swap3A_1747 = arith.constant 2 : i32
            %swap3A_1748 = arith.index_cast %swap3A_1746 : i32 to index
            %swap3A_1749 = arith.index_cast %add3A_97 : i32 to index
            %swap3A_1750 = arith.index_cast %swap3A_1747 : i32 to index
            %swap3A_1751 = arith.index_cast %mul3A_1745 : i32 to index
            %swap3A_1752 = tpu.vector_load %arg10[%swap3A_1748, %swap3A_1749, %swap3A_1750, %swap3A_1751] {strides = array<i32>} : memref<16x5x4x128xf32, #tpu.memory_space<vmem>>, vector<16xf32>,
            tpu.vector_store %arg10[%swap3A_1748, %swap3A_1749, %swap3A_1750, %swap3A_1751], %gather3A_1739 {strides = array<i32>} : memref<16x5x4x128xf32, #tpu.memory_space<vmem>>, vector<16xf32>,
            %gather3A_1753 = tpu.vector_load_idx %arg5[%add3A_1654] : memref<43536xf32, #tpu.memory_space<vmem>>[vector<16xi32>], vector<16xf32>,
            %mul3A_1754 = arith.constant 2 : i32
            %mul3A_1755 = arith.muli %mul3A_1754, %add3A_107 : i32
            %add3A_1756 = arith.constant 1 : i32
            %add3A_1757 = arith.addi %mul3A_1755, %add3A_1756 : i32
            %mul3A_1758 = arith.constant 16 : i32
            %mul3A_1759 = arith.muli %add3A_1757, %mul3A_1758 : i32
            %swap3A_1760 = arith.constant 11 : i32
            %swap3A_1761 = arith.constant 3 : i32
            %swap3A_1762 = arith.index_cast %swap3A_1760 : i32 to index
            %swap3A_1763 = arith.index_cast %add3A_97 : i32 to index
            %swap3A_1764 = arith.index_cast %swap3A_1761 : i32 to index
            %swap3A_1765 = arith.index_cast %mul3A_1759 : i32 to index
            %swap3A_1766 = tpu.vector_load %arg10[%swap3A_1762, %swap3A_1763, %swap3A_1764, %swap3A_1765] {strides = array<i32>} : memref<16x5x4x128xf32, #tpu.memory_space<vmem>>, vector<16xf32>,
            tpu.vector_store %arg10[%swap3A_1762, %swap3A_1763, %swap3A_1764, %swap3A_1765], %gather3A_1753 {strides = array<i32>} : memref<16x5x4x128xf32, #tpu.memory_space<vmem>>, vector<16xf32>,
            %add3A_1767 = arith.constant 4 : i32
            %add3A_1768 = vector.broadcast %add3A_1767 : i32 to vector<16xi32>
            %add3A_1769 = arith.addi %add3A_1633, %add3A_1768 : vector<16xi32>
            %add3A_1770 = arith.constant 4 : i32
            %add3A_1771 = vector.broadcast %add3A_1770 : i32 to vector<16xi32>
            %add3A_1772 = arith.addi %add3A_1636, %add3A_1771 : vector<16xi32>
            %add3A_1773 = arith.constant 4 : i32
            %add3A_1774 = vector.broadcast %add3A_1773 : i32 to vector<16xi32>
            %add3A_1775 = arith.addi %add3A_1639, %add3A_1774 : vector<16xi32>
            %add3A_1776 = arith.constant 4 : i32
            %add3A_1777 = vector.broadcast %add3A_1776 : i32 to vector<16xi32>
            %add3A_1778 = arith.addi %add3A_1642, %add3A_1777 : vector<16xi32>
            %add3A_1779 = arith.constant 4 : i32
            %add3A_1780 = vector.broadcast %add3A_1779 : i32 to vector<16xi32>
            %add3A_1781 = arith.addi %add3A_1645, %add3A_1780 : vector<16xi32>
            %add3A_1782 = arith.constant 4 : i32
            %add3A_1783 = vector.broadcast %add3A_1782 : i32 to vector<16xi32>
            %add3A_1784 = arith.addi %add3A_1648, %add3A_1783 : vector<16xi32>
            %add3A_1785 = arith.constant 4 : i32
            %add3A_1786 = vector.broadcast %add3A_1785 : i32 to vector<16xi32>
            %add3A_1787 = arith.addi %add3A_1651, %add3A_1786 : vector<16xi32>
            %add3A_1788 = arith.constant 4 : i32
            %add3A_1789 = vector.broadcast %add3A_1788 : i32 to vector<16xi32>
            %add3A_1790 = arith.addi %add3A_1654, %add3A_1789 : vector<16xi32>
            %gather3A_1791 = tpu.vector_load_idx %arg5[%add3A_1769] : memref<43536xf32, #tpu.memory_space<vmem>>[vector<16xi32>], vector<16xf32>,
            %mul3A_1792 = arith.constant 2 : i32
            %mul3A_1793 = arith.muli %mul3A_1792, %add3A_107 : i32
            %add3A_1794 = arith.constant 0 : i32
            %add3A_1795 = arith.addi %mul3A_1793, %add3A_1794 : i32
            %mul3A_1796 = arith.constant 16 : i32
            %mul3A_1797 = arith.muli %add3A_1795, %mul3A_1796 : i32
            %swap3A_1798 = arith.constant 12 : i32
            %swap3A_1799 = arith.constant 0 : i32
            %swap3A_1800 = arith.index_cast %swap3A_1798 : i32 to index
            %swap3A_1801 = arith.index_cast %add3A_97 : i32 to index
            %swap3A_1802 = arith.index_cast %swap3A_1799 : i32 to index
            %swap3A_1803 = arith.index_cast %mul3A_1797 : i32 to index
            %swap3A_1804 = tpu.vector_load %arg10[%swap3A_1800, %swap3A_1801, %swap3A_1802, %swap3A_1803] {strides = array<i32>} : memref<16x5x4x128xf32, #tpu.memory_space<vmem>>, vector<16xf32>,
            tpu.vector_store %arg10[%swap3A_1800, %swap3A_1801, %swap3A_1802, %swap3A_1803], %gather3A_1791 {strides = array<i32>} : memref<16x5x4x128xf32, #tpu.memory_space<vmem>>, vector<16xf32>,
            %gather3A_1805 = tpu.vector_load_idx %arg5[%add3A_1772] : memref<43536xf32, #tpu.memory_space<vmem>>[vector<16xi32>], vector<16xf32>,
            %mul3A_1806 = arith.constant 2 : i32
            %mul3A_1807 = arith.muli %mul3A_1806, %add3A_107 : i32
            %add3A_1808 = arith.constant 0 : i32
            %add3A_1809 = arith.addi %mul3A_1807, %add3A_1808 : i32
            %mul3A_1810 = arith.constant 16 : i32
            %mul3A_1811 = arith.muli %add3A_1809, %mul3A_1810 : i32
            %swap3A_1812 = arith.constant 12 : i32
            %swap3A_1813 = arith.constant 1 : i32
            %swap3A_1814 = arith.index_cast %swap3A_1812 : i32 to index
            %swap3A_1815 = arith.index_cast %add3A_97 : i32 to index
            %swap3A_1816 = arith.index_cast %swap3A_1813 : i32 to index
            %swap3A_1817 = arith.index_cast %mul3A_1811 : i32 to index
            %swap3A_1818 = tpu.vector_load %arg10[%swap3A_1814, %swap3A_1815, %swap3A_1816, %swap3A_1817] {strides = array<i32>} : memref<16x5x4x128xf32, #tpu.memory_space<vmem>>, vector<16xf32>,
            tpu.vector_store %arg10[%swap3A_1814, %swap3A_1815, %swap3A_1816, %swap3A_1817], %gather3A_1805 {strides = array<i32>} : memref<16x5x4x128xf32, #tpu.memory_space<vmem>>, vector<16xf32>,
            %gather3A_1819 = tpu.vector_load_idx %arg5[%add3A_1775] : memref<43536xf32, #tpu.memory_space<vmem>>[vector<16xi32>], vector<16xf32>,
            %mul3A_1820 = arith.constant 2 : i32
            %mul3A_1821 = arith.muli %mul3A_1820, %add3A_107 : i32
            %add3A_1822 = arith.constant 0 : i32
            %add3A_1823 = arith.addi %mul3A_1821, %add3A_1822 : i32
            %mul3A_1824 = arith.constant 16 : i32
            %mul3A_1825 = arith.muli %add3A_1823, %mul3A_1824 : i32
            %swap3A_1826 = arith.constant 12 : i32
            %swap3A_1827 = arith.constant 2 : i32
            %swap3A_1828 = arith.index_cast %swap3A_1826 : i32 to index
            %swap3A_1829 = arith.index_cast %add3A_97 : i32 to index
            %swap3A_1830 = arith.index_cast %swap3A_1827 : i32 to index
            %swap3A_1831 = arith.index_cast %mul3A_1825 : i32 to index
            %swap3A_1832 = tpu.vector_load %arg10[%swap3A_1828, %swap3A_1829, %swap3A_1830, %swap3A_1831] {strides = array<i32>} : memref<16x5x4x128xf32, #tpu.memory_space<vmem>>, vector<16xf32>,
            tpu.vector_store %arg10[%swap3A_1828, %swap3A_1829, %swap3A_1830, %swap3A_1831], %gather3A_1819 {strides = array<i32>} : memref<16x5x4x128xf32, #tpu.memory_space<vmem>>, vector<16xf32>,
            %gather3A_1833 = tpu.vector_load_idx %arg5[%add3A_1778] : memref<43536xf32, #tpu.memory_space<vmem>>[vector<16xi32>], vector<16xf32>,
            %mul3A_1834 = arith.constant 2 : i32
            %mul3A_1835 = arith.muli %mul3A_1834, %add3A_107 : i32
            %add3A_1836 = arith.constant 0 : i32
            %add3A_1837 = arith.addi %mul3A_1835, %add3A_1836 : i32
            %mul3A_1838 = arith.constant 16 : i32
            %mul3A_1839 = arith.muli %add3A_1837, %mul3A_1838 : i32
            %swap3A_1840 = arith.constant 12 : i32
            %swap3A_1841 = arith.constant 3 : i32
            %swap3A_1842 = arith.index_cast %swap3A_1840 : i32 to index
            %swap3A_1843 = arith.index_cast %add3A_97 : i32 to index
            %swap3A_1844 = arith.index_cast %swap3A_1841 : i32 to index
            %swap3A_1845 = arith.index_cast %mul3A_1839 : i32 to index
            %swap3A_1846 = tpu.vector_load %arg10[%swap3A_1842, %swap3A_1843, %swap3A_1844, %swap3A_1845] {strides = array<i32>} : memref<16x5x4x128xf32, #tpu.memory_space<vmem>>, vector<16xf32>,
            tpu.vector_store %arg10[%swap3A_1842, %swap3A_1843, %swap3A_1844, %swap3A_1845], %gather3A_1833 {strides = array<i32>} : memref<16x5x4x128xf32, #tpu.memory_space<vmem>>, vector<16xf32>,
            %gather3A_1847 = tpu.vector_load_idx %arg5[%add3A_1781] : memref<43536xf32, #tpu.memory_space<vmem>>[vector<16xi32>], vector<16xf32>,
            %mul3A_1848 = arith.constant 2 : i32
            %mul3A_1849 = arith.muli %mul3A_1848, %add3A_107 : i32
            %add3A_1850 = arith.constant 1 : i32
            %add3A_1851 = arith.addi %mul3A_1849, %add3A_1850 : i32
            %mul3A_1852 = arith.constant 16 : i32
            %mul3A_1853 = arith.muli %add3A_1851, %mul3A_1852 : i32
            %swap3A_1854 = arith.constant 12 : i32
            %swap3A_1855 = arith.constant 0 : i32
            %swap3A_1856 = arith.index_cast %swap3A_1854 : i32 to index
            %swap3A_1857 = arith.index_cast %add3A_97 : i32 to index
            %swap3A_1858 = arith.index_cast %swap3A_1855 : i32 to index
            %swap3A_1859 = arith.index_cast %mul3A_1853 : i32 to index
            %swap3A_1860 = tpu.vector_load %arg10[%swap3A_1856, %swap3A_1857, %swap3A_1858, %swap3A_1859] {strides = array<i32>} : memref<16x5x4x128xf32, #tpu.memory_space<vmem>>, vector<16xf32>,
            tpu.vector_store %arg10[%swap3A_1856, %swap3A_1857, %swap3A_1858, %swap3A_1859], %gather3A_1847 {strides = array<i32>} : memref<16x5x4x128xf32, #tpu.memory_space<vmem>>, vector<16xf32>,
            %gather3A_1861 = tpu.vector_load_idx %arg5[%add3A_1784] : memref<43536xf32, #tpu.memory_space<vmem>>[vector<16xi32>], vector<16xf32>,
            %mul3A_1862 = arith.constant 2 : i32
            %mul3A_1863 = arith.muli %mul3A_1862, %add3A_107 : i32
            %add3A_1864 = arith.constant 1 : i32
            %add3A_1865 = arith.addi %mul3A_1863, %add3A_1864 : i32
            %mul3A_1866 = arith.constant 16 : i32
            %mul3A_1867 = arith.muli %add3A_1865, %mul3A_1866 : i32
            %swap3A_1868 = arith.constant 12 : i32
            %swap3A_1869 = arith.constant 1 : i32
            %swap3A_1870 = arith.index_cast %swap3A_1868 : i32 to index
            %swap3A_1871 = arith.index_cast %add3A_97 : i32 to index
            %swap3A_1872 = arith.index_cast %swap3A_1869 : i32 to index
            %swap3A_1873 = arith.index_cast %mul3A_1867 : i32 to index
            %swap3A_1874 = tpu.vector_load %arg10[%swap3A_1870, %swap3A_1871, %swap3A_1872, %swap3A_1873] {strides = array<i32>} : memref<16x5x4x128xf32, #tpu.memory_space<vmem>>, vector<16xf32>,
            tpu.vector_store %arg10[%swap3A_1870, %swap3A_1871, %swap3A_1872, %swap3A_1873], %gather3A_1861 {strides = array<i32>} : memref<16x5x4x128xf32, #tpu.memory_space<vmem>>, vector<16xf32>,
            %gather3A_1875 = tpu.vector_load_idx %arg5[%add3A_1787] : memref<43536xf32, #tpu.memory_space<vmem>>[vector<16xi32>], vector<16xf32>,
            %mul3A_1876 = arith.constant 2 : i32
            %mul3A_1877 = arith.muli %mul3A_1876, %add3A_107 : i32
            %add3A_1878 = arith.constant 1 : i32
            %add3A_1879 = arith.addi %mul3A_1877, %add3A_1878 : i32
            %mul3A_1880 = arith.constant 16 : i32
            %mul3A_1881 = arith.muli %add3A_1879, %mul3A_1880 : i32
            %swap3A_1882 = arith.constant 12 : i32
            %swap3A_1883 = arith.constant 2 : i32
            %swap3A_1884 = arith.index_cast %swap3A_1882 : i32 to index
            %swap3A_1885 = arith.index_cast %add3A_97 : i32 to index
            %swap3A_1886 = arith.index_cast %swap3A_1883 : i32 to index
            %swap3A_1887 = arith.index_cast %mul3A_1881 : i32 to index
            %swap3A_1888 = tpu.vector_load %arg10[%swap3A_1884, %swap3A_1885, %swap3A_1886, %swap3A_1887] {strides = array<i32>} : memref<16x5x4x128xf32, #tpu.memory_space<vmem>>, vector<16xf32>,
            tpu.vector_store %arg10[%swap3A_1884, %swap3A_1885, %swap3A_1886, %swap3A_1887], %gather3A_1875 {strides = array<i32>} : memref<16x5x4x128xf32, #tpu.memory_space<vmem>>, vector<16xf32>,
            %gather3A_1889 = tpu.vector_load_idx %arg5[%add3A_1790] : memref<43536xf32, #tpu.memory_space<vmem>>[vector<16xi32>], vector<16xf32>,
            %mul3A_1890 = arith.constant 2 : i32
            %mul3A_1891 = arith.muli %mul3A_1890, %add3A_107 : i32
            %add3A_1892 = arith.constant 1 : i32
            %add3A_1893 = arith.addi %mul3A_1891, %add3A_1892 : i32
            %mul3A_1894 = arith.constant 16 : i32
            %mul3A_1895 = arith.muli %add3A_1893, %mul3A_1894 : i32
            %swap3A_1896 = arith.constant 12 : i32
            %swap3A_1897 = arith.constant 3 : i32
            %swap3A_1898 = arith.index_cast %swap3A_1896 : i32 to index
            %swap3A_1899 = arith.index_cast %add3A_97 : i32 to index
            %swap3A_1900 = arith.index_cast %swap3A_1897 : i32 to index
            %swap3A_1901 = arith.index_cast %mul3A_1895 : i32 to index
            %swap3A_1902 = tpu.vector_load %arg10[%swap3A_1898, %swap3A_1899, %swap3A_1900, %swap3A_1901] {strides = array<i32>} : memref<16x5x4x128xf32, #tpu.memory_space<vmem>>, vector<16xf32>,
            tpu.vector_store %arg10[%swap3A_1898, %swap3A_1899, %swap3A_1900, %swap3A_1901], %gather3A_1889 {strides = array<i32>} : memref<16x5x4x128xf32, #tpu.memory_space<vmem>>, vector<16xf32>,
            %add3A_1903 = arith.constant 4 : i32
            %add3A_1904 = vector.broadcast %add3A_1903 : i32 to vector<16xi32>
            %add3A_1905 = arith.addi %add3A_1769, %add3A_1904 : vector<16xi32>
            %add3A_1906 = arith.constant 4 : i32
            %add3A_1907 = vector.broadcast %add3A_1906 : i32 to vector<16xi32>
            %add3A_1908 = arith.addi %add3A_1772, %add3A_1907 : vector<16xi32>
            %add3A_1909 = arith.constant 4 : i32
            %add3A_1910 = vector.broadcast %add3A_1909 : i32 to vector<16xi32>
            %add3A_1911 = arith.addi %add3A_1775, %add3A_1910 : vector<16xi32>
            %add3A_1912 = arith.constant 4 : i32
            %add3A_1913 = vector.broadcast %add3A_1912 : i32 to vector<16xi32>
            %add3A_1914 = arith.addi %add3A_1778, %add3A_1913 : vector<16xi32>
            %add3A_1915 = arith.constant 4 : i32
            %add3A_1916 = vector.broadcast %add3A_1915 : i32 to vector<16xi32>
            %add3A_1917 = arith.addi %add3A_1781, %add3A_1916 : vector<16xi32>
            %add3A_1918 = arith.constant 4 : i32
            %add3A_1919 = vector.broadcast %add3A_1918 : i32 to vector<16xi32>
            %add3A_1920 = arith.addi %add3A_1784, %add3A_1919 : vector<16xi32>
            %add3A_1921 = arith.constant 4 : i32
            %add3A_1922 = vector.broadcast %add3A_1921 : i32 to vector<16xi32>
            %add3A_1923 = arith.addi %add3A_1787, %add3A_1922 : vector<16xi32>
            %add3A_1924 = arith.constant 4 : i32
            %add3A_1925 = vector.broadcast %add3A_1924 : i32 to vector<16xi32>
            %add3A_1926 = arith.addi %add3A_1790, %add3A_1925 : vector<16xi32>
            %gather3A_1927 = tpu.vector_load_idx %arg5[%add3A_1905] : memref<43536xf32, #tpu.memory_space<vmem>>[vector<16xi32>], vector<16xf32>,
            %mul3A_1928 = arith.constant 2 : i32
            %mul3A_1929 = arith.muli %mul3A_1928, %add3A_107 : i32
            %add3A_1930 = arith.constant 0 : i32
            %add3A_1931 = arith.addi %mul3A_1929, %add3A_1930 : i32
            %mul3A_1932 = arith.constant 16 : i32
            %mul3A_1933 = arith.muli %add3A_1931, %mul3A_1932 : i32
            %swap3A_1934 = arith.constant 13 : i32
            %swap3A_1935 = arith.constant 0 : i32
            %swap3A_1936 = arith.index_cast %swap3A_1934 : i32 to index
            %swap3A_1937 = arith.index_cast %add3A_97 : i32 to index
            %swap3A_1938 = arith.index_cast %swap3A_1935 : i32 to index
            %swap3A_1939 = arith.index_cast %mul3A_1933 : i32 to index
            %swap3A_1940 = tpu.vector_load %arg10[%swap3A_1936, %swap3A_1937, %swap3A_1938, %swap3A_1939] {strides = array<i32>} : memref<16x5x4x128xf32, #tpu.memory_space<vmem>>, vector<16xf32>,
            tpu.vector_store %arg10[%swap3A_1936, %swap3A_1937, %swap3A_1938, %swap3A_1939], %gather3A_1927 {strides = array<i32>} : memref<16x5x4x128xf32, #tpu.memory_space<vmem>>, vector<16xf32>,
            %gather3A_1941 = tpu.vector_load_idx %arg5[%add3A_1908] : memref<43536xf32, #tpu.memory_space<vmem>>[vector<16xi32>], vector<16xf32>,
            %mul3A_1942 = arith.constant 2 : i32
            %mul3A_1943 = arith.muli %mul3A_1942, %add3A_107 : i32
            %add3A_1944 = arith.constant 0 : i32
            %add3A_1945 = arith.addi %mul3A_1943, %add3A_1944 : i32
            %mul3A_1946 = arith.constant 16 : i32
            %mul3A_1947 = arith.muli %add3A_1945, %mul3A_1946 : i32
            %swap3A_1948 = arith.constant 13 : i32
            %swap3A_1949 = arith.constant 1 : i32
            %swap3A_1950 = arith.index_cast %swap3A_1948 : i32 to index
            %swap3A_1951 = arith.index_cast %add3A_97 : i32 to index
            %swap3A_1952 = arith.index_cast %swap3A_1949 : i32 to index
            %swap3A_1953 = arith.index_cast %mul3A_1947 : i32 to index
            %swap3A_1954 = tpu.vector_load %arg10[%swap3A_1950, %swap3A_1951, %swap3A_1952, %swap3A_1953] {strides = array<i32>} : memref<16x5x4x128xf32, #tpu.memory_space<vmem>>, vector<16xf32>,
            tpu.vector_store %arg10[%swap3A_1950, %swap3A_1951, %swap3A_1952, %swap3A_1953], %gather3A_1941 {strides = array<i32>} : memref<16x5x4x128xf32, #tpu.memory_space<vmem>>, vector<16xf32>,
            %gather3A_1955 = tpu.vector_load_idx %arg5[%add3A_1911] : memref<43536xf32, #tpu.memory_space<vmem>>[vector<16xi32>], vector<16xf32>,
            %mul3A_1956 = arith.constant 2 : i32
            %mul3A_1957 = arith.muli %mul3A_1956, %add3A_107 : i32
            %add3A_1958 = arith.constant 0 : i32
            %add3A_1959 = arith.addi %mul3A_1957, %add3A_1958 : i32
            %mul3A_1960 = arith.constant 16 : i32
            %mul3A_1961 = arith.muli %add3A_1959, %mul3A_1960 : i32
            %swap3A_1962 = arith.constant 13 : i32
            %swap3A_1963 = arith.constant 2 : i32
            %swap3A_1964 = arith.index_cast %swap3A_1962 : i32 to index
            %swap3A_1965 = arith.index_cast %add3A_97 : i32 to index
            %swap3A_1966 = arith.index_cast %swap3A_1963 : i32 to index
            %swap3A_1967 = arith.index_cast %mul3A_1961 : i32 to index
            %swap3A_1968 = tpu.vector_load %arg10[%swap3A_1964, %swap3A_1965, %swap3A_1966, %swap3A_1967] {strides = array<i32>} : memref<16x5x4x128xf32, #tpu.memory_space<vmem>>, vector<16xf32>,
            tpu.vector_store %arg10[%swap3A_1964, %swap3A_1965, %swap3A_1966, %swap3A_1967], %gather3A_1955 {strides = array<i32>} : memref<16x5x4x128xf32, #tpu.memory_space<vmem>>, vector<16xf32>,
            %gather3A_1969 = tpu.vector_load_idx %arg5[%add3A_1914] : memref<43536xf32, #tpu.memory_space<vmem>>[vector<16xi32>], vector<16xf32>,
            %mul3A_1970 = arith.constant 2 : i32
            %mul3A_1971 = arith.muli %mul3A_1970, %add3A_107 : i32
            %add3A_1972 = arith.constant 0 : i32
            %add3A_1973 = arith.addi %mul3A_1971, %add3A_1972 : i32
            %mul3A_1974 = arith.constant 16 : i32
            %mul3A_1975 = arith.muli %add3A_1973, %mul3A_1974 : i32
            %swap3A_1976 = arith.constant 13 : i32
            %swap3A_1977 = arith.constant 3 : i32
            %swap3A_1978 = arith.index_cast %swap3A_1976 : i32 to index
            %swap3A_1979 = arith.index_cast %add3A_97 : i32 to index
            %swap3A_1980 = arith.index_cast %swap3A_1977 : i32 to index
            %swap3A_1981 = arith.index_cast %mul3A_1975 : i32 to index
            %swap3A_1982 = tpu.vector_load %arg10[%swap3A_1978, %swap3A_1979, %swap3A_1980, %swap3A_1981] {strides = array<i32>} : memref<16x5x4x128xf32, #tpu.memory_space<vmem>>, vector<16xf32>,
            tpu.vector_store %arg10[%swap3A_1978, %swap3A_1979, %swap3A_1980, %swap3A_1981], %gather3A_1969 {strides = array<i32>} : memref<16x5x4x128xf32, #tpu.memory_space<vmem>>, vector<16xf32>,
            %gather3A_1983 = tpu.vector_load_idx %arg5[%add3A_1917] : memref<43536xf32, #tpu.memory_space<vmem>>[vector<16xi32>], vector<16xf32>,
            %mul3A_1984 = arith.constant 2 : i32
            %mul3A_1985 = arith.muli %mul3A_1984, %add3A_107 : i32
            %add3A_1986 = arith.constant 1 : i32
            %add3A_1987 = arith.addi %mul3A_1985, %add3A_1986 : i32
            %mul3A_1988 = arith.constant 16 : i32
            %mul3A_1989 = arith.muli %add3A_1987, %mul3A_1988 : i32
            %swap3A_1990 = arith.constant 13 : i32
            %swap3A_1991 = arith.constant 0 : i32
            %swap3A_1992 = arith.index_cast %swap3A_1990 : i32 to index
            %swap3A_1993 = arith.index_cast %add3A_97 : i32 to index
            %swap3A_1994 = arith.index_cast %swap3A_1991 : i32 to index
            %swap3A_1995 = arith.index_cast %mul3A_1989 : i32 to index
            %swap3A_1996 = tpu.vector_load %arg10[%swap3A_1992, %swap3A_1993, %swap3A_1994, %swap3A_1995] {strides = array<i32>} : memref<16x5x4x128xf32, #tpu.memory_space<vmem>>, vector<16xf32>,
            tpu.vector_store %arg10[%swap3A_1992, %swap3A_1993, %swap3A_1994, %swap3A_1995], %gather3A_1983 {strides = array<i32>} : memref<16x5x4x128xf32, #tpu.memory_space<vmem>>, vector<16xf32>,
            %gather3A_1997 = tpu.vector_load_idx %arg5[%add3A_1920] : memref<43536xf32, #tpu.memory_space<vmem>>[vector<16xi32>], vector<16xf32>,
            %mul3A_1998 = arith.constant 2 : i32
            %mul3A_1999 = arith.muli %mul3A_1998, %add3A_107 : i32
            %add3A_2000 = arith.constant 1 : i32
            %add3A_2001 = arith.addi %mul3A_1999, %add3A_2000 : i32
            %mul3A_2002 = arith.constant 16 : i32
            %mul3A_2003 = arith.muli %add3A_2001, %mul3A_2002 : i32
            %swap3A_2004 = arith.constant 13 : i32
            %swap3A_2005 = arith.constant 1 : i32
            %swap3A_2006 = arith.index_cast %swap3A_2004 : i32 to index
            %swap3A_2007 = arith.index_cast %add3A_97 : i32 to index
            %swap3A_2008 = arith.index_cast %swap3A_2005 : i32 to index
            %swap3A_2009 = arith.index_cast %mul3A_2003 : i32 to index
            %swap3A_2010 = tpu.vector_load %arg10[%swap3A_2006, %swap3A_2007, %swap3A_2008, %swap3A_2009] {strides = array<i32>} : memref<16x5x4x128xf32, #tpu.memory_space<vmem>>, vector<16xf32>,
            tpu.vector_store %arg10[%swap3A_2006, %swap3A_2007, %swap3A_2008, %swap3A_2009], %gather3A_1997 {strides = array<i32>} : memref<16x5x4x128xf32, #tpu.memory_space<vmem>>, vector<16xf32>,
            %gather3A_2011 = tpu.vector_load_idx %arg5[%add3A_1923] : memref<43536xf32, #tpu.memory_space<vmem>>[vector<16xi32>], vector<16xf32>,
            %mul3A_2012 = arith.constant 2 : i32
            %mul3A_2013 = arith.muli %mul3A_2012, %add3A_107 : i32
            %add3A_2014 = arith.constant 1 : i32
            %add3A_2015 = arith.addi %mul3A_2013, %add3A_2014 : i32
            %mul3A_2016 = arith.constant 16 : i32
            %mul3A_2017 = arith.muli %add3A_2015, %mul3A_2016 : i32
            %swap3A_2018 = arith.constant 13 : i32
            %swap3A_2019 = arith.constant 2 : i32
            %swap3A_2020 = arith.index_cast %swap3A_2018 : i32 to index
            %swap3A_2021 = arith.index_cast %add3A_97 : i32 to index
            %swap3A_2022 = arith.index_cast %swap3A_2019 : i32 to index
            %swap3A_2023 = arith.index_cast %mul3A_2017 : i32 to index
            %swap3A_2024 = tpu.vector_load %arg10[%swap3A_2020, %swap3A_2021, %swap3A_2022, %swap3A_2023] {strides = array<i32>} : memref<16x5x4x128xf32, #tpu.memory_space<vmem>>, vector<16xf32>,
            tpu.vector_store %arg10[%swap3A_2020, %swap3A_2021, %swap3A_2022, %swap3A_2023], %gather3A_2011 {strides = array<i32>} : memref<16x5x4x128xf32, #tpu.memory_space<vmem>>, vector<16xf32>,
            %gather3A_2025 = tpu.vector_load_idx %arg5[%add3A_1926] : memref<43536xf32, #tpu.memory_space<vmem>>[vector<16xi32>], vector<16xf32>,
            %mul3A_2026 = arith.constant 2 : i32
            %mul3A_2027 = arith.muli %mul3A_2026, %add3A_107 : i32
            %add3A_2028 = arith.constant 1 : i32
            %add3A_2029 = arith.addi %mul3A_2027, %add3A_2028 : i32
            %mul3A_2030 = arith.constant 16 : i32
            %mul3A_2031 = arith.muli %add3A_2029, %mul3A_2030 : i32
            %swap3A_2032 = arith.constant 13 : i32
            %swap3A_2033 = arith.constant 3 : i32
            %swap3A_2034 = arith.index_cast %swap3A_2032 : i32 to index
            %swap3A_2035 = arith.index_cast %add3A_97 : i32 to index
            %swap3A_2036 = arith.index_cast %swap3A_2033 : i32 to index
            %swap3A_2037 = arith.index_cast %mul3A_2031 : i32 to index
            %swap3A_2038 = tpu.vector_load %arg10[%swap3A_2034, %swap3A_2035, %swap3A_2036, %swap3A_2037] {strides = array<i32>} : memref<16x5x4x128xf32, #tpu.memory_space<vmem>>, vector<16xf32>,
            tpu.vector_store %arg10[%swap3A_2034, %swap3A_2035, %swap3A_2036, %swap3A_2037], %gather3A_2025 {strides = array<i32>} : memref<16x5x4x128xf32, #tpu.memory_space<vmem>>, vector<16xf32>,
            %add3A_2039 = arith.constant 4 : i32
            %add3A_2040 = vector.broadcast %add3A_2039 : i32 to vector<16xi32>
            %add3A_2041 = arith.addi %add3A_1905, %add3A_2040 : vector<16xi32>
            %add3A_2042 = arith.constant 4 : i32
            %add3A_2043 = vector.broadcast %add3A_2042 : i32 to vector<16xi32>
            %add3A_2044 = arith.addi %add3A_1908, %add3A_2043 : vector<16xi32>
            %add3A_2045 = arith.constant 4 : i32
            %add3A_2046 = vector.broadcast %add3A_2045 : i32 to vector<16xi32>
            %add3A_2047 = arith.addi %add3A_1911, %add3A_2046 : vector<16xi32>
            %add3A_2048 = arith.constant 4 : i32
            %add3A_2049 = vector.broadcast %add3A_2048 : i32 to vector<16xi32>
            %add3A_2050 = arith.addi %add3A_1914, %add3A_2049 : vector<16xi32>
            %add3A_2051 = arith.constant 4 : i32
            %add3A_2052 = vector.broadcast %add3A_2051 : i32 to vector<16xi32>
            %add3A_2053 = arith.addi %add3A_1917, %add3A_2052 : vector<16xi32>
            %add3A_2054 = arith.constant 4 : i32
            %add3A_2055 = vector.broadcast %add3A_2054 : i32 to vector<16xi32>
            %add3A_2056 = arith.addi %add3A_1920, %add3A_2055 : vector<16xi32>
            %add3A_2057 = arith.constant 4 : i32
            %add3A_2058 = vector.broadcast %add3A_2057 : i32 to vector<16xi32>
            %add3A_2059 = arith.addi %add3A_1923, %add3A_2058 : vector<16xi32>
            %add3A_2060 = arith.constant 4 : i32
            %add3A_2061 = vector.broadcast %add3A_2060 : i32 to vector<16xi32>
            %add3A_2062 = arith.addi %add3A_1926, %add3A_2061 : vector<16xi32>
            %gather3A_2063 = tpu.vector_load_idx %arg5[%add3A_2041] : memref<43536xf32, #tpu.memory_space<vmem>>[vector<16xi32>], vector<16xf32>,
            %mul3A_2064 = arith.constant 2 : i32
            %mul3A_2065 = arith.muli %mul3A_2064, %add3A_107 : i32
            %add3A_2066 = arith.constant 0 : i32
            %add3A_2067 = arith.addi %mul3A_2065, %add3A_2066 : i32
            %mul3A_2068 = arith.constant 16 : i32
            %mul3A_2069 = arith.muli %add3A_2067, %mul3A_2068 : i32
            %swap3A_2070 = arith.constant 14 : i32
            %swap3A_2071 = arith.constant 0 : i32
            %swap3A_2072 = arith.index_cast %swap3A_2070 : i32 to index
            %swap3A_2073 = arith.index_cast %add3A_97 : i32 to index
            %swap3A_2074 = arith.index_cast %swap3A_2071 : i32 to index
            %swap3A_2075 = arith.index_cast %mul3A_2069 : i32 to index
            %swap3A_2076 = tpu.vector_load %arg10[%swap3A_2072, %swap3A_2073, %swap3A_2074, %swap3A_2075] {strides = array<i32>} : memref<16x5x4x128xf32, #tpu.memory_space<vmem>>, vector<16xf32>,
            tpu.vector_store %arg10[%swap3A_2072, %swap3A_2073, %swap3A_2074, %swap3A_2075], %gather3A_2063 {strides = array<i32>} : memref<16x5x4x128xf32, #tpu.memory_space<vmem>>, vector<16xf32>,
            %gather3A_2077 = tpu.vector_load_idx %arg5[%add3A_2044] : memref<43536xf32, #tpu.memory_space<vmem>>[vector<16xi32>], vector<16xf32>,
            %mul3A_2078 = arith.constant 2 : i32
            %mul3A_2079 = arith.muli %mul3A_2078, %add3A_107 : i32
            %add3A_2080 = arith.constant 0 : i32
            %add3A_2081 = arith.addi %mul3A_2079, %add3A_2080 : i32
            %mul3A_2082 = arith.constant 16 : i32
            %mul3A_2083 = arith.muli %add3A_2081, %mul3A_2082 : i32
            %swap3A_2084 = arith.constant 14 : i32
            %swap3A_2085 = arith.constant 1 : i32
            %swap3A_2086 = arith.index_cast %swap3A_2084 : i32 to index
            %swap3A_2087 = arith.index_cast %add3A_97 : i32 to index
            %swap3A_2088 = arith.index_cast %swap3A_2085 : i32 to index
            %swap3A_2089 = arith.index_cast %mul3A_2083 : i32 to index
            %swap3A_2090 = tpu.vector_load %arg10[%swap3A_2086, %swap3A_2087, %swap3A_2088, %swap3A_2089] {strides = array<i32>} : memref<16x5x4x128xf32, #tpu.memory_space<vmem>>, vector<16xf32>,
            tpu.vector_store %arg10[%swap3A_2086, %swap3A_2087, %swap3A_2088, %swap3A_2089], %gather3A_2077 {strides = array<i32>} : memref<16x5x4x128xf32, #tpu.memory_space<vmem>>, vector<16xf32>,
            %gather3A_2091 = tpu.vector_load_idx %arg5[%add3A_2047] : memref<43536xf32, #tpu.memory_space<vmem>>[vector<16xi32>], vector<16xf32>,
            %mul3A_2092 = arith.constant 2 : i32
            %mul3A_2093 = arith.muli %mul3A_2092, %add3A_107 : i32
            %add3A_2094 = arith.constant 0 : i32
            %add3A_2095 = arith.addi %mul3A_2093, %add3A_2094 : i32
            %mul3A_2096 = arith.constant 16 : i32
            %mul3A_2097 = arith.muli %add3A_2095, %mul3A_2096 : i32
            %swap3A_2098 = arith.constant 14 : i32
            %swap3A_2099 = arith.constant 2 : i32
            %swap3A_2100 = arith.index_cast %swap3A_2098 : i32 to index
            %swap3A_2101 = arith.index_cast %add3A_97 : i32 to index
            %swap3A_2102 = arith.index_cast %swap3A_2099 : i32 to index
            %swap3A_2103 = arith.index_cast %mul3A_2097 : i32 to index
            %swap3A_2104 = tpu.vector_load %arg10[%swap3A_2100, %swap3A_2101, %swap3A_2102, %swap3A_2103] {strides = array<i32>} : memref<16x5x4x128xf32, #tpu.memory_space<vmem>>, vector<16xf32>,
            tpu.vector_store %arg10[%swap3A_2100, %swap3A_2101, %swap3A_2102, %swap3A_2103], %gather3A_2091 {strides = array<i32>} : memref<16x5x4x128xf32, #tpu.memory_space<vmem>>, vector<16xf32>,
            %gather3A_2105 = tpu.vector_load_idx %arg5[%add3A_2050] : memref<43536xf32, #tpu.memory_space<vmem>>[vector<16xi32>], vector<16xf32>,
            %mul3A_2106 = arith.constant 2 : i32
            %mul3A_2107 = arith.muli %mul3A_2106, %add3A_107 : i32
            %add3A_2108 = arith.constant 0 : i32
            %add3A_2109 = arith.addi %mul3A_2107, %add3A_2108 : i32
            %mul3A_2110 = arith.constant 16 : i32
            %mul3A_2111 = arith.muli %add3A_2109, %mul3A_2110 : i32
            %swap3A_2112 = arith.constant 14 : i32
            %swap3A_2113 = arith.constant 3 : i32
            %swap3A_2114 = arith.index_cast %swap3A_2112 : i32 to index
            %swap3A_2115 = arith.index_cast %add3A_97 : i32 to index
            %swap3A_2116 = arith.index_cast %swap3A_2113 : i32 to index
            %swap3A_2117 = arith.index_cast %mul3A_2111 : i32 to index
            %swap3A_2118 = tpu.vector_load %arg10[%swap3A_2114, %swap3A_2115, %swap3A_2116, %swap3A_2117] {strides = array<i32>} : memref<16x5x4x128xf32, #tpu.memory_space<vmem>>, vector<16xf32>,
            tpu.vector_store %arg10[%swap3A_2114, %swap3A_2115, %swap3A_2116, %swap3A_2117], %gather3A_2105 {strides = array<i32>} : memref<16x5x4x128xf32, #tpu.memory_space<vmem>>, vector<16xf32>,
            %gather3A_2119 = tpu.vector_load_idx %arg5[%add3A_2053] : memref<43536xf32, #tpu.memory_space<vmem>>[vector<16xi32>], vector<16xf32>,
            %mul3A_2120 = arith.constant 2 : i32
            %mul3A_2121 = arith.muli %mul3A_2120, %add3A_107 : i32
            %add3A_2122 = arith.constant 1 : i32
            %add3A_2123 = arith.addi %mul3A_2121, %add3A_2122 : i32
            %mul3A_2124 = arith.constant 16 : i32
            %mul3A_2125 = arith.muli %add3A_2123, %mul3A_2124 : i32
            %swap3A_2126 = arith.constant 14 : i32
            %swap3A_2127 = arith.constant 0 : i32
            %swap3A_2128 = arith.index_cast %swap3A_2126 : i32 to index
            %swap3A_2129 = arith.index_cast %add3A_97 : i32 to index
            %swap3A_2130 = arith.index_cast %swap3A_2127 : i32 to index
            %swap3A_2131 = arith.index_cast %mul3A_2125 : i32 to index
            %swap3A_2132 = tpu.vector_load %arg10[%swap3A_2128, %swap3A_2129, %swap3A_2130, %swap3A_2131] {strides = array<i32>} : memref<16x5x4x128xf32, #tpu.memory_space<vmem>>, vector<16xf32>,
            tpu.vector_store %arg10[%swap3A_2128, %swap3A_2129, %swap3A_2130, %swap3A_2131], %gather3A_2119 {strides = array<i32>} : memref<16x5x4x128xf32, #tpu.memory_space<vmem>>, vector<16xf32>,
            %gather3A_2133 = tpu.vector_load_idx %arg5[%add3A_2056] : memref<43536xf32, #tpu.memory_space<vmem>>[vector<16xi32>], vector<16xf32>,
            %mul3A_2134 = arith.constant 2 : i32
            %mul3A_2135 = arith.muli %mul3A_2134, %add3A_107 : i32
            %add3A_2136 = arith.constant 1 : i32
            %add3A_2137 = arith.addi %mul3A_2135, %add3A_2136 : i32
            %mul3A_2138 = arith.constant 16 : i32
            %mul3A_2139 = arith.muli %add3A_2137, %mul3A_2138 : i32
            %swap3A_2140 = arith.constant 14 : i32
            %swap3A_2141 = arith.constant 1 : i32
            %swap3A_2142 = arith.index_cast %swap3A_2140 : i32 to index
            %swap3A_2143 = arith.index_cast %add3A_97 : i32 to index
            %swap3A_2144 = arith.index_cast %swap3A_2141 : i32 to index
            %swap3A_2145 = arith.index_cast %mul3A_2139 : i32 to index
            %swap3A_2146 = tpu.vector_load %arg10[%swap3A_2142, %swap3A_2143, %swap3A_2144, %swap3A_2145] {strides = array<i32>} : memref<16x5x4x128xf32, #tpu.memory_space<vmem>>, vector<16xf32>,
            tpu.vector_store %arg10[%swap3A_2142, %swap3A_2143, %swap3A_2144, %swap3A_2145], %gather3A_2133 {strides = array<i32>} : memref<16x5x4x128xf32, #tpu.memory_space<vmem>>, vector<16xf32>,
            %gather3A_2147 = tpu.vector_load_idx %arg5[%add3A_2059] : memref<43536xf32, #tpu.memory_space<vmem>>[vector<16xi32>], vector<16xf32>,
            %mul3A_2148 = arith.constant 2 : i32
            %mul3A_2149 = arith.muli %mul3A_2148, %add3A_107 : i32
            %add3A_2150 = arith.constant 1 : i32
            %add3A_2151 = arith.addi %mul3A_2149, %add3A_2150 : i32
            %mul3A_2152 = arith.constant 16 : i32
            %mul3A_2153 = arith.muli %add3A_2151, %mul3A_2152 : i32
            %swap3A_2154 = arith.constant 14 : i32
            %swap3A_2155 = arith.constant 2 : i32
            %swap3A_2156 = arith.index_cast %swap3A_2154 : i32 to index
            %swap3A_2157 = arith.index_cast %add3A_97 : i32 to index
            %swap3A_2158 = arith.index_cast %swap3A_2155 : i32 to index
            %swap3A_2159 = arith.index_cast %mul3A_2153 : i32 to index
            %swap3A_2160 = tpu.vector_load %arg10[%swap3A_2156, %swap3A_2157, %swap3A_2158, %swap3A_2159] {strides = array<i32>} : memref<16x5x4x128xf32, #tpu.memory_space<vmem>>, vector<16xf32>,
            tpu.vector_store %arg10[%swap3A_2156, %swap3A_2157, %swap3A_2158, %swap3A_2159], %gather3A_2147 {strides = array<i32>} : memref<16x5x4x128xf32, #tpu.memory_space<vmem>>, vector<16xf32>,
            %gather3A_2161 = tpu.vector_load_idx %arg5[%add3A_2062] : memref<43536xf32, #tpu.memory_space<vmem>>[vector<16xi32>], vector<16xf32>,
            %mul3A_2162 = arith.constant 2 : i32
            %mul3A_2163 = arith.muli %mul3A_2162, %add3A_107 : i32
            %add3A_2164 = arith.constant 1 : i32
            %add3A_2165 = arith.addi %mul3A_2163, %add3A_2164 : i32
            %mul3A_2166 = arith.constant 16 : i32
            %mul3A_2167 = arith.muli %add3A_2165, %mul3A_2166 : i32
            %swap3A_2168 = arith.constant 14 : i32
            %swap3A_2169 = arith.constant 3 : i32
            %swap3A_2170 = arith.index_cast %swap3A_2168 : i32 to index
            %swap3A_2171 = arith.index_cast %add3A_97 : i32 to index
            %swap3A_2172 = arith.index_cast %swap3A_2169 : i32 to index
            %swap3A_2173 = arith.index_cast %mul3A_2167 : i32 to index
            %swap3A_2174 = tpu.vector_load %arg10[%swap3A_2170, %swap3A_2171, %swap3A_2172, %swap3A_2173] {strides = array<i32>} : memref<16x5x4x128xf32, #tpu.memory_space<vmem>>, vector<16xf32>,
            tpu.vector_store %arg10[%swap3A_2170, %swap3A_2171, %swap3A_2172, %swap3A_2173], %gather3A_2161 {strides = array<i32>} : memref<16x5x4x128xf32, #tpu.memory_space<vmem>>, vector<16xf32>,
            %add3A_2175 = arith.constant 4 : i32
            %add3A_2176 = vector.broadcast %add3A_2175 : i32 to vector<16xi32>
            %add3A_2177 = arith.addi %add3A_2041, %add3A_2176 : vector<16xi32>
            %add3A_2178 = arith.constant 4 : i32
            %add3A_2179 = vector.broadcast %add3A_2178 : i32 to vector<16xi32>
            %add3A_2180 = arith.addi %add3A_2044, %add3A_2179 : vector<16xi32>
            %add3A_2181 = arith.constant 4 : i32
            %add3A_2182 = vector.broadcast %add3A_2181 : i32 to vector<16xi32>
            %add3A_2183 = arith.addi %add3A_2047, %add3A_2182 : vector<16xi32>
            %add3A_2184 = arith.constant 4 : i32
            %add3A_2185 = vector.broadcast %add3A_2184 : i32 to vector<16xi32>
            %add3A_2186 = arith.addi %add3A_2050, %add3A_2185 : vector<16xi32>
            %add3A_2187 = arith.constant 4 : i32
            %add3A_2188 = vector.broadcast %add3A_2187 : i32 to vector<16xi32>
            %add3A_2189 = arith.addi %add3A_2053, %add3A_2188 : vector<16xi32>
            %add3A_2190 = arith.constant 4 : i32
            %add3A_2191 = vector.broadcast %add3A_2190 : i32 to vector<16xi32>
            %add3A_2192 = arith.addi %add3A_2056, %add3A_2191 : vector<16xi32>
            %add3A_2193 = arith.constant 4 : i32
            %add3A_2194 = vector.broadcast %add3A_2193 : i32 to vector<16xi32>
            %add3A_2195 = arith.addi %add3A_2059, %add3A_2194 : vector<16xi32>
            %add3A_2196 = arith.constant 4 : i32
            %add3A_2197 = vector.broadcast %add3A_2196 : i32 to vector<16xi32>
            %add3A_2198 = arith.addi %add3A_2062, %add3A_2197 : vector<16xi32>
            %gather3A_2199 = tpu.vector_load_idx %arg5[%add3A_2177] : memref<43536xf32, #tpu.memory_space<vmem>>[vector<16xi32>], vector<16xf32>,
            %mul3A_2200 = arith.constant 2 : i32
            %mul3A_2201 = arith.muli %mul3A_2200, %add3A_107 : i32
            %add3A_2202 = arith.constant 0 : i32
            %add3A_2203 = arith.addi %mul3A_2201, %add3A_2202 : i32
            %mul3A_2204 = arith.constant 16 : i32
            %mul3A_2205 = arith.muli %add3A_2203, %mul3A_2204 : i32
            %swap3A_2206 = arith.constant 15 : i32
            %swap3A_2207 = arith.constant 0 : i32
            %swap3A_2208 = arith.index_cast %swap3A_2206 : i32 to index
            %swap3A_2209 = arith.index_cast %add3A_97 : i32 to index
            %swap3A_2210 = arith.index_cast %swap3A_2207 : i32 to index
            %swap3A_2211 = arith.index_cast %mul3A_2205 : i32 to index
            %swap3A_2212 = tpu.vector_load %arg10[%swap3A_2208, %swap3A_2209, %swap3A_2210, %swap3A_2211] {strides = array<i32>} : memref<16x5x4x128xf32, #tpu.memory_space<vmem>>, vector<16xf32>,
            tpu.vector_store %arg10[%swap3A_2208, %swap3A_2209, %swap3A_2210, %swap3A_2211], %gather3A_2199 {strides = array<i32>} : memref<16x5x4x128xf32, #tpu.memory_space<vmem>>, vector<16xf32>,
            %gather3A_2213 = tpu.vector_load_idx %arg5[%add3A_2180] : memref<43536xf32, #tpu.memory_space<vmem>>[vector<16xi32>], vector<16xf32>,
            %mul3A_2214 = arith.constant 2 : i32
            %mul3A_2215 = arith.muli %mul3A_2214, %add3A_107 : i32
            %add3A_2216 = arith.constant 0 : i32
            %add3A_2217 = arith.addi %mul3A_2215, %add3A_2216 : i32
            %mul3A_2218 = arith.constant 16 : i32
            %mul3A_2219 = arith.muli %add3A_2217, %mul3A_2218 : i32
            %swap3A_2220 = arith.constant 15 : i32
            %swap3A_2221 = arith.constant 1 : i32
            %swap3A_2222 = arith.index_cast %swap3A_2220 : i32 to index
            %swap3A_2223 = arith.index_cast %add3A_97 : i32 to index
            %swap3A_2224 = arith.index_cast %swap3A_2221 : i32 to index
            %swap3A_2225 = arith.index_cast %mul3A_2219 : i32 to index
            %swap3A_2226 = tpu.vector_load %arg10[%swap3A_2222, %swap3A_2223, %swap3A_2224, %swap3A_2225] {strides = array<i32>} : memref<16x5x4x128xf32, #tpu.memory_space<vmem>>, vector<16xf32>,
            tpu.vector_store %arg10[%swap3A_2222, %swap3A_2223, %swap3A_2224, %swap3A_2225], %gather3A_2213 {strides = array<i32>} : memref<16x5x4x128xf32, #tpu.memory_space<vmem>>, vector<16xf32>,
            %gather3A_2227 = tpu.vector_load_idx %arg5[%add3A_2183] : memref<43536xf32, #tpu.memory_space<vmem>>[vector<16xi32>], vector<16xf32>,
            %mul3A_2228 = arith.constant 2 : i32
            %mul3A_2229 = arith.muli %mul3A_2228, %add3A_107 : i32
            %add3A_2230 = arith.constant 0 : i32
            %add3A_2231 = arith.addi %mul3A_2229, %add3A_2230 : i32
            %mul3A_2232 = arith.constant 16 : i32
            %mul3A_2233 = arith.muli %add3A_2231, %mul3A_2232 : i32
            %swap3A_2234 = arith.constant 15 : i32
            %swap3A_2235 = arith.constant 2 : i32
            %swap3A_2236 = arith.index_cast %swap3A_2234 : i32 to index
            %swap3A_2237 = arith.index_cast %add3A_97 : i32 to index
            %swap3A_2238 = arith.index_cast %swap3A_2235 : i32 to index
            %swap3A_2239 = arith.index_cast %mul3A_2233 : i32 to index
            %swap3A_2240 = tpu.vector_load %arg10[%swap3A_2236, %swap3A_2237, %swap3A_2238, %swap3A_2239] {strides = array<i32>} : memref<16x5x4x128xf32, #tpu.memory_space<vmem>>, vector<16xf32>,
            tpu.vector_store %arg10[%swap3A_2236, %swap3A_2237, %swap3A_2238, %swap3A_2239], %gather3A_2227 {strides = array<i32>} : memref<16x5x4x128xf32, #tpu.memory_space<vmem>>, vector<16xf32>,
            %gather3A_2241 = tpu.vector_load_idx %arg5[%add3A_2186] : memref<43536xf32, #tpu.memory_space<vmem>>[vector<16xi32>], vector<16xf32>,
            %mul3A_2242 = arith.constant 2 : i32
            %mul3A_2243 = arith.muli %mul3A_2242, %add3A_107 : i32
            %add3A_2244 = arith.constant 0 : i32
            %add3A_2245 = arith.addi %mul3A_2243, %add3A_2244 : i32
            %mul3A_2246 = arith.constant 16 : i32
            %mul3A_2247 = arith.muli %add3A_2245, %mul3A_2246 : i32
            %swap3A_2248 = arith.constant 15 : i32
            %swap3A_2249 = arith.constant 3 : i32
            %swap3A_2250 = arith.index_cast %swap3A_2248 : i32 to index
            %swap3A_2251 = arith.index_cast %add3A_97 : i32 to index
            %swap3A_2252 = arith.index_cast %swap3A_2249 : i32 to index
            %swap3A_2253 = arith.index_cast %mul3A_2247 : i32 to index
            %swap3A_2254 = tpu.vector_load %arg10[%swap3A_2250, %swap3A_2251, %swap3A_2252, %swap3A_2253] {strides = array<i32>} : memref<16x5x4x128xf32, #tpu.memory_space<vmem>>, vector<16xf32>,
            tpu.vector_store %arg10[%swap3A_2250, %swap3A_2251, %swap3A_2252, %swap3A_2253], %gather3A_2241 {strides = array<i32>} : memref<16x5x4x128xf32, #tpu.memory_space<vmem>>, vector<16xf32>,
            %gather3A_2255 = tpu.vector_load_idx %arg5[%add3A_2189] : memref<43536xf32, #tpu.memory_space<vmem>>[vector<16xi32>], vector<16xf32>,
            %mul3A_2256 = arith.constant 2 : i32
            %mul3A_2257 = arith.muli %mul3A_2256, %add3A_107 : i32
            %add3A_2258 = arith.constant 1 : i32
            %add3A_2259 = arith.addi %mul3A_2257, %add3A_2258 : i32
            %mul3A_2260 = arith.constant 16 : i32
            %mul3A_2261 = arith.muli %add3A_2259, %mul3A_2260 : i32
            %swap3A_2262 = arith.constant 15 : i32
            %swap3A_2263 = arith.constant 0 : i32
            %swap3A_2264 = arith.index_cast %swap3A_2262 : i32 to index
            %swap3A_2265 = arith.index_cast %add3A_97 : i32 to index
            %swap3A_2266 = arith.index_cast %swap3A_2263 : i32 to index
            %swap3A_2267 = arith.index_cast %mul3A_2261 : i32 to index
            %swap3A_2268 = tpu.vector_load %arg10[%swap3A_2264, %swap3A_2265, %swap3A_2266, %swap3A_2267] {strides = array<i32>} : memref<16x5x4x128xf32, #tpu.memory_space<vmem>>, vector<16xf32>,
            tpu.vector_store %arg10[%swap3A_2264, %swap3A_2265, %swap3A_2266, %swap3A_2267], %gather3A_2255 {strides = array<i32>} : memref<16x5x4x128xf32, #tpu.memory_space<vmem>>, vector<16xf32>,
            %gather3A_2269 = tpu.vector_load_idx %arg5[%add3A_2192] : memref<43536xf32, #tpu.memory_space<vmem>>[vector<16xi32>], vector<16xf32>,
            %mul3A_2270 = arith.constant 2 : i32
            %mul3A_2271 = arith.muli %mul3A_2270, %add3A_107 : i32
            %add3A_2272 = arith.constant 1 : i32
            %add3A_2273 = arith.addi %mul3A_2271, %add3A_2272 : i32
            %mul3A_2274 = arith.constant 16 : i32
            %mul3A_2275 = arith.muli %add3A_2273, %mul3A_2274 : i32
            %swap3A_2276 = arith.constant 15 : i32
            %swap3A_2277 = arith.constant 1 : i32
            %swap3A_2278 = arith.index_cast %swap3A_2276 : i32 to index
            %swap3A_2279 = arith.index_cast %add3A_97 : i32 to index
            %swap3A_2280 = arith.index_cast %swap3A_2277 : i32 to index
            %swap3A_2281 = arith.index_cast %mul3A_2275 : i32 to index
            %swap3A_2282 = tpu.vector_load %arg10[%swap3A_2278, %swap3A_2279, %swap3A_2280, %swap3A_2281] {strides = array<i32>} : memref<16x5x4x128xf32, #tpu.memory_space<vmem>>, vector<16xf32>,
            tpu.vector_store %arg10[%swap3A_2278, %swap3A_2279, %swap3A_2280, %swap3A_2281], %gather3A_2269 {strides = array<i32>} : memref<16x5x4x128xf32, #tpu.memory_space<vmem>>, vector<16xf32>,
            %gather3A_2283 = tpu.vector_load_idx %arg5[%add3A_2195] : memref<43536xf32, #tpu.memory_space<vmem>>[vector<16xi32>], vector<16xf32>,
            %mul3A_2284 = arith.constant 2 : i32
            %mul3A_2285 = arith.muli %mul3A_2284, %add3A_107 : i32
            %add3A_2286 = arith.constant 1 : i32
            %add3A_2287 = arith.addi %mul3A_2285, %add3A_2286 : i32
            %mul3A_2288 = arith.constant 16 : i32
            %mul3A_2289 = arith.muli %add3A_2287, %mul3A_2288 : i32
            %swap3A_2290 = arith.constant 15 : i32
            %swap3A_2291 = arith.constant 2 : i32
            %swap3A_2292 = arith.index_cast %swap3A_2290 : i32 to index
            %swap3A_2293 = arith.index_cast %add3A_97 : i32 to index
            %swap3A_2294 = arith.index_cast %swap3A_2291 : i32 to index
            %swap3A_2295 = arith.index_cast %mul3A_2289 : i32 to index
            %swap3A_2296 = tpu.vector_load %arg10[%swap3A_2292, %swap3A_2293, %swap3A_2294, %swap3A_2295] {strides = array<i32>} : memref<16x5x4x128xf32, #tpu.memory_space<vmem>>, vector<16xf32>,
            tpu.vector_store %arg10[%swap3A_2292, %swap3A_2293, %swap3A_2294, %swap3A_2295], %gather3A_2283 {strides = array<i32>} : memref<16x5x4x128xf32, #tpu.memory_space<vmem>>, vector<16xf32>,
            %gather3A_2297 = tpu.vector_load_idx %arg5[%add3A_2198] : memref<43536xf32, #tpu.memory_space<vmem>>[vector<16xi32>], vector<16xf32>,
            %mul3A_2298 = arith.constant 2 : i32
            %mul3A_2299 = arith.muli %mul3A_2298, %add3A_107 : i32
            %add3A_2300 = arith.constant 1 : i32
            %add3A_2301 = arith.addi %mul3A_2299, %add3A_2300 : i32
            %mul3A_2302 = arith.constant 16 : i32
            %mul3A_2303 = arith.muli %add3A_2301, %mul3A_2302 : i32
            %swap3A_2304 = arith.constant 15 : i32
            %swap3A_2305 = arith.constant 3 : i32
            %swap3A_2306 = arith.index_cast %swap3A_2304 : i32 to index
            %swap3A_2307 = arith.index_cast %add3A_97 : i32 to index
            %swap3A_2308 = arith.index_cast %swap3A_2305 : i32 to index
            %swap3A_2309 = arith.index_cast %mul3A_2303 : i32 to index
            %swap3A_2310 = tpu.vector_load %arg10[%swap3A_2306, %swap3A_2307, %swap3A_2308, %swap3A_2309] {strides = array<i32>} : memref<16x5x4x128xf32, #tpu.memory_space<vmem>>, vector<16xf32>,
            tpu.vector_store %arg10[%swap3A_2306, %swap3A_2307, %swap3A_2308, %swap3A_2309], %gather3A_2297 {strides = array<i32>} : memref<16x5x4x128xf32, #tpu.memory_space<vmem>>, vector<16xf32>,
          }
          %scan3A_102 = arith.constant 4 : i32
        }
        %scan3A_82 = arith.constant 5 : i32
        %mul3A_83 = arith.constant 5 : i32
        %mul3A_84 = arith.muli %add3A_37, %mul3A_83 : i32
        %dma_start3A_85 = arith.constant 0 : i32
        %dma_start3A_86 = arith.constant 0 : i32
        %dma_start3A_87 = arith.constant 0 : i32
        %dma_start3A_88 = tpu.memref_slice %arg4[%dma_start3A_85, %mul3A_84, %dma_start3A_86, %dma_start3A_87] : memref<16x6250x4x128xf32, #tpu.memory_space<hbm>> -> memref<16x5x4x128xf32, #tpu.memory_space<hbm>>
        %dma_start3A_89 = arith.constant 0 : i32
        %dma_start3A_90 = arith.constant 0 : i32
        %dma_start3A_91 = arith.constant 0 : i32
        %dma_start3A_92 = tpu.memref_slice %arg4[%dma_start3A_89, %mul3A_84, %dma_start3A_90, %dma_start3A_91] : memref<16x6250x4x128xf32, #tpu.memory_space<hbm>> -> memref<16x5x4x128xf32, #tpu.memory_space<hbm>>
        tpu.enqueue_dma source(%arg10 : memref<16x5x4x128xf32, #tpu.memory_space<vmem>>) target(%dma_start3A_92 : memref<16x5x4x128xf32, #tpu.memory_space<hbm>>) target_semaphore(%arg12 : memref<!tpu.dma_semaphore, #tpu.memory_space<semaphore_mem>>)
      } else {
      }
      %add3A_47 = arith.constant 1 : i32
      %add3A_48 = arith.addi %add3A_32, %add3A_47 : i32
      %mul3A_49 = arith.constant 32 : i32
      %mul3A_50 = arith.muli %add3A_48, %mul3A_49 : i32
      %add3A_51 = arith.addi %add3A, %mul3A_50 : i32
      %ge3A_52 = arith.constant 2 : i32
      %ge3A_53 = arith.cmpi sge, %add3A_48, %ge3A_52 : i32
      %convert_element_type3A_54 = arith.extui %ge3A_53 : i1 to i32
      %cond3A_55 = arith.constant 0 : i32
      %cond3A_56 = arith.cmpi ne, %convert_element_type3A_54, %cond3A_55 : i32
      scf.if %cond3A_56 {
        %dma_wait3A_62 = arith.constant 0 : i32
        %dma_wait3A_63 = arith.constant 0 : i32
        %dma_wait3A_64 = arith.constant 0 : i32
        %dma_wait3A_65 = arith.constant 0 : i32
        %dma_wait3A_66 = tpu.memref_slice %arg4[%dma_wait3A_62, %dma_wait3A_63, %dma_wait3A_64, %dma_wait3A_65] : memref<16x6250x4x128xf32, #tpu.memory_space<hbm>> -> memref<16x5x4x128xf32, #tpu.memory_space<hbm>>
        %dma_wait3A_67 = arith.constant 0 : i32
        %dma_wait3A_68 = arith.constant 0 : i32
        %dma_wait3A_69 = arith.constant 0 : i32
        %dma_wait3A_70 = arith.constant 0 : i32
        %dma_wait3A_71 = tpu.memref_slice %arg4[%dma_wait3A_67, %dma_wait3A_68, %dma_wait3A_69, %dma_wait3A_70] : memref<16x6250x4x128xf32, #tpu.memory_space<hbm>> -> memref<16x5x4x128xf32, #tpu.memory_space<hbm>>
        tpu.wait_dma2 semaphore(%arg13 : memref<!tpu.dma_semaphore, #tpu.memory_space<semaphore_mem>>) src(%arg11 : memref<16x5x4x128xf32, #tpu.memory_space<vmem>>) dst(%dma_wait3A_71 : memref<16x5x4x128xf32, #tpu.memory_space<hbm>>)
      } else {
      }
      %lt3A_57 = arith.constant 1250 : i32
      %lt3A_58 = arith.cmpi slt, %add3A_51, %lt3A_57 : i32
      %convert_element_type3A_59 = arith.extui %lt3A_58 : i1 to i32
      %cond3A_60 = arith.constant 0 : i32
      %cond3A_61 = arith.cmpi ne, %convert_element_type3A_59, %cond3A_60 : i32
      scf.if %cond3A_61 {
        %dma_wait3A_62 = arith.constant 0 : i32
        %dma_wait3A_63 = tpu.memref_slice %arg2[%dma_wait3A_62] : memref<800000xf32, #tpu.memory_space<hbm>> -> memref<640xf32, #tpu.memory_space<hbm>>
        %dma_wait3A_64 = arith.constant 0 : i32
        %dma_wait3A_65 = tpu.memref_slice %arg2[%dma_wait3A_64] : memref<800000xf32, #tpu.memory_space<hbm>> -> memref<640xf32, #tpu.memory_space<hbm>>
        tpu.wait_dma2 semaphore(%arg15 : memref<!tpu.dma_semaphore, #tpu.memory_space<semaphore_mem>>) src(%dma_wait3A_65 : memref<640xf32, #tpu.memory_space<hbm>>) dst(%arg7 : memref<640xf32, #tpu.memory_space<vmem>>)
        %scan3A_66 = arith.constant 0 : i32
        %scan3A_67 = arith.constant 40 : i32
        %scan3A_68 = arith.addi %scan3A_66, %scan3A_67 : i32
        %scan3A_69 = arith.constant 1 : i32
        scf.for %scan3A_93 = %scan3A_66 to %scan3A_68 step %scan3A_69  : i32 {
          %mul3A_94 = arith.constant 1 : i32
          %mul3A_95 = arith.muli %scan3A_93, %mul3A_94 : i32
          %add3A_96 = arith.constant 0 : i32
          %add3A_97 = arith.addi %add3A_96, %mul3A_95 : i32
          %mul3A_98 = arith.constant 16 : i32
          %mul3A_99 = arith.muli %add3A_97, %mul3A_98 : i32
          %get3A = arith.index_cast %mul3A_99 : i32 to index
          %get3A_100 = tpu.vector_load %arg7[%get3A] {strides = array<i32>} : memref<640xf32, #tpu.memory_space<vmem>>, vector<16xf32>,
          %sub3A = arith.constant 2.400000e+00 : f32
          %sub3A_101 = vector.broadcast %sub3A : f32 to vector<16xf32>
          %sub3A_102 = arith.subf %get3A_100, %sub3A_101 : vector<16xf32>
          %div3A = arith.constant 4.000000e-01 : f32
          %div3A_103 = vector.broadcast %div3A : f32 to vector<16xf32>
          %div3A_104 = arith.divf %sub3A_102, %div3A_103 : vector<16xf32>
          %jit3A = arith.constant 0.000000e+00 : f32
          %jit3A_105 = arith.constant 3.300000e+01 : f32
          %max3A = vector.broadcast %jit3A : f32 to vector<16xf32>
          %max3A_106 = arith.maximumf %max3A, %div3A_104 : vector<16xf32>
          %min3A = vector.broadcast %jit3A_105 : f32 to vector<16xf32>
          %min3A_107 = arith.minimumf %min3A, %max3A_106 : vector<16xf32>
          %add3A_108 = arith.constant 0x4B000000 : f32
          %add3A_109 = vector.broadcast %add3A_108 : f32 to vector<16xf32>
          %add3A_110 = arith.addf %min3A_107, %add3A_109 : vector<16xf32>
          %sub3A_111 = arith.constant 0x4B000000 : f32
          %sub3A_112 = vector.broadcast %sub3A_111 : f32 to vector<16xf32>
          %sub3A_113 = arith.subf %add3A_110, %sub3A_112 : vector<16xf32>
          %convert_element_type3A_114 = arith.fptosi %sub3A_113 : vector<16xf32> to vector<16xi32>
          %mul3A_115 = arith.constant 16 : i32
          %mul3A_116 = arith.muli %add3A_97, %mul3A_115 : i32
          %swap3A = arith.index_cast %mul3A_116 : i32 to index
          %swap3A_117 = tpu.vector_load %arg9[%swap3A] {strides = array<i32>} : memref<640xi32, #tpu.memory_space<vmem>>, vector<16xi32>,
          tpu.vector_store %arg9[%swap3A], %convert_element_type3A_114 {strides = array<i32>} : memref<640xi32, #tpu.memory_space<vmem>>, vector<16xi32>,
        }
        %scan3A_70 = arith.constant 40 : i32
        %add3A_71 = arith.constant 64 : i32
        %add3A_72 = arith.addi %add3A_51, %add3A_71 : i32
        %lt3A_73 = arith.constant 1250 : i32
        %lt3A_74 = arith.cmpi slt, %add3A_72, %lt3A_73 : i32
        %convert_element_type3A_75 = arith.extui %lt3A_74 : i1 to i32
        %cond3A_76 = arith.constant 0 : i32
        %cond3A_77 = arith.cmpi ne, %convert_element_type3A_75, %cond3A_76 : i32
        scf.if %cond3A_77 {
          %add3A_93 = arith.constant 64 : i32
          %add3A_94 = arith.addi %add3A_51, %add3A_93 : i32
          %mul3A_95 = arith.constant 640 : i32
          %mul3A_96 = arith.muli %add3A_94, %mul3A_95 : i32
          %dma_start3A_97 = tpu.memref_slice %arg2[%mul3A_96] : memref<800000xf32, #tpu.memory_space<hbm>> -> memref<640xf32, #tpu.memory_space<hbm>>
          %dma_start3A_98 = tpu.memref_slice %arg2[%mul3A_96] : memref<800000xf32, #tpu.memory_space<hbm>> -> memref<640xf32, #tpu.memory_space<hbm>>
          tpu.enqueue_dma source(%dma_start3A_98 : memref<640xf32, #tpu.memory_space<hbm>>) target(%arg7 : memref<640xf32, #tpu.memory_space<vmem>>) target_semaphore(%arg15 : memref<!tpu.dma_semaphore, #tpu.memory_space<semaphore_mem>>)
        } else {
        }
        %scan3A_78 = arith.constant 0 : i32
        %scan3A_79 = arith.constant 5 : i32
        %scan3A_80 = arith.addi %scan3A_78, %scan3A_79 : i32
        %scan3A_81 = arith.constant 1 : i32
        scf.for %scan3A_93 = %scan3A_78 to %scan3A_80 step %scan3A_81  : i32 {
          %mul3A_94 = arith.constant 1 : i32
          %mul3A_95 = arith.muli %scan3A_93, %mul3A_94 : i32
          %add3A_96 = arith.constant 0 : i32
          %add3A_97 = arith.addi %add3A_96, %mul3A_95 : i32
          %scan3A_98 = arith.constant 0 : i32
          %scan3A_99 = arith.constant 4 : i32
          %scan3A_100 = arith.addi %scan3A_98, %scan3A_99 : i32
          %scan3A_101 = arith.constant 1 : i32
          scf.for %scan3A_103 = %scan3A_98 to %scan3A_100 step %scan3A_101  : i32 {
            %mul3A_104 = arith.constant 1 : i32
            %mul3A_105 = arith.muli %scan3A_103, %mul3A_104 : i32
            %add3A_106 = arith.constant 0 : i32
            %add3A_107 = arith.addi %add3A_106, %mul3A_105 : i32
            %mul3A_108 = arith.constant 128 : i32
            %mul3A_109 = arith.muli %add3A_97, %mul3A_108 : i32
            %mul3A_110 = arith.constant 2 : i32
            %mul3A_111 = arith.muli %mul3A_110, %add3A_107 : i32
            %add3A_112 = arith.constant 0 : i32
            %add3A_113 = arith.addi %mul3A_111, %add3A_112 : i32
            %mul3A_114 = arith.constant 16 : i32
            %mul3A_115 = arith.muli %add3A_113, %mul3A_114 : i32
            %add3A_116 = arith.addi %mul3A_109, %mul3A_115 : i32
            %get3A = arith.index_cast %add3A_116 : i32 to index
            %get3A_117 = tpu.vector_load %arg9[%get3A] {strides = array<i32>} : memref<640xi32, #tpu.memory_space<vmem>>, vector<16xi32>,
            %mul3A_118 = arith.constant 80 : i32
            %mul3A_119 = vector.broadcast %mul3A_118 : i32 to vector<16xi32>
            %mul3A_120 = arith.muli %get3A_117, %mul3A_119 : vector<16xi32>
            %add3A_121 = arith.addi %mul3A_120, %mul3A_3 : vector<16xi32>
            %mul3A_122 = arith.constant 128 : i32
            %mul3A_123 = arith.muli %add3A_97, %mul3A_122 : i32
            %mul3A_124 = arith.constant 2 : i32
            %mul3A_125 = arith.muli %mul3A_124, %add3A_107 : i32
            %add3A_126 = arith.constant 1 : i32
            %add3A_127 = arith.addi %mul3A_125, %add3A_126 : i32
            %mul3A_128 = arith.constant 16 : i32
            %mul3A_129 = arith.muli %add3A_127, %mul3A_128 : i32
            %add3A_130 = arith.addi %mul3A_123, %mul3A_129 : i32
            %get3A_131 = arith.index_cast %add3A_130 : i32 to index
            %get3A_132 = tpu.vector_load %arg9[%get3A_131] {strides = array<i32>} : memref<640xi32, #tpu.memory_space<vmem>>, vector<16xi32>,
            %mul3A_133 = arith.constant 80 : i32
            %mul3A_134 = vector.broadcast %mul3A_133 : i32 to vector<16xi32>
            %mul3A_135 = arith.muli %get3A_132, %mul3A_134 : vector<16xi32>
            %add3A_136 = arith.addi %mul3A_135, %mul3A_3 : vector<16xi32>
            %add3A_137 = arith.constant 0 : i32
            %add3A_138 = vector.broadcast %add3A_137 : i32 to vector<16xi32>
            %add3A_139 = arith.addi %add3A_121, %add3A_138 : vector<16xi32>
            %add3A_140 = arith.constant 1 : i32
            %add3A_141 = vector.broadcast %add3A_140 : i32 to vector<16xi32>
            %add3A_142 = arith.addi %add3A_121, %add3A_141 : vector<16xi32>
            %add3A_143 = arith.constant 2 : i32
            %add3A_144 = vector.broadcast %add3A_143 : i32 to vector<16xi32>
            %add3A_145 = arith.addi %add3A_121, %add3A_144 : vector<16xi32>
            %add3A_146 = arith.constant 3 : i32
            %add3A_147 = vector.broadcast %add3A_146 : i32 to vector<16xi32>
            %add3A_148 = arith.addi %add3A_121, %add3A_147 : vector<16xi32>
            %add3A_149 = arith.constant 0 : i32
            %add3A_150 = vector.broadcast %add3A_149 : i32 to vector<16xi32>
            %add3A_151 = arith.addi %add3A_136, %add3A_150 : vector<16xi32>
            %add3A_152 = arith.constant 1 : i32
            %add3A_153 = vector.broadcast %add3A_152 : i32 to vector<16xi32>
            %add3A_154 = arith.addi %add3A_136, %add3A_153 : vector<16xi32>
            %add3A_155 = arith.constant 2 : i32
            %add3A_156 = vector.broadcast %add3A_155 : i32 to vector<16xi32>
            %add3A_157 = arith.addi %add3A_136, %add3A_156 : vector<16xi32>
            %add3A_158 = arith.constant 3 : i32
            %add3A_159 = vector.broadcast %add3A_158 : i32 to vector<16xi32>
            %add3A_160 = arith.addi %add3A_136, %add3A_159 : vector<16xi32>
            %gather3A = tpu.vector_load_idx %arg5[%add3A_139] : memref<43536xf32, #tpu.memory_space<vmem>>[vector<16xi32>], vector<16xf32>,
            %mul3A_161 = arith.constant 2 : i32
            %mul3A_162 = arith.muli %mul3A_161, %add3A_107 : i32
            %add3A_163 = arith.constant 0 : i32
            %add3A_164 = arith.addi %mul3A_162, %add3A_163 : i32
            %mul3A_165 = arith.constant 16 : i32
            %mul3A_166 = arith.muli %add3A_164, %mul3A_165 : i32
            %swap3A = arith.constant 0 : i32
            %swap3A_167 = arith.constant 0 : i32
            %swap3A_168 = arith.index_cast %swap3A : i32 to index
            %swap3A_169 = arith.index_cast %add3A_97 : i32 to index
            %swap3A_170 = arith.index_cast %swap3A_167 : i32 to index
            %swap3A_171 = arith.index_cast %mul3A_166 : i32 to index
            %swap3A_172 = tpu.vector_load %arg11[%swap3A_168, %swap3A_169, %swap3A_170, %swap3A_171] {strides = array<i32>} : memref<16x5x4x128xf32, #tpu.memory_space<vmem>>, vector<16xf32>,
            tpu.vector_store %arg11[%swap3A_168, %swap3A_169, %swap3A_170, %swap3A_171], %gather3A {strides = array<i32>} : memref<16x5x4x128xf32, #tpu.memory_space<vmem>>, vector<16xf32>,
            %gather3A_173 = tpu.vector_load_idx %arg5[%add3A_142] : memref<43536xf32, #tpu.memory_space<vmem>>[vector<16xi32>], vector<16xf32>,
            %mul3A_174 = arith.constant 2 : i32
            %mul3A_175 = arith.muli %mul3A_174, %add3A_107 : i32
            %add3A_176 = arith.constant 0 : i32
            %add3A_177 = arith.addi %mul3A_175, %add3A_176 : i32
            %mul3A_178 = arith.constant 16 : i32
            %mul3A_179 = arith.muli %add3A_177, %mul3A_178 : i32
            %swap3A_180 = arith.constant 0 : i32
            %swap3A_181 = arith.constant 1 : i32
            %swap3A_182 = arith.index_cast %swap3A_180 : i32 to index
            %swap3A_183 = arith.index_cast %add3A_97 : i32 to index
            %swap3A_184 = arith.index_cast %swap3A_181 : i32 to index
            %swap3A_185 = arith.index_cast %mul3A_179 : i32 to index
            %swap3A_186 = tpu.vector_load %arg11[%swap3A_182, %swap3A_183, %swap3A_184, %swap3A_185] {strides = array<i32>} : memref<16x5x4x128xf32, #tpu.memory_space<vmem>>, vector<16xf32>,
            tpu.vector_store %arg11[%swap3A_182, %swap3A_183, %swap3A_184, %swap3A_185], %gather3A_173 {strides = array<i32>} : memref<16x5x4x128xf32, #tpu.memory_space<vmem>>, vector<16xf32>,
            %gather3A_187 = tpu.vector_load_idx %arg5[%add3A_145] : memref<43536xf32, #tpu.memory_space<vmem>>[vector<16xi32>], vector<16xf32>,
            %mul3A_188 = arith.constant 2 : i32
            %mul3A_189 = arith.muli %mul3A_188, %add3A_107 : i32
            %add3A_190 = arith.constant 0 : i32
            %add3A_191 = arith.addi %mul3A_189, %add3A_190 : i32
            %mul3A_192 = arith.constant 16 : i32
            %mul3A_193 = arith.muli %add3A_191, %mul3A_192 : i32
            %swap3A_194 = arith.constant 0 : i32
            %swap3A_195 = arith.constant 2 : i32
            %swap3A_196 = arith.index_cast %swap3A_194 : i32 to index
            %swap3A_197 = arith.index_cast %add3A_97 : i32 to index
            %swap3A_198 = arith.index_cast %swap3A_195 : i32 to index
            %swap3A_199 = arith.index_cast %mul3A_193 : i32 to index
            %swap3A_200 = tpu.vector_load %arg11[%swap3A_196, %swap3A_197, %swap3A_198, %swap3A_199] {strides = array<i32>} : memref<16x5x4x128xf32, #tpu.memory_space<vmem>>, vector<16xf32>,
            tpu.vector_store %arg11[%swap3A_196, %swap3A_197, %swap3A_198, %swap3A_199], %gather3A_187 {strides = array<i32>} : memref<16x5x4x128xf32, #tpu.memory_space<vmem>>, vector<16xf32>,
            %gather3A_201 = tpu.vector_load_idx %arg5[%add3A_148] : memref<43536xf32, #tpu.memory_space<vmem>>[vector<16xi32>], vector<16xf32>,
            %mul3A_202 = arith.constant 2 : i32
            %mul3A_203 = arith.muli %mul3A_202, %add3A_107 : i32
            %add3A_204 = arith.constant 0 : i32
            %add3A_205 = arith.addi %mul3A_203, %add3A_204 : i32
            %mul3A_206 = arith.constant 16 : i32
            %mul3A_207 = arith.muli %add3A_205, %mul3A_206 : i32
            %swap3A_208 = arith.constant 0 : i32
            %swap3A_209 = arith.constant 3 : i32
            %swap3A_210 = arith.index_cast %swap3A_208 : i32 to index
            %swap3A_211 = arith.index_cast %add3A_97 : i32 to index
            %swap3A_212 = arith.index_cast %swap3A_209 : i32 to index
            %swap3A_213 = arith.index_cast %mul3A_207 : i32 to index
            %swap3A_214 = tpu.vector_load %arg11[%swap3A_210, %swap3A_211, %swap3A_212, %swap3A_213] {strides = array<i32>} : memref<16x5x4x128xf32, #tpu.memory_space<vmem>>, vector<16xf32>,
            tpu.vector_store %arg11[%swap3A_210, %swap3A_211, %swap3A_212, %swap3A_213], %gather3A_201 {strides = array<i32>} : memref<16x5x4x128xf32, #tpu.memory_space<vmem>>, vector<16xf32>,
            %gather3A_215 = tpu.vector_load_idx %arg5[%add3A_151] : memref<43536xf32, #tpu.memory_space<vmem>>[vector<16xi32>], vector<16xf32>,
            %mul3A_216 = arith.constant 2 : i32
            %mul3A_217 = arith.muli %mul3A_216, %add3A_107 : i32
            %add3A_218 = arith.constant 1 : i32
            %add3A_219 = arith.addi %mul3A_217, %add3A_218 : i32
            %mul3A_220 = arith.constant 16 : i32
            %mul3A_221 = arith.muli %add3A_219, %mul3A_220 : i32
            %swap3A_222 = arith.constant 0 : i32
            %swap3A_223 = arith.constant 0 : i32
            %swap3A_224 = arith.index_cast %swap3A_222 : i32 to index
            %swap3A_225 = arith.index_cast %add3A_97 : i32 to index
            %swap3A_226 = arith.index_cast %swap3A_223 : i32 to index
            %swap3A_227 = arith.index_cast %mul3A_221 : i32 to index
            %swap3A_228 = tpu.vector_load %arg11[%swap3A_224, %swap3A_225, %swap3A_226, %swap3A_227] {strides = array<i32>} : memref<16x5x4x128xf32, #tpu.memory_space<vmem>>, vector<16xf32>,
            tpu.vector_store %arg11[%swap3A_224, %swap3A_225, %swap3A_226, %swap3A_227], %gather3A_215 {strides = array<i32>} : memref<16x5x4x128xf32, #tpu.memory_space<vmem>>, vector<16xf32>,
            %gather3A_229 = tpu.vector_load_idx %arg5[%add3A_154] : memref<43536xf32, #tpu.memory_space<vmem>>[vector<16xi32>], vector<16xf32>,
            %mul3A_230 = arith.constant 2 : i32
            %mul3A_231 = arith.muli %mul3A_230, %add3A_107 : i32
            %add3A_232 = arith.constant 1 : i32
            %add3A_233 = arith.addi %mul3A_231, %add3A_232 : i32
            %mul3A_234 = arith.constant 16 : i32
            %mul3A_235 = arith.muli %add3A_233, %mul3A_234 : i32
            %swap3A_236 = arith.constant 0 : i32
            %swap3A_237 = arith.constant 1 : i32
            %swap3A_238 = arith.index_cast %swap3A_236 : i32 to index
            %swap3A_239 = arith.index_cast %add3A_97 : i32 to index
            %swap3A_240 = arith.index_cast %swap3A_237 : i32 to index
            %swap3A_241 = arith.index_cast %mul3A_235 : i32 to index
            %swap3A_242 = tpu.vector_load %arg11[%swap3A_238, %swap3A_239, %swap3A_240, %swap3A_241] {strides = array<i32>} : memref<16x5x4x128xf32, #tpu.memory_space<vmem>>, vector<16xf32>,
            tpu.vector_store %arg11[%swap3A_238, %swap3A_239, %swap3A_240, %swap3A_241], %gather3A_229 {strides = array<i32>} : memref<16x5x4x128xf32, #tpu.memory_space<vmem>>, vector<16xf32>,
            %gather3A_243 = tpu.vector_load_idx %arg5[%add3A_157] : memref<43536xf32, #tpu.memory_space<vmem>>[vector<16xi32>], vector<16xf32>,
            %mul3A_244 = arith.constant 2 : i32
            %mul3A_245 = arith.muli %mul3A_244, %add3A_107 : i32
            %add3A_246 = arith.constant 1 : i32
            %add3A_247 = arith.addi %mul3A_245, %add3A_246 : i32
            %mul3A_248 = arith.constant 16 : i32
            %mul3A_249 = arith.muli %add3A_247, %mul3A_248 : i32
            %swap3A_250 = arith.constant 0 : i32
            %swap3A_251 = arith.constant 2 : i32
            %swap3A_252 = arith.index_cast %swap3A_250 : i32 to index
            %swap3A_253 = arith.index_cast %add3A_97 : i32 to index
            %swap3A_254 = arith.index_cast %swap3A_251 : i32 to index
            %swap3A_255 = arith.index_cast %mul3A_249 : i32 to index
            %swap3A_256 = tpu.vector_load %arg11[%swap3A_252, %swap3A_253, %swap3A_254, %swap3A_255] {strides = array<i32>} : memref<16x5x4x128xf32, #tpu.memory_space<vmem>>, vector<16xf32>,
            tpu.vector_store %arg11[%swap3A_252, %swap3A_253, %swap3A_254, %swap3A_255], %gather3A_243 {strides = array<i32>} : memref<16x5x4x128xf32, #tpu.memory_space<vmem>>, vector<16xf32>,
            %gather3A_257 = tpu.vector_load_idx %arg5[%add3A_160] : memref<43536xf32, #tpu.memory_space<vmem>>[vector<16xi32>], vector<16xf32>,
            %mul3A_258 = arith.constant 2 : i32
            %mul3A_259 = arith.muli %mul3A_258, %add3A_107 : i32
            %add3A_260 = arith.constant 1 : i32
            %add3A_261 = arith.addi %mul3A_259, %add3A_260 : i32
            %mul3A_262 = arith.constant 16 : i32
            %mul3A_263 = arith.muli %add3A_261, %mul3A_262 : i32
            %swap3A_264 = arith.constant 0 : i32
            %swap3A_265 = arith.constant 3 : i32
            %swap3A_266 = arith.index_cast %swap3A_264 : i32 to index
            %swap3A_267 = arith.index_cast %add3A_97 : i32 to index
            %swap3A_268 = arith.index_cast %swap3A_265 : i32 to index
            %swap3A_269 = arith.index_cast %mul3A_263 : i32 to index
            %swap3A_270 = tpu.vector_load %arg11[%swap3A_266, %swap3A_267, %swap3A_268, %swap3A_269] {strides = array<i32>} : memref<16x5x4x128xf32, #tpu.memory_space<vmem>>, vector<16xf32>,
            tpu.vector_store %arg11[%swap3A_266, %swap3A_267, %swap3A_268, %swap3A_269], %gather3A_257 {strides = array<i32>} : memref<16x5x4x128xf32, #tpu.memory_space<vmem>>, vector<16xf32>,
            %add3A_271 = arith.constant 4 : i32
            %add3A_272 = vector.broadcast %add3A_271 : i32 to vector<16xi32>
            %add3A_273 = arith.addi %add3A_139, %add3A_272 : vector<16xi32>
            %add3A_274 = arith.constant 4 : i32
            %add3A_275 = vector.broadcast %add3A_274 : i32 to vector<16xi32>
            %add3A_276 = arith.addi %add3A_142, %add3A_275 : vector<16xi32>
            %add3A_277 = arith.constant 4 : i32
            %add3A_278 = vector.broadcast %add3A_277 : i32 to vector<16xi32>
            %add3A_279 = arith.addi %add3A_145, %add3A_278 : vector<16xi32>
            %add3A_280 = arith.constant 4 : i32
            %add3A_281 = vector.broadcast %add3A_280 : i32 to vector<16xi32>
            %add3A_282 = arith.addi %add3A_148, %add3A_281 : vector<16xi32>
            %add3A_283 = arith.constant 4 : i32
            %add3A_284 = vector.broadcast %add3A_283 : i32 to vector<16xi32>
            %add3A_285 = arith.addi %add3A_151, %add3A_284 : vector<16xi32>
            %add3A_286 = arith.constant 4 : i32
            %add3A_287 = vector.broadcast %add3A_286 : i32 to vector<16xi32>
            %add3A_288 = arith.addi %add3A_154, %add3A_287 : vector<16xi32>
            %add3A_289 = arith.constant 4 : i32
            %add3A_290 = vector.broadcast %add3A_289 : i32 to vector<16xi32>
            %add3A_291 = arith.addi %add3A_157, %add3A_290 : vector<16xi32>
            %add3A_292 = arith.constant 4 : i32
            %add3A_293 = vector.broadcast %add3A_292 : i32 to vector<16xi32>
            %add3A_294 = arith.addi %add3A_160, %add3A_293 : vector<16xi32>
            %gather3A_295 = tpu.vector_load_idx %arg5[%add3A_273] : memref<43536xf32, #tpu.memory_space<vmem>>[vector<16xi32>], vector<16xf32>,
            %mul3A_296 = arith.constant 2 : i32
            %mul3A_297 = arith.muli %mul3A_296, %add3A_107 : i32
            %add3A_298 = arith.constant 0 : i32
            %add3A_299 = arith.addi %mul3A_297, %add3A_298 : i32
            %mul3A_300 = arith.constant 16 : i32
            %mul3A_301 = arith.muli %add3A_299, %mul3A_300 : i32
            %swap3A_302 = arith.constant 1 : i32
            %swap3A_303 = arith.constant 0 : i32
            %swap3A_304 = arith.index_cast %swap3A_302 : i32 to index
            %swap3A_305 = arith.index_cast %add3A_97 : i32 to index
            %swap3A_306 = arith.index_cast %swap3A_303 : i32 to index
            %swap3A_307 = arith.index_cast %mul3A_301 : i32 to index
            %swap3A_308 = tpu.vector_load %arg11[%swap3A_304, %swap3A_305, %swap3A_306, %swap3A_307] {strides = array<i32>} : memref<16x5x4x128xf32, #tpu.memory_space<vmem>>, vector<16xf32>,
            tpu.vector_store %arg11[%swap3A_304, %swap3A_305, %swap3A_306, %swap3A_307], %gather3A_295 {strides = array<i32>} : memref<16x5x4x128xf32, #tpu.memory_space<vmem>>, vector<16xf32>,
            %gather3A_309 = tpu.vector_load_idx %arg5[%add3A_276] : memref<43536xf32, #tpu.memory_space<vmem>>[vector<16xi32>], vector<16xf32>,
            %mul3A_310 = arith.constant 2 : i32
            %mul3A_311 = arith.muli %mul3A_310, %add3A_107 : i32
            %add3A_312 = arith.constant 0 : i32
            %add3A_313 = arith.addi %mul3A_311, %add3A_312 : i32
            %mul3A_314 = arith.constant 16 : i32
            %mul3A_315 = arith.muli %add3A_313, %mul3A_314 : i32
            %swap3A_316 = arith.constant 1 : i32
            %swap3A_317 = arith.constant 1 : i32
            %swap3A_318 = arith.index_cast %swap3A_316 : i32 to index
            %swap3A_319 = arith.index_cast %add3A_97 : i32 to index
            %swap3A_320 = arith.index_cast %swap3A_317 : i32 to index
            %swap3A_321 = arith.index_cast %mul3A_315 : i32 to index
            %swap3A_322 = tpu.vector_load %arg11[%swap3A_318, %swap3A_319, %swap3A_320, %swap3A_321] {strides = array<i32>} : memref<16x5x4x128xf32, #tpu.memory_space<vmem>>, vector<16xf32>,
            tpu.vector_store %arg11[%swap3A_318, %swap3A_319, %swap3A_320, %swap3A_321], %gather3A_309 {strides = array<i32>} : memref<16x5x4x128xf32, #tpu.memory_space<vmem>>, vector<16xf32>,
            %gather3A_323 = tpu.vector_load_idx %arg5[%add3A_279] : memref<43536xf32, #tpu.memory_space<vmem>>[vector<16xi32>], vector<16xf32>,
            %mul3A_324 = arith.constant 2 : i32
            %mul3A_325 = arith.muli %mul3A_324, %add3A_107 : i32
            %add3A_326 = arith.constant 0 : i32
            %add3A_327 = arith.addi %mul3A_325, %add3A_326 : i32
            %mul3A_328 = arith.constant 16 : i32
            %mul3A_329 = arith.muli %add3A_327, %mul3A_328 : i32
            %swap3A_330 = arith.constant 1 : i32
            %swap3A_331 = arith.constant 2 : i32
            %swap3A_332 = arith.index_cast %swap3A_330 : i32 to index
            %swap3A_333 = arith.index_cast %add3A_97 : i32 to index
            %swap3A_334 = arith.index_cast %swap3A_331 : i32 to index
            %swap3A_335 = arith.index_cast %mul3A_329 : i32 to index
            %swap3A_336 = tpu.vector_load %arg11[%swap3A_332, %swap3A_333, %swap3A_334, %swap3A_335] {strides = array<i32>} : memref<16x5x4x128xf32, #tpu.memory_space<vmem>>, vector<16xf32>,
            tpu.vector_store %arg11[%swap3A_332, %swap3A_333, %swap3A_334, %swap3A_335], %gather3A_323 {strides = array<i32>} : memref<16x5x4x128xf32, #tpu.memory_space<vmem>>, vector<16xf32>,
            %gather3A_337 = tpu.vector_load_idx %arg5[%add3A_282] : memref<43536xf32, #tpu.memory_space<vmem>>[vector<16xi32>], vector<16xf32>,
            %mul3A_338 = arith.constant 2 : i32
            %mul3A_339 = arith.muli %mul3A_338, %add3A_107 : i32
            %add3A_340 = arith.constant 0 : i32
            %add3A_341 = arith.addi %mul3A_339, %add3A_340 : i32
            %mul3A_342 = arith.constant 16 : i32
            %mul3A_343 = arith.muli %add3A_341, %mul3A_342 : i32
            %swap3A_344 = arith.constant 1 : i32
            %swap3A_345 = arith.constant 3 : i32
            %swap3A_346 = arith.index_cast %swap3A_344 : i32 to index
            %swap3A_347 = arith.index_cast %add3A_97 : i32 to index
            %swap3A_348 = arith.index_cast %swap3A_345 : i32 to index
            %swap3A_349 = arith.index_cast %mul3A_343 : i32 to index
            %swap3A_350 = tpu.vector_load %arg11[%swap3A_346, %swap3A_347, %swap3A_348, %swap3A_349] {strides = array<i32>} : memref<16x5x4x128xf32, #tpu.memory_space<vmem>>, vector<16xf32>,
            tpu.vector_store %arg11[%swap3A_346, %swap3A_347, %swap3A_348, %swap3A_349], %gather3A_337 {strides = array<i32>} : memref<16x5x4x128xf32, #tpu.memory_space<vmem>>, vector<16xf32>,
            %gather3A_351 = tpu.vector_load_idx %arg5[%add3A_285] : memref<43536xf32, #tpu.memory_space<vmem>>[vector<16xi32>], vector<16xf32>,
            %mul3A_352 = arith.constant 2 : i32
            %mul3A_353 = arith.muli %mul3A_352, %add3A_107 : i32
            %add3A_354 = arith.constant 1 : i32
            %add3A_355 = arith.addi %mul3A_353, %add3A_354 : i32
            %mul3A_356 = arith.constant 16 : i32
            %mul3A_357 = arith.muli %add3A_355, %mul3A_356 : i32
            %swap3A_358 = arith.constant 1 : i32
            %swap3A_359 = arith.constant 0 : i32
            %swap3A_360 = arith.index_cast %swap3A_358 : i32 to index
            %swap3A_361 = arith.index_cast %add3A_97 : i32 to index
            %swap3A_362 = arith.index_cast %swap3A_359 : i32 to index
            %swap3A_363 = arith.index_cast %mul3A_357 : i32 to index
            %swap3A_364 = tpu.vector_load %arg11[%swap3A_360, %swap3A_361, %swap3A_362, %swap3A_363] {strides = array<i32>} : memref<16x5x4x128xf32, #tpu.memory_space<vmem>>, vector<16xf32>,
            tpu.vector_store %arg11[%swap3A_360, %swap3A_361, %swap3A_362, %swap3A_363], %gather3A_351 {strides = array<i32>} : memref<16x5x4x128xf32, #tpu.memory_space<vmem>>, vector<16xf32>,
            %gather3A_365 = tpu.vector_load_idx %arg5[%add3A_288] : memref<43536xf32, #tpu.memory_space<vmem>>[vector<16xi32>], vector<16xf32>,
            %mul3A_366 = arith.constant 2 : i32
            %mul3A_367 = arith.muli %mul3A_366, %add3A_107 : i32
            %add3A_368 = arith.constant 1 : i32
            %add3A_369 = arith.addi %mul3A_367, %add3A_368 : i32
            %mul3A_370 = arith.constant 16 : i32
            %mul3A_371 = arith.muli %add3A_369, %mul3A_370 : i32
            %swap3A_372 = arith.constant 1 : i32
            %swap3A_373 = arith.constant 1 : i32
            %swap3A_374 = arith.index_cast %swap3A_372 : i32 to index
            %swap3A_375 = arith.index_cast %add3A_97 : i32 to index
            %swap3A_376 = arith.index_cast %swap3A_373 : i32 to index
            %swap3A_377 = arith.index_cast %mul3A_371 : i32 to index
            %swap3A_378 = tpu.vector_load %arg11[%swap3A_374, %swap3A_375, %swap3A_376, %swap3A_377] {strides = array<i32>} : memref<16x5x4x128xf32, #tpu.memory_space<vmem>>, vector<16xf32>,
            tpu.vector_store %arg11[%swap3A_374, %swap3A_375, %swap3A_376, %swap3A_377], %gather3A_365 {strides = array<i32>} : memref<16x5x4x128xf32, #tpu.memory_space<vmem>>, vector<16xf32>,
            %gather3A_379 = tpu.vector_load_idx %arg5[%add3A_291] : memref<43536xf32, #tpu.memory_space<vmem>>[vector<16xi32>], vector<16xf32>,
            %mul3A_380 = arith.constant 2 : i32
            %mul3A_381 = arith.muli %mul3A_380, %add3A_107 : i32
            %add3A_382 = arith.constant 1 : i32
            %add3A_383 = arith.addi %mul3A_381, %add3A_382 : i32
            %mul3A_384 = arith.constant 16 : i32
            %mul3A_385 = arith.muli %add3A_383, %mul3A_384 : i32
            %swap3A_386 = arith.constant 1 : i32
            %swap3A_387 = arith.constant 2 : i32
            %swap3A_388 = arith.index_cast %swap3A_386 : i32 to index
            %swap3A_389 = arith.index_cast %add3A_97 : i32 to index
            %swap3A_390 = arith.index_cast %swap3A_387 : i32 to index
            %swap3A_391 = arith.index_cast %mul3A_385 : i32 to index
            %swap3A_392 = tpu.vector_load %arg11[%swap3A_388, %swap3A_389, %swap3A_390, %swap3A_391] {strides = array<i32>} : memref<16x5x4x128xf32, #tpu.memory_space<vmem>>, vector<16xf32>,
            tpu.vector_store %arg11[%swap3A_388, %swap3A_389, %swap3A_390, %swap3A_391], %gather3A_379 {strides = array<i32>} : memref<16x5x4x128xf32, #tpu.memory_space<vmem>>, vector<16xf32>,
            %gather3A_393 = tpu.vector_load_idx %arg5[%add3A_294] : memref<43536xf32, #tpu.memory_space<vmem>>[vector<16xi32>], vector<16xf32>,
            %mul3A_394 = arith.constant 2 : i32
            %mul3A_395 = arith.muli %mul3A_394, %add3A_107 : i32
            %add3A_396 = arith.constant 1 : i32
            %add3A_397 = arith.addi %mul3A_395, %add3A_396 : i32
            %mul3A_398 = arith.constant 16 : i32
            %mul3A_399 = arith.muli %add3A_397, %mul3A_398 : i32
            %swap3A_400 = arith.constant 1 : i32
            %swap3A_401 = arith.constant 3 : i32
            %swap3A_402 = arith.index_cast %swap3A_400 : i32 to index
            %swap3A_403 = arith.index_cast %add3A_97 : i32 to index
            %swap3A_404 = arith.index_cast %swap3A_401 : i32 to index
            %swap3A_405 = arith.index_cast %mul3A_399 : i32 to index
            %swap3A_406 = tpu.vector_load %arg11[%swap3A_402, %swap3A_403, %swap3A_404, %swap3A_405] {strides = array<i32>} : memref<16x5x4x128xf32, #tpu.memory_space<vmem>>, vector<16xf32>,
            tpu.vector_store %arg11[%swap3A_402, %swap3A_403, %swap3A_404, %swap3A_405], %gather3A_393 {strides = array<i32>} : memref<16x5x4x128xf32, #tpu.memory_space<vmem>>, vector<16xf32>,
            %add3A_407 = arith.constant 4 : i32
            %add3A_408 = vector.broadcast %add3A_407 : i32 to vector<16xi32>
            %add3A_409 = arith.addi %add3A_273, %add3A_408 : vector<16xi32>
            %add3A_410 = arith.constant 4 : i32
            %add3A_411 = vector.broadcast %add3A_410 : i32 to vector<16xi32>
            %add3A_412 = arith.addi %add3A_276, %add3A_411 : vector<16xi32>
            %add3A_413 = arith.constant 4 : i32
            %add3A_414 = vector.broadcast %add3A_413 : i32 to vector<16xi32>
            %add3A_415 = arith.addi %add3A_279, %add3A_414 : vector<16xi32>
            %add3A_416 = arith.constant 4 : i32
            %add3A_417 = vector.broadcast %add3A_416 : i32 to vector<16xi32>
            %add3A_418 = arith.addi %add3A_282, %add3A_417 : vector<16xi32>
            %add3A_419 = arith.constant 4 : i32
            %add3A_420 = vector.broadcast %add3A_419 : i32 to vector<16xi32>
            %add3A_421 = arith.addi %add3A_285, %add3A_420 : vector<16xi32>
            %add3A_422 = arith.constant 4 : i32
            %add3A_423 = vector.broadcast %add3A_422 : i32 to vector<16xi32>
            %add3A_424 = arith.addi %add3A_288, %add3A_423 : vector<16xi32>
            %add3A_425 = arith.constant 4 : i32
            %add3A_426 = vector.broadcast %add3A_425 : i32 to vector<16xi32>
            %add3A_427 = arith.addi %add3A_291, %add3A_426 : vector<16xi32>
            %add3A_428 = arith.constant 4 : i32
            %add3A_429 = vector.broadcast %add3A_428 : i32 to vector<16xi32>
            %add3A_430 = arith.addi %add3A_294, %add3A_429 : vector<16xi32>
            %gather3A_431 = tpu.vector_load_idx %arg5[%add3A_409] : memref<43536xf32, #tpu.memory_space<vmem>>[vector<16xi32>], vector<16xf32>,
            %mul3A_432 = arith.constant 2 : i32
            %mul3A_433 = arith.muli %mul3A_432, %add3A_107 : i32
            %add3A_434 = arith.constant 0 : i32
            %add3A_435 = arith.addi %mul3A_433, %add3A_434 : i32
            %mul3A_436 = arith.constant 16 : i32
            %mul3A_437 = arith.muli %add3A_435, %mul3A_436 : i32
            %swap3A_438 = arith.constant 2 : i32
            %swap3A_439 = arith.constant 0 : i32
            %swap3A_440 = arith.index_cast %swap3A_438 : i32 to index
            %swap3A_441 = arith.index_cast %add3A_97 : i32 to index
            %swap3A_442 = arith.index_cast %swap3A_439 : i32 to index
            %swap3A_443 = arith.index_cast %mul3A_437 : i32 to index
            %swap3A_444 = tpu.vector_load %arg11[%swap3A_440, %swap3A_441, %swap3A_442, %swap3A_443] {strides = array<i32>} : memref<16x5x4x128xf32, #tpu.memory_space<vmem>>, vector<16xf32>,
            tpu.vector_store %arg11[%swap3A_440, %swap3A_441, %swap3A_442, %swap3A_443], %gather3A_431 {strides = array<i32>} : memref<16x5x4x128xf32, #tpu.memory_space<vmem>>, vector<16xf32>,
            %gather3A_445 = tpu.vector_load_idx %arg5[%add3A_412] : memref<43536xf32, #tpu.memory_space<vmem>>[vector<16xi32>], vector<16xf32>,
            %mul3A_446 = arith.constant 2 : i32
            %mul3A_447 = arith.muli %mul3A_446, %add3A_107 : i32
            %add3A_448 = arith.constant 0 : i32
            %add3A_449 = arith.addi %mul3A_447, %add3A_448 : i32
            %mul3A_450 = arith.constant 16 : i32
            %mul3A_451 = arith.muli %add3A_449, %mul3A_450 : i32
            %swap3A_452 = arith.constant 2 : i32
            %swap3A_453 = arith.constant 1 : i32
            %swap3A_454 = arith.index_cast %swap3A_452 : i32 to index
            %swap3A_455 = arith.index_cast %add3A_97 : i32 to index
            %swap3A_456 = arith.index_cast %swap3A_453 : i32 to index
            %swap3A_457 = arith.index_cast %mul3A_451 : i32 to index
            %swap3A_458 = tpu.vector_load %arg11[%swap3A_454, %swap3A_455, %swap3A_456, %swap3A_457] {strides = array<i32>} : memref<16x5x4x128xf32, #tpu.memory_space<vmem>>, vector<16xf32>,
            tpu.vector_store %arg11[%swap3A_454, %swap3A_455, %swap3A_456, %swap3A_457], %gather3A_445 {strides = array<i32>} : memref<16x5x4x128xf32, #tpu.memory_space<vmem>>, vector<16xf32>,
            %gather3A_459 = tpu.vector_load_idx %arg5[%add3A_415] : memref<43536xf32, #tpu.memory_space<vmem>>[vector<16xi32>], vector<16xf32>,
            %mul3A_460 = arith.constant 2 : i32
            %mul3A_461 = arith.muli %mul3A_460, %add3A_107 : i32
            %add3A_462 = arith.constant 0 : i32
            %add3A_463 = arith.addi %mul3A_461, %add3A_462 : i32
            %mul3A_464 = arith.constant 16 : i32
            %mul3A_465 = arith.muli %add3A_463, %mul3A_464 : i32
            %swap3A_466 = arith.constant 2 : i32
            %swap3A_467 = arith.constant 2 : i32
            %swap3A_468 = arith.index_cast %swap3A_466 : i32 to index
            %swap3A_469 = arith.index_cast %add3A_97 : i32 to index
            %swap3A_470 = arith.index_cast %swap3A_467 : i32 to index
            %swap3A_471 = arith.index_cast %mul3A_465 : i32 to index
            %swap3A_472 = tpu.vector_load %arg11[%swap3A_468, %swap3A_469, %swap3A_470, %swap3A_471] {strides = array<i32>} : memref<16x5x4x128xf32, #tpu.memory_space<vmem>>, vector<16xf32>,
            tpu.vector_store %arg11[%swap3A_468, %swap3A_469, %swap3A_470, %swap3A_471], %gather3A_459 {strides = array<i32>} : memref<16x5x4x128xf32, #tpu.memory_space<vmem>>, vector<16xf32>,
            %gather3A_473 = tpu.vector_load_idx %arg5[%add3A_418] : memref<43536xf32, #tpu.memory_space<vmem>>[vector<16xi32>], vector<16xf32>,
            %mul3A_474 = arith.constant 2 : i32
            %mul3A_475 = arith.muli %mul3A_474, %add3A_107 : i32
            %add3A_476 = arith.constant 0 : i32
            %add3A_477 = arith.addi %mul3A_475, %add3A_476 : i32
            %mul3A_478 = arith.constant 16 : i32
            %mul3A_479 = arith.muli %add3A_477, %mul3A_478 : i32
            %swap3A_480 = arith.constant 2 : i32
            %swap3A_481 = arith.constant 3 : i32
            %swap3A_482 = arith.index_cast %swap3A_480 : i32 to index
            %swap3A_483 = arith.index_cast %add3A_97 : i32 to index
            %swap3A_484 = arith.index_cast %swap3A_481 : i32 to index
            %swap3A_485 = arith.index_cast %mul3A_479 : i32 to index
            %swap3A_486 = tpu.vector_load %arg11[%swap3A_482, %swap3A_483, %swap3A_484, %swap3A_485] {strides = array<i32>} : memref<16x5x4x128xf32, #tpu.memory_space<vmem>>, vector<16xf32>,
            tpu.vector_store %arg11[%swap3A_482, %swap3A_483, %swap3A_484, %swap3A_485], %gather3A_473 {strides = array<i32>} : memref<16x5x4x128xf32, #tpu.memory_space<vmem>>, vector<16xf32>,
            %gather3A_487 = tpu.vector_load_idx %arg5[%add3A_421] : memref<43536xf32, #tpu.memory_space<vmem>>[vector<16xi32>], vector<16xf32>,
            %mul3A_488 = arith.constant 2 : i32
            %mul3A_489 = arith.muli %mul3A_488, %add3A_107 : i32
            %add3A_490 = arith.constant 1 : i32
            %add3A_491 = arith.addi %mul3A_489, %add3A_490 : i32
            %mul3A_492 = arith.constant 16 : i32
            %mul3A_493 = arith.muli %add3A_491, %mul3A_492 : i32
            %swap3A_494 = arith.constant 2 : i32
            %swap3A_495 = arith.constant 0 : i32
            %swap3A_496 = arith.index_cast %swap3A_494 : i32 to index
            %swap3A_497 = arith.index_cast %add3A_97 : i32 to index
            %swap3A_498 = arith.index_cast %swap3A_495 : i32 to index
            %swap3A_499 = arith.index_cast %mul3A_493 : i32 to index
            %swap3A_500 = tpu.vector_load %arg11[%swap3A_496, %swap3A_497, %swap3A_498, %swap3A_499] {strides = array<i32>} : memref<16x5x4x128xf32, #tpu.memory_space<vmem>>, vector<16xf32>,
            tpu.vector_store %arg11[%swap3A_496, %swap3A_497, %swap3A_498, %swap3A_499], %gather3A_487 {strides = array<i32>} : memref<16x5x4x128xf32, #tpu.memory_space<vmem>>, vector<16xf32>,
            %gather3A_501 = tpu.vector_load_idx %arg5[%add3A_424] : memref<43536xf32, #tpu.memory_space<vmem>>[vector<16xi32>], vector<16xf32>,
            %mul3A_502 = arith.constant 2 : i32
            %mul3A_503 = arith.muli %mul3A_502, %add3A_107 : i32
            %add3A_504 = arith.constant 1 : i32
            %add3A_505 = arith.addi %mul3A_503, %add3A_504 : i32
            %mul3A_506 = arith.constant 16 : i32
            %mul3A_507 = arith.muli %add3A_505, %mul3A_506 : i32
            %swap3A_508 = arith.constant 2 : i32
            %swap3A_509 = arith.constant 1 : i32
            %swap3A_510 = arith.index_cast %swap3A_508 : i32 to index
            %swap3A_511 = arith.index_cast %add3A_97 : i32 to index
            %swap3A_512 = arith.index_cast %swap3A_509 : i32 to index
            %swap3A_513 = arith.index_cast %mul3A_507 : i32 to index
            %swap3A_514 = tpu.vector_load %arg11[%swap3A_510, %swap3A_511, %swap3A_512, %swap3A_513] {strides = array<i32>} : memref<16x5x4x128xf32, #tpu.memory_space<vmem>>, vector<16xf32>,
            tpu.vector_store %arg11[%swap3A_510, %swap3A_511, %swap3A_512, %swap3A_513], %gather3A_501 {strides = array<i32>} : memref<16x5x4x128xf32, #tpu.memory_space<vmem>>, vector<16xf32>,
            %gather3A_515 = tpu.vector_load_idx %arg5[%add3A_427] : memref<43536xf32, #tpu.memory_space<vmem>>[vector<16xi32>], vector<16xf32>,
            %mul3A_516 = arith.constant 2 : i32
            %mul3A_517 = arith.muli %mul3A_516, %add3A_107 : i32
            %add3A_518 = arith.constant 1 : i32
            %add3A_519 = arith.addi %mul3A_517, %add3A_518 : i32
            %mul3A_520 = arith.constant 16 : i32
            %mul3A_521 = arith.muli %add3A_519, %mul3A_520 : i32
            %swap3A_522 = arith.constant 2 : i32
            %swap3A_523 = arith.constant 2 : i32
            %swap3A_524 = arith.index_cast %swap3A_522 : i32 to index
            %swap3A_525 = arith.index_cast %add3A_97 : i32 to index
            %swap3A_526 = arith.index_cast %swap3A_523 : i32 to index
            %swap3A_527 = arith.index_cast %mul3A_521 : i32 to index
            %swap3A_528 = tpu.vector_load %arg11[%swap3A_524, %swap3A_525, %swap3A_526, %swap3A_527] {strides = array<i32>} : memref<16x5x4x128xf32, #tpu.memory_space<vmem>>, vector<16xf32>,
            tpu.vector_store %arg11[%swap3A_524, %swap3A_525, %swap3A_526, %swap3A_527], %gather3A_515 {strides = array<i32>} : memref<16x5x4x128xf32, #tpu.memory_space<vmem>>, vector<16xf32>,
            %gather3A_529 = tpu.vector_load_idx %arg5[%add3A_430] : memref<43536xf32, #tpu.memory_space<vmem>>[vector<16xi32>], vector<16xf32>,
            %mul3A_530 = arith.constant 2 : i32
            %mul3A_531 = arith.muli %mul3A_530, %add3A_107 : i32
            %add3A_532 = arith.constant 1 : i32
            %add3A_533 = arith.addi %mul3A_531, %add3A_532 : i32
            %mul3A_534 = arith.constant 16 : i32
            %mul3A_535 = arith.muli %add3A_533, %mul3A_534 : i32
            %swap3A_536 = arith.constant 2 : i32
            %swap3A_537 = arith.constant 3 : i32
            %swap3A_538 = arith.index_cast %swap3A_536 : i32 to index
            %swap3A_539 = arith.index_cast %add3A_97 : i32 to index
            %swap3A_540 = arith.index_cast %swap3A_537 : i32 to index
            %swap3A_541 = arith.index_cast %mul3A_535 : i32 to index
            %swap3A_542 = tpu.vector_load %arg11[%swap3A_538, %swap3A_539, %swap3A_540, %swap3A_541] {strides = array<i32>} : memref<16x5x4x128xf32, #tpu.memory_space<vmem>>, vector<16xf32>,
            tpu.vector_store %arg11[%swap3A_538, %swap3A_539, %swap3A_540, %swap3A_541], %gather3A_529 {strides = array<i32>} : memref<16x5x4x128xf32, #tpu.memory_space<vmem>>, vector<16xf32>,
            %add3A_543 = arith.constant 4 : i32
            %add3A_544 = vector.broadcast %add3A_543 : i32 to vector<16xi32>
            %add3A_545 = arith.addi %add3A_409, %add3A_544 : vector<16xi32>
            %add3A_546 = arith.constant 4 : i32
            %add3A_547 = vector.broadcast %add3A_546 : i32 to vector<16xi32>
            %add3A_548 = arith.addi %add3A_412, %add3A_547 : vector<16xi32>
            %add3A_549 = arith.constant 4 : i32
            %add3A_550 = vector.broadcast %add3A_549 : i32 to vector<16xi32>
            %add3A_551 = arith.addi %add3A_415, %add3A_550 : vector<16xi32>
            %add3A_552 = arith.constant 4 : i32
            %add3A_553 = vector.broadcast %add3A_552 : i32 to vector<16xi32>
            %add3A_554 = arith.addi %add3A_418, %add3A_553 : vector<16xi32>
            %add3A_555 = arith.constant 4 : i32
            %add3A_556 = vector.broadcast %add3A_555 : i32 to vector<16xi32>
            %add3A_557 = arith.addi %add3A_421, %add3A_556 : vector<16xi32>
            %add3A_558 = arith.constant 4 : i32
            %add3A_559 = vector.broadcast %add3A_558 : i32 to vector<16xi32>
            %add3A_560 = arith.addi %add3A_424, %add3A_559 : vector<16xi32>
            %add3A_561 = arith.constant 4 : i32
            %add3A_562 = vector.broadcast %add3A_561 : i32 to vector<16xi32>
            %add3A_563 = arith.addi %add3A_427, %add3A_562 : vector<16xi32>
            %add3A_564 = arith.constant 4 : i32
            %add3A_565 = vector.broadcast %add3A_564 : i32 to vector<16xi32>
            %add3A_566 = arith.addi %add3A_430, %add3A_565 : vector<16xi32>
            %gather3A_567 = tpu.vector_load_idx %arg5[%add3A_545] : memref<43536xf32, #tpu.memory_space<vmem>>[vector<16xi32>], vector<16xf32>,
            %mul3A_568 = arith.constant 2 : i32
            %mul3A_569 = arith.muli %mul3A_568, %add3A_107 : i32
            %add3A_570 = arith.constant 0 : i32
            %add3A_571 = arith.addi %mul3A_569, %add3A_570 : i32
            %mul3A_572 = arith.constant 16 : i32
            %mul3A_573 = arith.muli %add3A_571, %mul3A_572 : i32
            %swap3A_574 = arith.constant 3 : i32
            %swap3A_575 = arith.constant 0 : i32
            %swap3A_576 = arith.index_cast %swap3A_574 : i32 to index
            %swap3A_577 = arith.index_cast %add3A_97 : i32 to index
            %swap3A_578 = arith.index_cast %swap3A_575 : i32 to index
            %swap3A_579 = arith.index_cast %mul3A_573 : i32 to index
            %swap3A_580 = tpu.vector_load %arg11[%swap3A_576, %swap3A_577, %swap3A_578, %swap3A_579] {strides = array<i32>} : memref<16x5x4x128xf32, #tpu.memory_space<vmem>>, vector<16xf32>,
            tpu.vector_store %arg11[%swap3A_576, %swap3A_577, %swap3A_578, %swap3A_579], %gather3A_567 {strides = array<i32>} : memref<16x5x4x128xf32, #tpu.memory_space<vmem>>, vector<16xf32>,
            %gather3A_581 = tpu.vector_load_idx %arg5[%add3A_548] : memref<43536xf32, #tpu.memory_space<vmem>>[vector<16xi32>], vector<16xf32>,
            %mul3A_582 = arith.constant 2 : i32
            %mul3A_583 = arith.muli %mul3A_582, %add3A_107 : i32
            %add3A_584 = arith.constant 0 : i32
            %add3A_585 = arith.addi %mul3A_583, %add3A_584 : i32
            %mul3A_586 = arith.constant 16 : i32
            %mul3A_587 = arith.muli %add3A_585, %mul3A_586 : i32
            %swap3A_588 = arith.constant 3 : i32
            %swap3A_589 = arith.constant 1 : i32
            %swap3A_590 = arith.index_cast %swap3A_588 : i32 to index
            %swap3A_591 = arith.index_cast %add3A_97 : i32 to index
            %swap3A_592 = arith.index_cast %swap3A_589 : i32 to index
            %swap3A_593 = arith.index_cast %mul3A_587 : i32 to index
            %swap3A_594 = tpu.vector_load %arg11[%swap3A_590, %swap3A_591, %swap3A_592, %swap3A_593] {strides = array<i32>} : memref<16x5x4x128xf32, #tpu.memory_space<vmem>>, vector<16xf32>,
            tpu.vector_store %arg11[%swap3A_590, %swap3A_591, %swap3A_592, %swap3A_593], %gather3A_581 {strides = array<i32>} : memref<16x5x4x128xf32, #tpu.memory_space<vmem>>, vector<16xf32>,
            %gather3A_595 = tpu.vector_load_idx %arg5[%add3A_551] : memref<43536xf32, #tpu.memory_space<vmem>>[vector<16xi32>], vector<16xf32>,
            %mul3A_596 = arith.constant 2 : i32
            %mul3A_597 = arith.muli %mul3A_596, %add3A_107 : i32
            %add3A_598 = arith.constant 0 : i32
            %add3A_599 = arith.addi %mul3A_597, %add3A_598 : i32
            %mul3A_600 = arith.constant 16 : i32
            %mul3A_601 = arith.muli %add3A_599, %mul3A_600 : i32
            %swap3A_602 = arith.constant 3 : i32
            %swap3A_603 = arith.constant 2 : i32
            %swap3A_604 = arith.index_cast %swap3A_602 : i32 to index
            %swap3A_605 = arith.index_cast %add3A_97 : i32 to index
            %swap3A_606 = arith.index_cast %swap3A_603 : i32 to index
            %swap3A_607 = arith.index_cast %mul3A_601 : i32 to index
            %swap3A_608 = tpu.vector_load %arg11[%swap3A_604, %swap3A_605, %swap3A_606, %swap3A_607] {strides = array<i32>} : memref<16x5x4x128xf32, #tpu.memory_space<vmem>>, vector<16xf32>,
            tpu.vector_store %arg11[%swap3A_604, %swap3A_605, %swap3A_606, %swap3A_607], %gather3A_595 {strides = array<i32>} : memref<16x5x4x128xf32, #tpu.memory_space<vmem>>, vector<16xf32>,
            %gather3A_609 = tpu.vector_load_idx %arg5[%add3A_554] : memref<43536xf32, #tpu.memory_space<vmem>>[vector<16xi32>], vector<16xf32>,
            %mul3A_610 = arith.constant 2 : i32
            %mul3A_611 = arith.muli %mul3A_610, %add3A_107 : i32
            %add3A_612 = arith.constant 0 : i32
            %add3A_613 = arith.addi %mul3A_611, %add3A_612 : i32
            %mul3A_614 = arith.constant 16 : i32
            %mul3A_615 = arith.muli %add3A_613, %mul3A_614 : i32
            %swap3A_616 = arith.constant 3 : i32
            %swap3A_617 = arith.constant 3 : i32
            %swap3A_618 = arith.index_cast %swap3A_616 : i32 to index
            %swap3A_619 = arith.index_cast %add3A_97 : i32 to index
            %swap3A_620 = arith.index_cast %swap3A_617 : i32 to index
            %swap3A_621 = arith.index_cast %mul3A_615 : i32 to index
            %swap3A_622 = tpu.vector_load %arg11[%swap3A_618, %swap3A_619, %swap3A_620, %swap3A_621] {strides = array<i32>} : memref<16x5x4x128xf32, #tpu.memory_space<vmem>>, vector<16xf32>,
            tpu.vector_store %arg11[%swap3A_618, %swap3A_619, %swap3A_620, %swap3A_621], %gather3A_609 {strides = array<i32>} : memref<16x5x4x128xf32, #tpu.memory_space<vmem>>, vector<16xf32>,
            %gather3A_623 = tpu.vector_load_idx %arg5[%add3A_557] : memref<43536xf32, #tpu.memory_space<vmem>>[vector<16xi32>], vector<16xf32>,
            %mul3A_624 = arith.constant 2 : i32
            %mul3A_625 = arith.muli %mul3A_624, %add3A_107 : i32
            %add3A_626 = arith.constant 1 : i32
            %add3A_627 = arith.addi %mul3A_625, %add3A_626 : i32
            %mul3A_628 = arith.constant 16 : i32
            %mul3A_629 = arith.muli %add3A_627, %mul3A_628 : i32
            %swap3A_630 = arith.constant 3 : i32
            %swap3A_631 = arith.constant 0 : i32
            %swap3A_632 = arith.index_cast %swap3A_630 : i32 to index
            %swap3A_633 = arith.index_cast %add3A_97 : i32 to index
            %swap3A_634 = arith.index_cast %swap3A_631 : i32 to index
            %swap3A_635 = arith.index_cast %mul3A_629 : i32 to index
            %swap3A_636 = tpu.vector_load %arg11[%swap3A_632, %swap3A_633, %swap3A_634, %swap3A_635] {strides = array<i32>} : memref<16x5x4x128xf32, #tpu.memory_space<vmem>>, vector<16xf32>,
            tpu.vector_store %arg11[%swap3A_632, %swap3A_633, %swap3A_634, %swap3A_635], %gather3A_623 {strides = array<i32>} : memref<16x5x4x128xf32, #tpu.memory_space<vmem>>, vector<16xf32>,
            %gather3A_637 = tpu.vector_load_idx %arg5[%add3A_560] : memref<43536xf32, #tpu.memory_space<vmem>>[vector<16xi32>], vector<16xf32>,
            %mul3A_638 = arith.constant 2 : i32
            %mul3A_639 = arith.muli %mul3A_638, %add3A_107 : i32
            %add3A_640 = arith.constant 1 : i32
            %add3A_641 = arith.addi %mul3A_639, %add3A_640 : i32
            %mul3A_642 = arith.constant 16 : i32
            %mul3A_643 = arith.muli %add3A_641, %mul3A_642 : i32
            %swap3A_644 = arith.constant 3 : i32
            %swap3A_645 = arith.constant 1 : i32
            %swap3A_646 = arith.index_cast %swap3A_644 : i32 to index
            %swap3A_647 = arith.index_cast %add3A_97 : i32 to index
            %swap3A_648 = arith.index_cast %swap3A_645 : i32 to index
            %swap3A_649 = arith.index_cast %mul3A_643 : i32 to index
            %swap3A_650 = tpu.vector_load %arg11[%swap3A_646, %swap3A_647, %swap3A_648, %swap3A_649] {strides = array<i32>} : memref<16x5x4x128xf32, #tpu.memory_space<vmem>>, vector<16xf32>,
            tpu.vector_store %arg11[%swap3A_646, %swap3A_647, %swap3A_648, %swap3A_649], %gather3A_637 {strides = array<i32>} : memref<16x5x4x128xf32, #tpu.memory_space<vmem>>, vector<16xf32>,
            %gather3A_651 = tpu.vector_load_idx %arg5[%add3A_563] : memref<43536xf32, #tpu.memory_space<vmem>>[vector<16xi32>], vector<16xf32>,
            %mul3A_652 = arith.constant 2 : i32
            %mul3A_653 = arith.muli %mul3A_652, %add3A_107 : i32
            %add3A_654 = arith.constant 1 : i32
            %add3A_655 = arith.addi %mul3A_653, %add3A_654 : i32
            %mul3A_656 = arith.constant 16 : i32
            %mul3A_657 = arith.muli %add3A_655, %mul3A_656 : i32
            %swap3A_658 = arith.constant 3 : i32
            %swap3A_659 = arith.constant 2 : i32
            %swap3A_660 = arith.index_cast %swap3A_658 : i32 to index
            %swap3A_661 = arith.index_cast %add3A_97 : i32 to index
            %swap3A_662 = arith.index_cast %swap3A_659 : i32 to index
            %swap3A_663 = arith.index_cast %mul3A_657 : i32 to index
            %swap3A_664 = tpu.vector_load %arg11[%swap3A_660, %swap3A_661, %swap3A_662, %swap3A_663] {strides = array<i32>} : memref<16x5x4x128xf32, #tpu.memory_space<vmem>>, vector<16xf32>,
            tpu.vector_store %arg11[%swap3A_660, %swap3A_661, %swap3A_662, %swap3A_663], %gather3A_651 {strides = array<i32>} : memref<16x5x4x128xf32, #tpu.memory_space<vmem>>, vector<16xf32>,
            %gather3A_665 = tpu.vector_load_idx %arg5[%add3A_566] : memref<43536xf32, #tpu.memory_space<vmem>>[vector<16xi32>], vector<16xf32>,
            %mul3A_666 = arith.constant 2 : i32
            %mul3A_667 = arith.muli %mul3A_666, %add3A_107 : i32
            %add3A_668 = arith.constant 1 : i32
            %add3A_669 = arith.addi %mul3A_667, %add3A_668 : i32
            %mul3A_670 = arith.constant 16 : i32
            %mul3A_671 = arith.muli %add3A_669, %mul3A_670 : i32
            %swap3A_672 = arith.constant 3 : i32
            %swap3A_673 = arith.constant 3 : i32
            %swap3A_674 = arith.index_cast %swap3A_672 : i32 to index
            %swap3A_675 = arith.index_cast %add3A_97 : i32 to index
            %swap3A_676 = arith.index_cast %swap3A_673 : i32 to index
            %swap3A_677 = arith.index_cast %mul3A_671 : i32 to index
            %swap3A_678 = tpu.vector_load %arg11[%swap3A_674, %swap3A_675, %swap3A_676, %swap3A_677] {strides = array<i32>} : memref<16x5x4x128xf32, #tpu.memory_space<vmem>>, vector<16xf32>,
            tpu.vector_store %arg11[%swap3A_674, %swap3A_675, %swap3A_676, %swap3A_677], %gather3A_665 {strides = array<i32>} : memref<16x5x4x128xf32, #tpu.memory_space<vmem>>, vector<16xf32>,
            %add3A_679 = arith.constant 4 : i32
            %add3A_680 = vector.broadcast %add3A_679 : i32 to vector<16xi32>
            %add3A_681 = arith.addi %add3A_545, %add3A_680 : vector<16xi32>
            %add3A_682 = arith.constant 4 : i32
            %add3A_683 = vector.broadcast %add3A_682 : i32 to vector<16xi32>
            %add3A_684 = arith.addi %add3A_548, %add3A_683 : vector<16xi32>
            %add3A_685 = arith.constant 4 : i32
            %add3A_686 = vector.broadcast %add3A_685 : i32 to vector<16xi32>
            %add3A_687 = arith.addi %add3A_551, %add3A_686 : vector<16xi32>
            %add3A_688 = arith.constant 4 : i32
            %add3A_689 = vector.broadcast %add3A_688 : i32 to vector<16xi32>
            %add3A_690 = arith.addi %add3A_554, %add3A_689 : vector<16xi32>
            %add3A_691 = arith.constant 4 : i32
            %add3A_692 = vector.broadcast %add3A_691 : i32 to vector<16xi32>
            %add3A_693 = arith.addi %add3A_557, %add3A_692 : vector<16xi32>
            %add3A_694 = arith.constant 4 : i32
            %add3A_695 = vector.broadcast %add3A_694 : i32 to vector<16xi32>
            %add3A_696 = arith.addi %add3A_560, %add3A_695 : vector<16xi32>
            %add3A_697 = arith.constant 4 : i32
            %add3A_698 = vector.broadcast %add3A_697 : i32 to vector<16xi32>
            %add3A_699 = arith.addi %add3A_563, %add3A_698 : vector<16xi32>
            %add3A_700 = arith.constant 4 : i32
            %add3A_701 = vector.broadcast %add3A_700 : i32 to vector<16xi32>
            %add3A_702 = arith.addi %add3A_566, %add3A_701 : vector<16xi32>
            %gather3A_703 = tpu.vector_load_idx %arg5[%add3A_681] : memref<43536xf32, #tpu.memory_space<vmem>>[vector<16xi32>], vector<16xf32>,
            %mul3A_704 = arith.constant 2 : i32
            %mul3A_705 = arith.muli %mul3A_704, %add3A_107 : i32
            %add3A_706 = arith.constant 0 : i32
            %add3A_707 = arith.addi %mul3A_705, %add3A_706 : i32
            %mul3A_708 = arith.constant 16 : i32
            %mul3A_709 = arith.muli %add3A_707, %mul3A_708 : i32
            %swap3A_710 = arith.constant 4 : i32
            %swap3A_711 = arith.constant 0 : i32
            %swap3A_712 = arith.index_cast %swap3A_710 : i32 to index
            %swap3A_713 = arith.index_cast %add3A_97 : i32 to index
            %swap3A_714 = arith.index_cast %swap3A_711 : i32 to index
            %swap3A_715 = arith.index_cast %mul3A_709 : i32 to index
            %swap3A_716 = tpu.vector_load %arg11[%swap3A_712, %swap3A_713, %swap3A_714, %swap3A_715] {strides = array<i32>} : memref<16x5x4x128xf32, #tpu.memory_space<vmem>>, vector<16xf32>,
            tpu.vector_store %arg11[%swap3A_712, %swap3A_713, %swap3A_714, %swap3A_715], %gather3A_703 {strides = array<i32>} : memref<16x5x4x128xf32, #tpu.memory_space<vmem>>, vector<16xf32>,
            %gather3A_717 = tpu.vector_load_idx %arg5[%add3A_684] : memref<43536xf32, #tpu.memory_space<vmem>>[vector<16xi32>], vector<16xf32>,
            %mul3A_718 = arith.constant 2 : i32
            %mul3A_719 = arith.muli %mul3A_718, %add3A_107 : i32
            %add3A_720 = arith.constant 0 : i32
            %add3A_721 = arith.addi %mul3A_719, %add3A_720 : i32
            %mul3A_722 = arith.constant 16 : i32
            %mul3A_723 = arith.muli %add3A_721, %mul3A_722 : i32
            %swap3A_724 = arith.constant 4 : i32
            %swap3A_725 = arith.constant 1 : i32
            %swap3A_726 = arith.index_cast %swap3A_724 : i32 to index
            %swap3A_727 = arith.index_cast %add3A_97 : i32 to index
            %swap3A_728 = arith.index_cast %swap3A_725 : i32 to index
            %swap3A_729 = arith.index_cast %mul3A_723 : i32 to index
            %swap3A_730 = tpu.vector_load %arg11[%swap3A_726, %swap3A_727, %swap3A_728, %swap3A_729] {strides = array<i32>} : memref<16x5x4x128xf32, #tpu.memory_space<vmem>>, vector<16xf32>,
            tpu.vector_store %arg11[%swap3A_726, %swap3A_727, %swap3A_728, %swap3A_729], %gather3A_717 {strides = array<i32>} : memref<16x5x4x128xf32, #tpu.memory_space<vmem>>, vector<16xf32>,
            %gather3A_731 = tpu.vector_load_idx %arg5[%add3A_687] : memref<43536xf32, #tpu.memory_space<vmem>>[vector<16xi32>], vector<16xf32>,
            %mul3A_732 = arith.constant 2 : i32
            %mul3A_733 = arith.muli %mul3A_732, %add3A_107 : i32
            %add3A_734 = arith.constant 0 : i32
            %add3A_735 = arith.addi %mul3A_733, %add3A_734 : i32
            %mul3A_736 = arith.constant 16 : i32
            %mul3A_737 = arith.muli %add3A_735, %mul3A_736 : i32
            %swap3A_738 = arith.constant 4 : i32
            %swap3A_739 = arith.constant 2 : i32
            %swap3A_740 = arith.index_cast %swap3A_738 : i32 to index
            %swap3A_741 = arith.index_cast %add3A_97 : i32 to index
            %swap3A_742 = arith.index_cast %swap3A_739 : i32 to index
            %swap3A_743 = arith.index_cast %mul3A_737 : i32 to index
            %swap3A_744 = tpu.vector_load %arg11[%swap3A_740, %swap3A_741, %swap3A_742, %swap3A_743] {strides = array<i32>} : memref<16x5x4x128xf32, #tpu.memory_space<vmem>>, vector<16xf32>,
            tpu.vector_store %arg11[%swap3A_740, %swap3A_741, %swap3A_742, %swap3A_743], %gather3A_731 {strides = array<i32>} : memref<16x5x4x128xf32, #tpu.memory_space<vmem>>, vector<16xf32>,
            %gather3A_745 = tpu.vector_load_idx %arg5[%add3A_690] : memref<43536xf32, #tpu.memory_space<vmem>>[vector<16xi32>], vector<16xf32>,
            %mul3A_746 = arith.constant 2 : i32
            %mul3A_747 = arith.muli %mul3A_746, %add3A_107 : i32
            %add3A_748 = arith.constant 0 : i32
            %add3A_749 = arith.addi %mul3A_747, %add3A_748 : i32
            %mul3A_750 = arith.constant 16 : i32
            %mul3A_751 = arith.muli %add3A_749, %mul3A_750 : i32
            %swap3A_752 = arith.constant 4 : i32
            %swap3A_753 = arith.constant 3 : i32
            %swap3A_754 = arith.index_cast %swap3A_752 : i32 to index
            %swap3A_755 = arith.index_cast %add3A_97 : i32 to index
            %swap3A_756 = arith.index_cast %swap3A_753 : i32 to index
            %swap3A_757 = arith.index_cast %mul3A_751 : i32 to index
            %swap3A_758 = tpu.vector_load %arg11[%swap3A_754, %swap3A_755, %swap3A_756, %swap3A_757] {strides = array<i32>} : memref<16x5x4x128xf32, #tpu.memory_space<vmem>>, vector<16xf32>,
            tpu.vector_store %arg11[%swap3A_754, %swap3A_755, %swap3A_756, %swap3A_757], %gather3A_745 {strides = array<i32>} : memref<16x5x4x128xf32, #tpu.memory_space<vmem>>, vector<16xf32>,
            %gather3A_759 = tpu.vector_load_idx %arg5[%add3A_693] : memref<43536xf32, #tpu.memory_space<vmem>>[vector<16xi32>], vector<16xf32>,
            %mul3A_760 = arith.constant 2 : i32
            %mul3A_761 = arith.muli %mul3A_760, %add3A_107 : i32
            %add3A_762 = arith.constant 1 : i32
            %add3A_763 = arith.addi %mul3A_761, %add3A_762 : i32
            %mul3A_764 = arith.constant 16 : i32
            %mul3A_765 = arith.muli %add3A_763, %mul3A_764 : i32
            %swap3A_766 = arith.constant 4 : i32
            %swap3A_767 = arith.constant 0 : i32
            %swap3A_768 = arith.index_cast %swap3A_766 : i32 to index
            %swap3A_769 = arith.index_cast %add3A_97 : i32 to index
            %swap3A_770 = arith.index_cast %swap3A_767 : i32 to index
            %swap3A_771 = arith.index_cast %mul3A_765 : i32 to index
            %swap3A_772 = tpu.vector_load %arg11[%swap3A_768, %swap3A_769, %swap3A_770, %swap3A_771] {strides = array<i32>} : memref<16x5x4x128xf32, #tpu.memory_space<vmem>>, vector<16xf32>,
            tpu.vector_store %arg11[%swap3A_768, %swap3A_769, %swap3A_770, %swap3A_771], %gather3A_759 {strides = array<i32>} : memref<16x5x4x128xf32, #tpu.memory_space<vmem>>, vector<16xf32>,
            %gather3A_773 = tpu.vector_load_idx %arg5[%add3A_696] : memref<43536xf32, #tpu.memory_space<vmem>>[vector<16xi32>], vector<16xf32>,
            %mul3A_774 = arith.constant 2 : i32
            %mul3A_775 = arith.muli %mul3A_774, %add3A_107 : i32
            %add3A_776 = arith.constant 1 : i32
            %add3A_777 = arith.addi %mul3A_775, %add3A_776 : i32
            %mul3A_778 = arith.constant 16 : i32
            %mul3A_779 = arith.muli %add3A_777, %mul3A_778 : i32
            %swap3A_780 = arith.constant 4 : i32
            %swap3A_781 = arith.constant 1 : i32
            %swap3A_782 = arith.index_cast %swap3A_780 : i32 to index
            %swap3A_783 = arith.index_cast %add3A_97 : i32 to index
            %swap3A_784 = arith.index_cast %swap3A_781 : i32 to index
            %swap3A_785 = arith.index_cast %mul3A_779 : i32 to index
            %swap3A_786 = tpu.vector_load %arg11[%swap3A_782, %swap3A_783, %swap3A_784, %swap3A_785] {strides = array<i32>} : memref<16x5x4x128xf32, #tpu.memory_space<vmem>>, vector<16xf32>,
            tpu.vector_store %arg11[%swap3A_782, %swap3A_783, %swap3A_784, %swap3A_785], %gather3A_773 {strides = array<i32>} : memref<16x5x4x128xf32, #tpu.memory_space<vmem>>, vector<16xf32>,
            %gather3A_787 = tpu.vector_load_idx %arg5[%add3A_699] : memref<43536xf32, #tpu.memory_space<vmem>>[vector<16xi32>], vector<16xf32>,
            %mul3A_788 = arith.constant 2 : i32
            %mul3A_789 = arith.muli %mul3A_788, %add3A_107 : i32
            %add3A_790 = arith.constant 1 : i32
            %add3A_791 = arith.addi %mul3A_789, %add3A_790 : i32
            %mul3A_792 = arith.constant 16 : i32
            %mul3A_793 = arith.muli %add3A_791, %mul3A_792 : i32
            %swap3A_794 = arith.constant 4 : i32
            %swap3A_795 = arith.constant 2 : i32
            %swap3A_796 = arith.index_cast %swap3A_794 : i32 to index
            %swap3A_797 = arith.index_cast %add3A_97 : i32 to index
            %swap3A_798 = arith.index_cast %swap3A_795 : i32 to index
            %swap3A_799 = arith.index_cast %mul3A_793 : i32 to index
            %swap3A_800 = tpu.vector_load %arg11[%swap3A_796, %swap3A_797, %swap3A_798, %swap3A_799] {strides = array<i32>} : memref<16x5x4x128xf32, #tpu.memory_space<vmem>>, vector<16xf32>,
            tpu.vector_store %arg11[%swap3A_796, %swap3A_797, %swap3A_798, %swap3A_799], %gather3A_787 {strides = array<i32>} : memref<16x5x4x128xf32, #tpu.memory_space<vmem>>, vector<16xf32>,
            %gather3A_801 = tpu.vector_load_idx %arg5[%add3A_702] : memref<43536xf32, #tpu.memory_space<vmem>>[vector<16xi32>], vector<16xf32>,
            %mul3A_802 = arith.constant 2 : i32
            %mul3A_803 = arith.muli %mul3A_802, %add3A_107 : i32
            %add3A_804 = arith.constant 1 : i32
            %add3A_805 = arith.addi %mul3A_803, %add3A_804 : i32
            %mul3A_806 = arith.constant 16 : i32
            %mul3A_807 = arith.muli %add3A_805, %mul3A_806 : i32
            %swap3A_808 = arith.constant 4 : i32
            %swap3A_809 = arith.constant 3 : i32
            %swap3A_810 = arith.index_cast %swap3A_808 : i32 to index
            %swap3A_811 = arith.index_cast %add3A_97 : i32 to index
            %swap3A_812 = arith.index_cast %swap3A_809 : i32 to index
            %swap3A_813 = arith.index_cast %mul3A_807 : i32 to index
            %swap3A_814 = tpu.vector_load %arg11[%swap3A_810, %swap3A_811, %swap3A_812, %swap3A_813] {strides = array<i32>} : memref<16x5x4x128xf32, #tpu.memory_space<vmem>>, vector<16xf32>,
            tpu.vector_store %arg11[%swap3A_810, %swap3A_811, %swap3A_812, %swap3A_813], %gather3A_801 {strides = array<i32>} : memref<16x5x4x128xf32, #tpu.memory_space<vmem>>, vector<16xf32>,
            %add3A_815 = arith.constant 4 : i32
            %add3A_816 = vector.broadcast %add3A_815 : i32 to vector<16xi32>
            %add3A_817 = arith.addi %add3A_681, %add3A_816 : vector<16xi32>
            %add3A_818 = arith.constant 4 : i32
            %add3A_819 = vector.broadcast %add3A_818 : i32 to vector<16xi32>
            %add3A_820 = arith.addi %add3A_684, %add3A_819 : vector<16xi32>
            %add3A_821 = arith.constant 4 : i32
            %add3A_822 = vector.broadcast %add3A_821 : i32 to vector<16xi32>
            %add3A_823 = arith.addi %add3A_687, %add3A_822 : vector<16xi32>
            %add3A_824 = arith.constant 4 : i32
            %add3A_825 = vector.broadcast %add3A_824 : i32 to vector<16xi32>
            %add3A_826 = arith.addi %add3A_690, %add3A_825 : vector<16xi32>
            %add3A_827 = arith.constant 4 : i32
            %add3A_828 = vector.broadcast %add3A_827 : i32 to vector<16xi32>
            %add3A_829 = arith.addi %add3A_693, %add3A_828 : vector<16xi32>
            %add3A_830 = arith.constant 4 : i32
            %add3A_831 = vector.broadcast %add3A_830 : i32 to vector<16xi32>
            %add3A_832 = arith.addi %add3A_696, %add3A_831 : vector<16xi32>
            %add3A_833 = arith.constant 4 : i32
            %add3A_834 = vector.broadcast %add3A_833 : i32 to vector<16xi32>
            %add3A_835 = arith.addi %add3A_699, %add3A_834 : vector<16xi32>
            %add3A_836 = arith.constant 4 : i32
            %add3A_837 = vector.broadcast %add3A_836 : i32 to vector<16xi32>
            %add3A_838 = arith.addi %add3A_702, %add3A_837 : vector<16xi32>
            %gather3A_839 = tpu.vector_load_idx %arg5[%add3A_817] : memref<43536xf32, #tpu.memory_space<vmem>>[vector<16xi32>], vector<16xf32>,
            %mul3A_840 = arith.constant 2 : i32
            %mul3A_841 = arith.muli %mul3A_840, %add3A_107 : i32
            %add3A_842 = arith.constant 0 : i32
            %add3A_843 = arith.addi %mul3A_841, %add3A_842 : i32
            %mul3A_844 = arith.constant 16 : i32
            %mul3A_845 = arith.muli %add3A_843, %mul3A_844 : i32
            %swap3A_846 = arith.constant 5 : i32
            %swap3A_847 = arith.constant 0 : i32
            %swap3A_848 = arith.index_cast %swap3A_846 : i32 to index
            %swap3A_849 = arith.index_cast %add3A_97 : i32 to index
            %swap3A_850 = arith.index_cast %swap3A_847 : i32 to index
            %swap3A_851 = arith.index_cast %mul3A_845 : i32 to index
            %swap3A_852 = tpu.vector_load %arg11[%swap3A_848, %swap3A_849, %swap3A_850, %swap3A_851] {strides = array<i32>} : memref<16x5x4x128xf32, #tpu.memory_space<vmem>>, vector<16xf32>,
            tpu.vector_store %arg11[%swap3A_848, %swap3A_849, %swap3A_850, %swap3A_851], %gather3A_839 {strides = array<i32>} : memref<16x5x4x128xf32, #tpu.memory_space<vmem>>, vector<16xf32>,
            %gather3A_853 = tpu.vector_load_idx %arg5[%add3A_820] : memref<43536xf32, #tpu.memory_space<vmem>>[vector<16xi32>], vector<16xf32>,
            %mul3A_854 = arith.constant 2 : i32
            %mul3A_855 = arith.muli %mul3A_854, %add3A_107 : i32
            %add3A_856 = arith.constant 0 : i32
            %add3A_857 = arith.addi %mul3A_855, %add3A_856 : i32
            %mul3A_858 = arith.constant 16 : i32
            %mul3A_859 = arith.muli %add3A_857, %mul3A_858 : i32
            %swap3A_860 = arith.constant 5 : i32
            %swap3A_861 = arith.constant 1 : i32
            %swap3A_862 = arith.index_cast %swap3A_860 : i32 to index
            %swap3A_863 = arith.index_cast %add3A_97 : i32 to index
            %swap3A_864 = arith.index_cast %swap3A_861 : i32 to index
            %swap3A_865 = arith.index_cast %mul3A_859 : i32 to index
            %swap3A_866 = tpu.vector_load %arg11[%swap3A_862, %swap3A_863, %swap3A_864, %swap3A_865] {strides = array<i32>} : memref<16x5x4x128xf32, #tpu.memory_space<vmem>>, vector<16xf32>,
            tpu.vector_store %arg11[%swap3A_862, %swap3A_863, %swap3A_864, %swap3A_865], %gather3A_853 {strides = array<i32>} : memref<16x5x4x128xf32, #tpu.memory_space<vmem>>, vector<16xf32>,
            %gather3A_867 = tpu.vector_load_idx %arg5[%add3A_823] : memref<43536xf32, #tpu.memory_space<vmem>>[vector<16xi32>], vector<16xf32>,
            %mul3A_868 = arith.constant 2 : i32
            %mul3A_869 = arith.muli %mul3A_868, %add3A_107 : i32
            %add3A_870 = arith.constant 0 : i32
            %add3A_871 = arith.addi %mul3A_869, %add3A_870 : i32
            %mul3A_872 = arith.constant 16 : i32
            %mul3A_873 = arith.muli %add3A_871, %mul3A_872 : i32
            %swap3A_874 = arith.constant 5 : i32
            %swap3A_875 = arith.constant 2 : i32
            %swap3A_876 = arith.index_cast %swap3A_874 : i32 to index
            %swap3A_877 = arith.index_cast %add3A_97 : i32 to index
            %swap3A_878 = arith.index_cast %swap3A_875 : i32 to index
            %swap3A_879 = arith.index_cast %mul3A_873 : i32 to index
            %swap3A_880 = tpu.vector_load %arg11[%swap3A_876, %swap3A_877, %swap3A_878, %swap3A_879] {strides = array<i32>} : memref<16x5x4x128xf32, #tpu.memory_space<vmem>>, vector<16xf32>,
            tpu.vector_store %arg11[%swap3A_876, %swap3A_877, %swap3A_878, %swap3A_879], %gather3A_867 {strides = array<i32>} : memref<16x5x4x128xf32, #tpu.memory_space<vmem>>, vector<16xf32>,
            %gather3A_881 = tpu.vector_load_idx %arg5[%add3A_826] : memref<43536xf32, #tpu.memory_space<vmem>>[vector<16xi32>], vector<16xf32>,
            %mul3A_882 = arith.constant 2 : i32
            %mul3A_883 = arith.muli %mul3A_882, %add3A_107 : i32
            %add3A_884 = arith.constant 0 : i32
            %add3A_885 = arith.addi %mul3A_883, %add3A_884 : i32
            %mul3A_886 = arith.constant 16 : i32
            %mul3A_887 = arith.muli %add3A_885, %mul3A_886 : i32
            %swap3A_888 = arith.constant 5 : i32
            %swap3A_889 = arith.constant 3 : i32
            %swap3A_890 = arith.index_cast %swap3A_888 : i32 to index
            %swap3A_891 = arith.index_cast %add3A_97 : i32 to index
            %swap3A_892 = arith.index_cast %swap3A_889 : i32 to index
            %swap3A_893 = arith.index_cast %mul3A_887 : i32 to index
            %swap3A_894 = tpu.vector_load %arg11[%swap3A_890, %swap3A_891, %swap3A_892, %swap3A_893] {strides = array<i32>} : memref<16x5x4x128xf32, #tpu.memory_space<vmem>>, vector<16xf32>,
            tpu.vector_store %arg11[%swap3A_890, %swap3A_891, %swap3A_892, %swap3A_893], %gather3A_881 {strides = array<i32>} : memref<16x5x4x128xf32, #tpu.memory_space<vmem>>, vector<16xf32>,
            %gather3A_895 = tpu.vector_load_idx %arg5[%add3A_829] : memref<43536xf32, #tpu.memory_space<vmem>>[vector<16xi32>], vector<16xf32>,
            %mul3A_896 = arith.constant 2 : i32
            %mul3A_897 = arith.muli %mul3A_896, %add3A_107 : i32
            %add3A_898 = arith.constant 1 : i32
            %add3A_899 = arith.addi %mul3A_897, %add3A_898 : i32
            %mul3A_900 = arith.constant 16 : i32
            %mul3A_901 = arith.muli %add3A_899, %mul3A_900 : i32
            %swap3A_902 = arith.constant 5 : i32
            %swap3A_903 = arith.constant 0 : i32
            %swap3A_904 = arith.index_cast %swap3A_902 : i32 to index
            %swap3A_905 = arith.index_cast %add3A_97 : i32 to index
            %swap3A_906 = arith.index_cast %swap3A_903 : i32 to index
            %swap3A_907 = arith.index_cast %mul3A_901 : i32 to index
            %swap3A_908 = tpu.vector_load %arg11[%swap3A_904, %swap3A_905, %swap3A_906, %swap3A_907] {strides = array<i32>} : memref<16x5x4x128xf32, #tpu.memory_space<vmem>>, vector<16xf32>,
            tpu.vector_store %arg11[%swap3A_904, %swap3A_905, %swap3A_906, %swap3A_907], %gather3A_895 {strides = array<i32>} : memref<16x5x4x128xf32, #tpu.memory_space<vmem>>, vector<16xf32>,
            %gather3A_909 = tpu.vector_load_idx %arg5[%add3A_832] : memref<43536xf32, #tpu.memory_space<vmem>>[vector<16xi32>], vector<16xf32>,
            %mul3A_910 = arith.constant 2 : i32
            %mul3A_911 = arith.muli %mul3A_910, %add3A_107 : i32
            %add3A_912 = arith.constant 1 : i32
            %add3A_913 = arith.addi %mul3A_911, %add3A_912 : i32
            %mul3A_914 = arith.constant 16 : i32
            %mul3A_915 = arith.muli %add3A_913, %mul3A_914 : i32
            %swap3A_916 = arith.constant 5 : i32
            %swap3A_917 = arith.constant 1 : i32
            %swap3A_918 = arith.index_cast %swap3A_916 : i32 to index
            %swap3A_919 = arith.index_cast %add3A_97 : i32 to index
            %swap3A_920 = arith.index_cast %swap3A_917 : i32 to index
            %swap3A_921 = arith.index_cast %mul3A_915 : i32 to index
            %swap3A_922 = tpu.vector_load %arg11[%swap3A_918, %swap3A_919, %swap3A_920, %swap3A_921] {strides = array<i32>} : memref<16x5x4x128xf32, #tpu.memory_space<vmem>>, vector<16xf32>,
            tpu.vector_store %arg11[%swap3A_918, %swap3A_919, %swap3A_920, %swap3A_921], %gather3A_909 {strides = array<i32>} : memref<16x5x4x128xf32, #tpu.memory_space<vmem>>, vector<16xf32>,
            %gather3A_923 = tpu.vector_load_idx %arg5[%add3A_835] : memref<43536xf32, #tpu.memory_space<vmem>>[vector<16xi32>], vector<16xf32>,
            %mul3A_924 = arith.constant 2 : i32
            %mul3A_925 = arith.muli %mul3A_924, %add3A_107 : i32
            %add3A_926 = arith.constant 1 : i32
            %add3A_927 = arith.addi %mul3A_925, %add3A_926 : i32
            %mul3A_928 = arith.constant 16 : i32
            %mul3A_929 = arith.muli %add3A_927, %mul3A_928 : i32
            %swap3A_930 = arith.constant 5 : i32
            %swap3A_931 = arith.constant 2 : i32
            %swap3A_932 = arith.index_cast %swap3A_930 : i32 to index
            %swap3A_933 = arith.index_cast %add3A_97 : i32 to index
            %swap3A_934 = arith.index_cast %swap3A_931 : i32 to index
            %swap3A_935 = arith.index_cast %mul3A_929 : i32 to index
            %swap3A_936 = tpu.vector_load %arg11[%swap3A_932, %swap3A_933, %swap3A_934, %swap3A_935] {strides = array<i32>} : memref<16x5x4x128xf32, #tpu.memory_space<vmem>>, vector<16xf32>,
            tpu.vector_store %arg11[%swap3A_932, %swap3A_933, %swap3A_934, %swap3A_935], %gather3A_923 {strides = array<i32>} : memref<16x5x4x128xf32, #tpu.memory_space<vmem>>, vector<16xf32>,
            %gather3A_937 = tpu.vector_load_idx %arg5[%add3A_838] : memref<43536xf32, #tpu.memory_space<vmem>>[vector<16xi32>], vector<16xf32>,
            %mul3A_938 = arith.constant 2 : i32
            %mul3A_939 = arith.muli %mul3A_938, %add3A_107 : i32
            %add3A_940 = arith.constant 1 : i32
            %add3A_941 = arith.addi %mul3A_939, %add3A_940 : i32
            %mul3A_942 = arith.constant 16 : i32
            %mul3A_943 = arith.muli %add3A_941, %mul3A_942 : i32
            %swap3A_944 = arith.constant 5 : i32
            %swap3A_945 = arith.constant 3 : i32
            %swap3A_946 = arith.index_cast %swap3A_944 : i32 to index
            %swap3A_947 = arith.index_cast %add3A_97 : i32 to index
            %swap3A_948 = arith.index_cast %swap3A_945 : i32 to index
            %swap3A_949 = arith.index_cast %mul3A_943 : i32 to index
            %swap3A_950 = tpu.vector_load %arg11[%swap3A_946, %swap3A_947, %swap3A_948, %swap3A_949] {strides = array<i32>} : memref<16x5x4x128xf32, #tpu.memory_space<vmem>>, vector<16xf32>,
            tpu.vector_store %arg11[%swap3A_946, %swap3A_947, %swap3A_948, %swap3A_949], %gather3A_937 {strides = array<i32>} : memref<16x5x4x128xf32, #tpu.memory_space<vmem>>, vector<16xf32>,
            %add3A_951 = arith.constant 4 : i32
            %add3A_952 = vector.broadcast %add3A_951 : i32 to vector<16xi32>
            %add3A_953 = arith.addi %add3A_817, %add3A_952 : vector<16xi32>
            %add3A_954 = arith.constant 4 : i32
            %add3A_955 = vector.broadcast %add3A_954 : i32 to vector<16xi32>
            %add3A_956 = arith.addi %add3A_820, %add3A_955 : vector<16xi32>
            %add3A_957 = arith.constant 4 : i32
            %add3A_958 = vector.broadcast %add3A_957 : i32 to vector<16xi32>
            %add3A_959 = arith.addi %add3A_823, %add3A_958 : vector<16xi32>
            %add3A_960 = arith.constant 4 : i32
            %add3A_961 = vector.broadcast %add3A_960 : i32 to vector<16xi32>
            %add3A_962 = arith.addi %add3A_826, %add3A_961 : vector<16xi32>
            %add3A_963 = arith.constant 4 : i32
            %add3A_964 = vector.broadcast %add3A_963 : i32 to vector<16xi32>
            %add3A_965 = arith.addi %add3A_829, %add3A_964 : vector<16xi32>
            %add3A_966 = arith.constant 4 : i32
            %add3A_967 = vector.broadcast %add3A_966 : i32 to vector<16xi32>
            %add3A_968 = arith.addi %add3A_832, %add3A_967 : vector<16xi32>
            %add3A_969 = arith.constant 4 : i32
            %add3A_970 = vector.broadcast %add3A_969 : i32 to vector<16xi32>
            %add3A_971 = arith.addi %add3A_835, %add3A_970 : vector<16xi32>
            %add3A_972 = arith.constant 4 : i32
            %add3A_973 = vector.broadcast %add3A_972 : i32 to vector<16xi32>
            %add3A_974 = arith.addi %add3A_838, %add3A_973 : vector<16xi32>
            %gather3A_975 = tpu.vector_load_idx %arg5[%add3A_953] : memref<43536xf32, #tpu.memory_space<vmem>>[vector<16xi32>], vector<16xf32>,
            %mul3A_976 = arith.constant 2 : i32
            %mul3A_977 = arith.muli %mul3A_976, %add3A_107 : i32
            %add3A_978 = arith.constant 0 : i32
            %add3A_979 = arith.addi %mul3A_977, %add3A_978 : i32
            %mul3A_980 = arith.constant 16 : i32
            %mul3A_981 = arith.muli %add3A_979, %mul3A_980 : i32
            %swap3A_982 = arith.constant 6 : i32
            %swap3A_983 = arith.constant 0 : i32
            %swap3A_984 = arith.index_cast %swap3A_982 : i32 to index
            %swap3A_985 = arith.index_cast %add3A_97 : i32 to index
            %swap3A_986 = arith.index_cast %swap3A_983 : i32 to index
            %swap3A_987 = arith.index_cast %mul3A_981 : i32 to index
            %swap3A_988 = tpu.vector_load %arg11[%swap3A_984, %swap3A_985, %swap3A_986, %swap3A_987] {strides = array<i32>} : memref<16x5x4x128xf32, #tpu.memory_space<vmem>>, vector<16xf32>,
            tpu.vector_store %arg11[%swap3A_984, %swap3A_985, %swap3A_986, %swap3A_987], %gather3A_975 {strides = array<i32>} : memref<16x5x4x128xf32, #tpu.memory_space<vmem>>, vector<16xf32>,
            %gather3A_989 = tpu.vector_load_idx %arg5[%add3A_956] : memref<43536xf32, #tpu.memory_space<vmem>>[vector<16xi32>], vector<16xf32>,
            %mul3A_990 = arith.constant 2 : i32
            %mul3A_991 = arith.muli %mul3A_990, %add3A_107 : i32
            %add3A_992 = arith.constant 0 : i32
            %add3A_993 = arith.addi %mul3A_991, %add3A_992 : i32
            %mul3A_994 = arith.constant 16 : i32
            %mul3A_995 = arith.muli %add3A_993, %mul3A_994 : i32
            %swap3A_996 = arith.constant 6 : i32
            %swap3A_997 = arith.constant 1 : i32
            %swap3A_998 = arith.index_cast %swap3A_996 : i32 to index
            %swap3A_999 = arith.index_cast %add3A_97 : i32 to index
            %swap3A_1000 = arith.index_cast %swap3A_997 : i32 to index
            %swap3A_1001 = arith.index_cast %mul3A_995 : i32 to index
            %swap3A_1002 = tpu.vector_load %arg11[%swap3A_998, %swap3A_999, %swap3A_1000, %swap3A_1001] {strides = array<i32>} : memref<16x5x4x128xf32, #tpu.memory_space<vmem>>, vector<16xf32>,
            tpu.vector_store %arg11[%swap3A_998, %swap3A_999, %swap3A_1000, %swap3A_1001], %gather3A_989 {strides = array<i32>} : memref<16x5x4x128xf32, #tpu.memory_space<vmem>>, vector<16xf32>,
            %gather3A_1003 = tpu.vector_load_idx %arg5[%add3A_959] : memref<43536xf32, #tpu.memory_space<vmem>>[vector<16xi32>], vector<16xf32>,
            %mul3A_1004 = arith.constant 2 : i32
            %mul3A_1005 = arith.muli %mul3A_1004, %add3A_107 : i32
            %add3A_1006 = arith.constant 0 : i32
            %add3A_1007 = arith.addi %mul3A_1005, %add3A_1006 : i32
            %mul3A_1008 = arith.constant 16 : i32
            %mul3A_1009 = arith.muli %add3A_1007, %mul3A_1008 : i32
            %swap3A_1010 = arith.constant 6 : i32
            %swap3A_1011 = arith.constant 2 : i32
            %swap3A_1012 = arith.index_cast %swap3A_1010 : i32 to index
            %swap3A_1013 = arith.index_cast %add3A_97 : i32 to index
            %swap3A_1014 = arith.index_cast %swap3A_1011 : i32 to index
            %swap3A_1015 = arith.index_cast %mul3A_1009 : i32 to index
            %swap3A_1016 = tpu.vector_load %arg11[%swap3A_1012, %swap3A_1013, %swap3A_1014, %swap3A_1015] {strides = array<i32>} : memref<16x5x4x128xf32, #tpu.memory_space<vmem>>, vector<16xf32>,
            tpu.vector_store %arg11[%swap3A_1012, %swap3A_1013, %swap3A_1014, %swap3A_1015], %gather3A_1003 {strides = array<i32>} : memref<16x5x4x128xf32, #tpu.memory_space<vmem>>, vector<16xf32>,
            %gather3A_1017 = tpu.vector_load_idx %arg5[%add3A_962] : memref<43536xf32, #tpu.memory_space<vmem>>[vector<16xi32>], vector<16xf32>,
            %mul3A_1018 = arith.constant 2 : i32
            %mul3A_1019 = arith.muli %mul3A_1018, %add3A_107 : i32
            %add3A_1020 = arith.constant 0 : i32
            %add3A_1021 = arith.addi %mul3A_1019, %add3A_1020 : i32
            %mul3A_1022 = arith.constant 16 : i32
            %mul3A_1023 = arith.muli %add3A_1021, %mul3A_1022 : i32
            %swap3A_1024 = arith.constant 6 : i32
            %swap3A_1025 = arith.constant 3 : i32
            %swap3A_1026 = arith.index_cast %swap3A_1024 : i32 to index
            %swap3A_1027 = arith.index_cast %add3A_97 : i32 to index
            %swap3A_1028 = arith.index_cast %swap3A_1025 : i32 to index
            %swap3A_1029 = arith.index_cast %mul3A_1023 : i32 to index
            %swap3A_1030 = tpu.vector_load %arg11[%swap3A_1026, %swap3A_1027, %swap3A_1028, %swap3A_1029] {strides = array<i32>} : memref<16x5x4x128xf32, #tpu.memory_space<vmem>>, vector<16xf32>,
            tpu.vector_store %arg11[%swap3A_1026, %swap3A_1027, %swap3A_1028, %swap3A_1029], %gather3A_1017 {strides = array<i32>} : memref<16x5x4x128xf32, #tpu.memory_space<vmem>>, vector<16xf32>,
            %gather3A_1031 = tpu.vector_load_idx %arg5[%add3A_965] : memref<43536xf32, #tpu.memory_space<vmem>>[vector<16xi32>], vector<16xf32>,
            %mul3A_1032 = arith.constant 2 : i32
            %mul3A_1033 = arith.muli %mul3A_1032, %add3A_107 : i32
            %add3A_1034 = arith.constant 1 : i32
            %add3A_1035 = arith.addi %mul3A_1033, %add3A_1034 : i32
            %mul3A_1036 = arith.constant 16 : i32
            %mul3A_1037 = arith.muli %add3A_1035, %mul3A_1036 : i32
            %swap3A_1038 = arith.constant 6 : i32
            %swap3A_1039 = arith.constant 0 : i32
            %swap3A_1040 = arith.index_cast %swap3A_1038 : i32 to index
            %swap3A_1041 = arith.index_cast %add3A_97 : i32 to index
            %swap3A_1042 = arith.index_cast %swap3A_1039 : i32 to index
            %swap3A_1043 = arith.index_cast %mul3A_1037 : i32 to index
            %swap3A_1044 = tpu.vector_load %arg11[%swap3A_1040, %swap3A_1041, %swap3A_1042, %swap3A_1043] {strides = array<i32>} : memref<16x5x4x128xf32, #tpu.memory_space<vmem>>, vector<16xf32>,
            tpu.vector_store %arg11[%swap3A_1040, %swap3A_1041, %swap3A_1042, %swap3A_1043], %gather3A_1031 {strides = array<i32>} : memref<16x5x4x128xf32, #tpu.memory_space<vmem>>, vector<16xf32>,
            %gather3A_1045 = tpu.vector_load_idx %arg5[%add3A_968] : memref<43536xf32, #tpu.memory_space<vmem>>[vector<16xi32>], vector<16xf32>,
            %mul3A_1046 = arith.constant 2 : i32
            %mul3A_1047 = arith.muli %mul3A_1046, %add3A_107 : i32
            %add3A_1048 = arith.constant 1 : i32
            %add3A_1049 = arith.addi %mul3A_1047, %add3A_1048 : i32
            %mul3A_1050 = arith.constant 16 : i32
            %mul3A_1051 = arith.muli %add3A_1049, %mul3A_1050 : i32
            %swap3A_1052 = arith.constant 6 : i32
            %swap3A_1053 = arith.constant 1 : i32
            %swap3A_1054 = arith.index_cast %swap3A_1052 : i32 to index
            %swap3A_1055 = arith.index_cast %add3A_97 : i32 to index
            %swap3A_1056 = arith.index_cast %swap3A_1053 : i32 to index
            %swap3A_1057 = arith.index_cast %mul3A_1051 : i32 to index
            %swap3A_1058 = tpu.vector_load %arg11[%swap3A_1054, %swap3A_1055, %swap3A_1056, %swap3A_1057] {strides = array<i32>} : memref<16x5x4x128xf32, #tpu.memory_space<vmem>>, vector<16xf32>,
            tpu.vector_store %arg11[%swap3A_1054, %swap3A_1055, %swap3A_1056, %swap3A_1057], %gather3A_1045 {strides = array<i32>} : memref<16x5x4x128xf32, #tpu.memory_space<vmem>>, vector<16xf32>,
            %gather3A_1059 = tpu.vector_load_idx %arg5[%add3A_971] : memref<43536xf32, #tpu.memory_space<vmem>>[vector<16xi32>], vector<16xf32>,
            %mul3A_1060 = arith.constant 2 : i32
            %mul3A_1061 = arith.muli %mul3A_1060, %add3A_107 : i32
            %add3A_1062 = arith.constant 1 : i32
            %add3A_1063 = arith.addi %mul3A_1061, %add3A_1062 : i32
            %mul3A_1064 = arith.constant 16 : i32
            %mul3A_1065 = arith.muli %add3A_1063, %mul3A_1064 : i32
            %swap3A_1066 = arith.constant 6 : i32
            %swap3A_1067 = arith.constant 2 : i32
            %swap3A_1068 = arith.index_cast %swap3A_1066 : i32 to index
            %swap3A_1069 = arith.index_cast %add3A_97 : i32 to index
            %swap3A_1070 = arith.index_cast %swap3A_1067 : i32 to index
            %swap3A_1071 = arith.index_cast %mul3A_1065 : i32 to index
            %swap3A_1072 = tpu.vector_load %arg11[%swap3A_1068, %swap3A_1069, %swap3A_1070, %swap3A_1071] {strides = array<i32>} : memref<16x5x4x128xf32, #tpu.memory_space<vmem>>, vector<16xf32>,
            tpu.vector_store %arg11[%swap3A_1068, %swap3A_1069, %swap3A_1070, %swap3A_1071], %gather3A_1059 {strides = array<i32>} : memref<16x5x4x128xf32, #tpu.memory_space<vmem>>, vector<16xf32>,
            %gather3A_1073 = tpu.vector_load_idx %arg5[%add3A_974] : memref<43536xf32, #tpu.memory_space<vmem>>[vector<16xi32>], vector<16xf32>,
            %mul3A_1074 = arith.constant 2 : i32
            %mul3A_1075 = arith.muli %mul3A_1074, %add3A_107 : i32
            %add3A_1076 = arith.constant 1 : i32
            %add3A_1077 = arith.addi %mul3A_1075, %add3A_1076 : i32
            %mul3A_1078 = arith.constant 16 : i32
            %mul3A_1079 = arith.muli %add3A_1077, %mul3A_1078 : i32
            %swap3A_1080 = arith.constant 6 : i32
            %swap3A_1081 = arith.constant 3 : i32
            %swap3A_1082 = arith.index_cast %swap3A_1080 : i32 to index
            %swap3A_1083 = arith.index_cast %add3A_97 : i32 to index
            %swap3A_1084 = arith.index_cast %swap3A_1081 : i32 to index
            %swap3A_1085 = arith.index_cast %mul3A_1079 : i32 to index
            %swap3A_1086 = tpu.vector_load %arg11[%swap3A_1082, %swap3A_1083, %swap3A_1084, %swap3A_1085] {strides = array<i32>} : memref<16x5x4x128xf32, #tpu.memory_space<vmem>>, vector<16xf32>,
            tpu.vector_store %arg11[%swap3A_1082, %swap3A_1083, %swap3A_1084, %swap3A_1085], %gather3A_1073 {strides = array<i32>} : memref<16x5x4x128xf32, #tpu.memory_space<vmem>>, vector<16xf32>,
            %add3A_1087 = arith.constant 4 : i32
            %add3A_1088 = vector.broadcast %add3A_1087 : i32 to vector<16xi32>
            %add3A_1089 = arith.addi %add3A_953, %add3A_1088 : vector<16xi32>
            %add3A_1090 = arith.constant 4 : i32
            %add3A_1091 = vector.broadcast %add3A_1090 : i32 to vector<16xi32>
            %add3A_1092 = arith.addi %add3A_956, %add3A_1091 : vector<16xi32>
            %add3A_1093 = arith.constant 4 : i32
            %add3A_1094 = vector.broadcast %add3A_1093 : i32 to vector<16xi32>
            %add3A_1095 = arith.addi %add3A_959, %add3A_1094 : vector<16xi32>
            %add3A_1096 = arith.constant 4 : i32
            %add3A_1097 = vector.broadcast %add3A_1096 : i32 to vector<16xi32>
            %add3A_1098 = arith.addi %add3A_962, %add3A_1097 : vector<16xi32>
            %add3A_1099 = arith.constant 4 : i32
            %add3A_1100 = vector.broadcast %add3A_1099 : i32 to vector<16xi32>
            %add3A_1101 = arith.addi %add3A_965, %add3A_1100 : vector<16xi32>
            %add3A_1102 = arith.constant 4 : i32
            %add3A_1103 = vector.broadcast %add3A_1102 : i32 to vector<16xi32>
            %add3A_1104 = arith.addi %add3A_968, %add3A_1103 : vector<16xi32>
            %add3A_1105 = arith.constant 4 : i32
            %add3A_1106 = vector.broadcast %add3A_1105 : i32 to vector<16xi32>
            %add3A_1107 = arith.addi %add3A_971, %add3A_1106 : vector<16xi32>
            %add3A_1108 = arith.constant 4 : i32
            %add3A_1109 = vector.broadcast %add3A_1108 : i32 to vector<16xi32>
            %add3A_1110 = arith.addi %add3A_974, %add3A_1109 : vector<16xi32>
            %gather3A_1111 = tpu.vector_load_idx %arg5[%add3A_1089] : memref<43536xf32, #tpu.memory_space<vmem>>[vector<16xi32>], vector<16xf32>,
            %mul3A_1112 = arith.constant 2 : i32
            %mul3A_1113 = arith.muli %mul3A_1112, %add3A_107 : i32
            %add3A_1114 = arith.constant 0 : i32
            %add3A_1115 = arith.addi %mul3A_1113, %add3A_1114 : i32
            %mul3A_1116 = arith.constant 16 : i32
            %mul3A_1117 = arith.muli %add3A_1115, %mul3A_1116 : i32
            %swap3A_1118 = arith.constant 7 : i32
            %swap3A_1119 = arith.constant 0 : i32
            %swap3A_1120 = arith.index_cast %swap3A_1118 : i32 to index
            %swap3A_1121 = arith.index_cast %add3A_97 : i32 to index
            %swap3A_1122 = arith.index_cast %swap3A_1119 : i32 to index
            %swap3A_1123 = arith.index_cast %mul3A_1117 : i32 to index
            %swap3A_1124 = tpu.vector_load %arg11[%swap3A_1120, %swap3A_1121, %swap3A_1122, %swap3A_1123] {strides = array<i32>} : memref<16x5x4x128xf32, #tpu.memory_space<vmem>>, vector<16xf32>,
            tpu.vector_store %arg11[%swap3A_1120, %swap3A_1121, %swap3A_1122, %swap3A_1123], %gather3A_1111 {strides = array<i32>} : memref<16x5x4x128xf32, #tpu.memory_space<vmem>>, vector<16xf32>,
            %gather3A_1125 = tpu.vector_load_idx %arg5[%add3A_1092] : memref<43536xf32, #tpu.memory_space<vmem>>[vector<16xi32>], vector<16xf32>,
            %mul3A_1126 = arith.constant 2 : i32
            %mul3A_1127 = arith.muli %mul3A_1126, %add3A_107 : i32
            %add3A_1128 = arith.constant 0 : i32
            %add3A_1129 = arith.addi %mul3A_1127, %add3A_1128 : i32
            %mul3A_1130 = arith.constant 16 : i32
            %mul3A_1131 = arith.muli %add3A_1129, %mul3A_1130 : i32
            %swap3A_1132 = arith.constant 7 : i32
            %swap3A_1133 = arith.constant 1 : i32
            %swap3A_1134 = arith.index_cast %swap3A_1132 : i32 to index
            %swap3A_1135 = arith.index_cast %add3A_97 : i32 to index
            %swap3A_1136 = arith.index_cast %swap3A_1133 : i32 to index
            %swap3A_1137 = arith.index_cast %mul3A_1131 : i32 to index
            %swap3A_1138 = tpu.vector_load %arg11[%swap3A_1134, %swap3A_1135, %swap3A_1136, %swap3A_1137] {strides = array<i32>} : memref<16x5x4x128xf32, #tpu.memory_space<vmem>>, vector<16xf32>,
            tpu.vector_store %arg11[%swap3A_1134, %swap3A_1135, %swap3A_1136, %swap3A_1137], %gather3A_1125 {strides = array<i32>} : memref<16x5x4x128xf32, #tpu.memory_space<vmem>>, vector<16xf32>,
            %gather3A_1139 = tpu.vector_load_idx %arg5[%add3A_1095] : memref<43536xf32, #tpu.memory_space<vmem>>[vector<16xi32>], vector<16xf32>,
            %mul3A_1140 = arith.constant 2 : i32
            %mul3A_1141 = arith.muli %mul3A_1140, %add3A_107 : i32
            %add3A_1142 = arith.constant 0 : i32
            %add3A_1143 = arith.addi %mul3A_1141, %add3A_1142 : i32
            %mul3A_1144 = arith.constant 16 : i32
            %mul3A_1145 = arith.muli %add3A_1143, %mul3A_1144 : i32
            %swap3A_1146 = arith.constant 7 : i32
            %swap3A_1147 = arith.constant 2 : i32
            %swap3A_1148 = arith.index_cast %swap3A_1146 : i32 to index
            %swap3A_1149 = arith.index_cast %add3A_97 : i32 to index
            %swap3A_1150 = arith.index_cast %swap3A_1147 : i32 to index
            %swap3A_1151 = arith.index_cast %mul3A_1145 : i32 to index
            %swap3A_1152 = tpu.vector_load %arg11[%swap3A_1148, %swap3A_1149, %swap3A_1150, %swap3A_1151] {strides = array<i32>} : memref<16x5x4x128xf32, #tpu.memory_space<vmem>>, vector<16xf32>,
            tpu.vector_store %arg11[%swap3A_1148, %swap3A_1149, %swap3A_1150, %swap3A_1151], %gather3A_1139 {strides = array<i32>} : memref<16x5x4x128xf32, #tpu.memory_space<vmem>>, vector<16xf32>,
            %gather3A_1153 = tpu.vector_load_idx %arg5[%add3A_1098] : memref<43536xf32, #tpu.memory_space<vmem>>[vector<16xi32>], vector<16xf32>,
            %mul3A_1154 = arith.constant 2 : i32
            %mul3A_1155 = arith.muli %mul3A_1154, %add3A_107 : i32
            %add3A_1156 = arith.constant 0 : i32
            %add3A_1157 = arith.addi %mul3A_1155, %add3A_1156 : i32
            %mul3A_1158 = arith.constant 16 : i32
            %mul3A_1159 = arith.muli %add3A_1157, %mul3A_1158 : i32
            %swap3A_1160 = arith.constant 7 : i32
            %swap3A_1161 = arith.constant 3 : i32
            %swap3A_1162 = arith.index_cast %swap3A_1160 : i32 to index
            %swap3A_1163 = arith.index_cast %add3A_97 : i32 to index
            %swap3A_1164 = arith.index_cast %swap3A_1161 : i32 to index
            %swap3A_1165 = arith.index_cast %mul3A_1159 : i32 to index
            %swap3A_1166 = tpu.vector_load %arg11[%swap3A_1162, %swap3A_1163, %swap3A_1164, %swap3A_1165] {strides = array<i32>} : memref<16x5x4x128xf32, #tpu.memory_space<vmem>>, vector<16xf32>,
            tpu.vector_store %arg11[%swap3A_1162, %swap3A_1163, %swap3A_1164, %swap3A_1165], %gather3A_1153 {strides = array<i32>} : memref<16x5x4x128xf32, #tpu.memory_space<vmem>>, vector<16xf32>,
            %gather3A_1167 = tpu.vector_load_idx %arg5[%add3A_1101] : memref<43536xf32, #tpu.memory_space<vmem>>[vector<16xi32>], vector<16xf32>,
            %mul3A_1168 = arith.constant 2 : i32
            %mul3A_1169 = arith.muli %mul3A_1168, %add3A_107 : i32
            %add3A_1170 = arith.constant 1 : i32
            %add3A_1171 = arith.addi %mul3A_1169, %add3A_1170 : i32
            %mul3A_1172 = arith.constant 16 : i32
            %mul3A_1173 = arith.muli %add3A_1171, %mul3A_1172 : i32
            %swap3A_1174 = arith.constant 7 : i32
            %swap3A_1175 = arith.constant 0 : i32
            %swap3A_1176 = arith.index_cast %swap3A_1174 : i32 to index
            %swap3A_1177 = arith.index_cast %add3A_97 : i32 to index
            %swap3A_1178 = arith.index_cast %swap3A_1175 : i32 to index
            %swap3A_1179 = arith.index_cast %mul3A_1173 : i32 to index
            %swap3A_1180 = tpu.vector_load %arg11[%swap3A_1176, %swap3A_1177, %swap3A_1178, %swap3A_1179] {strides = array<i32>} : memref<16x5x4x128xf32, #tpu.memory_space<vmem>>, vector<16xf32>,
            tpu.vector_store %arg11[%swap3A_1176, %swap3A_1177, %swap3A_1178, %swap3A_1179], %gather3A_1167 {strides = array<i32>} : memref<16x5x4x128xf32, #tpu.memory_space<vmem>>, vector<16xf32>,
            %gather3A_1181 = tpu.vector_load_idx %arg5[%add3A_1104] : memref<43536xf32, #tpu.memory_space<vmem>>[vector<16xi32>], vector<16xf32>,
            %mul3A_1182 = arith.constant 2 : i32
            %mul3A_1183 = arith.muli %mul3A_1182, %add3A_107 : i32
            %add3A_1184 = arith.constant 1 : i32
            %add3A_1185 = arith.addi %mul3A_1183, %add3A_1184 : i32
            %mul3A_1186 = arith.constant 16 : i32
            %mul3A_1187 = arith.muli %add3A_1185, %mul3A_1186 : i32
            %swap3A_1188 = arith.constant 7 : i32
            %swap3A_1189 = arith.constant 1 : i32
            %swap3A_1190 = arith.index_cast %swap3A_1188 : i32 to index
            %swap3A_1191 = arith.index_cast %add3A_97 : i32 to index
            %swap3A_1192 = arith.index_cast %swap3A_1189 : i32 to index
            %swap3A_1193 = arith.index_cast %mul3A_1187 : i32 to index
            %swap3A_1194 = tpu.vector_load %arg11[%swap3A_1190, %swap3A_1191, %swap3A_1192, %swap3A_1193] {strides = array<i32>} : memref<16x5x4x128xf32, #tpu.memory_space<vmem>>, vector<16xf32>,
            tpu.vector_store %arg11[%swap3A_1190, %swap3A_1191, %swap3A_1192, %swap3A_1193], %gather3A_1181 {strides = array<i32>} : memref<16x5x4x128xf32, #tpu.memory_space<vmem>>, vector<16xf32>,
            %gather3A_1195 = tpu.vector_load_idx %arg5[%add3A_1107] : memref<43536xf32, #tpu.memory_space<vmem>>[vector<16xi32>], vector<16xf32>,
            %mul3A_1196 = arith.constant 2 : i32
            %mul3A_1197 = arith.muli %mul3A_1196, %add3A_107 : i32
            %add3A_1198 = arith.constant 1 : i32
            %add3A_1199 = arith.addi %mul3A_1197, %add3A_1198 : i32
            %mul3A_1200 = arith.constant 16 : i32
            %mul3A_1201 = arith.muli %add3A_1199, %mul3A_1200 : i32
            %swap3A_1202 = arith.constant 7 : i32
            %swap3A_1203 = arith.constant 2 : i32
            %swap3A_1204 = arith.index_cast %swap3A_1202 : i32 to index
            %swap3A_1205 = arith.index_cast %add3A_97 : i32 to index
            %swap3A_1206 = arith.index_cast %swap3A_1203 : i32 to index
            %swap3A_1207 = arith.index_cast %mul3A_1201 : i32 to index
            %swap3A_1208 = tpu.vector_load %arg11[%swap3A_1204, %swap3A_1205, %swap3A_1206, %swap3A_1207] {strides = array<i32>} : memref<16x5x4x128xf32, #tpu.memory_space<vmem>>, vector<16xf32>,
            tpu.vector_store %arg11[%swap3A_1204, %swap3A_1205, %swap3A_1206, %swap3A_1207], %gather3A_1195 {strides = array<i32>} : memref<16x5x4x128xf32, #tpu.memory_space<vmem>>, vector<16xf32>,
            %gather3A_1209 = tpu.vector_load_idx %arg5[%add3A_1110] : memref<43536xf32, #tpu.memory_space<vmem>>[vector<16xi32>], vector<16xf32>,
            %mul3A_1210 = arith.constant 2 : i32
            %mul3A_1211 = arith.muli %mul3A_1210, %add3A_107 : i32
            %add3A_1212 = arith.constant 1 : i32
            %add3A_1213 = arith.addi %mul3A_1211, %add3A_1212 : i32
            %mul3A_1214 = arith.constant 16 : i32
            %mul3A_1215 = arith.muli %add3A_1213, %mul3A_1214 : i32
            %swap3A_1216 = arith.constant 7 : i32
            %swap3A_1217 = arith.constant 3 : i32
            %swap3A_1218 = arith.index_cast %swap3A_1216 : i32 to index
            %swap3A_1219 = arith.index_cast %add3A_97 : i32 to index
            %swap3A_1220 = arith.index_cast %swap3A_1217 : i32 to index
            %swap3A_1221 = arith.index_cast %mul3A_1215 : i32 to index
            %swap3A_1222 = tpu.vector_load %arg11[%swap3A_1218, %swap3A_1219, %swap3A_1220, %swap3A_1221] {strides = array<i32>} : memref<16x5x4x128xf32, #tpu.memory_space<vmem>>, vector<16xf32>,
            tpu.vector_store %arg11[%swap3A_1218, %swap3A_1219, %swap3A_1220, %swap3A_1221], %gather3A_1209 {strides = array<i32>} : memref<16x5x4x128xf32, #tpu.memory_space<vmem>>, vector<16xf32>,
            %add3A_1223 = arith.constant 4 : i32
            %add3A_1224 = vector.broadcast %add3A_1223 : i32 to vector<16xi32>
            %add3A_1225 = arith.addi %add3A_1089, %add3A_1224 : vector<16xi32>
            %add3A_1226 = arith.constant 4 : i32
            %add3A_1227 = vector.broadcast %add3A_1226 : i32 to vector<16xi32>
            %add3A_1228 = arith.addi %add3A_1092, %add3A_1227 : vector<16xi32>
            %add3A_1229 = arith.constant 4 : i32
            %add3A_1230 = vector.broadcast %add3A_1229 : i32 to vector<16xi32>
            %add3A_1231 = arith.addi %add3A_1095, %add3A_1230 : vector<16xi32>
            %add3A_1232 = arith.constant 4 : i32
            %add3A_1233 = vector.broadcast %add3A_1232 : i32 to vector<16xi32>
            %add3A_1234 = arith.addi %add3A_1098, %add3A_1233 : vector<16xi32>
            %add3A_1235 = arith.constant 4 : i32
            %add3A_1236 = vector.broadcast %add3A_1235 : i32 to vector<16xi32>
            %add3A_1237 = arith.addi %add3A_1101, %add3A_1236 : vector<16xi32>
            %add3A_1238 = arith.constant 4 : i32
            %add3A_1239 = vector.broadcast %add3A_1238 : i32 to vector<16xi32>
            %add3A_1240 = arith.addi %add3A_1104, %add3A_1239 : vector<16xi32>
            %add3A_1241 = arith.constant 4 : i32
            %add3A_1242 = vector.broadcast %add3A_1241 : i32 to vector<16xi32>
            %add3A_1243 = arith.addi %add3A_1107, %add3A_1242 : vector<16xi32>
            %add3A_1244 = arith.constant 4 : i32
            %add3A_1245 = vector.broadcast %add3A_1244 : i32 to vector<16xi32>
            %add3A_1246 = arith.addi %add3A_1110, %add3A_1245 : vector<16xi32>
            %gather3A_1247 = tpu.vector_load_idx %arg5[%add3A_1225] : memref<43536xf32, #tpu.memory_space<vmem>>[vector<16xi32>], vector<16xf32>,
            %mul3A_1248 = arith.constant 2 : i32
            %mul3A_1249 = arith.muli %mul3A_1248, %add3A_107 : i32
            %add3A_1250 = arith.constant 0 : i32
            %add3A_1251 = arith.addi %mul3A_1249, %add3A_1250 : i32
            %mul3A_1252 = arith.constant 16 : i32
            %mul3A_1253 = arith.muli %add3A_1251, %mul3A_1252 : i32
            %swap3A_1254 = arith.constant 8 : i32
            %swap3A_1255 = arith.constant 0 : i32
            %swap3A_1256 = arith.index_cast %swap3A_1254 : i32 to index
            %swap3A_1257 = arith.index_cast %add3A_97 : i32 to index
            %swap3A_1258 = arith.index_cast %swap3A_1255 : i32 to index
            %swap3A_1259 = arith.index_cast %mul3A_1253 : i32 to index
            %swap3A_1260 = tpu.vector_load %arg11[%swap3A_1256, %swap3A_1257, %swap3A_1258, %swap3A_1259] {strides = array<i32>} : memref<16x5x4x128xf32, #tpu.memory_space<vmem>>, vector<16xf32>,
            tpu.vector_store %arg11[%swap3A_1256, %swap3A_1257, %swap3A_1258, %swap3A_1259], %gather3A_1247 {strides = array<i32>} : memref<16x5x4x128xf32, #tpu.memory_space<vmem>>, vector<16xf32>,
            %gather3A_1261 = tpu.vector_load_idx %arg5[%add3A_1228] : memref<43536xf32, #tpu.memory_space<vmem>>[vector<16xi32>], vector<16xf32>,
            %mul3A_1262 = arith.constant 2 : i32
            %mul3A_1263 = arith.muli %mul3A_1262, %add3A_107 : i32
            %add3A_1264 = arith.constant 0 : i32
            %add3A_1265 = arith.addi %mul3A_1263, %add3A_1264 : i32
            %mul3A_1266 = arith.constant 16 : i32
            %mul3A_1267 = arith.muli %add3A_1265, %mul3A_1266 : i32
            %swap3A_1268 = arith.constant 8 : i32
            %swap3A_1269 = arith.constant 1 : i32
            %swap3A_1270 = arith.index_cast %swap3A_1268 : i32 to index
            %swap3A_1271 = arith.index_cast %add3A_97 : i32 to index
            %swap3A_1272 = arith.index_cast %swap3A_1269 : i32 to index
            %swap3A_1273 = arith.index_cast %mul3A_1267 : i32 to index
            %swap3A_1274 = tpu.vector_load %arg11[%swap3A_1270, %swap3A_1271, %swap3A_1272, %swap3A_1273] {strides = array<i32>} : memref<16x5x4x128xf32, #tpu.memory_space<vmem>>, vector<16xf32>,
            tpu.vector_store %arg11[%swap3A_1270, %swap3A_1271, %swap3A_1272, %swap3A_1273], %gather3A_1261 {strides = array<i32>} : memref<16x5x4x128xf32, #tpu.memory_space<vmem>>, vector<16xf32>,
            %gather3A_1275 = tpu.vector_load_idx %arg5[%add3A_1231] : memref<43536xf32, #tpu.memory_space<vmem>>[vector<16xi32>], vector<16xf32>,
            %mul3A_1276 = arith.constant 2 : i32
            %mul3A_1277 = arith.muli %mul3A_1276, %add3A_107 : i32
            %add3A_1278 = arith.constant 0 : i32
            %add3A_1279 = arith.addi %mul3A_1277, %add3A_1278 : i32
            %mul3A_1280 = arith.constant 16 : i32
            %mul3A_1281 = arith.muli %add3A_1279, %mul3A_1280 : i32
            %swap3A_1282 = arith.constant 8 : i32
            %swap3A_1283 = arith.constant 2 : i32
            %swap3A_1284 = arith.index_cast %swap3A_1282 : i32 to index
            %swap3A_1285 = arith.index_cast %add3A_97 : i32 to index
            %swap3A_1286 = arith.index_cast %swap3A_1283 : i32 to index
            %swap3A_1287 = arith.index_cast %mul3A_1281 : i32 to index
            %swap3A_1288 = tpu.vector_load %arg11[%swap3A_1284, %swap3A_1285, %swap3A_1286, %swap3A_1287] {strides = array<i32>} : memref<16x5x4x128xf32, #tpu.memory_space<vmem>>, vector<16xf32>,
            tpu.vector_store %arg11[%swap3A_1284, %swap3A_1285, %swap3A_1286, %swap3A_1287], %gather3A_1275 {strides = array<i32>} : memref<16x5x4x128xf32, #tpu.memory_space<vmem>>, vector<16xf32>,
            %gather3A_1289 = tpu.vector_load_idx %arg5[%add3A_1234] : memref<43536xf32, #tpu.memory_space<vmem>>[vector<16xi32>], vector<16xf32>,
            %mul3A_1290 = arith.constant 2 : i32
            %mul3A_1291 = arith.muli %mul3A_1290, %add3A_107 : i32
            %add3A_1292 = arith.constant 0 : i32
            %add3A_1293 = arith.addi %mul3A_1291, %add3A_1292 : i32
            %mul3A_1294 = arith.constant 16 : i32
            %mul3A_1295 = arith.muli %add3A_1293, %mul3A_1294 : i32
            %swap3A_1296 = arith.constant 8 : i32
            %swap3A_1297 = arith.constant 3 : i32
            %swap3A_1298 = arith.index_cast %swap3A_1296 : i32 to index
            %swap3A_1299 = arith.index_cast %add3A_97 : i32 to index
            %swap3A_1300 = arith.index_cast %swap3A_1297 : i32 to index
            %swap3A_1301 = arith.index_cast %mul3A_1295 : i32 to index
            %swap3A_1302 = tpu.vector_load %arg11[%swap3A_1298, %swap3A_1299, %swap3A_1300, %swap3A_1301] {strides = array<i32>} : memref<16x5x4x128xf32, #tpu.memory_space<vmem>>, vector<16xf32>,
            tpu.vector_store %arg11[%swap3A_1298, %swap3A_1299, %swap3A_1300, %swap3A_1301], %gather3A_1289 {strides = array<i32>} : memref<16x5x4x128xf32, #tpu.memory_space<vmem>>, vector<16xf32>,
            %gather3A_1303 = tpu.vector_load_idx %arg5[%add3A_1237] : memref<43536xf32, #tpu.memory_space<vmem>>[vector<16xi32>], vector<16xf32>,
            %mul3A_1304 = arith.constant 2 : i32
            %mul3A_1305 = arith.muli %mul3A_1304, %add3A_107 : i32
            %add3A_1306 = arith.constant 1 : i32
            %add3A_1307 = arith.addi %mul3A_1305, %add3A_1306 : i32
            %mul3A_1308 = arith.constant 16 : i32
            %mul3A_1309 = arith.muli %add3A_1307, %mul3A_1308 : i32
            %swap3A_1310 = arith.constant 8 : i32
            %swap3A_1311 = arith.constant 0 : i32
            %swap3A_1312 = arith.index_cast %swap3A_1310 : i32 to index
            %swap3A_1313 = arith.index_cast %add3A_97 : i32 to index
            %swap3A_1314 = arith.index_cast %swap3A_1311 : i32 to index
            %swap3A_1315 = arith.index_cast %mul3A_1309 : i32 to index
            %swap3A_1316 = tpu.vector_load %arg11[%swap3A_1312, %swap3A_1313, %swap3A_1314, %swap3A_1315] {strides = array<i32>} : memref<16x5x4x128xf32, #tpu.memory_space<vmem>>, vector<16xf32>,
            tpu.vector_store %arg11[%swap3A_1312, %swap3A_1313, %swap3A_1314, %swap3A_1315], %gather3A_1303 {strides = array<i32>} : memref<16x5x4x128xf32, #tpu.memory_space<vmem>>, vector<16xf32>,
            %gather3A_1317 = tpu.vector_load_idx %arg5[%add3A_1240] : memref<43536xf32, #tpu.memory_space<vmem>>[vector<16xi32>], vector<16xf32>,
            %mul3A_1318 = arith.constant 2 : i32
            %mul3A_1319 = arith.muli %mul3A_1318, %add3A_107 : i32
            %add3A_1320 = arith.constant 1 : i32
            %add3A_1321 = arith.addi %mul3A_1319, %add3A_1320 : i32
            %mul3A_1322 = arith.constant 16 : i32
            %mul3A_1323 = arith.muli %add3A_1321, %mul3A_1322 : i32
            %swap3A_1324 = arith.constant 8 : i32
            %swap3A_1325 = arith.constant 1 : i32
            %swap3A_1326 = arith.index_cast %swap3A_1324 : i32 to index
            %swap3A_1327 = arith.index_cast %add3A_97 : i32 to index
            %swap3A_1328 = arith.index_cast %swap3A_1325 : i32 to index
            %swap3A_1329 = arith.index_cast %mul3A_1323 : i32 to index
            %swap3A_1330 = tpu.vector_load %arg11[%swap3A_1326, %swap3A_1327, %swap3A_1328, %swap3A_1329] {strides = array<i32>} : memref<16x5x4x128xf32, #tpu.memory_space<vmem>>, vector<16xf32>,
            tpu.vector_store %arg11[%swap3A_1326, %swap3A_1327, %swap3A_1328, %swap3A_1329], %gather3A_1317 {strides = array<i32>} : memref<16x5x4x128xf32, #tpu.memory_space<vmem>>, vector<16xf32>,
            %gather3A_1331 = tpu.vector_load_idx %arg5[%add3A_1243] : memref<43536xf32, #tpu.memory_space<vmem>>[vector<16xi32>], vector<16xf32>,
            %mul3A_1332 = arith.constant 2 : i32
            %mul3A_1333 = arith.muli %mul3A_1332, %add3A_107 : i32
            %add3A_1334 = arith.constant 1 : i32
            %add3A_1335 = arith.addi %mul3A_1333, %add3A_1334 : i32
            %mul3A_1336 = arith.constant 16 : i32
            %mul3A_1337 = arith.muli %add3A_1335, %mul3A_1336 : i32
            %swap3A_1338 = arith.constant 8 : i32
            %swap3A_1339 = arith.constant 2 : i32
            %swap3A_1340 = arith.index_cast %swap3A_1338 : i32 to index
            %swap3A_1341 = arith.index_cast %add3A_97 : i32 to index
            %swap3A_1342 = arith.index_cast %swap3A_1339 : i32 to index
            %swap3A_1343 = arith.index_cast %mul3A_1337 : i32 to index
            %swap3A_1344 = tpu.vector_load %arg11[%swap3A_1340, %swap3A_1341, %swap3A_1342, %swap3A_1343] {strides = array<i32>} : memref<16x5x4x128xf32, #tpu.memory_space<vmem>>, vector<16xf32>,
            tpu.vector_store %arg11[%swap3A_1340, %swap3A_1341, %swap3A_1342, %swap3A_1343], %gather3A_1331 {strides = array<i32>} : memref<16x5x4x128xf32, #tpu.memory_space<vmem>>, vector<16xf32>,
            %gather3A_1345 = tpu.vector_load_idx %arg5[%add3A_1246] : memref<43536xf32, #tpu.memory_space<vmem>>[vector<16xi32>], vector<16xf32>,
            %mul3A_1346 = arith.constant 2 : i32
            %mul3A_1347 = arith.muli %mul3A_1346, %add3A_107 : i32
            %add3A_1348 = arith.constant 1 : i32
            %add3A_1349 = arith.addi %mul3A_1347, %add3A_1348 : i32
            %mul3A_1350 = arith.constant 16 : i32
            %mul3A_1351 = arith.muli %add3A_1349, %mul3A_1350 : i32
            %swap3A_1352 = arith.constant 8 : i32
            %swap3A_1353 = arith.constant 3 : i32
            %swap3A_1354 = arith.index_cast %swap3A_1352 : i32 to index
            %swap3A_1355 = arith.index_cast %add3A_97 : i32 to index
            %swap3A_1356 = arith.index_cast %swap3A_1353 : i32 to index
            %swap3A_1357 = arith.index_cast %mul3A_1351 : i32 to index
            %swap3A_1358 = tpu.vector_load %arg11[%swap3A_1354, %swap3A_1355, %swap3A_1356, %swap3A_1357] {strides = array<i32>} : memref<16x5x4x128xf32, #tpu.memory_space<vmem>>, vector<16xf32>,
            tpu.vector_store %arg11[%swap3A_1354, %swap3A_1355, %swap3A_1356, %swap3A_1357], %gather3A_1345 {strides = array<i32>} : memref<16x5x4x128xf32, #tpu.memory_space<vmem>>, vector<16xf32>,
            %add3A_1359 = arith.constant 4 : i32
            %add3A_1360 = vector.broadcast %add3A_1359 : i32 to vector<16xi32>
            %add3A_1361 = arith.addi %add3A_1225, %add3A_1360 : vector<16xi32>
            %add3A_1362 = arith.constant 4 : i32
            %add3A_1363 = vector.broadcast %add3A_1362 : i32 to vector<16xi32>
            %add3A_1364 = arith.addi %add3A_1228, %add3A_1363 : vector<16xi32>
            %add3A_1365 = arith.constant 4 : i32
            %add3A_1366 = vector.broadcast %add3A_1365 : i32 to vector<16xi32>
            %add3A_1367 = arith.addi %add3A_1231, %add3A_1366 : vector<16xi32>
            %add3A_1368 = arith.constant 4 : i32
            %add3A_1369 = vector.broadcast %add3A_1368 : i32 to vector<16xi32>
            %add3A_1370 = arith.addi %add3A_1234, %add3A_1369 : vector<16xi32>
            %add3A_1371 = arith.constant 4 : i32
            %add3A_1372 = vector.broadcast %add3A_1371 : i32 to vector<16xi32>
            %add3A_1373 = arith.addi %add3A_1237, %add3A_1372 : vector<16xi32>
            %add3A_1374 = arith.constant 4 : i32
            %add3A_1375 = vector.broadcast %add3A_1374 : i32 to vector<16xi32>
            %add3A_1376 = arith.addi %add3A_1240, %add3A_1375 : vector<16xi32>
            %add3A_1377 = arith.constant 4 : i32
            %add3A_1378 = vector.broadcast %add3A_1377 : i32 to vector<16xi32>
            %add3A_1379 = arith.addi %add3A_1243, %add3A_1378 : vector<16xi32>
            %add3A_1380 = arith.constant 4 : i32
            %add3A_1381 = vector.broadcast %add3A_1380 : i32 to vector<16xi32>
            %add3A_1382 = arith.addi %add3A_1246, %add3A_1381 : vector<16xi32>
            %gather3A_1383 = tpu.vector_load_idx %arg5[%add3A_1361] : memref<43536xf32, #tpu.memory_space<vmem>>[vector<16xi32>], vector<16xf32>,
            %mul3A_1384 = arith.constant 2 : i32
            %mul3A_1385 = arith.muli %mul3A_1384, %add3A_107 : i32
            %add3A_1386 = arith.constant 0 : i32
            %add3A_1387 = arith.addi %mul3A_1385, %add3A_1386 : i32
            %mul3A_1388 = arith.constant 16 : i32
            %mul3A_1389 = arith.muli %add3A_1387, %mul3A_1388 : i32
            %swap3A_1390 = arith.constant 9 : i32
            %swap3A_1391 = arith.constant 0 : i32
            %swap3A_1392 = arith.index_cast %swap3A_1390 : i32 to index
            %swap3A_1393 = arith.index_cast %add3A_97 : i32 to index
            %swap3A_1394 = arith.index_cast %swap3A_1391 : i32 to index
            %swap3A_1395 = arith.index_cast %mul3A_1389 : i32 to index
            %swap3A_1396 = tpu.vector_load %arg11[%swap3A_1392, %swap3A_1393, %swap3A_1394, %swap3A_1395] {strides = array<i32>} : memref<16x5x4x128xf32, #tpu.memory_space<vmem>>, vector<16xf32>,
            tpu.vector_store %arg11[%swap3A_1392, %swap3A_1393, %swap3A_1394, %swap3A_1395], %gather3A_1383 {strides = array<i32>} : memref<16x5x4x128xf32, #tpu.memory_space<vmem>>, vector<16xf32>,
            %gather3A_1397 = tpu.vector_load_idx %arg5[%add3A_1364] : memref<43536xf32, #tpu.memory_space<vmem>>[vector<16xi32>], vector<16xf32>,
            %mul3A_1398 = arith.constant 2 : i32
            %mul3A_1399 = arith.muli %mul3A_1398, %add3A_107 : i32
            %add3A_1400 = arith.constant 0 : i32
            %add3A_1401 = arith.addi %mul3A_1399, %add3A_1400 : i32
            %mul3A_1402 = arith.constant 16 : i32
            %mul3A_1403 = arith.muli %add3A_1401, %mul3A_1402 : i32
            %swap3A_1404 = arith.constant 9 : i32
            %swap3A_1405 = arith.constant 1 : i32
            %swap3A_1406 = arith.index_cast %swap3A_1404 : i32 to index
            %swap3A_1407 = arith.index_cast %add3A_97 : i32 to index
            %swap3A_1408 = arith.index_cast %swap3A_1405 : i32 to index
            %swap3A_1409 = arith.index_cast %mul3A_1403 : i32 to index
            %swap3A_1410 = tpu.vector_load %arg11[%swap3A_1406, %swap3A_1407, %swap3A_1408, %swap3A_1409] {strides = array<i32>} : memref<16x5x4x128xf32, #tpu.memory_space<vmem>>, vector<16xf32>,
            tpu.vector_store %arg11[%swap3A_1406, %swap3A_1407, %swap3A_1408, %swap3A_1409], %gather3A_1397 {strides = array<i32>} : memref<16x5x4x128xf32, #tpu.memory_space<vmem>>, vector<16xf32>,
            %gather3A_1411 = tpu.vector_load_idx %arg5[%add3A_1367] : memref<43536xf32, #tpu.memory_space<vmem>>[vector<16xi32>], vector<16xf32>,
            %mul3A_1412 = arith.constant 2 : i32
            %mul3A_1413 = arith.muli %mul3A_1412, %add3A_107 : i32
            %add3A_1414 = arith.constant 0 : i32
            %add3A_1415 = arith.addi %mul3A_1413, %add3A_1414 : i32
            %mul3A_1416 = arith.constant 16 : i32
            %mul3A_1417 = arith.muli %add3A_1415, %mul3A_1416 : i32
            %swap3A_1418 = arith.constant 9 : i32
            %swap3A_1419 = arith.constant 2 : i32
            %swap3A_1420 = arith.index_cast %swap3A_1418 : i32 to index
            %swap3A_1421 = arith.index_cast %add3A_97 : i32 to index
            %swap3A_1422 = arith.index_cast %swap3A_1419 : i32 to index
            %swap3A_1423 = arith.index_cast %mul3A_1417 : i32 to index
            %swap3A_1424 = tpu.vector_load %arg11[%swap3A_1420, %swap3A_1421, %swap3A_1422, %swap3A_1423] {strides = array<i32>} : memref<16x5x4x128xf32, #tpu.memory_space<vmem>>, vector<16xf32>,
            tpu.vector_store %arg11[%swap3A_1420, %swap3A_1421, %swap3A_1422, %swap3A_1423], %gather3A_1411 {strides = array<i32>} : memref<16x5x4x128xf32, #tpu.memory_space<vmem>>, vector<16xf32>,
            %gather3A_1425 = tpu.vector_load_idx %arg5[%add3A_1370] : memref<43536xf32, #tpu.memory_space<vmem>>[vector<16xi32>], vector<16xf32>,
            %mul3A_1426 = arith.constant 2 : i32
            %mul3A_1427 = arith.muli %mul3A_1426, %add3A_107 : i32
            %add3A_1428 = arith.constant 0 : i32
            %add3A_1429 = arith.addi %mul3A_1427, %add3A_1428 : i32
            %mul3A_1430 = arith.constant 16 : i32
            %mul3A_1431 = arith.muli %add3A_1429, %mul3A_1430 : i32
            %swap3A_1432 = arith.constant 9 : i32
            %swap3A_1433 = arith.constant 3 : i32
            %swap3A_1434 = arith.index_cast %swap3A_1432 : i32 to index
            %swap3A_1435 = arith.index_cast %add3A_97 : i32 to index
            %swap3A_1436 = arith.index_cast %swap3A_1433 : i32 to index
            %swap3A_1437 = arith.index_cast %mul3A_1431 : i32 to index
            %swap3A_1438 = tpu.vector_load %arg11[%swap3A_1434, %swap3A_1435, %swap3A_1436, %swap3A_1437] {strides = array<i32>} : memref<16x5x4x128xf32, #tpu.memory_space<vmem>>, vector<16xf32>,
            tpu.vector_store %arg11[%swap3A_1434, %swap3A_1435, %swap3A_1436, %swap3A_1437], %gather3A_1425 {strides = array<i32>} : memref<16x5x4x128xf32, #tpu.memory_space<vmem>>, vector<16xf32>,
            %gather3A_1439 = tpu.vector_load_idx %arg5[%add3A_1373] : memref<43536xf32, #tpu.memory_space<vmem>>[vector<16xi32>], vector<16xf32>,
            %mul3A_1440 = arith.constant 2 : i32
            %mul3A_1441 = arith.muli %mul3A_1440, %add3A_107 : i32
            %add3A_1442 = arith.constant 1 : i32
            %add3A_1443 = arith.addi %mul3A_1441, %add3A_1442 : i32
            %mul3A_1444 = arith.constant 16 : i32
            %mul3A_1445 = arith.muli %add3A_1443, %mul3A_1444 : i32
            %swap3A_1446 = arith.constant 9 : i32
            %swap3A_1447 = arith.constant 0 : i32
            %swap3A_1448 = arith.index_cast %swap3A_1446 : i32 to index
            %swap3A_1449 = arith.index_cast %add3A_97 : i32 to index
            %swap3A_1450 = arith.index_cast %swap3A_1447 : i32 to index
            %swap3A_1451 = arith.index_cast %mul3A_1445 : i32 to index
            %swap3A_1452 = tpu.vector_load %arg11[%swap3A_1448, %swap3A_1449, %swap3A_1450, %swap3A_1451] {strides = array<i32>} : memref<16x5x4x128xf32, #tpu.memory_space<vmem>>, vector<16xf32>,
            tpu.vector_store %arg11[%swap3A_1448, %swap3A_1449, %swap3A_1450, %swap3A_1451], %gather3A_1439 {strides = array<i32>} : memref<16x5x4x128xf32, #tpu.memory_space<vmem>>, vector<16xf32>,
            %gather3A_1453 = tpu.vector_load_idx %arg5[%add3A_1376] : memref<43536xf32, #tpu.memory_space<vmem>>[vector<16xi32>], vector<16xf32>,
            %mul3A_1454 = arith.constant 2 : i32
            %mul3A_1455 = arith.muli %mul3A_1454, %add3A_107 : i32
            %add3A_1456 = arith.constant 1 : i32
            %add3A_1457 = arith.addi %mul3A_1455, %add3A_1456 : i32
            %mul3A_1458 = arith.constant 16 : i32
            %mul3A_1459 = arith.muli %add3A_1457, %mul3A_1458 : i32
            %swap3A_1460 = arith.constant 9 : i32
            %swap3A_1461 = arith.constant 1 : i32
            %swap3A_1462 = arith.index_cast %swap3A_1460 : i32 to index
            %swap3A_1463 = arith.index_cast %add3A_97 : i32 to index
            %swap3A_1464 = arith.index_cast %swap3A_1461 : i32 to index
            %swap3A_1465 = arith.index_cast %mul3A_1459 : i32 to index
            %swap3A_1466 = tpu.vector_load %arg11[%swap3A_1462, %swap3A_1463, %swap3A_1464, %swap3A_1465] {strides = array<i32>} : memref<16x5x4x128xf32, #tpu.memory_space<vmem>>, vector<16xf32>,
            tpu.vector_store %arg11[%swap3A_1462, %swap3A_1463, %swap3A_1464, %swap3A_1465], %gather3A_1453 {strides = array<i32>} : memref<16x5x4x128xf32, #tpu.memory_space<vmem>>, vector<16xf32>,
            %gather3A_1467 = tpu.vector_load_idx %arg5[%add3A_1379] : memref<43536xf32, #tpu.memory_space<vmem>>[vector<16xi32>], vector<16xf32>,
            %mul3A_1468 = arith.constant 2 : i32
            %mul3A_1469 = arith.muli %mul3A_1468, %add3A_107 : i32
            %add3A_1470 = arith.constant 1 : i32
            %add3A_1471 = arith.addi %mul3A_1469, %add3A_1470 : i32
            %mul3A_1472 = arith.constant 16 : i32
            %mul3A_1473 = arith.muli %add3A_1471, %mul3A_1472 : i32
            %swap3A_1474 = arith.constant 9 : i32
            %swap3A_1475 = arith.constant 2 : i32
            %swap3A_1476 = arith.index_cast %swap3A_1474 : i32 to index
            %swap3A_1477 = arith.index_cast %add3A_97 : i32 to index
            %swap3A_1478 = arith.index_cast %swap3A_1475 : i32 to index
            %swap3A_1479 = arith.index_cast %mul3A_1473 : i32 to index
            %swap3A_1480 = tpu.vector_load %arg11[%swap3A_1476, %swap3A_1477, %swap3A_1478, %swap3A_1479] {strides = array<i32>} : memref<16x5x4x128xf32, #tpu.memory_space<vmem>>, vector<16xf32>,
            tpu.vector_store %arg11[%swap3A_1476, %swap3A_1477, %swap3A_1478, %swap3A_1479], %gather3A_1467 {strides = array<i32>} : memref<16x5x4x128xf32, #tpu.memory_space<vmem>>, vector<16xf32>,
            %gather3A_1481 = tpu.vector_load_idx %arg5[%add3A_1382] : memref<43536xf32, #tpu.memory_space<vmem>>[vector<16xi32>], vector<16xf32>,
            %mul3A_1482 = arith.constant 2 : i32
            %mul3A_1483 = arith.muli %mul3A_1482, %add3A_107 : i32
            %add3A_1484 = arith.constant 1 : i32
            %add3A_1485 = arith.addi %mul3A_1483, %add3A_1484 : i32
            %mul3A_1486 = arith.constant 16 : i32
            %mul3A_1487 = arith.muli %add3A_1485, %mul3A_1486 : i32
            %swap3A_1488 = arith.constant 9 : i32
            %swap3A_1489 = arith.constant 3 : i32
            %swap3A_1490 = arith.index_cast %swap3A_1488 : i32 to index
            %swap3A_1491 = arith.index_cast %add3A_97 : i32 to index
            %swap3A_1492 = arith.index_cast %swap3A_1489 : i32 to index
            %swap3A_1493 = arith.index_cast %mul3A_1487 : i32 to index
            %swap3A_1494 = tpu.vector_load %arg11[%swap3A_1490, %swap3A_1491, %swap3A_1492, %swap3A_1493] {strides = array<i32>} : memref<16x5x4x128xf32, #tpu.memory_space<vmem>>, vector<16xf32>,
            tpu.vector_store %arg11[%swap3A_1490, %swap3A_1491, %swap3A_1492, %swap3A_1493], %gather3A_1481 {strides = array<i32>} : memref<16x5x4x128xf32, #tpu.memory_space<vmem>>, vector<16xf32>,
            %add3A_1495 = arith.constant 4 : i32
            %add3A_1496 = vector.broadcast %add3A_1495 : i32 to vector<16xi32>
            %add3A_1497 = arith.addi %add3A_1361, %add3A_1496 : vector<16xi32>
            %add3A_1498 = arith.constant 4 : i32
            %add3A_1499 = vector.broadcast %add3A_1498 : i32 to vector<16xi32>
            %add3A_1500 = arith.addi %add3A_1364, %add3A_1499 : vector<16xi32>
            %add3A_1501 = arith.constant 4 : i32
            %add3A_1502 = vector.broadcast %add3A_1501 : i32 to vector<16xi32>
            %add3A_1503 = arith.addi %add3A_1367, %add3A_1502 : vector<16xi32>
            %add3A_1504 = arith.constant 4 : i32
            %add3A_1505 = vector.broadcast %add3A_1504 : i32 to vector<16xi32>
            %add3A_1506 = arith.addi %add3A_1370, %add3A_1505 : vector<16xi32>
            %add3A_1507 = arith.constant 4 : i32
            %add3A_1508 = vector.broadcast %add3A_1507 : i32 to vector<16xi32>
            %add3A_1509 = arith.addi %add3A_1373, %add3A_1508 : vector<16xi32>
            %add3A_1510 = arith.constant 4 : i32
            %add3A_1511 = vector.broadcast %add3A_1510 : i32 to vector<16xi32>
            %add3A_1512 = arith.addi %add3A_1376, %add3A_1511 : vector<16xi32>
            %add3A_1513 = arith.constant 4 : i32
            %add3A_1514 = vector.broadcast %add3A_1513 : i32 to vector<16xi32>
            %add3A_1515 = arith.addi %add3A_1379, %add3A_1514 : vector<16xi32>
            %add3A_1516 = arith.constant 4 : i32
            %add3A_1517 = vector.broadcast %add3A_1516 : i32 to vector<16xi32>
            %add3A_1518 = arith.addi %add3A_1382, %add3A_1517 : vector<16xi32>
            %gather3A_1519 = tpu.vector_load_idx %arg5[%add3A_1497] : memref<43536xf32, #tpu.memory_space<vmem>>[vector<16xi32>], vector<16xf32>,
            %mul3A_1520 = arith.constant 2 : i32
            %mul3A_1521 = arith.muli %mul3A_1520, %add3A_107 : i32
            %add3A_1522 = arith.constant 0 : i32
            %add3A_1523 = arith.addi %mul3A_1521, %add3A_1522 : i32
            %mul3A_1524 = arith.constant 16 : i32
            %mul3A_1525 = arith.muli %add3A_1523, %mul3A_1524 : i32
            %swap3A_1526 = arith.constant 10 : i32
            %swap3A_1527 = arith.constant 0 : i32
            %swap3A_1528 = arith.index_cast %swap3A_1526 : i32 to index
            %swap3A_1529 = arith.index_cast %add3A_97 : i32 to index
            %swap3A_1530 = arith.index_cast %swap3A_1527 : i32 to index
            %swap3A_1531 = arith.index_cast %mul3A_1525 : i32 to index
            %swap3A_1532 = tpu.vector_load %arg11[%swap3A_1528, %swap3A_1529, %swap3A_1530, %swap3A_1531] {strides = array<i32>} : memref<16x5x4x128xf32, #tpu.memory_space<vmem>>, vector<16xf32>,
            tpu.vector_store %arg11[%swap3A_1528, %swap3A_1529, %swap3A_1530, %swap3A_1531], %gather3A_1519 {strides = array<i32>} : memref<16x5x4x128xf32, #tpu.memory_space<vmem>>, vector<16xf32>,
            %gather3A_1533 = tpu.vector_load_idx %arg5[%add3A_1500] : memref<43536xf32, #tpu.memory_space<vmem>>[vector<16xi32>], vector<16xf32>,
            %mul3A_1534 = arith.constant 2 : i32
            %mul3A_1535 = arith.muli %mul3A_1534, %add3A_107 : i32
            %add3A_1536 = arith.constant 0 : i32
            %add3A_1537 = arith.addi %mul3A_1535, %add3A_1536 : i32
            %mul3A_1538 = arith.constant 16 : i32
            %mul3A_1539 = arith.muli %add3A_1537, %mul3A_1538 : i32
            %swap3A_1540 = arith.constant 10 : i32
            %swap3A_1541 = arith.constant 1 : i32
            %swap3A_1542 = arith.index_cast %swap3A_1540 : i32 to index
            %swap3A_1543 = arith.index_cast %add3A_97 : i32 to index
            %swap3A_1544 = arith.index_cast %swap3A_1541 : i32 to index
            %swap3A_1545 = arith.index_cast %mul3A_1539 : i32 to index
            %swap3A_1546 = tpu.vector_load %arg11[%swap3A_1542, %swap3A_1543, %swap3A_1544, %swap3A_1545] {strides = array<i32>} : memref<16x5x4x128xf32, #tpu.memory_space<vmem>>, vector<16xf32>,
            tpu.vector_store %arg11[%swap3A_1542, %swap3A_1543, %swap3A_1544, %swap3A_1545], %gather3A_1533 {strides = array<i32>} : memref<16x5x4x128xf32, #tpu.memory_space<vmem>>, vector<16xf32>,
            %gather3A_1547 = tpu.vector_load_idx %arg5[%add3A_1503] : memref<43536xf32, #tpu.memory_space<vmem>>[vector<16xi32>], vector<16xf32>,
            %mul3A_1548 = arith.constant 2 : i32
            %mul3A_1549 = arith.muli %mul3A_1548, %add3A_107 : i32
            %add3A_1550 = arith.constant 0 : i32
            %add3A_1551 = arith.addi %mul3A_1549, %add3A_1550 : i32
            %mul3A_1552 = arith.constant 16 : i32
            %mul3A_1553 = arith.muli %add3A_1551, %mul3A_1552 : i32
            %swap3A_1554 = arith.constant 10 : i32
            %swap3A_1555 = arith.constant 2 : i32
            %swap3A_1556 = arith.index_cast %swap3A_1554 : i32 to index
            %swap3A_1557 = arith.index_cast %add3A_97 : i32 to index
            %swap3A_1558 = arith.index_cast %swap3A_1555 : i32 to index
            %swap3A_1559 = arith.index_cast %mul3A_1553 : i32 to index
            %swap3A_1560 = tpu.vector_load %arg11[%swap3A_1556, %swap3A_1557, %swap3A_1558, %swap3A_1559] {strides = array<i32>} : memref<16x5x4x128xf32, #tpu.memory_space<vmem>>, vector<16xf32>,
            tpu.vector_store %arg11[%swap3A_1556, %swap3A_1557, %swap3A_1558, %swap3A_1559], %gather3A_1547 {strides = array<i32>} : memref<16x5x4x128xf32, #tpu.memory_space<vmem>>, vector<16xf32>,
            %gather3A_1561 = tpu.vector_load_idx %arg5[%add3A_1506] : memref<43536xf32, #tpu.memory_space<vmem>>[vector<16xi32>], vector<16xf32>,
            %mul3A_1562 = arith.constant 2 : i32
            %mul3A_1563 = arith.muli %mul3A_1562, %add3A_107 : i32
            %add3A_1564 = arith.constant 0 : i32
            %add3A_1565 = arith.addi %mul3A_1563, %add3A_1564 : i32
            %mul3A_1566 = arith.constant 16 : i32
            %mul3A_1567 = arith.muli %add3A_1565, %mul3A_1566 : i32
            %swap3A_1568 = arith.constant 10 : i32
            %swap3A_1569 = arith.constant 3 : i32
            %swap3A_1570 = arith.index_cast %swap3A_1568 : i32 to index
            %swap3A_1571 = arith.index_cast %add3A_97 : i32 to index
            %swap3A_1572 = arith.index_cast %swap3A_1569 : i32 to index
            %swap3A_1573 = arith.index_cast %mul3A_1567 : i32 to index
            %swap3A_1574 = tpu.vector_load %arg11[%swap3A_1570, %swap3A_1571, %swap3A_1572, %swap3A_1573] {strides = array<i32>} : memref<16x5x4x128xf32, #tpu.memory_space<vmem>>, vector<16xf32>,
            tpu.vector_store %arg11[%swap3A_1570, %swap3A_1571, %swap3A_1572, %swap3A_1573], %gather3A_1561 {strides = array<i32>} : memref<16x5x4x128xf32, #tpu.memory_space<vmem>>, vector<16xf32>,
            %gather3A_1575 = tpu.vector_load_idx %arg5[%add3A_1509] : memref<43536xf32, #tpu.memory_space<vmem>>[vector<16xi32>], vector<16xf32>,
            %mul3A_1576 = arith.constant 2 : i32
            %mul3A_1577 = arith.muli %mul3A_1576, %add3A_107 : i32
            %add3A_1578 = arith.constant 1 : i32
            %add3A_1579 = arith.addi %mul3A_1577, %add3A_1578 : i32
            %mul3A_1580 = arith.constant 16 : i32
            %mul3A_1581 = arith.muli %add3A_1579, %mul3A_1580 : i32
            %swap3A_1582 = arith.constant 10 : i32
            %swap3A_1583 = arith.constant 0 : i32
            %swap3A_1584 = arith.index_cast %swap3A_1582 : i32 to index
            %swap3A_1585 = arith.index_cast %add3A_97 : i32 to index
            %swap3A_1586 = arith.index_cast %swap3A_1583 : i32 to index
            %swap3A_1587 = arith.index_cast %mul3A_1581 : i32 to index
            %swap3A_1588 = tpu.vector_load %arg11[%swap3A_1584, %swap3A_1585, %swap3A_1586, %swap3A_1587] {strides = array<i32>} : memref<16x5x4x128xf32, #tpu.memory_space<vmem>>, vector<16xf32>,
            tpu.vector_store %arg11[%swap3A_1584, %swap3A_1585, %swap3A_1586, %swap3A_1587], %gather3A_1575 {strides = array<i32>} : memref<16x5x4x128xf32, #tpu.memory_space<vmem>>, vector<16xf32>,
            %gather3A_1589 = tpu.vector_load_idx %arg5[%add3A_1512] : memref<43536xf32, #tpu.memory_space<vmem>>[vector<16xi32>], vector<16xf32>,
            %mul3A_1590 = arith.constant 2 : i32
            %mul3A_1591 = arith.muli %mul3A_1590, %add3A_107 : i32
            %add3A_1592 = arith.constant 1 : i32
            %add3A_1593 = arith.addi %mul3A_1591, %add3A_1592 : i32
            %mul3A_1594 = arith.constant 16 : i32
            %mul3A_1595 = arith.muli %add3A_1593, %mul3A_1594 : i32
            %swap3A_1596 = arith.constant 10 : i32
            %swap3A_1597 = arith.constant 1 : i32
            %swap3A_1598 = arith.index_cast %swap3A_1596 : i32 to index
            %swap3A_1599 = arith.index_cast %add3A_97 : i32 to index
            %swap3A_1600 = arith.index_cast %swap3A_1597 : i32 to index
            %swap3A_1601 = arith.index_cast %mul3A_1595 : i32 to index
            %swap3A_1602 = tpu.vector_load %arg11[%swap3A_1598, %swap3A_1599, %swap3A_1600, %swap3A_1601] {strides = array<i32>} : memref<16x5x4x128xf32, #tpu.memory_space<vmem>>, vector<16xf32>,
            tpu.vector_store %arg11[%swap3A_1598, %swap3A_1599, %swap3A_1600, %swap3A_1601], %gather3A_1589 {strides = array<i32>} : memref<16x5x4x128xf32, #tpu.memory_space<vmem>>, vector<16xf32>,
            %gather3A_1603 = tpu.vector_load_idx %arg5[%add3A_1515] : memref<43536xf32, #tpu.memory_space<vmem>>[vector<16xi32>], vector<16xf32>,
            %mul3A_1604 = arith.constant 2 : i32
            %mul3A_1605 = arith.muli %mul3A_1604, %add3A_107 : i32
            %add3A_1606 = arith.constant 1 : i32
            %add3A_1607 = arith.addi %mul3A_1605, %add3A_1606 : i32
            %mul3A_1608 = arith.constant 16 : i32
            %mul3A_1609 = arith.muli %add3A_1607, %mul3A_1608 : i32
            %swap3A_1610 = arith.constant 10 : i32
            %swap3A_1611 = arith.constant 2 : i32
            %swap3A_1612 = arith.index_cast %swap3A_1610 : i32 to index
            %swap3A_1613 = arith.index_cast %add3A_97 : i32 to index
            %swap3A_1614 = arith.index_cast %swap3A_1611 : i32 to index
            %swap3A_1615 = arith.index_cast %mul3A_1609 : i32 to index
            %swap3A_1616 = tpu.vector_load %arg11[%swap3A_1612, %swap3A_1613, %swap3A_1614, %swap3A_1615] {strides = array<i32>} : memref<16x5x4x128xf32, #tpu.memory_space<vmem>>, vector<16xf32>,
            tpu.vector_store %arg11[%swap3A_1612, %swap3A_1613, %swap3A_1614, %swap3A_1615], %gather3A_1603 {strides = array<i32>} : memref<16x5x4x128xf32, #tpu.memory_space<vmem>>, vector<16xf32>,
            %gather3A_1617 = tpu.vector_load_idx %arg5[%add3A_1518] : memref<43536xf32, #tpu.memory_space<vmem>>[vector<16xi32>], vector<16xf32>,
            %mul3A_1618 = arith.constant 2 : i32
            %mul3A_1619 = arith.muli %mul3A_1618, %add3A_107 : i32
            %add3A_1620 = arith.constant 1 : i32
            %add3A_1621 = arith.addi %mul3A_1619, %add3A_1620 : i32
            %mul3A_1622 = arith.constant 16 : i32
            %mul3A_1623 = arith.muli %add3A_1621, %mul3A_1622 : i32
            %swap3A_1624 = arith.constant 10 : i32
            %swap3A_1625 = arith.constant 3 : i32
            %swap3A_1626 = arith.index_cast %swap3A_1624 : i32 to index
            %swap3A_1627 = arith.index_cast %add3A_97 : i32 to index
            %swap3A_1628 = arith.index_cast %swap3A_1625 : i32 to index
            %swap3A_1629 = arith.index_cast %mul3A_1623 : i32 to index
            %swap3A_1630 = tpu.vector_load %arg11[%swap3A_1626, %swap3A_1627, %swap3A_1628, %swap3A_1629] {strides = array<i32>} : memref<16x5x4x128xf32, #tpu.memory_space<vmem>>, vector<16xf32>,
            tpu.vector_store %arg11[%swap3A_1626, %swap3A_1627, %swap3A_1628, %swap3A_1629], %gather3A_1617 {strides = array<i32>} : memref<16x5x4x128xf32, #tpu.memory_space<vmem>>, vector<16xf32>,
            %add3A_1631 = arith.constant 4 : i32
            %add3A_1632 = vector.broadcast %add3A_1631 : i32 to vector<16xi32>
            %add3A_1633 = arith.addi %add3A_1497, %add3A_1632 : vector<16xi32>
            %add3A_1634 = arith.constant 4 : i32
            %add3A_1635 = vector.broadcast %add3A_1634 : i32 to vector<16xi32>
            %add3A_1636 = arith.addi %add3A_1500, %add3A_1635 : vector<16xi32>
            %add3A_1637 = arith.constant 4 : i32
            %add3A_1638 = vector.broadcast %add3A_1637 : i32 to vector<16xi32>
            %add3A_1639 = arith.addi %add3A_1503, %add3A_1638 : vector<16xi32>
            %add3A_1640 = arith.constant 4 : i32
            %add3A_1641 = vector.broadcast %add3A_1640 : i32 to vector<16xi32>
            %add3A_1642 = arith.addi %add3A_1506, %add3A_1641 : vector<16xi32>
            %add3A_1643 = arith.constant 4 : i32
            %add3A_1644 = vector.broadcast %add3A_1643 : i32 to vector<16xi32>
            %add3A_1645 = arith.addi %add3A_1509, %add3A_1644 : vector<16xi32>
            %add3A_1646 = arith.constant 4 : i32
            %add3A_1647 = vector.broadcast %add3A_1646 : i32 to vector<16xi32>
            %add3A_1648 = arith.addi %add3A_1512, %add3A_1647 : vector<16xi32>
            %add3A_1649 = arith.constant 4 : i32
            %add3A_1650 = vector.broadcast %add3A_1649 : i32 to vector<16xi32>
            %add3A_1651 = arith.addi %add3A_1515, %add3A_1650 : vector<16xi32>
            %add3A_1652 = arith.constant 4 : i32
            %add3A_1653 = vector.broadcast %add3A_1652 : i32 to vector<16xi32>
            %add3A_1654 = arith.addi %add3A_1518, %add3A_1653 : vector<16xi32>
            %gather3A_1655 = tpu.vector_load_idx %arg5[%add3A_1633] : memref<43536xf32, #tpu.memory_space<vmem>>[vector<16xi32>], vector<16xf32>,
            %mul3A_1656 = arith.constant 2 : i32
            %mul3A_1657 = arith.muli %mul3A_1656, %add3A_107 : i32
            %add3A_1658 = arith.constant 0 : i32
            %add3A_1659 = arith.addi %mul3A_1657, %add3A_1658 : i32
            %mul3A_1660 = arith.constant 16 : i32
            %mul3A_1661 = arith.muli %add3A_1659, %mul3A_1660 : i32
            %swap3A_1662 = arith.constant 11 : i32
            %swap3A_1663 = arith.constant 0 : i32
            %swap3A_1664 = arith.index_cast %swap3A_1662 : i32 to index
            %swap3A_1665 = arith.index_cast %add3A_97 : i32 to index
            %swap3A_1666 = arith.index_cast %swap3A_1663 : i32 to index
            %swap3A_1667 = arith.index_cast %mul3A_1661 : i32 to index
            %swap3A_1668 = tpu.vector_load %arg11[%swap3A_1664, %swap3A_1665, %swap3A_1666, %swap3A_1667] {strides = array<i32>} : memref<16x5x4x128xf32, #tpu.memory_space<vmem>>, vector<16xf32>,
            tpu.vector_store %arg11[%swap3A_1664, %swap3A_1665, %swap3A_1666, %swap3A_1667], %gather3A_1655 {strides = array<i32>} : memref<16x5x4x128xf32, #tpu.memory_space<vmem>>, vector<16xf32>,
            %gather3A_1669 = tpu.vector_load_idx %arg5[%add3A_1636] : memref<43536xf32, #tpu.memory_space<vmem>>[vector<16xi32>], vector<16xf32>,
            %mul3A_1670 = arith.constant 2 : i32
            %mul3A_1671 = arith.muli %mul3A_1670, %add3A_107 : i32
            %add3A_1672 = arith.constant 0 : i32
            %add3A_1673 = arith.addi %mul3A_1671, %add3A_1672 : i32
            %mul3A_1674 = arith.constant 16 : i32
            %mul3A_1675 = arith.muli %add3A_1673, %mul3A_1674 : i32
            %swap3A_1676 = arith.constant 11 : i32
            %swap3A_1677 = arith.constant 1 : i32
            %swap3A_1678 = arith.index_cast %swap3A_1676 : i32 to index
            %swap3A_1679 = arith.index_cast %add3A_97 : i32 to index
            %swap3A_1680 = arith.index_cast %swap3A_1677 : i32 to index
            %swap3A_1681 = arith.index_cast %mul3A_1675 : i32 to index
            %swap3A_1682 = tpu.vector_load %arg11[%swap3A_1678, %swap3A_1679, %swap3A_1680, %swap3A_1681] {strides = array<i32>} : memref<16x5x4x128xf32, #tpu.memory_space<vmem>>, vector<16xf32>,
            tpu.vector_store %arg11[%swap3A_1678, %swap3A_1679, %swap3A_1680, %swap3A_1681], %gather3A_1669 {strides = array<i32>} : memref<16x5x4x128xf32, #tpu.memory_space<vmem>>, vector<16xf32>,
            %gather3A_1683 = tpu.vector_load_idx %arg5[%add3A_1639] : memref<43536xf32, #tpu.memory_space<vmem>>[vector<16xi32>], vector<16xf32>,
            %mul3A_1684 = arith.constant 2 : i32
            %mul3A_1685 = arith.muli %mul3A_1684, %add3A_107 : i32
            %add3A_1686 = arith.constant 0 : i32
            %add3A_1687 = arith.addi %mul3A_1685, %add3A_1686 : i32
            %mul3A_1688 = arith.constant 16 : i32
            %mul3A_1689 = arith.muli %add3A_1687, %mul3A_1688 : i32
            %swap3A_1690 = arith.constant 11 : i32
            %swap3A_1691 = arith.constant 2 : i32
            %swap3A_1692 = arith.index_cast %swap3A_1690 : i32 to index
            %swap3A_1693 = arith.index_cast %add3A_97 : i32 to index
            %swap3A_1694 = arith.index_cast %swap3A_1691 : i32 to index
            %swap3A_1695 = arith.index_cast %mul3A_1689 : i32 to index
            %swap3A_1696 = tpu.vector_load %arg11[%swap3A_1692, %swap3A_1693, %swap3A_1694, %swap3A_1695] {strides = array<i32>} : memref<16x5x4x128xf32, #tpu.memory_space<vmem>>, vector<16xf32>,
            tpu.vector_store %arg11[%swap3A_1692, %swap3A_1693, %swap3A_1694, %swap3A_1695], %gather3A_1683 {strides = array<i32>} : memref<16x5x4x128xf32, #tpu.memory_space<vmem>>, vector<16xf32>,
            %gather3A_1697 = tpu.vector_load_idx %arg5[%add3A_1642] : memref<43536xf32, #tpu.memory_space<vmem>>[vector<16xi32>], vector<16xf32>,
            %mul3A_1698 = arith.constant 2 : i32
            %mul3A_1699 = arith.muli %mul3A_1698, %add3A_107 : i32
            %add3A_1700 = arith.constant 0 : i32
            %add3A_1701 = arith.addi %mul3A_1699, %add3A_1700 : i32
            %mul3A_1702 = arith.constant 16 : i32
            %mul3A_1703 = arith.muli %add3A_1701, %mul3A_1702 : i32
            %swap3A_1704 = arith.constant 11 : i32
            %swap3A_1705 = arith.constant 3 : i32
            %swap3A_1706 = arith.index_cast %swap3A_1704 : i32 to index
            %swap3A_1707 = arith.index_cast %add3A_97 : i32 to index
            %swap3A_1708 = arith.index_cast %swap3A_1705 : i32 to index
            %swap3A_1709 = arith.index_cast %mul3A_1703 : i32 to index
            %swap3A_1710 = tpu.vector_load %arg11[%swap3A_1706, %swap3A_1707, %swap3A_1708, %swap3A_1709] {strides = array<i32>} : memref<16x5x4x128xf32, #tpu.memory_space<vmem>>, vector<16xf32>,
            tpu.vector_store %arg11[%swap3A_1706, %swap3A_1707, %swap3A_1708, %swap3A_1709], %gather3A_1697 {strides = array<i32>} : memref<16x5x4x128xf32, #tpu.memory_space<vmem>>, vector<16xf32>,
            %gather3A_1711 = tpu.vector_load_idx %arg5[%add3A_1645] : memref<43536xf32, #tpu.memory_space<vmem>>[vector<16xi32>], vector<16xf32>,
            %mul3A_1712 = arith.constant 2 : i32
            %mul3A_1713 = arith.muli %mul3A_1712, %add3A_107 : i32
            %add3A_1714 = arith.constant 1 : i32
            %add3A_1715 = arith.addi %mul3A_1713, %add3A_1714 : i32
            %mul3A_1716 = arith.constant 16 : i32
            %mul3A_1717 = arith.muli %add3A_1715, %mul3A_1716 : i32
            %swap3A_1718 = arith.constant 11 : i32
            %swap3A_1719 = arith.constant 0 : i32
            %swap3A_1720 = arith.index_cast %swap3A_1718 : i32 to index
            %swap3A_1721 = arith.index_cast %add3A_97 : i32 to index
            %swap3A_1722 = arith.index_cast %swap3A_1719 : i32 to index
            %swap3A_1723 = arith.index_cast %mul3A_1717 : i32 to index
            %swap3A_1724 = tpu.vector_load %arg11[%swap3A_1720, %swap3A_1721, %swap3A_1722, %swap3A_1723] {strides = array<i32>} : memref<16x5x4x128xf32, #tpu.memory_space<vmem>>, vector<16xf32>,
            tpu.vector_store %arg11[%swap3A_1720, %swap3A_1721, %swap3A_1722, %swap3A_1723], %gather3A_1711 {strides = array<i32>} : memref<16x5x4x128xf32, #tpu.memory_space<vmem>>, vector<16xf32>,
            %gather3A_1725 = tpu.vector_load_idx %arg5[%add3A_1648] : memref<43536xf32, #tpu.memory_space<vmem>>[vector<16xi32>], vector<16xf32>,
            %mul3A_1726 = arith.constant 2 : i32
            %mul3A_1727 = arith.muli %mul3A_1726, %add3A_107 : i32
            %add3A_1728 = arith.constant 1 : i32
            %add3A_1729 = arith.addi %mul3A_1727, %add3A_1728 : i32
            %mul3A_1730 = arith.constant 16 : i32
            %mul3A_1731 = arith.muli %add3A_1729, %mul3A_1730 : i32
            %swap3A_1732 = arith.constant 11 : i32
            %swap3A_1733 = arith.constant 1 : i32
            %swap3A_1734 = arith.index_cast %swap3A_1732 : i32 to index
            %swap3A_1735 = arith.index_cast %add3A_97 : i32 to index
            %swap3A_1736 = arith.index_cast %swap3A_1733 : i32 to index
            %swap3A_1737 = arith.index_cast %mul3A_1731 : i32 to index
            %swap3A_1738 = tpu.vector_load %arg11[%swap3A_1734, %swap3A_1735, %swap3A_1736, %swap3A_1737] {strides = array<i32>} : memref<16x5x4x128xf32, #tpu.memory_space<vmem>>, vector<16xf32>,
            tpu.vector_store %arg11[%swap3A_1734, %swap3A_1735, %swap3A_1736, %swap3A_1737], %gather3A_1725 {strides = array<i32>} : memref<16x5x4x128xf32, #tpu.memory_space<vmem>>, vector<16xf32>,
            %gather3A_1739 = tpu.vector_load_idx %arg5[%add3A_1651] : memref<43536xf32, #tpu.memory_space<vmem>>[vector<16xi32>], vector<16xf32>,
            %mul3A_1740 = arith.constant 2 : i32
            %mul3A_1741 = arith.muli %mul3A_1740, %add3A_107 : i32
            %add3A_1742 = arith.constant 1 : i32
            %add3A_1743 = arith.addi %mul3A_1741, %add3A_1742 : i32
            %mul3A_1744 = arith.constant 16 : i32
            %mul3A_1745 = arith.muli %add3A_1743, %mul3A_1744 : i32
            %swap3A_1746 = arith.constant 11 : i32
            %swap3A_1747 = arith.constant 2 : i32
            %swap3A_1748 = arith.index_cast %swap3A_1746 : i32 to index
            %swap3A_1749 = arith.index_cast %add3A_97 : i32 to index
            %swap3A_1750 = arith.index_cast %swap3A_1747 : i32 to index
            %swap3A_1751 = arith.index_cast %mul3A_1745 : i32 to index
            %swap3A_1752 = tpu.vector_load %arg11[%swap3A_1748, %swap3A_1749, %swap3A_1750, %swap3A_1751] {strides = array<i32>} : memref<16x5x4x128xf32, #tpu.memory_space<vmem>>, vector<16xf32>,
            tpu.vector_store %arg11[%swap3A_1748, %swap3A_1749, %swap3A_1750, %swap3A_1751], %gather3A_1739 {strides = array<i32>} : memref<16x5x4x128xf32, #tpu.memory_space<vmem>>, vector<16xf32>,
            %gather3A_1753 = tpu.vector_load_idx %arg5[%add3A_1654] : memref<43536xf32, #tpu.memory_space<vmem>>[vector<16xi32>], vector<16xf32>,
            %mul3A_1754 = arith.constant 2 : i32
            %mul3A_1755 = arith.muli %mul3A_1754, %add3A_107 : i32
            %add3A_1756 = arith.constant 1 : i32
            %add3A_1757 = arith.addi %mul3A_1755, %add3A_1756 : i32
            %mul3A_1758 = arith.constant 16 : i32
            %mul3A_1759 = arith.muli %add3A_1757, %mul3A_1758 : i32
            %swap3A_1760 = arith.constant 11 : i32
            %swap3A_1761 = arith.constant 3 : i32
            %swap3A_1762 = arith.index_cast %swap3A_1760 : i32 to index
            %swap3A_1763 = arith.index_cast %add3A_97 : i32 to index
            %swap3A_1764 = arith.index_cast %swap3A_1761 : i32 to index
            %swap3A_1765 = arith.index_cast %mul3A_1759 : i32 to index
            %swap3A_1766 = tpu.vector_load %arg11[%swap3A_1762, %swap3A_1763, %swap3A_1764, %swap3A_1765] {strides = array<i32>} : memref<16x5x4x128xf32, #tpu.memory_space<vmem>>, vector<16xf32>,
            tpu.vector_store %arg11[%swap3A_1762, %swap3A_1763, %swap3A_1764, %swap3A_1765], %gather3A_1753 {strides = array<i32>} : memref<16x5x4x128xf32, #tpu.memory_space<vmem>>, vector<16xf32>,
            %add3A_1767 = arith.constant 4 : i32
            %add3A_1768 = vector.broadcast %add3A_1767 : i32 to vector<16xi32>
            %add3A_1769 = arith.addi %add3A_1633, %add3A_1768 : vector<16xi32>
            %add3A_1770 = arith.constant 4 : i32
            %add3A_1771 = vector.broadcast %add3A_1770 : i32 to vector<16xi32>
            %add3A_1772 = arith.addi %add3A_1636, %add3A_1771 : vector<16xi32>
            %add3A_1773 = arith.constant 4 : i32
            %add3A_1774 = vector.broadcast %add3A_1773 : i32 to vector<16xi32>
            %add3A_1775 = arith.addi %add3A_1639, %add3A_1774 : vector<16xi32>
            %add3A_1776 = arith.constant 4 : i32
            %add3A_1777 = vector.broadcast %add3A_1776 : i32 to vector<16xi32>
            %add3A_1778 = arith.addi %add3A_1642, %add3A_1777 : vector<16xi32>
            %add3A_1779 = arith.constant 4 : i32
            %add3A_1780 = vector.broadcast %add3A_1779 : i32 to vector<16xi32>
            %add3A_1781 = arith.addi %add3A_1645, %add3A_1780 : vector<16xi32>
            %add3A_1782 = arith.constant 4 : i32
            %add3A_1783 = vector.broadcast %add3A_1782 : i32 to vector<16xi32>
            %add3A_1784 = arith.addi %add3A_1648, %add3A_1783 : vector<16xi32>
            %add3A_1785 = arith.constant 4 : i32
            %add3A_1786 = vector.broadcast %add3A_1785 : i32 to vector<16xi32>
            %add3A_1787 = arith.addi %add3A_1651, %add3A_1786 : vector<16xi32>
            %add3A_1788 = arith.constant 4 : i32
            %add3A_1789 = vector.broadcast %add3A_1788 : i32 to vector<16xi32>
            %add3A_1790 = arith.addi %add3A_1654, %add3A_1789 : vector<16xi32>
            %gather3A_1791 = tpu.vector_load_idx %arg5[%add3A_1769] : memref<43536xf32, #tpu.memory_space<vmem>>[vector<16xi32>], vector<16xf32>,
            %mul3A_1792 = arith.constant 2 : i32
            %mul3A_1793 = arith.muli %mul3A_1792, %add3A_107 : i32
            %add3A_1794 = arith.constant 0 : i32
            %add3A_1795 = arith.addi %mul3A_1793, %add3A_1794 : i32
            %mul3A_1796 = arith.constant 16 : i32
            %mul3A_1797 = arith.muli %add3A_1795, %mul3A_1796 : i32
            %swap3A_1798 = arith.constant 12 : i32
            %swap3A_1799 = arith.constant 0 : i32
            %swap3A_1800 = arith.index_cast %swap3A_1798 : i32 to index
            %swap3A_1801 = arith.index_cast %add3A_97 : i32 to index
            %swap3A_1802 = arith.index_cast %swap3A_1799 : i32 to index
            %swap3A_1803 = arith.index_cast %mul3A_1797 : i32 to index
            %swap3A_1804 = tpu.vector_load %arg11[%swap3A_1800, %swap3A_1801, %swap3A_1802, %swap3A_1803] {strides = array<i32>} : memref<16x5x4x128xf32, #tpu.memory_space<vmem>>, vector<16xf32>,
            tpu.vector_store %arg11[%swap3A_1800, %swap3A_1801, %swap3A_1802, %swap3A_1803], %gather3A_1791 {strides = array<i32>} : memref<16x5x4x128xf32, #tpu.memory_space<vmem>>, vector<16xf32>,
            %gather3A_1805 = tpu.vector_load_idx %arg5[%add3A_1772] : memref<43536xf32, #tpu.memory_space<vmem>>[vector<16xi32>], vector<16xf32>,
            %mul3A_1806 = arith.constant 2 : i32
            %mul3A_1807 = arith.muli %mul3A_1806, %add3A_107 : i32
            %add3A_1808 = arith.constant 0 : i32
            %add3A_1809 = arith.addi %mul3A_1807, %add3A_1808 : i32
            %mul3A_1810 = arith.constant 16 : i32
            %mul3A_1811 = arith.muli %add3A_1809, %mul3A_1810 : i32
            %swap3A_1812 = arith.constant 12 : i32
            %swap3A_1813 = arith.constant 1 : i32
            %swap3A_1814 = arith.index_cast %swap3A_1812 : i32 to index
            %swap3A_1815 = arith.index_cast %add3A_97 : i32 to index
            %swap3A_1816 = arith.index_cast %swap3A_1813 : i32 to index
            %swap3A_1817 = arith.index_cast %mul3A_1811 : i32 to index
            %swap3A_1818 = tpu.vector_load %arg11[%swap3A_1814, %swap3A_1815, %swap3A_1816, %swap3A_1817] {strides = array<i32>} : memref<16x5x4x128xf32, #tpu.memory_space<vmem>>, vector<16xf32>,
            tpu.vector_store %arg11[%swap3A_1814, %swap3A_1815, %swap3A_1816, %swap3A_1817], %gather3A_1805 {strides = array<i32>} : memref<16x5x4x128xf32, #tpu.memory_space<vmem>>, vector<16xf32>,
            %gather3A_1819 = tpu.vector_load_idx %arg5[%add3A_1775] : memref<43536xf32, #tpu.memory_space<vmem>>[vector<16xi32>], vector<16xf32>,
            %mul3A_1820 = arith.constant 2 : i32
            %mul3A_1821 = arith.muli %mul3A_1820, %add3A_107 : i32
            %add3A_1822 = arith.constant 0 : i32
            %add3A_1823 = arith.addi %mul3A_1821, %add3A_1822 : i32
            %mul3A_1824 = arith.constant 16 : i32
            %mul3A_1825 = arith.muli %add3A_1823, %mul3A_1824 : i32
            %swap3A_1826 = arith.constant 12 : i32
            %swap3A_1827 = arith.constant 2 : i32
            %swap3A_1828 = arith.index_cast %swap3A_1826 : i32 to index
            %swap3A_1829 = arith.index_cast %add3A_97 : i32 to index
            %swap3A_1830 = arith.index_cast %swap3A_1827 : i32 to index
            %swap3A_1831 = arith.index_cast %mul3A_1825 : i32 to index
            %swap3A_1832 = tpu.vector_load %arg11[%swap3A_1828, %swap3A_1829, %swap3A_1830, %swap3A_1831] {strides = array<i32>} : memref<16x5x4x128xf32, #tpu.memory_space<vmem>>, vector<16xf32>,
            tpu.vector_store %arg11[%swap3A_1828, %swap3A_1829, %swap3A_1830, %swap3A_1831], %gather3A_1819 {strides = array<i32>} : memref<16x5x4x128xf32, #tpu.memory_space<vmem>>, vector<16xf32>,
            %gather3A_1833 = tpu.vector_load_idx %arg5[%add3A_1778] : memref<43536xf32, #tpu.memory_space<vmem>>[vector<16xi32>], vector<16xf32>,
            %mul3A_1834 = arith.constant 2 : i32
            %mul3A_1835 = arith.muli %mul3A_1834, %add3A_107 : i32
            %add3A_1836 = arith.constant 0 : i32
            %add3A_1837 = arith.addi %mul3A_1835, %add3A_1836 : i32
            %mul3A_1838 = arith.constant 16 : i32
            %mul3A_1839 = arith.muli %add3A_1837, %mul3A_1838 : i32
            %swap3A_1840 = arith.constant 12 : i32
            %swap3A_1841 = arith.constant 3 : i32
            %swap3A_1842 = arith.index_cast %swap3A_1840 : i32 to index
            %swap3A_1843 = arith.index_cast %add3A_97 : i32 to index
            %swap3A_1844 = arith.index_cast %swap3A_1841 : i32 to index
            %swap3A_1845 = arith.index_cast %mul3A_1839 : i32 to index
            %swap3A_1846 = tpu.vector_load %arg11[%swap3A_1842, %swap3A_1843, %swap3A_1844, %swap3A_1845] {strides = array<i32>} : memref<16x5x4x128xf32, #tpu.memory_space<vmem>>, vector<16xf32>,
            tpu.vector_store %arg11[%swap3A_1842, %swap3A_1843, %swap3A_1844, %swap3A_1845], %gather3A_1833 {strides = array<i32>} : memref<16x5x4x128xf32, #tpu.memory_space<vmem>>, vector<16xf32>,
            %gather3A_1847 = tpu.vector_load_idx %arg5[%add3A_1781] : memref<43536xf32, #tpu.memory_space<vmem>>[vector<16xi32>], vector<16xf32>,
            %mul3A_1848 = arith.constant 2 : i32
            %mul3A_1849 = arith.muli %mul3A_1848, %add3A_107 : i32
            %add3A_1850 = arith.constant 1 : i32
            %add3A_1851 = arith.addi %mul3A_1849, %add3A_1850 : i32
            %mul3A_1852 = arith.constant 16 : i32
            %mul3A_1853 = arith.muli %add3A_1851, %mul3A_1852 : i32
            %swap3A_1854 = arith.constant 12 : i32
            %swap3A_1855 = arith.constant 0 : i32
            %swap3A_1856 = arith.index_cast %swap3A_1854 : i32 to index
            %swap3A_1857 = arith.index_cast %add3A_97 : i32 to index
            %swap3A_1858 = arith.index_cast %swap3A_1855 : i32 to index
            %swap3A_1859 = arith.index_cast %mul3A_1853 : i32 to index
            %swap3A_1860 = tpu.vector_load %arg11[%swap3A_1856, %swap3A_1857, %swap3A_1858, %swap3A_1859] {strides = array<i32>} : memref<16x5x4x128xf32, #tpu.memory_space<vmem>>, vector<16xf32>,
            tpu.vector_store %arg11[%swap3A_1856, %swap3A_1857, %swap3A_1858, %swap3A_1859], %gather3A_1847 {strides = array<i32>} : memref<16x5x4x128xf32, #tpu.memory_space<vmem>>, vector<16xf32>,
            %gather3A_1861 = tpu.vector_load_idx %arg5[%add3A_1784] : memref<43536xf32, #tpu.memory_space<vmem>>[vector<16xi32>], vector<16xf32>,
            %mul3A_1862 = arith.constant 2 : i32
            %mul3A_1863 = arith.muli %mul3A_1862, %add3A_107 : i32
            %add3A_1864 = arith.constant 1 : i32
            %add3A_1865 = arith.addi %mul3A_1863, %add3A_1864 : i32
            %mul3A_1866 = arith.constant 16 : i32
            %mul3A_1867 = arith.muli %add3A_1865, %mul3A_1866 : i32
            %swap3A_1868 = arith.constant 12 : i32
            %swap3A_1869 = arith.constant 1 : i32
            %swap3A_1870 = arith.index_cast %swap3A_1868 : i32 to index
            %swap3A_1871 = arith.index_cast %add3A_97 : i32 to index
            %swap3A_1872 = arith.index_cast %swap3A_1869 : i32 to index
            %swap3A_1873 = arith.index_cast %mul3A_1867 : i32 to index
            %swap3A_1874 = tpu.vector_load %arg11[%swap3A_1870, %swap3A_1871, %swap3A_1872, %swap3A_1873] {strides = array<i32>} : memref<16x5x4x128xf32, #tpu.memory_space<vmem>>, vector<16xf32>,
            tpu.vector_store %arg11[%swap3A_1870, %swap3A_1871, %swap3A_1872, %swap3A_1873], %gather3A_1861 {strides = array<i32>} : memref<16x5x4x128xf32, #tpu.memory_space<vmem>>, vector<16xf32>,
            %gather3A_1875 = tpu.vector_load_idx %arg5[%add3A_1787] : memref<43536xf32, #tpu.memory_space<vmem>>[vector<16xi32>], vector<16xf32>,
            %mul3A_1876 = arith.constant 2 : i32
            %mul3A_1877 = arith.muli %mul3A_1876, %add3A_107 : i32
            %add3A_1878 = arith.constant 1 : i32
            %add3A_1879 = arith.addi %mul3A_1877, %add3A_1878 : i32
            %mul3A_1880 = arith.constant 16 : i32
            %mul3A_1881 = arith.muli %add3A_1879, %mul3A_1880 : i32
            %swap3A_1882 = arith.constant 12 : i32
            %swap3A_1883 = arith.constant 2 : i32
            %swap3A_1884 = arith.index_cast %swap3A_1882 : i32 to index
            %swap3A_1885 = arith.index_cast %add3A_97 : i32 to index
            %swap3A_1886 = arith.index_cast %swap3A_1883 : i32 to index
            %swap3A_1887 = arith.index_cast %mul3A_1881 : i32 to index
            %swap3A_1888 = tpu.vector_load %arg11[%swap3A_1884, %swap3A_1885, %swap3A_1886, %swap3A_1887] {strides = array<i32>} : memref<16x5x4x128xf32, #tpu.memory_space<vmem>>, vector<16xf32>,
            tpu.vector_store %arg11[%swap3A_1884, %swap3A_1885, %swap3A_1886, %swap3A_1887], %gather3A_1875 {strides = array<i32>} : memref<16x5x4x128xf32, #tpu.memory_space<vmem>>, vector<16xf32>,
            %gather3A_1889 = tpu.vector_load_idx %arg5[%add3A_1790] : memref<43536xf32, #tpu.memory_space<vmem>>[vector<16xi32>], vector<16xf32>,
            %mul3A_1890 = arith.constant 2 : i32
            %mul3A_1891 = arith.muli %mul3A_1890, %add3A_107 : i32
            %add3A_1892 = arith.constant 1 : i32
            %add3A_1893 = arith.addi %mul3A_1891, %add3A_1892 : i32
            %mul3A_1894 = arith.constant 16 : i32
            %mul3A_1895 = arith.muli %add3A_1893, %mul3A_1894 : i32
            %swap3A_1896 = arith.constant 12 : i32
            %swap3A_1897 = arith.constant 3 : i32
            %swap3A_1898 = arith.index_cast %swap3A_1896 : i32 to index
            %swap3A_1899 = arith.index_cast %add3A_97 : i32 to index
            %swap3A_1900 = arith.index_cast %swap3A_1897 : i32 to index
            %swap3A_1901 = arith.index_cast %mul3A_1895 : i32 to index
            %swap3A_1902 = tpu.vector_load %arg11[%swap3A_1898, %swap3A_1899, %swap3A_1900, %swap3A_1901] {strides = array<i32>} : memref<16x5x4x128xf32, #tpu.memory_space<vmem>>, vector<16xf32>,
            tpu.vector_store %arg11[%swap3A_1898, %swap3A_1899, %swap3A_1900, %swap3A_1901], %gather3A_1889 {strides = array<i32>} : memref<16x5x4x128xf32, #tpu.memory_space<vmem>>, vector<16xf32>,
            %add3A_1903 = arith.constant 4 : i32
            %add3A_1904 = vector.broadcast %add3A_1903 : i32 to vector<16xi32>
            %add3A_1905 = arith.addi %add3A_1769, %add3A_1904 : vector<16xi32>
            %add3A_1906 = arith.constant 4 : i32
            %add3A_1907 = vector.broadcast %add3A_1906 : i32 to vector<16xi32>
            %add3A_1908 = arith.addi %add3A_1772, %add3A_1907 : vector<16xi32>
            %add3A_1909 = arith.constant 4 : i32
            %add3A_1910 = vector.broadcast %add3A_1909 : i32 to vector<16xi32>
            %add3A_1911 = arith.addi %add3A_1775, %add3A_1910 : vector<16xi32>
            %add3A_1912 = arith.constant 4 : i32
            %add3A_1913 = vector.broadcast %add3A_1912 : i32 to vector<16xi32>
            %add3A_1914 = arith.addi %add3A_1778, %add3A_1913 : vector<16xi32>
            %add3A_1915 = arith.constant 4 : i32
            %add3A_1916 = vector.broadcast %add3A_1915 : i32 to vector<16xi32>
            %add3A_1917 = arith.addi %add3A_1781, %add3A_1916 : vector<16xi32>
            %add3A_1918 = arith.constant 4 : i32
            %add3A_1919 = vector.broadcast %add3A_1918 : i32 to vector<16xi32>
            %add3A_1920 = arith.addi %add3A_1784, %add3A_1919 : vector<16xi32>
            %add3A_1921 = arith.constant 4 : i32
            %add3A_1922 = vector.broadcast %add3A_1921 : i32 to vector<16xi32>
            %add3A_1923 = arith.addi %add3A_1787, %add3A_1922 : vector<16xi32>
            %add3A_1924 = arith.constant 4 : i32
            %add3A_1925 = vector.broadcast %add3A_1924 : i32 to vector<16xi32>
            %add3A_1926 = arith.addi %add3A_1790, %add3A_1925 : vector<16xi32>
            %gather3A_1927 = tpu.vector_load_idx %arg5[%add3A_1905] : memref<43536xf32, #tpu.memory_space<vmem>>[vector<16xi32>], vector<16xf32>,
            %mul3A_1928 = arith.constant 2 : i32
            %mul3A_1929 = arith.muli %mul3A_1928, %add3A_107 : i32
            %add3A_1930 = arith.constant 0 : i32
            %add3A_1931 = arith.addi %mul3A_1929, %add3A_1930 : i32
            %mul3A_1932 = arith.constant 16 : i32
            %mul3A_1933 = arith.muli %add3A_1931, %mul3A_1932 : i32
            %swap3A_1934 = arith.constant 13 : i32
            %swap3A_1935 = arith.constant 0 : i32
            %swap3A_1936 = arith.index_cast %swap3A_1934 : i32 to index
            %swap3A_1937 = arith.index_cast %add3A_97 : i32 to index
            %swap3A_1938 = arith.index_cast %swap3A_1935 : i32 to index
            %swap3A_1939 = arith.index_cast %mul3A_1933 : i32 to index
            %swap3A_1940 = tpu.vector_load %arg11[%swap3A_1936, %swap3A_1937, %swap3A_1938, %swap3A_1939] {strides = array<i32>} : memref<16x5x4x128xf32, #tpu.memory_space<vmem>>, vector<16xf32>,
            tpu.vector_store %arg11[%swap3A_1936, %swap3A_1937, %swap3A_1938, %swap3A_1939], %gather3A_1927 {strides = array<i32>} : memref<16x5x4x128xf32, #tpu.memory_space<vmem>>, vector<16xf32>,
            %gather3A_1941 = tpu.vector_load_idx %arg5[%add3A_1908] : memref<43536xf32, #tpu.memory_space<vmem>>[vector<16xi32>], vector<16xf32>,
            %mul3A_1942 = arith.constant 2 : i32
            %mul3A_1943 = arith.muli %mul3A_1942, %add3A_107 : i32
            %add3A_1944 = arith.constant 0 : i32
            %add3A_1945 = arith.addi %mul3A_1943, %add3A_1944 : i32
            %mul3A_1946 = arith.constant 16 : i32
            %mul3A_1947 = arith.muli %add3A_1945, %mul3A_1946 : i32
            %swap3A_1948 = arith.constant 13 : i32
            %swap3A_1949 = arith.constant 1 : i32
            %swap3A_1950 = arith.index_cast %swap3A_1948 : i32 to index
            %swap3A_1951 = arith.index_cast %add3A_97 : i32 to index
            %swap3A_1952 = arith.index_cast %swap3A_1949 : i32 to index
            %swap3A_1953 = arith.index_cast %mul3A_1947 : i32 to index
            %swap3A_1954 = tpu.vector_load %arg11[%swap3A_1950, %swap3A_1951, %swap3A_1952, %swap3A_1953] {strides = array<i32>} : memref<16x5x4x128xf32, #tpu.memory_space<vmem>>, vector<16xf32>,
            tpu.vector_store %arg11[%swap3A_1950, %swap3A_1951, %swap3A_1952, %swap3A_1953], %gather3A_1941 {strides = array<i32>} : memref<16x5x4x128xf32, #tpu.memory_space<vmem>>, vector<16xf32>,
            %gather3A_1955 = tpu.vector_load_idx %arg5[%add3A_1911] : memref<43536xf32, #tpu.memory_space<vmem>>[vector<16xi32>], vector<16xf32>,
            %mul3A_1956 = arith.constant 2 : i32
            %mul3A_1957 = arith.muli %mul3A_1956, %add3A_107 : i32
            %add3A_1958 = arith.constant 0 : i32
            %add3A_1959 = arith.addi %mul3A_1957, %add3A_1958 : i32
            %mul3A_1960 = arith.constant 16 : i32
            %mul3A_1961 = arith.muli %add3A_1959, %mul3A_1960 : i32
            %swap3A_1962 = arith.constant 13 : i32
            %swap3A_1963 = arith.constant 2 : i32
            %swap3A_1964 = arith.index_cast %swap3A_1962 : i32 to index
            %swap3A_1965 = arith.index_cast %add3A_97 : i32 to index
            %swap3A_1966 = arith.index_cast %swap3A_1963 : i32 to index
            %swap3A_1967 = arith.index_cast %mul3A_1961 : i32 to index
            %swap3A_1968 = tpu.vector_load %arg11[%swap3A_1964, %swap3A_1965, %swap3A_1966, %swap3A_1967] {strides = array<i32>} : memref<16x5x4x128xf32, #tpu.memory_space<vmem>>, vector<16xf32>,
            tpu.vector_store %arg11[%swap3A_1964, %swap3A_1965, %swap3A_1966, %swap3A_1967], %gather3A_1955 {strides = array<i32>} : memref<16x5x4x128xf32, #tpu.memory_space<vmem>>, vector<16xf32>,
            %gather3A_1969 = tpu.vector_load_idx %arg5[%add3A_1914] : memref<43536xf32, #tpu.memory_space<vmem>>[vector<16xi32>], vector<16xf32>,
            %mul3A_1970 = arith.constant 2 : i32
            %mul3A_1971 = arith.muli %mul3A_1970, %add3A_107 : i32
            %add3A_1972 = arith.constant 0 : i32
            %add3A_1973 = arith.addi %mul3A_1971, %add3A_1972 : i32
            %mul3A_1974 = arith.constant 16 : i32
            %mul3A_1975 = arith.muli %add3A_1973, %mul3A_1974 : i32
            %swap3A_1976 = arith.constant 13 : i32
            %swap3A_1977 = arith.constant 3 : i32
            %swap3A_1978 = arith.index_cast %swap3A_1976 : i32 to index
            %swap3A_1979 = arith.index_cast %add3A_97 : i32 to index
            %swap3A_1980 = arith.index_cast %swap3A_1977 : i32 to index
            %swap3A_1981 = arith.index_cast %mul3A_1975 : i32 to index
            %swap3A_1982 = tpu.vector_load %arg11[%swap3A_1978, %swap3A_1979, %swap3A_1980, %swap3A_1981] {strides = array<i32>} : memref<16x5x4x128xf32, #tpu.memory_space<vmem>>, vector<16xf32>,
            tpu.vector_store %arg11[%swap3A_1978, %swap3A_1979, %swap3A_1980, %swap3A_1981], %gather3A_1969 {strides = array<i32>} : memref<16x5x4x128xf32, #tpu.memory_space<vmem>>, vector<16xf32>,
            %gather3A_1983 = tpu.vector_load_idx %arg5[%add3A_1917] : memref<43536xf32, #tpu.memory_space<vmem>>[vector<16xi32>], vector<16xf32>,
            %mul3A_1984 = arith.constant 2 : i32
            %mul3A_1985 = arith.muli %mul3A_1984, %add3A_107 : i32
            %add3A_1986 = arith.constant 1 : i32
            %add3A_1987 = arith.addi %mul3A_1985, %add3A_1986 : i32
            %mul3A_1988 = arith.constant 16 : i32
            %mul3A_1989 = arith.muli %add3A_1987, %mul3A_1988 : i32
            %swap3A_1990 = arith.constant 13 : i32
            %swap3A_1991 = arith.constant 0 : i32
            %swap3A_1992 = arith.index_cast %swap3A_1990 : i32 to index
            %swap3A_1993 = arith.index_cast %add3A_97 : i32 to index
            %swap3A_1994 = arith.index_cast %swap3A_1991 : i32 to index
            %swap3A_1995 = arith.index_cast %mul3A_1989 : i32 to index
            %swap3A_1996 = tpu.vector_load %arg11[%swap3A_1992, %swap3A_1993, %swap3A_1994, %swap3A_1995] {strides = array<i32>} : memref<16x5x4x128xf32, #tpu.memory_space<vmem>>, vector<16xf32>,
            tpu.vector_store %arg11[%swap3A_1992, %swap3A_1993, %swap3A_1994, %swap3A_1995], %gather3A_1983 {strides = array<i32>} : memref<16x5x4x128xf32, #tpu.memory_space<vmem>>, vector<16xf32>,
            %gather3A_1997 = tpu.vector_load_idx %arg5[%add3A_1920] : memref<43536xf32, #tpu.memory_space<vmem>>[vector<16xi32>], vector<16xf32>,
            %mul3A_1998 = arith.constant 2 : i32
            %mul3A_1999 = arith.muli %mul3A_1998, %add3A_107 : i32
            %add3A_2000 = arith.constant 1 : i32
            %add3A_2001 = arith.addi %mul3A_1999, %add3A_2000 : i32
            %mul3A_2002 = arith.constant 16 : i32
            %mul3A_2003 = arith.muli %add3A_2001, %mul3A_2002 : i32
            %swap3A_2004 = arith.constant 13 : i32
            %swap3A_2005 = arith.constant 1 : i32
            %swap3A_2006 = arith.index_cast %swap3A_2004 : i32 to index
            %swap3A_2007 = arith.index_cast %add3A_97 : i32 to index
            %swap3A_2008 = arith.index_cast %swap3A_2005 : i32 to index
            %swap3A_2009 = arith.index_cast %mul3A_2003 : i32 to index
            %swap3A_2010 = tpu.vector_load %arg11[%swap3A_2006, %swap3A_2007, %swap3A_2008, %swap3A_2009] {strides = array<i32>} : memref<16x5x4x128xf32, #tpu.memory_space<vmem>>, vector<16xf32>,
            tpu.vector_store %arg11[%swap3A_2006, %swap3A_2007, %swap3A_2008, %swap3A_2009], %gather3A_1997 {strides = array<i32>} : memref<16x5x4x128xf32, #tpu.memory_space<vmem>>, vector<16xf32>,
            %gather3A_2011 = tpu.vector_load_idx %arg5[%add3A_1923] : memref<43536xf32, #tpu.memory_space<vmem>>[vector<16xi32>], vector<16xf32>,
            %mul3A_2012 = arith.constant 2 : i32
            %mul3A_2013 = arith.muli %mul3A_2012, %add3A_107 : i32
            %add3A_2014 = arith.constant 1 : i32
            %add3A_2015 = arith.addi %mul3A_2013, %add3A_2014 : i32
            %mul3A_2016 = arith.constant 16 : i32
            %mul3A_2017 = arith.muli %add3A_2015, %mul3A_2016 : i32
            %swap3A_2018 = arith.constant 13 : i32
            %swap3A_2019 = arith.constant 2 : i32
            %swap3A_2020 = arith.index_cast %swap3A_2018 : i32 to index
            %swap3A_2021 = arith.index_cast %add3A_97 : i32 to index
            %swap3A_2022 = arith.index_cast %swap3A_2019 : i32 to index
            %swap3A_2023 = arith.index_cast %mul3A_2017 : i32 to index
            %swap3A_2024 = tpu.vector_load %arg11[%swap3A_2020, %swap3A_2021, %swap3A_2022, %swap3A_2023] {strides = array<i32>} : memref<16x5x4x128xf32, #tpu.memory_space<vmem>>, vector<16xf32>,
            tpu.vector_store %arg11[%swap3A_2020, %swap3A_2021, %swap3A_2022, %swap3A_2023], %gather3A_2011 {strides = array<i32>} : memref<16x5x4x128xf32, #tpu.memory_space<vmem>>, vector<16xf32>,
            %gather3A_2025 = tpu.vector_load_idx %arg5[%add3A_1926] : memref<43536xf32, #tpu.memory_space<vmem>>[vector<16xi32>], vector<16xf32>,
            %mul3A_2026 = arith.constant 2 : i32
            %mul3A_2027 = arith.muli %mul3A_2026, %add3A_107 : i32
            %add3A_2028 = arith.constant 1 : i32
            %add3A_2029 = arith.addi %mul3A_2027, %add3A_2028 : i32
            %mul3A_2030 = arith.constant 16 : i32
            %mul3A_2031 = arith.muli %add3A_2029, %mul3A_2030 : i32
            %swap3A_2032 = arith.constant 13 : i32
            %swap3A_2033 = arith.constant 3 : i32
            %swap3A_2034 = arith.index_cast %swap3A_2032 : i32 to index
            %swap3A_2035 = arith.index_cast %add3A_97 : i32 to index
            %swap3A_2036 = arith.index_cast %swap3A_2033 : i32 to index
            %swap3A_2037 = arith.index_cast %mul3A_2031 : i32 to index
            %swap3A_2038 = tpu.vector_load %arg11[%swap3A_2034, %swap3A_2035, %swap3A_2036, %swap3A_2037] {strides = array<i32>} : memref<16x5x4x128xf32, #tpu.memory_space<vmem>>, vector<16xf32>,
            tpu.vector_store %arg11[%swap3A_2034, %swap3A_2035, %swap3A_2036, %swap3A_2037], %gather3A_2025 {strides = array<i32>} : memref<16x5x4x128xf32, #tpu.memory_space<vmem>>, vector<16xf32>,
            %add3A_2039 = arith.constant 4 : i32
            %add3A_2040 = vector.broadcast %add3A_2039 : i32 to vector<16xi32>
            %add3A_2041 = arith.addi %add3A_1905, %add3A_2040 : vector<16xi32>
            %add3A_2042 = arith.constant 4 : i32
            %add3A_2043 = vector.broadcast %add3A_2042 : i32 to vector<16xi32>
            %add3A_2044 = arith.addi %add3A_1908, %add3A_2043 : vector<16xi32>
            %add3A_2045 = arith.constant 4 : i32
            %add3A_2046 = vector.broadcast %add3A_2045 : i32 to vector<16xi32>
            %add3A_2047 = arith.addi %add3A_1911, %add3A_2046 : vector<16xi32>
            %add3A_2048 = arith.constant 4 : i32
            %add3A_2049 = vector.broadcast %add3A_2048 : i32 to vector<16xi32>
            %add3A_2050 = arith.addi %add3A_1914, %add3A_2049 : vector<16xi32>
            %add3A_2051 = arith.constant 4 : i32
            %add3A_2052 = vector.broadcast %add3A_2051 : i32 to vector<16xi32>
            %add3A_2053 = arith.addi %add3A_1917, %add3A_2052 : vector<16xi32>
            %add3A_2054 = arith.constant 4 : i32
            %add3A_2055 = vector.broadcast %add3A_2054 : i32 to vector<16xi32>
            %add3A_2056 = arith.addi %add3A_1920, %add3A_2055 : vector<16xi32>
            %add3A_2057 = arith.constant 4 : i32
            %add3A_2058 = vector.broadcast %add3A_2057 : i32 to vector<16xi32>
            %add3A_2059 = arith.addi %add3A_1923, %add3A_2058 : vector<16xi32>
            %add3A_2060 = arith.constant 4 : i32
            %add3A_2061 = vector.broadcast %add3A_2060 : i32 to vector<16xi32>
            %add3A_2062 = arith.addi %add3A_1926, %add3A_2061 : vector<16xi32>
            %gather3A_2063 = tpu.vector_load_idx %arg5[%add3A_2041] : memref<43536xf32, #tpu.memory_space<vmem>>[vector<16xi32>], vector<16xf32>,
            %mul3A_2064 = arith.constant 2 : i32
            %mul3A_2065 = arith.muli %mul3A_2064, %add3A_107 : i32
            %add3A_2066 = arith.constant 0 : i32
            %add3A_2067 = arith.addi %mul3A_2065, %add3A_2066 : i32
            %mul3A_2068 = arith.constant 16 : i32
            %mul3A_2069 = arith.muli %add3A_2067, %mul3A_2068 : i32
            %swap3A_2070 = arith.constant 14 : i32
            %swap3A_2071 = arith.constant 0 : i32
            %swap3A_2072 = arith.index_cast %swap3A_2070 : i32 to index
            %swap3A_2073 = arith.index_cast %add3A_97 : i32 to index
            %swap3A_2074 = arith.index_cast %swap3A_2071 : i32 to index
            %swap3A_2075 = arith.index_cast %mul3A_2069 : i32 to index
            %swap3A_2076 = tpu.vector_load %arg11[%swap3A_2072, %swap3A_2073, %swap3A_2074, %swap3A_2075] {strides = array<i32>} : memref<16x5x4x128xf32, #tpu.memory_space<vmem>>, vector<16xf32>,
            tpu.vector_store %arg11[%swap3A_2072, %swap3A_2073, %swap3A_2074, %swap3A_2075], %gather3A_2063 {strides = array<i32>} : memref<16x5x4x128xf32, #tpu.memory_space<vmem>>, vector<16xf32>,
            %gather3A_2077 = tpu.vector_load_idx %arg5[%add3A_2044] : memref<43536xf32, #tpu.memory_space<vmem>>[vector<16xi32>], vector<16xf32>,
            %mul3A_2078 = arith.constant 2 : i32
            %mul3A_2079 = arith.muli %mul3A_2078, %add3A_107 : i32
            %add3A_2080 = arith.constant 0 : i32
            %add3A_2081 = arith.addi %mul3A_2079, %add3A_2080 : i32
            %mul3A_2082 = arith.constant 16 : i32
            %mul3A_2083 = arith.muli %add3A_2081, %mul3A_2082 : i32
            %swap3A_2084 = arith.constant 14 : i32
            %swap3A_2085 = arith.constant 1 : i32
            %swap3A_2086 = arith.index_cast %swap3A_2084 : i32 to index
            %swap3A_2087 = arith.index_cast %add3A_97 : i32 to index
            %swap3A_2088 = arith.index_cast %swap3A_2085 : i32 to index
            %swap3A_2089 = arith.index_cast %mul3A_2083 : i32 to index
            %swap3A_2090 = tpu.vector_load %arg11[%swap3A_2086, %swap3A_2087, %swap3A_2088, %swap3A_2089] {strides = array<i32>} : memref<16x5x4x128xf32, #tpu.memory_space<vmem>>, vector<16xf32>,
            tpu.vector_store %arg11[%swap3A_2086, %swap3A_2087, %swap3A_2088, %swap3A_2089], %gather3A_2077 {strides = array<i32>} : memref<16x5x4x128xf32, #tpu.memory_space<vmem>>, vector<16xf32>,
            %gather3A_2091 = tpu.vector_load_idx %arg5[%add3A_2047] : memref<43536xf32, #tpu.memory_space<vmem>>[vector<16xi32>], vector<16xf32>,
            %mul3A_2092 = arith.constant 2 : i32
            %mul3A_2093 = arith.muli %mul3A_2092, %add3A_107 : i32
            %add3A_2094 = arith.constant 0 : i32
            %add3A_2095 = arith.addi %mul3A_2093, %add3A_2094 : i32
            %mul3A_2096 = arith.constant 16 : i32
            %mul3A_2097 = arith.muli %add3A_2095, %mul3A_2096 : i32
            %swap3A_2098 = arith.constant 14 : i32
            %swap3A_2099 = arith.constant 2 : i32
            %swap3A_2100 = arith.index_cast %swap3A_2098 : i32 to index
            %swap3A_2101 = arith.index_cast %add3A_97 : i32 to index
            %swap3A_2102 = arith.index_cast %swap3A_2099 : i32 to index
            %swap3A_2103 = arith.index_cast %mul3A_2097 : i32 to index
            %swap3A_2104 = tpu.vector_load %arg11[%swap3A_2100, %swap3A_2101, %swap3A_2102, %swap3A_2103] {strides = array<i32>} : memref<16x5x4x128xf32, #tpu.memory_space<vmem>>, vector<16xf32>,
            tpu.vector_store %arg11[%swap3A_2100, %swap3A_2101, %swap3A_2102, %swap3A_2103], %gather3A_2091 {strides = array<i32>} : memref<16x5x4x128xf32, #tpu.memory_space<vmem>>, vector<16xf32>,
            %gather3A_2105 = tpu.vector_load_idx %arg5[%add3A_2050] : memref<43536xf32, #tpu.memory_space<vmem>>[vector<16xi32>], vector<16xf32>,
            %mul3A_2106 = arith.constant 2 : i32
            %mul3A_2107 = arith.muli %mul3A_2106, %add3A_107 : i32
            %add3A_2108 = arith.constant 0 : i32
            %add3A_2109 = arith.addi %mul3A_2107, %add3A_2108 : i32
            %mul3A_2110 = arith.constant 16 : i32
            %mul3A_2111 = arith.muli %add3A_2109, %mul3A_2110 : i32
            %swap3A_2112 = arith.constant 14 : i32
            %swap3A_2113 = arith.constant 3 : i32
            %swap3A_2114 = arith.index_cast %swap3A_2112 : i32 to index
            %swap3A_2115 = arith.index_cast %add3A_97 : i32 to index
            %swap3A_2116 = arith.index_cast %swap3A_2113 : i32 to index
            %swap3A_2117 = arith.index_cast %mul3A_2111 : i32 to index
            %swap3A_2118 = tpu.vector_load %arg11[%swap3A_2114, %swap3A_2115, %swap3A_2116, %swap3A_2117] {strides = array<i32>} : memref<16x5x4x128xf32, #tpu.memory_space<vmem>>, vector<16xf32>,
            tpu.vector_store %arg11[%swap3A_2114, %swap3A_2115, %swap3A_2116, %swap3A_2117], %gather3A_2105 {strides = array<i32>} : memref<16x5x4x128xf32, #tpu.memory_space<vmem>>, vector<16xf32>,
            %gather3A_2119 = tpu.vector_load_idx %arg5[%add3A_2053] : memref<43536xf32, #tpu.memory_space<vmem>>[vector<16xi32>], vector<16xf32>,
            %mul3A_2120 = arith.constant 2 : i32
            %mul3A_2121 = arith.muli %mul3A_2120, %add3A_107 : i32
            %add3A_2122 = arith.constant 1 : i32
            %add3A_2123 = arith.addi %mul3A_2121, %add3A_2122 : i32
            %mul3A_2124 = arith.constant 16 : i32
            %mul3A_2125 = arith.muli %add3A_2123, %mul3A_2124 : i32
            %swap3A_2126 = arith.constant 14 : i32
            %swap3A_2127 = arith.constant 0 : i32
            %swap3A_2128 = arith.index_cast %swap3A_2126 : i32 to index
            %swap3A_2129 = arith.index_cast %add3A_97 : i32 to index
            %swap3A_2130 = arith.index_cast %swap3A_2127 : i32 to index
            %swap3A_2131 = arith.index_cast %mul3A_2125 : i32 to index
            %swap3A_2132 = tpu.vector_load %arg11[%swap3A_2128, %swap3A_2129, %swap3A_2130, %swap3A_2131] {strides = array<i32>} : memref<16x5x4x128xf32, #tpu.memory_space<vmem>>, vector<16xf32>,
            tpu.vector_store %arg11[%swap3A_2128, %swap3A_2129, %swap3A_2130, %swap3A_2131], %gather3A_2119 {strides = array<i32>} : memref<16x5x4x128xf32, #tpu.memory_space<vmem>>, vector<16xf32>,
            %gather3A_2133 = tpu.vector_load_idx %arg5[%add3A_2056] : memref<43536xf32, #tpu.memory_space<vmem>>[vector<16xi32>], vector<16xf32>,
            %mul3A_2134 = arith.constant 2 : i32
            %mul3A_2135 = arith.muli %mul3A_2134, %add3A_107 : i32
            %add3A_2136 = arith.constant 1 : i32
            %add3A_2137 = arith.addi %mul3A_2135, %add3A_2136 : i32
            %mul3A_2138 = arith.constant 16 : i32
            %mul3A_2139 = arith.muli %add3A_2137, %mul3A_2138 : i32
            %swap3A_2140 = arith.constant 14 : i32
            %swap3A_2141 = arith.constant 1 : i32
            %swap3A_2142 = arith.index_cast %swap3A_2140 : i32 to index
            %swap3A_2143 = arith.index_cast %add3A_97 : i32 to index
            %swap3A_2144 = arith.index_cast %swap3A_2141 : i32 to index
            %swap3A_2145 = arith.index_cast %mul3A_2139 : i32 to index
            %swap3A_2146 = tpu.vector_load %arg11[%swap3A_2142, %swap3A_2143, %swap3A_2144, %swap3A_2145] {strides = array<i32>} : memref<16x5x4x128xf32, #tpu.memory_space<vmem>>, vector<16xf32>,
            tpu.vector_store %arg11[%swap3A_2142, %swap3A_2143, %swap3A_2144, %swap3A_2145], %gather3A_2133 {strides = array<i32>} : memref<16x5x4x128xf32, #tpu.memory_space<vmem>>, vector<16xf32>,
            %gather3A_2147 = tpu.vector_load_idx %arg5[%add3A_2059] : memref<43536xf32, #tpu.memory_space<vmem>>[vector<16xi32>], vector<16xf32>,
            %mul3A_2148 = arith.constant 2 : i32
            %mul3A_2149 = arith.muli %mul3A_2148, %add3A_107 : i32
            %add3A_2150 = arith.constant 1 : i32
            %add3A_2151 = arith.addi %mul3A_2149, %add3A_2150 : i32
            %mul3A_2152 = arith.constant 16 : i32
            %mul3A_2153 = arith.muli %add3A_2151, %mul3A_2152 : i32
            %swap3A_2154 = arith.constant 14 : i32
            %swap3A_2155 = arith.constant 2 : i32
            %swap3A_2156 = arith.index_cast %swap3A_2154 : i32 to index
            %swap3A_2157 = arith.index_cast %add3A_97 : i32 to index
            %swap3A_2158 = arith.index_cast %swap3A_2155 : i32 to index
            %swap3A_2159 = arith.index_cast %mul3A_2153 : i32 to index
            %swap3A_2160 = tpu.vector_load %arg11[%swap3A_2156, %swap3A_2157, %swap3A_2158, %swap3A_2159] {strides = array<i32>} : memref<16x5x4x128xf32, #tpu.memory_space<vmem>>, vector<16xf32>,
            tpu.vector_store %arg11[%swap3A_2156, %swap3A_2157, %swap3A_2158, %swap3A_2159], %gather3A_2147 {strides = array<i32>} : memref<16x5x4x128xf32, #tpu.memory_space<vmem>>, vector<16xf32>,
            %gather3A_2161 = tpu.vector_load_idx %arg5[%add3A_2062] : memref<43536xf32, #tpu.memory_space<vmem>>[vector<16xi32>], vector<16xf32>,
            %mul3A_2162 = arith.constant 2 : i32
            %mul3A_2163 = arith.muli %mul3A_2162, %add3A_107 : i32
            %add3A_2164 = arith.constant 1 : i32
            %add3A_2165 = arith.addi %mul3A_2163, %add3A_2164 : i32
            %mul3A_2166 = arith.constant 16 : i32
            %mul3A_2167 = arith.muli %add3A_2165, %mul3A_2166 : i32
            %swap3A_2168 = arith.constant 14 : i32
            %swap3A_2169 = arith.constant 3 : i32
            %swap3A_2170 = arith.index_cast %swap3A_2168 : i32 to index
            %swap3A_2171 = arith.index_cast %add3A_97 : i32 to index
            %swap3A_2172 = arith.index_cast %swap3A_2169 : i32 to index
            %swap3A_2173 = arith.index_cast %mul3A_2167 : i32 to index
            %swap3A_2174 = tpu.vector_load %arg11[%swap3A_2170, %swap3A_2171, %swap3A_2172, %swap3A_2173] {strides = array<i32>} : memref<16x5x4x128xf32, #tpu.memory_space<vmem>>, vector<16xf32>,
            tpu.vector_store %arg11[%swap3A_2170, %swap3A_2171, %swap3A_2172, %swap3A_2173], %gather3A_2161 {strides = array<i32>} : memref<16x5x4x128xf32, #tpu.memory_space<vmem>>, vector<16xf32>,
            %add3A_2175 = arith.constant 4 : i32
            %add3A_2176 = vector.broadcast %add3A_2175 : i32 to vector<16xi32>
            %add3A_2177 = arith.addi %add3A_2041, %add3A_2176 : vector<16xi32>
            %add3A_2178 = arith.constant 4 : i32
            %add3A_2179 = vector.broadcast %add3A_2178 : i32 to vector<16xi32>
            %add3A_2180 = arith.addi %add3A_2044, %add3A_2179 : vector<16xi32>
            %add3A_2181 = arith.constant 4 : i32
            %add3A_2182 = vector.broadcast %add3A_2181 : i32 to vector<16xi32>
            %add3A_2183 = arith.addi %add3A_2047, %add3A_2182 : vector<16xi32>
            %add3A_2184 = arith.constant 4 : i32
            %add3A_2185 = vector.broadcast %add3A_2184 : i32 to vector<16xi32>
            %add3A_2186 = arith.addi %add3A_2050, %add3A_2185 : vector<16xi32>
            %add3A_2187 = arith.constant 4 : i32
            %add3A_2188 = vector.broadcast %add3A_2187 : i32 to vector<16xi32>
            %add3A_2189 = arith.addi %add3A_2053, %add3A_2188 : vector<16xi32>
            %add3A_2190 = arith.constant 4 : i32
            %add3A_2191 = vector.broadcast %add3A_2190 : i32 to vector<16xi32>
            %add3A_2192 = arith.addi %add3A_2056, %add3A_2191 : vector<16xi32>
            %add3A_2193 = arith.constant 4 : i32
            %add3A_2194 = vector.broadcast %add3A_2193 : i32 to vector<16xi32>
            %add3A_2195 = arith.addi %add3A_2059, %add3A_2194 : vector<16xi32>
            %add3A_2196 = arith.constant 4 : i32
            %add3A_2197 = vector.broadcast %add3A_2196 : i32 to vector<16xi32>
            %add3A_2198 = arith.addi %add3A_2062, %add3A_2197 : vector<16xi32>
            %gather3A_2199 = tpu.vector_load_idx %arg5[%add3A_2177] : memref<43536xf32, #tpu.memory_space<vmem>>[vector<16xi32>], vector<16xf32>,
            %mul3A_2200 = arith.constant 2 : i32
            %mul3A_2201 = arith.muli %mul3A_2200, %add3A_107 : i32
            %add3A_2202 = arith.constant 0 : i32
            %add3A_2203 = arith.addi %mul3A_2201, %add3A_2202 : i32
            %mul3A_2204 = arith.constant 16 : i32
            %mul3A_2205 = arith.muli %add3A_2203, %mul3A_2204 : i32
            %swap3A_2206 = arith.constant 15 : i32
            %swap3A_2207 = arith.constant 0 : i32
            %swap3A_2208 = arith.index_cast %swap3A_2206 : i32 to index
            %swap3A_2209 = arith.index_cast %add3A_97 : i32 to index
            %swap3A_2210 = arith.index_cast %swap3A_2207 : i32 to index
            %swap3A_2211 = arith.index_cast %mul3A_2205 : i32 to index
            %swap3A_2212 = tpu.vector_load %arg11[%swap3A_2208, %swap3A_2209, %swap3A_2210, %swap3A_2211] {strides = array<i32>} : memref<16x5x4x128xf32, #tpu.memory_space<vmem>>, vector<16xf32>,
            tpu.vector_store %arg11[%swap3A_2208, %swap3A_2209, %swap3A_2210, %swap3A_2211], %gather3A_2199 {strides = array<i32>} : memref<16x5x4x128xf32, #tpu.memory_space<vmem>>, vector<16xf32>,
            %gather3A_2213 = tpu.vector_load_idx %arg5[%add3A_2180] : memref<43536xf32, #tpu.memory_space<vmem>>[vector<16xi32>], vector<16xf32>,
            %mul3A_2214 = arith.constant 2 : i32
            %mul3A_2215 = arith.muli %mul3A_2214, %add3A_107 : i32
            %add3A_2216 = arith.constant 0 : i32
            %add3A_2217 = arith.addi %mul3A_2215, %add3A_2216 : i32
            %mul3A_2218 = arith.constant 16 : i32
            %mul3A_2219 = arith.muli %add3A_2217, %mul3A_2218 : i32
            %swap3A_2220 = arith.constant 15 : i32
            %swap3A_2221 = arith.constant 1 : i32
            %swap3A_2222 = arith.index_cast %swap3A_2220 : i32 to index
            %swap3A_2223 = arith.index_cast %add3A_97 : i32 to index
            %swap3A_2224 = arith.index_cast %swap3A_2221 : i32 to index
            %swap3A_2225 = arith.index_cast %mul3A_2219 : i32 to index
            %swap3A_2226 = tpu.vector_load %arg11[%swap3A_2222, %swap3A_2223, %swap3A_2224, %swap3A_2225] {strides = array<i32>} : memref<16x5x4x128xf32, #tpu.memory_space<vmem>>, vector<16xf32>,
            tpu.vector_store %arg11[%swap3A_2222, %swap3A_2223, %swap3A_2224, %swap3A_2225], %gather3A_2213 {strides = array<i32>} : memref<16x5x4x128xf32, #tpu.memory_space<vmem>>, vector<16xf32>,
            %gather3A_2227 = tpu.vector_load_idx %arg5[%add3A_2183] : memref<43536xf32, #tpu.memory_space<vmem>>[vector<16xi32>], vector<16xf32>,
            %mul3A_2228 = arith.constant 2 : i32
            %mul3A_2229 = arith.muli %mul3A_2228, %add3A_107 : i32
            %add3A_2230 = arith.constant 0 : i32
            %add3A_2231 = arith.addi %mul3A_2229, %add3A_2230 : i32
            %mul3A_2232 = arith.constant 16 : i32
            %mul3A_2233 = arith.muli %add3A_2231, %mul3A_2232 : i32
            %swap3A_2234 = arith.constant 15 : i32
            %swap3A_2235 = arith.constant 2 : i32
            %swap3A_2236 = arith.index_cast %swap3A_2234 : i32 to index
            %swap3A_2237 = arith.index_cast %add3A_97 : i32 to index
            %swap3A_2238 = arith.index_cast %swap3A_2235 : i32 to index
            %swap3A_2239 = arith.index_cast %mul3A_2233 : i32 to index
            %swap3A_2240 = tpu.vector_load %arg11[%swap3A_2236, %swap3A_2237, %swap3A_2238, %swap3A_2239] {strides = array<i32>} : memref<16x5x4x128xf32, #tpu.memory_space<vmem>>, vector<16xf32>,
            tpu.vector_store %arg11[%swap3A_2236, %swap3A_2237, %swap3A_2238, %swap3A_2239], %gather3A_2227 {strides = array<i32>} : memref<16x5x4x128xf32, #tpu.memory_space<vmem>>, vector<16xf32>,
            %gather3A_2241 = tpu.vector_load_idx %arg5[%add3A_2186] : memref<43536xf32, #tpu.memory_space<vmem>>[vector<16xi32>], vector<16xf32>,
            %mul3A_2242 = arith.constant 2 : i32
            %mul3A_2243 = arith.muli %mul3A_2242, %add3A_107 : i32
            %add3A_2244 = arith.constant 0 : i32
            %add3A_2245 = arith.addi %mul3A_2243, %add3A_2244 : i32
            %mul3A_2246 = arith.constant 16 : i32
            %mul3A_2247 = arith.muli %add3A_2245, %mul3A_2246 : i32
            %swap3A_2248 = arith.constant 15 : i32
            %swap3A_2249 = arith.constant 3 : i32
            %swap3A_2250 = arith.index_cast %swap3A_2248 : i32 to index
            %swap3A_2251 = arith.index_cast %add3A_97 : i32 to index
            %swap3A_2252 = arith.index_cast %swap3A_2249 : i32 to index
            %swap3A_2253 = arith.index_cast %mul3A_2247 : i32 to index
            %swap3A_2254 = tpu.vector_load %arg11[%swap3A_2250, %swap3A_2251, %swap3A_2252, %swap3A_2253] {strides = array<i32>} : memref<16x5x4x128xf32, #tpu.memory_space<vmem>>, vector<16xf32>,
            tpu.vector_store %arg11[%swap3A_2250, %swap3A_2251, %swap3A_2252, %swap3A_2253], %gather3A_2241 {strides = array<i32>} : memref<16x5x4x128xf32, #tpu.memory_space<vmem>>, vector<16xf32>,
            %gather3A_2255 = tpu.vector_load_idx %arg5[%add3A_2189] : memref<43536xf32, #tpu.memory_space<vmem>>[vector<16xi32>], vector<16xf32>,
            %mul3A_2256 = arith.constant 2 : i32
            %mul3A_2257 = arith.muli %mul3A_2256, %add3A_107 : i32
            %add3A_2258 = arith.constant 1 : i32
            %add3A_2259 = arith.addi %mul3A_2257, %add3A_2258 : i32
            %mul3A_2260 = arith.constant 16 : i32
            %mul3A_2261 = arith.muli %add3A_2259, %mul3A_2260 : i32
            %swap3A_2262 = arith.constant 15 : i32
            %swap3A_2263 = arith.constant 0 : i32
            %swap3A_2264 = arith.index_cast %swap3A_2262 : i32 to index
            %swap3A_2265 = arith.index_cast %add3A_97 : i32 to index
            %swap3A_2266 = arith.index_cast %swap3A_2263 : i32 to index
            %swap3A_2267 = arith.index_cast %mul3A_2261 : i32 to index
            %swap3A_2268 = tpu.vector_load %arg11[%swap3A_2264, %swap3A_2265, %swap3A_2266, %swap3A_2267] {strides = array<i32>} : memref<16x5x4x128xf32, #tpu.memory_space<vmem>>, vector<16xf32>,
            tpu.vector_store %arg11[%swap3A_2264, %swap3A_2265, %swap3A_2266, %swap3A_2267], %gather3A_2255 {strides = array<i32>} : memref<16x5x4x128xf32, #tpu.memory_space<vmem>>, vector<16xf32>,
            %gather3A_2269 = tpu.vector_load_idx %arg5[%add3A_2192] : memref<43536xf32, #tpu.memory_space<vmem>>[vector<16xi32>], vector<16xf32>,
            %mul3A_2270 = arith.constant 2 : i32
            %mul3A_2271 = arith.muli %mul3A_2270, %add3A_107 : i32
            %add3A_2272 = arith.constant 1 : i32
            %add3A_2273 = arith.addi %mul3A_2271, %add3A_2272 : i32
            %mul3A_2274 = arith.constant 16 : i32
            %mul3A_2275 = arith.muli %add3A_2273, %mul3A_2274 : i32
            %swap3A_2276 = arith.constant 15 : i32
            %swap3A_2277 = arith.constant 1 : i32
            %swap3A_2278 = arith.index_cast %swap3A_2276 : i32 to index
            %swap3A_2279 = arith.index_cast %add3A_97 : i32 to index
            %swap3A_2280 = arith.index_cast %swap3A_2277 : i32 to index
            %swap3A_2281 = arith.index_cast %mul3A_2275 : i32 to index
            %swap3A_2282 = tpu.vector_load %arg11[%swap3A_2278, %swap3A_2279, %swap3A_2280, %swap3A_2281] {strides = array<i32>} : memref<16x5x4x128xf32, #tpu.memory_space<vmem>>, vector<16xf32>,
            tpu.vector_store %arg11[%swap3A_2278, %swap3A_2279, %swap3A_2280, %swap3A_2281], %gather3A_2269 {strides = array<i32>} : memref<16x5x4x128xf32, #tpu.memory_space<vmem>>, vector<16xf32>,
            %gather3A_2283 = tpu.vector_load_idx %arg5[%add3A_2195] : memref<43536xf32, #tpu.memory_space<vmem>>[vector<16xi32>], vector<16xf32>,
            %mul3A_2284 = arith.constant 2 : i32
            %mul3A_2285 = arith.muli %mul3A_2284, %add3A_107 : i32
            %add3A_2286 = arith.constant 1 : i32
            %add3A_2287 = arith.addi %mul3A_2285, %add3A_2286 : i32
            %mul3A_2288 = arith.constant 16 : i32
            %mul3A_2289 = arith.muli %add3A_2287, %mul3A_2288 : i32
            %swap3A_2290 = arith.constant 15 : i32
            %swap3A_2291 = arith.constant 2 : i32
            %swap3A_2292 = arith.index_cast %swap3A_2290 : i32 to index
            %swap3A_2293 = arith.index_cast %add3A_97 : i32 to index
            %swap3A_2294 = arith.index_cast %swap3A_2291 : i32 to index
            %swap3A_2295 = arith.index_cast %mul3A_2289 : i32 to index
            %swap3A_2296 = tpu.vector_load %arg11[%swap3A_2292, %swap3A_2293, %swap3A_2294, %swap3A_2295] {strides = array<i32>} : memref<16x5x4x128xf32, #tpu.memory_space<vmem>>, vector<16xf32>,
            tpu.vector_store %arg11[%swap3A_2292, %swap3A_2293, %swap3A_2294, %swap3A_2295], %gather3A_2283 {strides = array<i32>} : memref<16x5x4x128xf32, #tpu.memory_space<vmem>>, vector<16xf32>,
            %gather3A_2297 = tpu.vector_load_idx %arg5[%add3A_2198] : memref<43536xf32, #tpu.memory_space<vmem>>[vector<16xi32>], vector<16xf32>,
            %mul3A_2298 = arith.constant 2 : i32
            %mul3A_2299 = arith.muli %mul3A_2298, %add3A_107 : i32
            %add3A_2300 = arith.constant 1 : i32
            %add3A_2301 = arith.addi %mul3A_2299, %add3A_2300 : i32
            %mul3A_2302 = arith.constant 16 : i32
            %mul3A_2303 = arith.muli %add3A_2301, %mul3A_2302 : i32
            %swap3A_2304 = arith.constant 15 : i32
            %swap3A_2305 = arith.constant 3 : i32
            %swap3A_2306 = arith.index_cast %swap3A_2304 : i32 to index
            %swap3A_2307 = arith.index_cast %add3A_97 : i32 to index
            %swap3A_2308 = arith.index_cast %swap3A_2305 : i32 to index
            %swap3A_2309 = arith.index_cast %mul3A_2303 : i32 to index
            %swap3A_2310 = tpu.vector_load %arg11[%swap3A_2306, %swap3A_2307, %swap3A_2308, %swap3A_2309] {strides = array<i32>} : memref<16x5x4x128xf32, #tpu.memory_space<vmem>>, vector<16xf32>,
            tpu.vector_store %arg11[%swap3A_2306, %swap3A_2307, %swap3A_2308, %swap3A_2309], %gather3A_2297 {strides = array<i32>} : memref<16x5x4x128xf32, #tpu.memory_space<vmem>>, vector<16xf32>,
          }
          %scan3A_102 = arith.constant 4 : i32
        }
        %scan3A_82 = arith.constant 5 : i32
        %mul3A_83 = arith.constant 5 : i32
        %mul3A_84 = arith.muli %add3A_51, %mul3A_83 : i32
        %dma_start3A_85 = arith.constant 0 : i32
        %dma_start3A_86 = arith.constant 0 : i32
        %dma_start3A_87 = arith.constant 0 : i32
        %dma_start3A_88 = tpu.memref_slice %arg4[%dma_start3A_85, %mul3A_84, %dma_start3A_86, %dma_start3A_87] : memref<16x6250x4x128xf32, #tpu.memory_space<hbm>> -> memref<16x5x4x128xf32, #tpu.memory_space<hbm>>
        %dma_start3A_89 = arith.constant 0 : i32
        %dma_start3A_90 = arith.constant 0 : i32
        %dma_start3A_91 = arith.constant 0 : i32
        %dma_start3A_92 = tpu.memref_slice %arg4[%dma_start3A_89, %mul3A_84, %dma_start3A_90, %dma_start3A_91] : memref<16x6250x4x128xf32, #tpu.memory_space<hbm>> -> memref<16x5x4x128xf32, #tpu.memory_space<hbm>>
        tpu.enqueue_dma source(%arg11 : memref<16x5x4x128xf32, #tpu.memory_space<vmem>>) target(%dma_start3A_92 : memref<16x5x4x128xf32, #tpu.memory_space<hbm>>) target_semaphore(%arg13 : memref<!tpu.dma_semaphore, #tpu.memory_space<semaphore_mem>>)
      } else {
      }
    }
    %scan3A_16 = arith.constant 20 : i32
    %dma_wait3A = arith.constant 0 : i32
    %dma_wait3A_17 = arith.constant 0 : i32
    %dma_wait3A_18 = arith.constant 0 : i32
    %dma_wait3A_19 = arith.constant 0 : i32
    %dma_wait3A_20 = tpu.memref_slice %arg4[%dma_wait3A, %dma_wait3A_17, %dma_wait3A_18, %dma_wait3A_19] : memref<16x6250x4x128xf32, #tpu.memory_space<hbm>> -> memref<16x5x4x128xf32, #tpu.memory_space<hbm>>
    %dma_wait3A_21 = arith.constant 0 : i32
    %dma_wait3A_22 = arith.constant 0 : i32
    %dma_wait3A_23 = arith.constant 0 : i32
    %dma_wait3A_24 = arith.constant 0 : i32
    %dma_wait3A_25 = tpu.memref_slice %arg4[%dma_wait3A_21, %dma_wait3A_22, %dma_wait3A_23, %dma_wait3A_24] : memref<16x6250x4x128xf32, #tpu.memory_space<hbm>> -> memref<16x5x4x128xf32, #tpu.memory_space<hbm>>
    tpu.wait_dma2 semaphore(%arg12 : memref<!tpu.dma_semaphore, #tpu.memory_space<semaphore_mem>>) src(%arg10 : memref<16x5x4x128xf32, #tpu.memory_space<vmem>>) dst(%dma_wait3A_25 : memref<16x5x4x128xf32, #tpu.memory_space<hbm>>)
    %lt3A = arith.constant 2 : i32
    %lt3A_26 = arith.cmpi slt, %add3A, %lt3A : i32
    %convert_element_type3A = arith.extui %lt3A_26 : i1 to i32
    %cond3A = arith.constant 0 : i32
    %cond3A_27 = arith.cmpi ne, %convert_element_type3A, %cond3A : i32
    scf.if %cond3A_27 {
      %dma_wait3A_28 = arith.constant 0 : i32
      %dma_wait3A_29 = arith.constant 0 : i32
      %dma_wait3A_30 = arith.constant 0 : i32
      %dma_wait3A_31 = arith.constant 0 : i32
      %dma_wait3A_32 = tpu.memref_slice %arg4[%dma_wait3A_28, %dma_wait3A_29, %dma_wait3A_30, %dma_wait3A_31] : memref<16x6250x4x128xf32, #tpu.memory_space<hbm>> -> memref<16x5x4x128xf32, #tpu.memory_space<hbm>>
      %dma_wait3A_33 = arith.constant 0 : i32
      %dma_wait3A_34 = arith.constant 0 : i32
      %dma_wait3A_35 = arith.constant 0 : i32
      %dma_wait3A_36 = arith.constant 0 : i32
      %dma_wait3A_37 = tpu.memref_slice %arg4[%dma_wait3A_33, %dma_wait3A_34, %dma_wait3A_35, %dma_wait3A_36] : memref<16x6250x4x128xf32, #tpu.memory_space<hbm>> -> memref<16x5x4x128xf32, #tpu.memory_space<hbm>>
      tpu.wait_dma2 semaphore(%arg13 : memref<!tpu.dma_semaphore, #tpu.memory_space<semaphore_mem>>) src(%arg11 : memref<16x5x4x128xf32, #tpu.memory_space<vmem>>) dst(%dma_wait3A_37 : memref<16x5x4x128xf32, #tpu.memory_space<hbm>>)
    } else {
    }
    return
  }
}

</mosaic_0001>

<sc_bundles>
// kernel: kernel.3.cloned.1.call-start
scs
__scs_entry_jumppad:
0x0: {  	(pc) =	sbr.rel $0x88, $3  }
0x1: {  	(tag) =	ssettag $0x0;
	lr =	simm.s32 $0x1  }
0x2: {  	[smem:$0x3F9F] =	sst lr;
	_ =	strace $0xD0000000  }
0x3: {  	_ = 	snop  }
0x4: {  	_ = 	snop  }
0x5: {  	_ = 	snop  }
0x6: {  	_ = 	snop  }
0x7: {  	_ = 	snop  }
__scs_overlays_trampoline_lowered:
0x8: {  	[smem:$0x3FAE] =	sst s0  }
0x9: {  	[smem:$0x3FAF] =	sst s1  }
0xa: {  	[smem:$0x3FB0] =	sst s2  }
0xb: {  	[smem:$0x3FB1] =	sst s3  }
0xc: {  	[smem:$0x3FB2] =	sst s4  }
0xd: {  	[smem:$0x3FB3] =	sst s5  }
0xe: {  	[smem:$0x3FB4] =	sst s6  }
0xf: {  	[smem:$0x3FB5] =	sst s7  }
0x10: {  	[smem:$0x3FB6] =	sst s8  }
0x11: {  	[smem:$0x3FB7] =	sst s9;
	s0 =	simm.s32 @!p0 $0x0  }
0x12: {  	s1 =	sld [smem:$0x3F9D];
	s0 =	simm.s32 @p0 $0x1  }
0x13: {  	[smem:$0x3FB8] =	sst s0;
	s0 =	simm.s32 @!p1 $0x0  }
0x14: {  	s2 =	sld [smem:$0x3F9C];
	s0 =	simm.s32 @p1 $0x1  }
0x15: {  	[smem:$0x3FB9] =	sst s0;
	s0 =	simm.s32 @!p2 $0x0  }
0x16: {  	s3 =	sld [smem:$0x3FDB];
	s0 =	simm.s32 @p2 $0x1  }
0x17: {  	s4 =	simm.s32 $0x1BF5;
	[smem:$0x3FBB] =	sst s0  }
0x18: {  	s0 =	sld [smem:$0x3F9E];
	_ =	swait.ge [sflag:s4], $0x0  }
0x19: {  	s7 =	sld [smem:$0x3F9F]  }
0x1a: {  	s8 =	sadd.s32 $0xFFFFE003, lr  }
0x1b: {  	s9 =	sadd.s32 $0xFFFFFEF7, lr;
	s5 =	simm.s32 $0xFFFFFFFF;
	p2 =	slt.u32 s8, $0xFFFFF086  }
0x1c: {  	p1 =	slt.u32 s9, $0xF7A;
	s5 =	simm.s32 @!p2 $0x0  }
0x1d: {  	s5 =	simm.s32 @p1 $0x1;
	p0 =	seq.s32 s7, s2  }
0x1e: {  	s7 =	smul.u32 @!p0 $0xF7A, s2;
	p2 =	seq.s32 @!p0 s5, $0x0  }
0x1f: {  	s9 =	smul.u32 $0xF7A, s1;
	s8 =	simm.s32 @!p0 $0x1BF5;
	p2 =	por !p2, p0  }
0x20: {  	[sflag:s8] =	ssyncset.s32 @!p0 $0xFFFFF086;
	s6 =	sadd.s32 @!p0 s3, s7;
	s7 =	simm.s32 @!p0 $0x108  }
0x21: {  	s3 =	sadd.s32 s3, s9;
	s6 =	sadd.s32 @!p0 $0x88, s6;
	s7 =	simm.s32 @p2 $0x1082  }
0x22: {  	[simem:s7], [sflag:s8] =	dma.local @!p0 [hbm:s6], $0xF7A  }
0x23: {  	s9 =	sor.u32 $0xD0000000, s2;
	s6 =	simm.s32 $0x108;
	_ =	swait.ge @!p0 [sflag:s8], $0x0  }
0x24: {  	s3 =	sadd.s32 $0x88, s3;
	s6 =	simm.s32 @!p1 $0x1082;
	[sflag:s4] =	ssyncset.s32 $0xFFFFF086  }
0x25: {  	[simem:s6], [sflag:s4] =	dma.local [hbm:s3], $0xF7A  }
0x26: {  	[smem:$0x3F9F] =	sst s1;
	(tag) =	ssettag s2;
	_ =	strace s9  }
0x27: {  	s1 =	sld [smem:$0x3FAF]  }
0x28: {  	s2 =	sld [smem:$0x3FB0]  }
0x29: {  	s4 =	sld [smem:$0x3FB2]  }
0x2a: {  	p0 =	seq.s32 s5, $0x0;
	s5 =	sld [smem:$0x3FB3]  }
0x2b: {  	s6 =	sld [smem:$0x3FB4]  }
0x2c: {  	s7 =	sld [smem:$0x3FB5]  }
0x2d: {  	s3 =	simm.s32 $0x108;
	s8 =	sld [smem:$0x3FB6]  }
0x2e: {  	s3 =	simm.s32 @!p0 $0x1082;
	s9 =	sld [smem:$0x3FB7]  }
0x2f: {  	lr =	sadd.s32 s0, s3;
	s0 =	sld [smem:$0x3FAE]  }
0x30: {  	s3 =	sld [smem:$0x3FB1]  }
0x31: {  	[smem:$0x3FBA] =	sst s10  }
0x32: {  	s10 =	sld [smem:$0x3FB8];
	_ =	sdelay $0x3  }
0x33: {  	p0 =	seq.s32 s10, $0x1;
	s10 =	sld [smem:$0x3FBA];
	_ =	sdelay $0x3  }
0x34: {  	[smem:$0x3FBA] =	sst s10  }
0x35: {  	s10 =	sld [smem:$0x3FB9];
	_ =	sdelay $0x3  }
0x36: {  	p1 =	seq.s32 s10, $0x1;
	s10 =	sld [smem:$0x3FBA];
	_ =	sdelay $0x3  }
0x37: {  	[smem:$0x3FBA] =	sst s10  }
0x38: {  	s10 =	sld [smem:$0x3FBB]  }
0x39: {  	_ = 	snop;
	(pc) =	sbr.ind lr, $3  }
0x3a: {  	_ = 	snop  }
0x3b: {  	_ = 	snop  }
0x3c: {  	p2 =	seq.s32 s10, $0x1;
	s10 =	sld [smem:$0x3FBA]  }
0x3d: {  	_ =	shalt  }
0x3e: {  	_ =	shalt  }
0x3f: {  	_ =	shalt  }
0x40: {  	_ =	shalt  }
0x41: {  	_ =	shalt  }
0x42: {  	_ =	shalt  }
0x43: {  	_ =	shalt  }
0x44: {  	_ =	shalt  }
0x45: {  	_ =	shalt  }
0x46: {  	_ =	shalt  }
0x47: {  	_ =	shalt  }
0x48: {  	_ =	shalt  }
0x49: {  	_ =	shalt  }
0x4a: {  	_ =	shalt  }
0x4b: {  	_ =	shalt  }
0x4c: {  	_ =	shalt  }
0x4d: {  	_ =	shalt  }
0x4e: {  	_ =	shalt  }
0x4f: {  	_ =	shalt  }
0x50: {  	_ =	shalt  }
0x51: {  	_ =	shalt  }
0x52: {  	_ =	shalt  }
0x53: {  	_ =	shalt  }
0x54: {  	_ =	shalt  }
0x55: {  	_ =	shalt  }
0x56: {  	_ =	shalt  }
0x57: {  	_ =	shalt  }
0x58: {  	_ =	shalt  }
0x59: {  	_ =	shalt  }
0x5a: {  	_ =	shalt  }
0x5b: {  	_ =	shalt  }
0x5c: {  	_ =	shalt  }
0x5d: {  	_ =	shalt  }
0x5e: {  	_ =	shalt  }
0x5f: {  	_ =	shalt  }
0x60: {  	_ =	shalt  }
0x61: {  	_ =	shalt  }
0x62: {  	_ =	shalt  }
0x63: {  	_ =	shalt  }
0x64: {  	_ =	shalt  }
0x65: {  	_ =	shalt  }
0x66: {  	_ =	shalt  }
0x67: {  	_ =	shalt  }
0x68: {  	_ =	shalt  }
0x69: {  	_ =	shalt  }
0x6a: {  	_ =	shalt  }
0x6b: {  	_ =	shalt  }
0x6c: {  	_ =	shalt  }
0x6d: {  	_ =	shalt  }
0x6e: {  	_ =	shalt  }
0x6f: {  	_ =	shalt  }
0x70: {  	_ =	shalt  }
0x71: {  	_ =	shalt  }
0x72: {  	_ =	shalt  }
0x73: {  	_ =	shalt  }
0x74: {  	_ =	shalt  }
0x75: {  	_ =	shalt  }
0x76: {  	_ =	shalt  }
0x77: {  	_ =	shalt  }
0x78: {  	_ =	shalt  }
0x79: {  	_ =	shalt  }
0x7a: {  	_ =	shalt  }
0x7b: {  	_ =	shalt  }
0x7c: {  	_ =	shalt  }
0x7d: {  	_ =	shalt  }
0x7e: {  	_ =	shalt  }
0x7f: {  	_ =	shalt  }
0x80: {  	_ =	shalt  }
0x81: {  	_ =	shalt  }
0x82: {  	_ =	shalt  }
0x83: {  	_ =	shalt  }
0x84: {  	_ =	shalt  }
0x85: {  	_ =	shalt  }
0x86: {  	_ =	shalt  }
0x87: {  	_ =	shalt  }
.Lfunc_end0:
.L_simem_size_0:
called_computation.1_lowered:
.L_overlay_start_0:
0x88: {  	s2 =	sld [smem:$0x3FD9]  }
0x89: {  	s3 =	sld [smem:$0x3FFE];
	_ =	sdelay $0x1  }
0x8a: {  	s1 =	srdreg.scid  }
0x8b: {  	s0 =	sand.u32 $0x1, s1  }
0x8c: {  	s17 =	sshll.u32 s0, $0xA;
	s2 =	sadd.s32 s3, s2  }
0x8d: {  	s2 =	sadd.s32 s2, s17  }
0x8e: {  	[smem:$0x3FC6] =	sst s2  }
0x8f: {  	_ = 	snop  }
0x90: {  	s2 =	sld [smem:$0x3FD0];
	(tm) =	ssettm $0x1  }
0x91: {  	s18 =	sld [smem:$0x3FFB];
	_ =	sdelay $0x3  }
0x92: {  	_ =	strace s18  }
0x93: {  	s3 =	sld [smem:$0x3FFC];
	_ =	sdelay $0x3  }
0x94: {  	_ =	strace s3  }
0x95: {  	s3 =	sld [smem:$0x3FFD];
	_ =	sdelay $0x3  }
0x96: {  	_ =	strace s3  }
0x97: {  	_ =	strace $0x8FFFFFFF  }
0x98: {  	s19 =	sld [smem:$0x3FDB];
	_ =	sdelay $0x1  }
0x99: {  	s4 =	simm.s32 $_scs_section_size  }
0x9a: {  	s5 =	simm.s32 $_size__tile_overlayer_lowered;
	s6 =	simm.s32 $_tile_overlayer_lowered  }
0x9b: {  	s22 =	simm.s32 $0x1BFF;
	s21 =	sshll.u32 s6, $0x1;
	s3 =	sadd.s32 s4, s19  }
0x9c: {  	s7 =	simm.s32 $0x0;
	s20 =	sshll.u32 s5, $0x1;
	s5 =	sadd.s32 s21, s3  }
0x9d: {  	[timem:s7], [sflag:s22] =	dma.local [hbm:s5], s20  }
0x9e: {  	_ =	swait.ge [sflag:s22], s20  }
0x9f: {  	s4 =	ssub.s32 $0x0, s20;
	[sflag:s22] =	ssyncset.done $0x0  }
0xa0: {  	[sflag:s22] =	ssyncadd.s32 s4;
	_ =	sdelay $0x1  }
0xa1: {  	s23 =	simm.s32 $0x1B8B  }
0xa2: {  	_ =	swait.ge [sflag:s23], $0x1  }
0xa3: {  	[sflag:s23] =	ssyncset.done $0x0  }
0xa4: {  	s25 =	simm.s32 $0x1B8E;
	s24 =	sld [smem:$0x3FFE];
	[sflag:s23] =	ssyncadd.s32 $0xFFFFFFFF  }
0xa5: {  	s26 =	simm.s32 $execute0_lowered;
	[smem:$0x3FD2] =	sst s25  }
0xa6: {  	s5 =	sshll.u32 s26, $0x1;
	_ =	strace $0x80000046;
	[dreg:$0x1] =	wrdreg $0xFFFFFFFF  }
0xa7: {  	s28 =	simm.s32 $_size_execute0_lowered;
	s3 =	sadd.s32 s3, s5;
	[dreg:$0x0] =	wrdreg $0x0  }
0xa8: {  	s5 =	sshll.u32 s28, $0x1;
	[dreg:$0x2] =	wrdreg s3  }
0xa9: {  	[dreg:$0x3] =	wrdreg s5  }
0xaa: {  	[dreg:$0x4] =	wrdreg $0xC0  }
0xab: {  	_ =	task [dreg:s7], $0x5FFFF  }
0xac: {  	[dreg:$0x1] =	wrdreg $0xFFFFFFFF  }
0xad: {  	[dreg:$0x0] =	wrdreg $0x60  }
0xae: {  	[dreg:$0x2] =	wrdreg s24  }
0xaf: {  	[dreg:$0x3] =	wrdreg s2  }
0xb0: {  	[dreg:$0x4] =	wrdreg $0x9  }
0xb1: {  	_ =	task.clear_ibuf [dreg:s7], $0x5FFFF;
	_ =	strace $0x90000046  }
0xb2: {  	s29 =	simm.s32 $0x9;
	_ =	strace $0x80000048  }
0xb3: {  	_ =	swait.ge [sflag:s29], $0x1  }
0xb4: {  	[sflag:s29] =	ssyncadd.s32 $0xFFFFFFFF  }
0xb5: {  	_ =	strace $0x90000048  }
0xb6: {  	_ =	sfence  }
0xb7: {  	s30 =	sld [smem:$0x0];
	_ =	sdelay $0x2  }
0xb8: {  	s31 =	sshll.u32 s1, $0xD;
	s1 =	sshrl.u32 s1, $0x2  }
0xb9: {  	s3 =	sand.u32 $0x4000, s31;
	s1 =	sadd.s32 s1, s30  }
0xba: {  	s0 =	sor.u32 s3, s0;
	s1 =	sshll.u32 s1, $0x11  }
0xbb: {  	s0 =	sor.u32 s1, s0  }
0xbc: {  	s0 =	sadd.s32 $0x8F2B, s0  }
0xbd: {  	[sflag:s0] =	ssyncadd.remote.s32 $0x1  }
0xbe: {  	_ =	sfence.sel $0xFFFF  }
0xbf: {  	[dreg:$0x0] =	wrdreg $0xFFFFFFFF;
	(pc) =	sbr.abs _section_cstart, $3  }
0xc0: {  	[dreg:$0x1] =	wrdreg $0xFFFFFFFF  }
0xc1: {  	_ =	task.clear_ibuf [dreg:s7], $0x2FFFF;
	_ =	strace $0x9FFFFFFF  }
0xc2: {  	(tm) =	ssettm $0x7FFFFFFF  }
0xc3: {  	_ =	shalt  }
tec
execute0_lowered:
.L_overlay_start_1:
0x0: {  	(tag) =	ssettag $0x1  }
0x1: {  	v1 =	vlaneseq.u32  }
0x2: {  	s5 =	rddreg [dreg:$0x0];
	v0 =	vmul.u32 $0xAA1, v1  }
0x3: {  	s1 =	rddreg [dreg:$0x1];
	s2 =	simm.s32 $0x0  }
0x4: {  	[smem:$0x7FF] =	sst s2;
	v9 =	vadd.s32 $0x3, v0  }
0x5: {  	s0 =	rddreg [dreg:$0x2];
	_ =	strace $0x80000047;
	v10 =	vadd.s32 $0x4, v0;
	[tilespmem:$0x1FCB0] =	vst v9  }
0x6: {  	v8 =	vimm.s32 $0x65432107;
	v11 =	vadd.s32 $0x5, v0;
	[tilespmem:$0x1FCC0] =	vst v10  }
0x7: {  	v8 =	vunpack.c.l.s4.s8 v8;
	v16 =	vadd.s32 $0x6, v0;
	[tilespmem:$0x1FCD0] =	vst v11  }
0x8: {  	v17 =	vadd.s32 $0x7, v0;
	[tilespmem:$0x1FCE0] =	vst v16  }
0x9: {  	v15 =	vunpack.c.0.s8.s32 v8;
	v8 =	vadd.s32 $0xB, v0;
	[tilespmem:$0x1FCF0] =	vst v17  }
0xa: {  	v18 =	vadd.s32 $0xC, v0;
	[tilespmem:$0x1FD30] =	vst v8  }
0xb: {  	v19 =	vadd.s32 $0xD, v0;
	[tilespmem:$0x1FD40] =	vst v18  }
0xc: {  	v20 =	vadd.s32 $0xE, v0;
	[tilespmem:$0x1FD50] =	vst v19  }
0xd: {  	v23 =	vadd.s32 $0xF, v0;
	[tilespmem:$0x1FD60] =	vst v20  }
0xe: {  	v24 =	vadd.s32 $0x10, v0;
	[tilespmem:$0x1FD70] =	vst v23  }
0xf: {  	v25 =	vadd.s32 $0x11, v0;
	[tilespmem:$0x1FD80] =	vst v24  }
0x10: {  	v26 =	vadd.s32 $0x12, v0;
	[tilespmem:$0x1FD90] =	vst v25  }
0x11: {  	v27 =	vadd.s32 $0x13, v0;
	[tilespmem:$0x1FDA0] =	vst v26  }
0x12: {  	v28 =	vadd.s32 $0x14, v0;
	[tilespmem:$0x1FDB0] =	vst v27  }
0x13: {  	v29 =	vadd.s32 $0x15, v0;
	[tilespmem:$0x1FDC0] =	vst v28  }
0x14: {  	v30 =	vadd.s32 $0x16, v0;
	[tilespmem:$0x1FDD0] =	vst v29  }
0x15: {  	v31 =	vadd.s32 $0x17, v0;
	[tilespmem:$0x1FDE0] =	vst v30  }
0x16: {  	v32 =	vadd.s32 $0x18, v0;
	[tilespmem:$0x1FDF0] =	vst v31  }
0x17: {  	v33 =	vadd.s32 $0x19, v0;
	[tilespmem:$0x1FE00] =	vst v32  }
0x18: {  	v34 =	vadd.s32 $0x1A, v0;
	[tilespmem:$0x1FE10] =	vst v33  }
0x19: {  	v35 =	vadd.s32 $0x1B, v0;
	[tilespmem:$0x1FE20] =	vst v34  }
0x1a: {  	v36 =	vadd.s32 $0x1C, v0;
	[tilespmem:$0x1FE30] =	vst v35  }
0x1b: {  	v37 =	vadd.s32 $0x1D, v0;
	[tilespmem:$0x1FE40] =	vst v36  }
0x1c: {  	v38 =	vadd.s32 $0x1E, v0;
	[tilespmem:$0x1FE50] =	vst v37  }
0x1d: {  	v39 =	vadd.s32 $0x20, v0;
	[tilespmem:$0x1FE60] =	vst v38  }
0x1e: {  	v40 =	vadd.s32 $0x1F, v0;
	[tilespmem:$0x1FE70] =	vst v39  }
0x1f: {  	v41 =	vadd.s32 $0x22, v0;
	[tilespmem:$0x1FE80] =	vst v40  }
0x20: {  	v42 =	vadd.s32 $0x21, v0;
	[tilespmem:$0x1FE90] =	vst v41  }
0x21: {  	v43 =	vadd.s32 $0x23, v0;
	[tilespmem:$0x1FEA0] =	vst v42  }
0x22: {  	v44 =	vadd.s32 $0x24, v0;
	[tilespmem:$0x1FEB0] =	vst v43  }
0x23: {  	v45 =	vadd.s32 $0x26, v0;
	[tilespmem:$0x1FEC0] =	vst v44  }
0x24: {  	v46 =	vadd.s32 $0x25, v0;
	[tilespmem:$0x1FED0] =	vst v45  }
0x25: {  	v47 =	vadd.s32 $0x28, v0;
	[tilespmem:$0x1FEE0] =	vst v46  }
0x26: {  	v48 =	vadd.s32 $0x27, v0;
	[tilespmem:$0x1FEF0] =	vst v47  }
0x27: {  	v49 =	vadd.s32 $0x29, v0;
	[tilespmem:$0x1FF00] =	vst v48  }
0x28: {  	v50 =	vadd.s32 $0x2A, v0;
	[tilespmem:$0x1FF10] =	vst v49  }
0x29: {  	v51 =	vadd.s32 $0x2C, v0;
	[tilespmem:$0x1FF20] =	vst v50  }
0x2a: {  	v52 =	vadd.s32 $0x2B, v0;
	[tilespmem:$0x1FF30] =	vst v51  }
0x2b: {  	v53 =	vadd.s32 $0x2E, v0;
	[tilespmem:$0x1FF40] =	vst v52  }
0x2c: {  	v54 =	vadd.s32 $0x2D, v0;
	[tilespmem:$0x1FF50] =	vst v53  }
0x2d: {  	v2 =	vimm.f32 $4.000000060e-01;
	v3 =	vimm.s32 $0x10765432;
	v55 =	vadd.s32 $0x2F, v0;
	[tilespmem:$0x1FF60] =	vst v54  }
0x2e: {  	v4 =	vimm.s32 $0x21076543;
	v3 =	vunpack.c.l.s4.s8 v3;
	v56 =	vadd.s32 $0x30, v0;
	[tilespmem:$0x1FF70] =	vst v55  }
0x2f: {  	v7 =	vunpack.c.l.s4.s8 v4;
	(erf) = vrcp.f32 v2;
	v57 =	vadd.s32 $0x32, v0;
	[tilespmem:$0x1FF80] =	vst v56  }
0x30: {  	s3 =	srdreg.scid;
	s18 =	stileid.u32;
	s10 =	simm.s32 $0xAA10;
	v4 =	vand.u32 $0x7, v1;
	v1 =	vimm.s32 $0x32107654;
	v58 =	vadd.s32 $0x31, v0;
	[tilespmem:$0x1FF90] =	vst v57  }
0x31: {  	s11 =	simm.s32 $0xAC90;
	s12 =	simm.s32 $0x3;
	s13 =	simm.s32 $0xA00;
	v1 =	vunpack.c.l.s4.s8 v1;
	v2 =	vimm.s32 $0x7654321;
	v59 =	vadd.s32 $0x34, v0;
	[tilespmem:$0x1FFA0] =	vst v58  }
0x32: {  	s14 =	simm.s32 $0x30D400;
	s6 =	sand.u32 $0x1, s3;
	s31 =	sshll.u32 s18, $0x1;
	v21 =	vadd.s32 $0x2, v0;
	v60 =	vadd.s32 $0x33, v0;
	v2 =	vunpack.c.l.s4.s8 v2;
	[tilespmem:$0x1FFB0] =	vst v59  }
0x33: {  	s15 =	simm.s32 $0xB410;
	s16 =	simm.s32 $0x4;
	s3 =	sor.u32 s6, s31;
	v6 =	vunpack.c.0.s8.s32 v3;
	v3 =	vimm.s32 $0x54321076;
	v61 =	vadd.s32 $0x35, v0;
	[tilespmem:$0x1FFC0] =	vst v60  }
0x34: {  	s17 =	simm.s32 $0x15410;
	s19 =	simm.s32 $0x0;
	s7 =	smul.u32 $0x280, s3;
	v3 =	vunpack.c.l.s4.s8 v3;
	[tilespmem:$0x1FFD0] =	vst v61;
	v5 =	vunpack.c.0.s8.s32 v2;
	v2 =	vimm.s32 $0x43210765  }
.Ltmp0:
0x35: {  	s4 =	sadd.s32 $0x1A00, s5;
	s5 =	sadd.s32 $0x400, s5;
	v12 =	vunpack.c.0.s8.s32 v1;
	v1 =	vadd.s32 $0x8, v0;
	[tilespmem:$0x1FFF0] =	vst v21;
	v2 =	vunpack.c.l.s4.s8 v2;
	(pc) =	sbr.rel .LBB2_1-.Ltmp0, $4  }
0x36: {  	p0 =	sne.s32 s18, $0x0;
	s6 =	ssub.s32 $0x2, s6;
	s9 =	smul.u32 $0x50, s3;
	[tilespmem:$0x1FD00] =	vst v1;
	v14 =	vunpack.c.0.s8.s32 v3;
	v3 =	vadd.s32 $0xA, v0  }
0x37: {  	s18 =	simm.s32 $0x1;
	s8 =	sshrl.u32 s6, $0x1;
	s7 =	sshrl.u32 s7, $0x3;
	[tilespmem:$0x1FD20] =	vst v3;
	v13 =	vunpack.c.0.s8.s32 v2;
	v2 =	vadd.s32 $0x9, v0  }
0x38: {  	s8 =	ssub.s32 s6, s8;
	s6 =	sadd.s32 s4, s9;
	s7 =	sadd.s32 s4, s7;
	[tilespmem:$0x1FD10] =	vst v2;
	v62 =	vpop (erf)  }
0x39: {  	v22 =	vadd.s32 $0x1, v0;
	v7 =	vunpack.c.0.s8.s32 v7;
	s8 =	smax.u32 s8, $0x1;
	s9 =	simm.s32 $0x5;
	s7 =	sadd.s32 $0xA00, s7;
	[tilespmem:$0x1FFE0] =	vst v62  }
.LBB2_17:
0x3a: {  	s19 =	sadd.s32 $0x1, s19  }
0x3b: {  	_ =	swait.ge [sflag:s18], $0xA000;
	p1 =	sne.s32 s19, s8  }
.Ltmp1:
0x3c: {  	[sflag:s18] =	ssyncset.done $0x0;
	(pc) =	sbr.rel @!p1 .LBB2_18-.Ltmp1, $4  }
0x3d: {  	s20 =	simm.s32 @!p0 $0x2;
	[sflag:s18] =	ssyncadd.s32 $0xFFFF6000  }
0x3e: {  	_ =	swait.ge @!p0 [sflag:s20], $0xA000  }
0x3f: {  	[sflag:s20] =	ssyncset.done @!p0 $0x0  }
0x40: {  	[sflag:s20] =	ssyncadd.s32 @!p0 $0xFFFF6000  }
.LBB2_1:
0x41: {  	[tilespmem:s2], [sflag:$0x5] =	stream.linear.gather [hbm4b:s5+s2], $0xAA10, $0x38;
	[tilespmem:$0x1F410] =	vst v63  }
0x42: {  	_ =	swait.ge [sflag:s9], $0xAA10  }
.Ltmp2:
0x43: {  	[sflag:s9] =	ssyncset.done $0x0;
	(pc) =	sbr.rel .LBB2_2-.Ltmp2, $4  }
0x44: {  	[sflag:s9] =	ssyncadd.s32 $0xFFFF55F0  }
0x45: {  	[tilespmem:s10], [sflag:$0x3] =	stream.linear.gather [hbm4b:s6+s2], $0x280, $0x38;
	[tilespmem:$0x1F410] =	vst v63  }
0x46: {  	s20 =	simm.s32 $0x0  }
0x47: {  	[tilespmem:s11], [sflag:$0x4] =	stream.linear.gather [hbm4b:s7+s2], $0x280, $0x38;
	[tilespmem:$0x1F410] =	vst v63  }
.LBB2_16:
0x48: {  	s20 =	sadd.s32 $0x1, s20  }
0x49: {  	p1 =	sne.s32 s20, $0x14  }
.Ltmp3:
0x4a: {  	_ = 	snop;
	(pc) =	sbr.rel @!p1 .LBB2_17-.Ltmp3, $2  }
0x4b: {  	_ = 	snop  }
0x4c: {  	v62 =	vld [tilespmem:$0x1FFE0];
	_ =	sdelay $0x2  }
.LBB2_2:
0x4d: {  	p1 =	seq.s32 s20, $0x0  }
0x4e: {  	s21 =	simm.s32 @!p1 $0x1  }
0x4f: {  	_ =	swait.ge @!p1 [sflag:s21], $0xA000  }
0x50: {  	[sflag:s21] =	ssyncset.done @!p1 $0x0  }
0x51: {  	[sflag:s21] =	ssyncadd.s32 @!p1 $0xFFFF6000  }
0x52: {  	_ =	swait.ge [sflag:s12], $0x280  }
0x53: {  	[sflag:s12] =	ssyncset.done $0x0  }
0x54: {  	s23 =	simm.s32 $0x0;
	[sflag:s12] =	ssyncadd.s32 $0xFFFFFD80  }
0x55: {  	v1 =	vld [tilespmem:s23+$0xAA10];
	_ =	sdelay $0x1  }
0x56: {  	s22 =	simm.s32 $0x10  }
0x57: {  	v2 =	vld [tilespmem:s22+$0xAA10];
	_ =	sdelay $0x1  }
0x58: {  	v1 =	vadd.f32 $-2.400000100e+00, v1;
	_ =	sdelay $0x1  }
0x59: {  	v1 =	vmul.f32 v1, v62  }
0x5a: {  	v2 =	vadd.f32 $-2.400000100e+00, v2  }
0x5b: {  	v1 =	vmax.f32 v1, $0.0e+00  }
0x5c: {  	v2 =	vmul.f32 v2, v62;
	v1 =	vmin.f32 v1, $3.300000000e+01  }
0x5d: {  	s24 =	simm.s32 $0x20;
	v1 =	vadd.f32 $8.388608000e+06, v1  }
0x5e: {  	v3 =	vmax.f32 v2, $0.0e+00;
	v2 =	vld [tilespmem:s24+$0xAA10]  }
0x5f: {  	v1 =	vadd.f32 $-8.388608000e+06, v1;
	_ =	sdelay $0x1  }
0x60: {  	s31 =	sshll.u32 s20, $0x6;
	v1 =	vtrunc.f32 v1  }
0x61: {  	s25 =	simm.s32 $0xC0;
	s21 =	sor.u32 s3, s31;
	v3 =	vmin.f32 v3, $3.300000000e+01;
	v1 =	vcvt.f32.s32 v1  }
.LBB2_3:
0x62: {  	s26 =	sshra.s32 s25, $0x2;
	p2 =	sne.s32 s25, $0x9C0;
	s25 =	sadd.s32 $0x40, s25;
	v8 =	vadd.f32 $-2.400000100e+00, v2;
	v3 =	vadd.f32 $8.388608000e+06, v3  }
.Ltmp4:
0x63: {  	v2 =	vld [tilespmem:s26+$0xAA10];
	[tilespmem:s23+$0xAF10] =	vst v1;
	s23 =	smov.u32 s22;
	s22 =	smov.u32 s24;
	(pc) =	sbr.rel @p2 .LBB2_3-.Ltmp4, $3  }
0x64: {  	s24 =	smov.u32 s26;
	v1 =	vmul.f32 v8, v62;
	v3 =	vadd.f32 $-8.388608000e+06, v3;
	_ =	sdelay $0x1  }
0x65: {  	v1 =	vmax.f32 v1, $0.0e+00;
	v8 =	vtrunc.f32 v3  }
0x66: {  	v3 =	vmin.f32 v1, $3.300000000e+01;
	v1 =	vcvt.f32.s32 v8  }
0x67: {  	v2 =	vadd.f32 $-2.400000100e+00, v2;
	_ =	sdelay $0x1  }
0x68: {  	v2 =	vmul.f32 v2, v62;
	_ =	sdelay $0x1  }
0x69: {  	v2 =	vmax.f32 v2, $0.0e+00  }
0x6a: {  	v3 =	vadd.f32 $8.388608000e+06, v3;
	v2 =	vmin.f32 v2, $3.300000000e+01  }
0x6b: {  	v2 =	vadd.f32 $8.388608000e+06, v2  }
0x6c: {  	v3 =	vadd.f32 $-8.388608000e+06, v3  }
0x6d: {  	p2 =	sgt.u32 s21, $0x4A1;
	v2 =	vadd.f32 $-8.388608000e+06, v2  }
0x6e: {  	s25 =	smul.u32 @!p2 $0x280, s21;
	v3 =	vtrunc.f32 v3  }
0x6f: {  	v3 =	vcvt.f32.s32 v3;
	v2 =	vtrunc.f32 v2  }
0x70: {  	[tilespmem:s23+$0xAF10] =	vst v1;
	s23 =	sshrl.u32 @!p2 s25, $0x3;
	v1 =	vcvt.f32.s32 v2  }
0x71: {  	[tilespmem:s22+$0xAF10] =	vst v3;
	s22 =	sadd.s32 @!p2 s4, s23  }
0x72: {  	s23 =	simm.s32 @!p2 $0x0;
	s22 =	sadd.s32 @!p2 $0x1400, s22;
	[tilespmem:s24+$0xAF10] =	vst v1;
	s24 =	simm.s32 @!p2 $0xAA10  }
0x73: {  	[tilespmem:s24], [sflag:$0x3] =	stream.linear.gather @!p2 [hbm4b:s22+s23], $0x280, $0x38;
	[tilespmem:$0x1F410] =	vst v63  }
0x74: {  	s22 =	simm.s32 $0x0;
	s23 =	simm.s32 $0xB410;
	s24 =	simm.s32 $0xAF20  }
.LBB2_5:
0x75: {  	v38 =	vld [tilespmem:$0x1FD80]  }
0x76: {  	v39 =	vld [tilespmem:$0x1FD90]  }
0x77: {  	v40 =	vld [tilespmem:$0x1FDA0]  }
0x78: {  	v41 =	vld [tilespmem:$0x1FDB0]  }
0x79: {  	v42 =	vld [tilespmem:$0x1FDC0]  }
0x7a: {  	v43 =	vld [tilespmem:$0x1FDD0]  }
0x7b: {  	v44 =	vld [tilespmem:$0x1FDE0]  }
0x7c: {  	v45 =	vld [tilespmem:$0x1FDF0]  }
0x7d: {  	v46 =	vld [tilespmem:$0x1FE00]  }
0x7e: {  	v47 =	vld [tilespmem:$0x1FE10]  }
0x7f: {  	v48 =	vld [tilespmem:$0x1FE20]  }
0x80: {  	v49 =	vld [tilespmem:$0x1FE30]  }
0x81: {  	v50 =	vld [tilespmem:$0x1FE40]  }
0x82: {  	v51 =	vld [tilespmem:$0x1FE50]  }
0x83: {  	v52 =	vld [tilespmem:$0x1FE60]  }
0x84: {  	v53 =	vld [tilespmem:$0x1FE70]  }
0x85: {  	v54 =	vld [tilespmem:$0x1FE80]  }
0x86: {  	v55 =	vld [tilespmem:$0x1FE90]  }
0x87: {  	v56 =	vld [tilespmem:$0x1FEA0]  }
0x88: {  	v57 =	vld [tilespmem:$0x1FEB0]  }
0x89: {  	v58 =	vld [tilespmem:$0x1FEC0]  }
0x8a: {  	v60 =	vld [tilespmem:$0x1FED0]  }
0x8b: {  	v61 =	vld [tilespmem:$0x1FEE0]  }
0x8c: {  	v62 =	vld [tilespmem:$0x1FEF0]  }
0x8d: {  	v17 =	vld [tilespmem:$0x1FF00]  }
0x8e: {  	v25 =	vld [tilespmem:$0x1FF10]  }
0x8f: {  	v26 =	vld [tilespmem:$0x1FF20]  }
0x90: {  	v27 =	vld [tilespmem:$0x1FF30]  }
0x91: {  	v28 =	vld [tilespmem:$0x1FF40]  }
0x92: {  	v29 =	vld [tilespmem:$0x1FF50]  }
0x93: {  	v30 =	vld [tilespmem:$0x1FF60]  }
0x94: {  	v31 =	vld [tilespmem:$0x1FF70]  }
0x95: {  	v32 =	vld [tilespmem:$0x1FF80]  }
0x96: {  	v33 =	vld [tilespmem:$0x1FF90]  }
0x97: {  	v34 =	vld [tilespmem:$0x1FFA0]  }
0x98: {  	v35 =	vld [tilespmem:$0x1FFB0]  }
0x99: {  	v1 =	vmov s24;
	v36 =	vld [tilespmem:$0x1FFC0]  }
0x9a: {  	v18 =	vmov s23;
	s25 =	simm.s32 $0x0;
	v37 =	vld [tilespmem:$0x1FFD0];
	[tilespmem:$0x1FCA0] =	vst v1  }
.LBB2_6:
0x9b: {  	v3 =	vld [tilespmem:$0x1FCA0];
	_ =	sdelay $0x6  }
0x9c: {  	s26 =	sshra.s32 s25, $0x2  }
0x9d: {  	v1 =	vld.idx.msk [tilespmem:v3+s26+$0xFFFFFFF0 ss:$0x1], $0xffff;
	_ =	sdelay $0x4  }
0x9e: {  	v20 =	vmul.u32 $0x50, v1;
	_ =	sdelay $0x1  }
0x9f: {  	v1 =	vadd.s32 v0, v20  }
0xa0: {  	v1 =	vand.u32 $0xFFFFFFF8, v1  }
0xa1: {  	v1 =	vor.u32 v4, v1;
	_ =	sdelay $0x3  }
0xa2: {  	v2 =	vadd.s32 v22, v20  }
0xa3: {  	v2 =	vand.u32 $0xFFFFFFF8, v2;
	v1 =	vld.idx.msk [tilespmem:v1+s2+$0x0], $0xffff  }
0xa4: {  	v2 =	vor.u32 v5, v2;
	_ =	sdelay $0x2  }
0xa5: {  	v9 =	vld [tilespmem:$0x1FCB0]  }
0xa6: {  	v3 =	vld.idx.msk [tilespmem:v3+s26+$0x0 ss:$0x1], $0xffff;
	v8 =	vadd.s32 v21, v20;
	[tilespmem:v18+s26+$0x0 ss:$0x1] =	vst.idx.msk $0xffff, v1  }
0xa7: {  	v1 =	vld.idx.msk [tilespmem:v2+s2+$0x0], $0xffff;
	v2 =	vand.u32 $0xFFFFFFF8, v8  }
0xa8: {  	v2 =	vor.u32 v6, v2;
	_ =	sdelay $0x3  }
0xa9: {  	v8 =	vadd.s32 v9, v20;
	[tilespmem:v18+s26+$0x80 ss:$0x1] =	vst.idx.msk $0xffff, v1  }
0xaa: {  	v1 =	vld.idx.msk [tilespmem:v2+s2+$0x0], $0xffff;
	v2 =	vand.u32 $0xFFFFFFF8, v8  }
0xab: {  	v2 =	vor.u32 v7, v2;
	_ =	sdelay $0x1  }
0xac: {  	v19 =	vmul.u32 $0x50, v3;
	_ =	sdelay $0x1  }
0xad: {  	v3 =	vadd.s32 v0, v19;
	[tilespmem:v18+s26+$0x100 ss:$0x1] =	vst.idx.msk $0xffff, v1  }
0xae: {  	v1 =	vld.idx.msk [tilespmem:v2+s2+$0x0], $0xffff;
	v2 =	vand.u32 $0xFFFFFFF8, v3  }
0xaf: {  	v2 =	vor.u32 v4, v2;
	_ =	sdelay $0x3  }
0xb0: {  	v3 =	vadd.s32 v22, v19;
	[tilespmem:v18+s26+$0x180 ss:$0x1] =	vst.idx.msk $0xffff, v1  }
0xb1: {  	v1 =	vld.idx.msk [tilespmem:v2+s2+$0x0], $0xffff;
	v2 =	vand.u32 $0xFFFFFFF8, v3  }
0xb2: {  	v2 =	vor.u32 v5, v2;
	_ =	sdelay $0x3  }
0xb3: {  	v3 =	vadd.s32 v21, v19;
	[tilespmem:v18+s26+$0x10 ss:$0x1] =	vst.idx.msk $0xffff, v1  }
0xb4: {  	v1 =	vld.idx.msk [tilespmem:v2+s2+$0x0], $0xffff;
	v2 =	vand.u32 $0xFFFFFFF8, v3  }
0xb5: {  	v2 =	vor.u32 v6, v2;
	_ =	sdelay $0x3  }
0xb6: {  	v8 =	vld [tilespmem:$0x1FCC0];
	v3 =	vadd.s32 v9, v19;
	[tilespmem:v18+s26+$0x90 ss:$0x1] =	vst.idx.msk $0xffff, v1  }
0xb7: {  	v1 =	vld.idx.msk [tilespmem:v2+s2+$0x0], $0xffff;
	v2 =	vand.u32 $0xFFFFFFF8, v3  }
0xb8: {  	v2 =	vor.u32 v7, v2;
	_ =	sdelay $0x3  }
0xb9: {  	v9 =	vld [tilespmem:$0x1FCD0];
	[tilespmem:v18+s26+$0x110 ss:$0x1] =	vst.idx.msk $0xffff, v1;
	v1 =	vadd.s32 v8, v20  }
0xba: {  	v2 =	vld.idx.msk [tilespmem:v2+s2+$0x0], $0xffff;
	v1 =	vand.u32 $0xFFFFFFF8, v1  }
0xbb: {  	v1 =	vor.u32 v12, v1;
	_ =	sdelay $0x3  }
0xbc: {  	v10 =	vld [tilespmem:$0x1FCE0];
	[tilespmem:v18+s26+$0x190 ss:$0x1] =	vst.idx.msk $0xffff, v2;
	v2 =	vadd.s32 v9, v20  }
0xbd: {  	v1 =	vld.idx.msk [tilespmem:v1+s2+$0x0], $0xffff;
	v2 =	vand.u32 $0xFFFFFFF8, v2  }
0xbe: {  	v2 =	vor.u32 v13, v2;
	_ =	sdelay $0x3  }
0xbf: {  	v11 =	vld [tilespmem:$0x1FCF0];
	v3 =	vadd.s32 v10, v20;
	[tilespmem:v18+s26+$0xA00 ss:$0x1] =	vst.idx.msk $0xffff, v1  }
0xc0: {  	v1 =	vld.idx.msk [tilespmem:v2+s2+$0x0], $0xffff;
	v2 =	vand.u32 $0xFFFFFFF8, v3  }
0xc1: {  	v2 =	vor.u32 v14, v2;
	_ =	sdelay $0x3  }
0xc2: {  	v3 =	vadd.s32 v11, v20;
	[tilespmem:v18+s26+$0xA80 ss:$0x1] =	vst.idx.msk $0xffff, v1  }
0xc3: {  	v1 =	vld.idx.msk [tilespmem:v2+s2+$0x0], $0xffff;
	v2 =	vand.u32 $0xFFFFFFF8, v3  }
0xc4: {  	v2 =	vor.u32 v15, v2;
	_ =	sdelay $0x3  }
0xc5: {  	v3 =	vadd.s32 v8, v19;
	[tilespmem:v18+s26+$0xB00 ss:$0x1] =	vst.idx.msk $0xffff, v1  }
0xc6: {  	v1 =	vld.idx.msk [tilespmem:v2+s2+$0x0], $0xffff;
	v2 =	vand.u32 $0xFFFFFFF8, v3  }
0xc7: {  	v2 =	vor.u32 v12, v2;
	_ =	sdelay $0x3  }
0xc8: {  	v3 =	vadd.s32 v9, v19;
	[tilespmem:v18+s26+$0xB80 ss:$0x1] =	vst.idx.msk $0xffff, v1  }
0xc9: {  	v1 =	vld.idx.msk [tilespmem:v2+s2+$0x0], $0xffff;
	v2 =	vand.u32 $0xFFFFFFF8, v3  }
0xca: {  	v2 =	vor.u32 v13, v2;
	_ =	sdelay $0x3  }
0xcb: {  	v3 =	vadd.s32 v10, v19;
	[tilespmem:v18+s26+$0xA10 ss:$0x1] =	vst.idx.msk $0xffff, v1  }
0xcc: {  	v1 =	vld.idx.msk [tilespmem:v2+s2+$0x0], $0xffff;
	v2 =	vand.u32 $0xFFFFFFF8, v3  }
0xcd: {  	v2 =	vor.u32 v14, v2;
	_ =	sdelay $0x3  }
0xce: {  	v8 =	vld [tilespmem:$0x1FD00];
	v3 =	vadd.s32 v11, v19;
	[tilespmem:v18+s26+$0xA90 ss:$0x1] =	vst.idx.msk $0xffff, v1  }
0xcf: {  	v1 =	vld.idx.msk [tilespmem:v2+s2+$0x0], $0xffff;
	v2 =	vand.u32 $0xFFFFFFF8, v3  }
0xd0: {  	v2 =	vor.u32 v15, v2;
	_ =	sdelay $0x3  }
0xd1: {  	v9 =	vld [tilespmem:$0x1FD10];
	[tilespmem:v18+s26+$0xB10 ss:$0x1] =	vst.idx.msk $0xffff, v1;
	v1 =	vadd.s32 v8, v20  }
0xd2: {  	v2 =	vld.idx.msk [tilespmem:v2+s2+$0x0], $0xffff;
	v1 =	vand.u32 $0xFFFFFFF8, v1  }
0xd3: {  	v1 =	vor.u32 v4, v1;
	_ =	sdelay $0x3  }
0xd4: {  	v10 =	vld [tilespmem:$0x1FD20];
	[tilespmem:v18+s26+$0xB90 ss:$0x1] =	vst.idx.msk $0xffff, v2;
	v2 =	vadd.s32 v9, v20  }
0xd5: {  	v1 =	vld.idx.msk [tilespmem:v1+s2+$0x0], $0xffff;
	v2 =	vand.u32 $0xFFFFFFF8, v2  }
0xd6: {  	v2 =	vor.u32 v5, v2;
	_ =	sdelay $0x3  }
0xd7: {  	v11 =	vld [tilespmem:$0x1FD30];
	v3 =	vadd.s32 v10, v20;
	[tilespmem:v18+s26+$0x1400 ss:$0x1] =	vst.idx.msk $0xffff, v1  }
0xd8: {  	v1 =	vld.idx.msk [tilespmem:v2+s2+$0x0], $0xffff;
	v2 =	vand.u32 $0xFFFFFFF8, v3  }
0xd9: {  	v2 =	vor.u32 v6, v2;
	_ =	sdelay $0x3  }
0xda: {  	v3 =	vadd.s32 v11, v20;
	[tilespmem:v18+s26+$0x1480 ss:$0x1] =	vst.idx.msk $0xffff, v1  }
0xdb: {  	v1 =	vld.idx.msk [tilespmem:v2+s2+$0x0], $0xffff;
	v2 =	vand.u32 $0xFFFFFFF8, v3  }
0xdc: {  	v2 =	vor.u32 v7, v2;
	_ =	sdelay $0x3  }
0xdd: {  	v3 =	vadd.s32 v8, v19;
	[tilespmem:v18+s26+$0x1500 ss:$0x1] =	vst.idx.msk $0xffff, v1  }
0xde: {  	v1 =	vld.idx.msk [tilespmem:v2+s2+$0x0], $0xffff;
	v2 =	vand.u32 $0xFFFFFFF8, v3  }
0xdf: {  	v2 =	vor.u32 v4, v2;
	_ =	sdelay $0x3  }
0xe0: {  	v3 =	vadd.s32 v9, v19;
	[tilespmem:v18+s26+$0x1580 ss:$0x1] =	vst.idx.msk $0xffff, v1  }
0xe1: {  	v1 =	vld.idx.msk [tilespmem:v2+s2+$0x0], $0xffff;
	v2 =	vand.u32 $0xFFFFFFF8, v3  }
0xe2: {  	v2 =	vor.u32 v5, v2;
	_ =	sdelay $0x3  }
0xe3: {  	v3 =	vadd.s32 v10, v19;
	[tilespmem:v18+s26+$0x1410 ss:$0x1] =	vst.idx.msk $0xffff, v1  }
0xe4: {  	v1 =	vld.idx.msk [tilespmem:v2+s2+$0x0], $0xffff;
	v2 =	vand.u32 $0xFFFFFFF8, v3  }
0xe5: {  	v2 =	vor.u32 v6, v2;
	_ =	sdelay $0x3  }
0xe6: {  	v8 =	vld [tilespmem:$0x1FD40];
	v3 =	vadd.s32 v11, v19;
	[tilespmem:v18+s26+$0x1490 ss:$0x1] =	vst.idx.msk $0xffff, v1  }
0xe7: {  	v1 =	vld.idx.msk [tilespmem:v2+s2+$0x0], $0xffff;
	v2 =	vand.u32 $0xFFFFFFF8, v3  }
0xe8: {  	v2 =	vor.u32 v7, v2;
	_ =	sdelay $0x3  }
0xe9: {  	v9 =	vld [tilespmem:$0x1FD50];
	[tilespmem:v18+s26+$0x1510 ss:$0x1] =	vst.idx.msk $0xffff, v1;
	v1 =	vadd.s32 v8, v20  }
0xea: {  	v2 =	vld.idx.msk [tilespmem:v2+s2+$0x0], $0xffff;
	v1 =	vand.u32 $0xFFFFFFF8, v1  }
0xeb: {  	v1 =	vor.u32 v12, v1;
	_ =	sdelay $0x3  }
0xec: {  	v10 =	vld [tilespmem:$0x1FD60];
	[tilespmem:v18+s26+$0x1590 ss:$0x1] =	vst.idx.msk $0xffff, v2;
	v2 =	vadd.s32 v9, v20  }
0xed: {  	v1 =	vld.idx.msk [tilespmem:v1+s2+$0x0], $0xffff;
	v2 =	vand.u32 $0xFFFFFFF8, v2  }
0xee: {  	v2 =	vor.u32 v13, v2;
	_ =	sdelay $0x3  }
0xef: {  	v11 =	vld [tilespmem:$0x1FD70];
	v3 =	vadd.s32 v10, v20;
	[tilespmem:v18+s26+$0x1E00 ss:$0x1] =	vst.idx.msk $0xffff, v1  }
0xf0: {  	v1 =	vld.idx.msk [tilespmem:v2+s2+$0x0], $0xffff;
	v2 =	vand.u32 $0xFFFFFFF8, v3  }
0xf1: {  	v2 =	vor.u32 v14, v2;
	_ =	sdelay $0x3  }
0xf2: {  	v3 =	vadd.s32 v11, v20;
	[tilespmem:v18+s26+$0x1E80 ss:$0x1] =	vst.idx.msk $0xffff, v1  }
0xf3: {  	v1 =	vld.idx.msk [tilespmem:v2+s2+$0x0], $0xffff;
	v2 =	vand.u32 $0xFFFFFFF8, v3  }
0xf4: {  	v2 =	vor.u32 v15, v2;
	_ =	sdelay $0x3  }
0xf5: {  	v3 =	vadd.s32 v8, v19;
	[tilespmem:v18+s26+$0x1F00 ss:$0x1] =	vst.idx.msk $0xffff, v1  }
0xf6: {  	v1 =	vld.idx.msk [tilespmem:v2+s2+$0x0], $0xffff;
	v2 =	vand.u32 $0xFFFFFFF8, v3  }
0xf7: {  	v2 =	vor.u32 v12, v2;
	_ =	sdelay $0x3  }
0xf8: {  	v3 =	vadd.s32 v9, v19;
	[tilespmem:v18+s26+$0x1F80 ss:$0x1] =	vst.idx.msk $0xffff, v1  }
0xf9: {  	v1 =	vld.idx.msk [tilespmem:v2+s2+$0x0], $0xffff;
	v2 =	vand.u32 $0xFFFFFFF8, v3  }
0xfa: {  	v2 =	vor.u32 v13, v2;
	_ =	sdelay $0x3  }
0xfb: {  	v3 =	vadd.s32 v10, v19;
	[tilespmem:v18+s26+$0x1E10 ss:$0x1] =	vst.idx.msk $0xffff, v1  }
0xfc: {  	v1 =	vld.idx.msk [tilespmem:v2+s2+$0x0], $0xffff;
	v2 =	vand.u32 $0xFFFFFFF8, v3  }
0xfd: {  	v2 =	vor.u32 v14, v2;
	_ =	sdelay $0x3  }
0xfe: {  	v3 =	vadd.s32 v11, v19;
	[tilespmem:v18+s26+$0x1E90 ss:$0x1] =	vst.idx.msk $0xffff, v1  }
0xff: {  	v1 =	vld.idx.msk [tilespmem:v2+s2+$0x0], $0xffff;
	v2 =	vand.u32 $0xFFFFFFF8, v3  }
0x100: {  	v2 =	vor.u32 v15, v2;
	_ =	sdelay $0x3  }
0x101: {  	[tilespmem:v18+s26+$0x1F10 ss:$0x1] =	vst.idx.msk $0xffff, v1;
	v1 =	vadd.s32 v38, v20  }
0x102: {  	v2 =	vld.idx.msk [tilespmem:v2+s2+$0x0], $0xffff;
	v1 =	vand.u32 $0xFFFFFFF8, v1  }
0x103: {  	v1 =	vor.u32 v4, v1;
	_ =	sdelay $0x3  }
0x104: {  	[tilespmem:v18+s26+$0x1F90 ss:$0x1] =	vst.idx.msk $0xffff, v2;
	v2 =	vadd.s32 v39, v20  }
0x105: {  	v1 =	vld.idx.msk [tilespmem:v1+s2+$0x0], $0xffff;
	v2 =	vand.u32 $0xFFFFFFF8, v2  }
0x106: {  	v2 =	vor.u32 v5, v2;
	_ =	sdelay $0x3  }
0x107: {  	v3 =	vadd.s32 v40, v20;
	[tilespmem:v18+s26+$0x2800 ss:$0x1] =	vst.idx.msk $0xffff, v1  }
0x108: {  	v1 =	vld.idx.msk [tilespmem:v2+s2+$0x0], $0xffff;
	v2 =	vand.u32 $0xFFFFFFF8, v3  }
0x109: {  	v2 =	vor.u32 v6, v2;
	_ =	sdelay $0x3  }
0x10a: {  	v3 =	vadd.s32 v41, v20;
	[tilespmem:v18+s26+$0x2880 ss:$0x1] =	vst.idx.msk $0xffff, v1  }
0x10b: {  	v1 =	vld.idx.msk [tilespmem:v2+s2+$0x0], $0xffff;
	v2 =	vand.u32 $0xFFFFFFF8, v3  }
0x10c: {  	v2 =	vor.u32 v7, v2;
	_ =	sdelay $0x3  }
0x10d: {  	v3 =	vadd.s32 v38, v19;
	[tilespmem:v18+s26+$0x2900 ss:$0x1] =	vst.idx.msk $0xffff, v1  }
0x10e: {  	v1 =	vld.idx.msk [tilespmem:v2+s2+$0x0], $0xffff;
	v2 =	vand.u32 $0xFFFFFFF8, v3  }
0x10f: {  	v2 =	vor.u32 v4, v2;
	_ =	sdelay $0x3  }
0x110: {  	v3 =	vadd.s32 v39, v19;
	[tilespmem:v18+s26+$0x2980 ss:$0x1] =	vst.idx.msk $0xffff, v1  }
0x111: {  	v1 =	vld.idx.msk [tilespmem:v2+s2+$0x0], $0xffff;
	v2 =	vand.u32 $0xFFFFFFF8, v3  }
0x112: {  	v2 =	vor.u32 v5, v2;
	_ =	sdelay $0x3  }
0x113: {  	v3 =	vadd.s32 v40, v19;
	[tilespmem:v18+s26+$0x2810 ss:$0x1] =	vst.idx.msk $0xffff, v1  }
0x114: {  	v1 =	vld.idx.msk [tilespmem:v2+s2+$0x0], $0xffff;
	v2 =	vand.u32 $0xFFFFFFF8, v3  }
0x115: {  	v2 =	vor.u32 v6, v2;
	_ =	sdelay $0x3  }
0x116: {  	v3 =	vadd.s32 v41, v19;
	[tilespmem:v18+s26+$0x2890 ss:$0x1] =	vst.idx.msk $0xffff, v1  }
0x117: {  	v1 =	vld.idx.msk [tilespmem:v2+s2+$0x0], $0xffff;
	v2 =	vand.u32 $0xFFFFFFF8, v3  }
0x118: {  	v2 =	vor.u32 v7, v2;
	_ =	sdelay $0x3  }
0x119: {  	[tilespmem:v18+s26+$0x2910 ss:$0x1] =	vst.idx.msk $0xffff, v1;
	v1 =	vadd.s32 v42, v20  }
0x11a: {  	v2 =	vld.idx.msk [tilespmem:v2+s2+$0x0], $0xffff;
	v1 =	vand.u32 $0xFFFFFFF8, v1  }
0x11b: {  	v1 =	vor.u32 v12, v1;
	_ =	sdelay $0x3  }
0x11c: {  	[tilespmem:v18+s26+$0x2990 ss:$0x1] =	vst.idx.msk $0xffff, v2;
	v2 =	vadd.s32 v43, v20  }
0x11d: {  	v1 =	vld.idx.msk [tilespmem:v1+s2+$0x0], $0xffff;
	v2 =	vand.u32 $0xFFFFFFF8, v2  }
0x11e: {  	v2 =	vor.u32 v13, v2;
	_ =	sdelay $0x3  }
0x11f: {  	v3 =	vadd.s32 v44, v20;
	[tilespmem:v18+s26+$0x3200 ss:$0x1] =	vst.idx.msk $0xffff, v1  }
0x120: {  	v1 =	vld.idx.msk [tilespmem:v2+s2+$0x0], $0xffff;
	v2 =	vand.u32 $0xFFFFFFF8, v3  }
0x121: {  	v2 =	vor.u32 v14, v2;
	_ =	sdelay $0x3  }
0x122: {  	v3 =	vadd.s32 v45, v20;
	[tilespmem:v18+s26+$0x3280 ss:$0x1] =	vst.idx.msk $0xffff, v1  }
0x123: {  	v1 =	vld.idx.msk [tilespmem:v2+s2+$0x0], $0xffff;
	v2 =	vand.u32 $0xFFFFFFF8, v3  }
0x124: {  	v2 =	vor.u32 v15, v2;
	_ =	sdelay $0x3  }
0x125: {  	v3 =	vadd.s32 v42, v19;
	[tilespmem:v18+s26+$0x3300 ss:$0x1] =	vst.idx.msk $0xffff, v1  }
0x126: {  	v1 =	vld.idx.msk [tilespmem:v2+s2+$0x0], $0xffff;
	v2 =	vand.u32 $0xFFFFFFF8, v3  }
0x127: {  	v2 =	vor.u32 v12, v2;
	_ =	sdelay $0x3  }
0x128: {  	v3 =	vadd.s32 v43, v19;
	[tilespmem:v18+s26+$0x3380 ss:$0x1] =	vst.idx.msk $0xffff, v1  }
0x129: {  	v1 =	vld.idx.msk [tilespmem:v2+s2+$0x0], $0xffff;
	v2 =	vand.u32 $0xFFFFFFF8, v3  }
0x12a: {  	v2 =	vor.u32 v13, v2;
	_ =	sdelay $0x3  }
0x12b: {  	v3 =	vadd.s32 v44, v19;
	[tilespmem:v18+s26+$0x3210 ss:$0x1] =	vst.idx.msk $0xffff, v1  }
0x12c: {  	v1 =	vld.idx.msk [tilespmem:v2+s2+$0x0], $0xffff;
	v2 =	vand.u32 $0xFFFFFFF8, v3  }
0x12d: {  	v2 =	vor.u32 v14, v2;
	_ =	sdelay $0x3  }
0x12e: {  	v3 =	vadd.s32 v45, v19;
	[tilespmem:v18+s26+$0x3290 ss:$0x1] =	vst.idx.msk $0xffff, v1  }
0x12f: {  	v1 =	vld.idx.msk [tilespmem:v2+s2+$0x0], $0xffff;
	v2 =	vand.u32 $0xFFFFFFF8, v3  }
0x130: {  	v2 =	vor.u32 v15, v2;
	_ =	sdelay $0x3  }
0x131: {  	[tilespmem:v18+s26+$0x3310 ss:$0x1] =	vst.idx.msk $0xffff, v1;
	v1 =	vadd.s32 v46, v20  }
0x132: {  	v2 =	vld.idx.msk [tilespmem:v2+s2+$0x0], $0xffff;
	v1 =	vand.u32 $0xFFFFFFF8, v1  }
0x133: {  	v1 =	vor.u32 v4, v1;
	_ =	sdelay $0x3  }
0x134: {  	[tilespmem:v18+s26+$0x3390 ss:$0x1] =	vst.idx.msk $0xffff, v2;
	v2 =	vadd.s32 v47, v20  }
0x135: {  	v1 =	vld.idx.msk [tilespmem:v1+s2+$0x0], $0xffff;
	v2 =	vand.u32 $0xFFFFFFF8, v2  }
0x136: {  	v2 =	vor.u32 v5, v2;
	_ =	sdelay $0x3  }
0x137: {  	v3 =	vadd.s32 v48, v20;
	[tilespmem:v18+s26+$0x3C00 ss:$0x1] =	vst.idx.msk $0xffff, v1  }
0x138: {  	v1 =	vld.idx.msk [tilespmem:v2+s2+$0x0], $0xffff;
	v2 =	vand.u32 $0xFFFFFFF8, v3  }
0x139: {  	v2 =	vor.u32 v6, v2;
	_ =	sdelay $0x3  }
0x13a: {  	v3 =	vadd.s32 v49, v20;
	[tilespmem:v18+s26+$0x3C80 ss:$0x1] =	vst.idx.msk $0xffff, v1  }
0x13b: {  	v1 =	vld.idx.msk [tilespmem:v2+s2+$0x0], $0xffff;
	v2 =	vand.u32 $0xFFFFFFF8, v3  }
0x13c: {  	v2 =	vor.u32 v7, v2;
	_ =	sdelay $0x3  }
0x13d: {  	v3 =	vadd.s32 v46, v19;
	[tilespmem:v18+s26+$0x3D00 ss:$0x1] =	vst.idx.msk $0xffff, v1  }
0x13e: {  	v1 =	vld.idx.msk [tilespmem:v2+s2+$0x0], $0xffff;
	v2 =	vand.u32 $0xFFFFFFF8, v3  }
0x13f: {  	v2 =	vor.u32 v4, v2;
	_ =	sdelay $0x3  }
0x140: {  	v3 =	vadd.s32 v47, v19;
	[tilespmem:v18+s26+$0x3D80 ss:$0x1] =	vst.idx.msk $0xffff, v1  }
0x141: {  	v1 =	vld.idx.msk [tilespmem:v2+s2+$0x0], $0xffff;
	v2 =	vand.u32 $0xFFFFFFF8, v3  }
0x142: {  	v2 =	vor.u32 v5, v2;
	_ =	sdelay $0x3  }
0x143: {  	v3 =	vadd.s32 v48, v19;
	[tilespmem:v18+s26+$0x3C10 ss:$0x1] =	vst.idx.msk $0xffff, v1  }
0x144: {  	v1 =	vld.idx.msk [tilespmem:v2+s2+$0x0], $0xffff;
	v2 =	vand.u32 $0xFFFFFFF8, v3  }
0x145: {  	v2 =	vor.u32 v6, v2;
	_ =	sdelay $0x3  }
0x146: {  	v3 =	vadd.s32 v49, v19;
	[tilespmem:v18+s26+$0x3C90 ss:$0x1] =	vst.idx.msk $0xffff, v1  }
0x147: {  	v1 =	vld.idx.msk [tilespmem:v2+s2+$0x0], $0xffff;
	v2 =	vand.u32 $0xFFFFFFF8, v3  }
0x148: {  	v2 =	vor.u32 v7, v2;
	_ =	sdelay $0x3  }
0x149: {  	[tilespmem:v18+s26+$0x3D10 ss:$0x1] =	vst.idx.msk $0xffff, v1;
	v1 =	vadd.s32 v50, v20  }
0x14a: {  	v2 =	vld.idx.msk [tilespmem:v2+s2+$0x0], $0xffff;
	v1 =	vand.u32 $0xFFFFFFF8, v1  }
0x14b: {  	v1 =	vor.u32 v12, v1;
	_ =	sdelay $0x3  }
0x14c: {  	[tilespmem:v18+s26+$0x3D90 ss:$0x1] =	vst.idx.msk $0xffff, v2;
	v2 =	vadd.s32 v51, v20  }
0x14d: {  	v1 =	vld.idx.msk [tilespmem:v1+s2+$0x0], $0xffff;
	v2 =	vand.u32 $0xFFFFFFF8, v2  }
0x14e: {  	v2 =	vor.u32 v13, v2;
	_ =	sdelay $0x3  }
0x14f: {  	v3 =	vadd.s32 v52, v20;
	[tilespmem:v18+s26+$0x4600 ss:$0x1] =	vst.idx.msk $0xffff, v1  }
0x150: {  	v1 =	vld.idx.msk [tilespmem:v2+s2+$0x0], $0xffff;
	v2 =	vand.u32 $0xFFFFFFF8, v3  }
0x151: {  	v2 =	vor.u32 v14, v2;
	_ =	sdelay $0x3  }
0x152: {  	v3 =	vadd.s32 v54, v20;
	[tilespmem:v18+s26+$0x4680 ss:$0x1] =	vst.idx.msk $0xffff, v1  }
0x153: {  	v1 =	vld.idx.msk [tilespmem:v2+s2+$0x0], $0xffff;
	v2 =	vand.u32 $0xFFFFFFF8, v3  }
0x154: {  	v2 =	vor.u32 v15, v2;
	_ =	sdelay $0x3  }
0x155: {  	v3 =	vadd.s32 v50, v19;
	[tilespmem:v18+s26+$0x4700 ss:$0x1] =	vst.idx.msk $0xffff, v1  }
0x156: {  	v1 =	vld.idx.msk [tilespmem:v2+s2+$0x0], $0xffff;
	v2 =	vand.u32 $0xFFFFFFF8, v3  }
0x157: {  	v2 =	vor.u32 v12, v2;
	_ =	sdelay $0x3  }
0x158: {  	v3 =	vadd.s32 v51, v19;
	[tilespmem:v18+s26+$0x4780 ss:$0x1] =	vst.idx.msk $0xffff, v1  }
0x159: {  	v1 =	vld.idx.msk [tilespmem:v2+s2+$0x0], $0xffff;
	v2 =	vand.u32 $0xFFFFFFF8, v3  }
0x15a: {  	v2 =	vor.u32 v13, v2;
	_ =	sdelay $0x3  }
0x15b: {  	v3 =	vadd.s32 v52, v19;
	[tilespmem:v18+s26+$0x4610 ss:$0x1] =	vst.idx.msk $0xffff, v1  }
0x15c: {  	v1 =	vld.idx.msk [tilespmem:v2+s2+$0x0], $0xffff;
	v2 =	vand.u32 $0xFFFFFFF8, v3  }
0x15d: {  	v2 =	vor.u32 v14, v2;
	_ =	sdelay $0x3  }
0x15e: {  	v3 =	vadd.s32 v54, v19;
	[tilespmem:v18+s26+$0x4690 ss:$0x1] =	vst.idx.msk $0xffff, v1  }
0x15f: {  	v1 =	vld.idx.msk [tilespmem:v2+s2+$0x0], $0xffff;
	v2 =	vand.u32 $0xFFFFFFF8, v3  }
0x160: {  	v2 =	vor.u32 v15, v2;
	_ =	sdelay $0x3  }
0x161: {  	[tilespmem:v18+s26+$0x4710 ss:$0x1] =	vst.idx.msk $0xffff, v1;
	v1 =	vadd.s32 v53, v20  }
0x162: {  	v2 =	vld.idx.msk [tilespmem:v2+s2+$0x0], $0xffff;
	v1 =	vand.u32 $0xFFFFFFF8, v1  }
0x163: {  	v1 =	vor.u32 v4, v1;
	_ =	sdelay $0x3  }
0x164: {  	[tilespmem:v18+s26+$0x4790 ss:$0x1] =	vst.idx.msk $0xffff, v2;
	v2 =	vadd.s32 v56, v20  }
0x165: {  	v1 =	vld.idx.msk [tilespmem:v1+s2+$0x0], $0xffff;
	v2 =	vand.u32 $0xFFFFFFF8, v2  }
0x166: {  	v2 =	vor.u32 v5, v2;
	_ =	sdelay $0x3  }
0x167: {  	v3 =	vadd.s32 v55, v20;
	[tilespmem:v18+s26+$0x5000 ss:$0x1] =	vst.idx.msk $0xffff, v1  }
0x168: {  	v1 =	vld.idx.msk [tilespmem:v2+s2+$0x0], $0xffff;
	v2 =	vand.u32 $0xFFFFFFF8, v3  }
0x169: {  	v2 =	vor.u32 v6, v2;
	_ =	sdelay $0x3  }
0x16a: {  	v3 =	vadd.s32 v57, v20;
	[tilespmem:v18+s26+$0x5080 ss:$0x1] =	vst.idx.msk $0xffff, v1  }
0x16b: {  	v1 =	vld.idx.msk [tilespmem:v2+s2+$0x0], $0xffff;
	v2 =	vand.u32 $0xFFFFFFF8, v3  }
0x16c: {  	v2 =	vor.u32 v7, v2;
	_ =	sdelay $0x3  }
0x16d: {  	v3 =	vadd.s32 v53, v19;
	[tilespmem:v18+s26+$0x5100 ss:$0x1] =	vst.idx.msk $0xffff, v1  }
0x16e: {  	v1 =	vld.idx.msk [tilespmem:v2+s2+$0x0], $0xffff;
	v2 =	vand.u32 $0xFFFFFFF8, v3  }
0x16f: {  	v2 =	vor.u32 v4, v2;
	_ =	sdelay $0x3  }
0x170: {  	v3 =	vadd.s32 v56, v19;
	[tilespmem:v18+s26+$0x5180 ss:$0x1] =	vst.idx.msk $0xffff, v1  }
0x171: {  	v1 =	vld.idx.msk [tilespmem:v2+s2+$0x0], $0xffff;
	v2 =	vand.u32 $0xFFFFFFF8, v3  }
0x172: {  	v2 =	vor.u32 v5, v2;
	_ =	sdelay $0x3  }
0x173: {  	v3 =	vadd.s32 v55, v19;
	[tilespmem:v18+s26+$0x5010 ss:$0x1] =	vst.idx.msk $0xffff, v1  }
0x174: {  	v1 =	vld.idx.msk [tilespmem:v2+s2+$0x0], $0xffff;
	v2 =	vand.u32 $0xFFFFFFF8, v3  }
0x175: {  	v2 =	vor.u32 v6, v2;
	_ =	sdelay $0x3  }
0x176: {  	v3 =	vadd.s32 v57, v19;
	[tilespmem:v18+s26+$0x5090 ss:$0x1] =	vst.idx.msk $0xffff, v1  }
0x177: {  	v1 =	vld.idx.msk [tilespmem:v2+s2+$0x0], $0xffff;
	v2 =	vand.u32 $0xFFFFFFF8, v3  }
0x178: {  	v2 =	vor.u32 v7, v2;
	_ =	sdelay $0x3  }
0x179: {  	[tilespmem:v18+s26+$0x5110 ss:$0x1] =	vst.idx.msk $0xffff, v1;
	v1 =	vadd.s32 v58, v20  }
0x17a: {  	v2 =	vld.idx.msk [tilespmem:v2+s2+$0x0], $0xffff;
	v1 =	vand.u32 $0xFFFFFFF8, v1  }
0x17b: {  	v1 =	vor.u32 v12, v1;
	_ =	sdelay $0x3  }
0x17c: {  	[tilespmem:v18+s26+$0x5190 ss:$0x1] =	vst.idx.msk $0xffff, v2;
	v2 =	vadd.s32 v61, v20  }
0x17d: {  	v1 =	vld.idx.msk [tilespmem:v1+s2+$0x0], $0xffff;
	v2 =	vand.u32 $0xFFFFFFF8, v2  }
0x17e: {  	v2 =	vor.u32 v13, v2;
	_ =	sdelay $0x3  }
0x17f: {  	v3 =	vadd.s32 v60, v20;
	[tilespmem:v18+s26+$0x5A00 ss:$0x1] =	vst.idx.msk $0xffff, v1  }
0x180: {  	v1 =	vld.idx.msk [tilespmem:v2+s2+$0x0], $0xffff;
	v2 =	vand.u32 $0xFFFFFFF8, v3  }
0x181: {  	v2 =	vor.u32 v14, v2;
	_ =	sdelay $0x3  }
0x182: {  	v3 =	vadd.s32 v17, v20;
	[tilespmem:v18+s26+$0x5A80 ss:$0x1] =	vst.idx.msk $0xffff, v1  }
0x183: {  	v1 =	vld.idx.msk [tilespmem:v2+s2+$0x0], $0xffff;
	v2 =	vand.u32 $0xFFFFFFF8, v3  }
0x184: {  	v2 =	vor.u32 v15, v2;
	_ =	sdelay $0x3  }
0x185: {  	v3 =	vadd.s32 v58, v19;
	[tilespmem:v18+s26+$0x5B00 ss:$0x1] =	vst.idx.msk $0xffff, v1  }
0x186: {  	v1 =	vld.idx.msk [tilespmem:v2+s2+$0x0], $0xffff;
	v2 =	vand.u32 $0xFFFFFFF8, v3  }
0x187: {  	v2 =	vor.u32 v12, v2;
	_ =	sdelay $0x3  }
0x188: {  	v3 =	vadd.s32 v61, v19;
	[tilespmem:v18+s26+$0x5B80 ss:$0x1] =	vst.idx.msk $0xffff, v1  }
0x189: {  	v1 =	vld.idx.msk [tilespmem:v2+s2+$0x0], $0xffff;
	v2 =	vand.u32 $0xFFFFFFF8, v3  }
0x18a: {  	v2 =	vor.u32 v13, v2;
	_ =	sdelay $0x3  }
0x18b: {  	v3 =	vadd.s32 v60, v19;
	[tilespmem:v18+s26+$0x5A10 ss:$0x1] =	vst.idx.msk $0xffff, v1  }
0x18c: {  	v1 =	vld.idx.msk [tilespmem:v2+s2+$0x0], $0xffff;
	v2 =	vand.u32 $0xFFFFFFF8, v3  }
0x18d: {  	v2 =	vor.u32 v14, v2;
	_ =	sdelay $0x3  }
0x18e: {  	v3 =	vadd.s32 v17, v19;
	[tilespmem:v18+s26+$0x5A90 ss:$0x1] =	vst.idx.msk $0xffff, v1  }
0x18f: {  	v1 =	vld.idx.msk [tilespmem:v2+s2+$0x0], $0xffff;
	v2 =	vand.u32 $0xFFFFFFF8, v3  }
0x190: {  	v2 =	vor.u32 v15, v2;
	_ =	sdelay $0x3  }
0x191: {  	[tilespmem:v18+s26+$0x5B10 ss:$0x1] =	vst.idx.msk $0xffff, v1;
	v1 =	vadd.s32 v62, v20  }
0x192: {  	v2 =	vld.idx.msk [tilespmem:v2+s2+$0x0], $0xffff;
	v1 =	vand.u32 $0xFFFFFFF8, v1  }
0x193: {  	v1 =	vor.u32 v4, v1;
	_ =	sdelay $0x3  }
0x194: {  	[tilespmem:v18+s26+$0x5B90 ss:$0x1] =	vst.idx.msk $0xffff, v2;
	v2 =	vadd.s32 v25, v20  }
0x195: {  	v1 =	vld.idx.msk [tilespmem:v1+s2+$0x0], $0xffff;
	v2 =	vand.u32 $0xFFFFFFF8, v2  }
0x196: {  	v2 =	vor.u32 v5, v2;
	_ =	sdelay $0x3  }
0x197: {  	v3 =	vadd.s32 v26, v20;
	[tilespmem:v18+s26+$0x6400 ss:$0x1] =	vst.idx.msk $0xffff, v1  }
0x198: {  	v1 =	vld.idx.msk [tilespmem:v2+s2+$0x0], $0xffff;
	v2 =	vand.u32 $0xFFFFFFF8, v3  }
0x199: {  	v2 =	vor.u32 v6, v2;
	_ =	sdelay $0x3  }
0x19a: {  	v3 =	vadd.s32 v28, v20;
	[tilespmem:v18+s26+$0x6480 ss:$0x1] =	vst.idx.msk $0xffff, v1  }
0x19b: {  	v1 =	vld.idx.msk [tilespmem:v2+s2+$0x0], $0xffff;
	v2 =	vand.u32 $0xFFFFFFF8, v3  }
0x19c: {  	v2 =	vor.u32 v7, v2;
	_ =	sdelay $0x3  }
0x19d: {  	v3 =	vadd.s32 v62, v19;
	[tilespmem:v18+s26+$0x6500 ss:$0x1] =	vst.idx.msk $0xffff, v1  }
0x19e: {  	v1 =	vld.idx.msk [tilespmem:v2+s2+$0x0], $0xffff;
	v2 =	vand.u32 $0xFFFFFFF8, v3  }
0x19f: {  	v2 =	vor.u32 v4, v2;
	_ =	sdelay $0x3  }
0x1a0: {  	v3 =	vadd.s32 v25, v19;
	[tilespmem:v18+s26+$0x6580 ss:$0x1] =	vst.idx.msk $0xffff, v1  }
0x1a1: {  	v1 =	vld.idx.msk [tilespmem:v2+s2+$0x0], $0xffff;
	v2 =	vand.u32 $0xFFFFFFF8, v3  }
0x1a2: {  	v2 =	vor.u32 v5, v2;
	_ =	sdelay $0x3  }
0x1a3: {  	v3 =	vadd.s32 v26, v19;
	[tilespmem:v18+s26+$0x6410 ss:$0x1] =	vst.idx.msk $0xffff, v1  }
0x1a4: {  	v1 =	vld.idx.msk [tilespmem:v2+s2+$0x0], $0xffff;
	v2 =	vand.u32 $0xFFFFFFF8, v3  }
0x1a5: {  	v2 =	vor.u32 v6, v2;
	_ =	sdelay $0x3  }
0x1a6: {  	v3 =	vadd.s32 v28, v19;
	[tilespmem:v18+s26+$0x6490 ss:$0x1] =	vst.idx.msk $0xffff, v1  }
0x1a7: {  	v1 =	vld.idx.msk [tilespmem:v2+s2+$0x0], $0xffff;
	v2 =	vand.u32 $0xFFFFFFF8, v3  }
0x1a8: {  	v2 =	vor.u32 v7, v2;
	_ =	sdelay $0x3  }
0x1a9: {  	[tilespmem:v18+s26+$0x6510 ss:$0x1] =	vst.idx.msk $0xffff, v1;
	v1 =	vadd.s32 v27, v20  }
0x1aa: {  	v2 =	vld.idx.msk [tilespmem:v2+s2+$0x0], $0xffff;
	v1 =	vand.u32 $0xFFFFFFF8, v1  }
0x1ab: {  	v1 =	vor.u32 v12, v1;
	_ =	sdelay $0x3  }
0x1ac: {  	[tilespmem:v18+s26+$0x6590 ss:$0x1] =	vst.idx.msk $0xffff, v2;
	v2 =	vadd.s32 v30, v20  }
0x1ad: {  	v1 =	vld.idx.msk [tilespmem:v1+s2+$0x0], $0xffff;
	v2 =	vand.u32 $0xFFFFFFF8, v2  }
0x1ae: {  	v2 =	vor.u32 v13, v2;
	_ =	sdelay $0x3  }
0x1af: {  	v3 =	vadd.s32 v29, v20;
	[tilespmem:v18+s26+$0x6E00 ss:$0x1] =	vst.idx.msk $0xffff, v1  }
0x1b0: {  	v1 =	vld.idx.msk [tilespmem:v2+s2+$0x0], $0xffff;
	v2 =	vand.u32 $0xFFFFFFF8, v3  }
0x1b1: {  	v2 =	vor.u32 v14, v2;
	_ =	sdelay $0x3  }
0x1b2: {  	v3 =	vadd.s32 v31, v20;
	[tilespmem:v18+s26+$0x6E80 ss:$0x1] =	vst.idx.msk $0xffff, v1  }
0x1b3: {  	v1 =	vld.idx.msk [tilespmem:v2+s2+$0x0], $0xffff;
	v2 =	vand.u32 $0xFFFFFFF8, v3  }
0x1b4: {  	v2 =	vor.u32 v15, v2;
	_ =	sdelay $0x3  }
0x1b5: {  	v3 =	vadd.s32 v27, v19;
	[tilespmem:v18+s26+$0x6F00 ss:$0x1] =	vst.idx.msk $0xffff, v1  }
0x1b6: {  	v1 =	vld.idx.msk [tilespmem:v2+s2+$0x0], $0xffff;
	v2 =	vand.u32 $0xFFFFFFF8, v3  }
0x1b7: {  	v2 =	vor.u32 v12, v2;
	_ =	sdelay $0x3  }
0x1b8: {  	v3 =	vadd.s32 v30, v19;
	[tilespmem:v18+s26+$0x6F80 ss:$0x1] =	vst.idx.msk $0xffff, v1  }
0x1b9: {  	v1 =	vld.idx.msk [tilespmem:v2+s2+$0x0], $0xffff;
	v2 =	vand.u32 $0xFFFFFFF8, v3  }
0x1ba: {  	v2 =	vor.u32 v13, v2;
	_ =	sdelay $0x3  }
0x1bb: {  	v3 =	vadd.s32 v29, v19;
	[tilespmem:v18+s26+$0x6E10 ss:$0x1] =	vst.idx.msk $0xffff, v1  }
0x1bc: {  	v1 =	vld.idx.msk [tilespmem:v2+s2+$0x0], $0xffff;
	v2 =	vand.u32 $0xFFFFFFF8, v3  }
0x1bd: {  	v2 =	vor.u32 v14, v2;
	_ =	sdelay $0x3  }
0x1be: {  	v3 =	vadd.s32 v31, v19;
	[tilespmem:v18+s26+$0x6E90 ss:$0x1] =	vst.idx.msk $0xffff, v1  }
0x1bf: {  	v1 =	vld.idx.msk [tilespmem:v2+s2+$0x0], $0xffff;
	v2 =	vand.u32 $0xFFFFFFF8, v3  }
0x1c0: {  	v2 =	vor.u32 v15, v2;
	_ =	sdelay $0x3  }
0x1c1: {  	[tilespmem:v18+s26+$0x6F10 ss:$0x1] =	vst.idx.msk $0xffff, v1;
	v1 =	vadd.s32 v32, v20  }
0x1c2: {  	v2 =	vld.idx.msk [tilespmem:v2+s2+$0x0], $0xffff;
	v1 =	vand.u32 $0xFFFFFFF8, v1  }
0x1c3: {  	v1 =	vor.u32 v4, v1;
	_ =	sdelay $0x3  }
0x1c4: {  	[tilespmem:v18+s26+$0x6F90 ss:$0x1] =	vst.idx.msk $0xffff, v2;
	v2 =	vadd.s32 v34, v20  }
0x1c5: {  	v1 =	vld.idx.msk [tilespmem:v1+s2+$0x0], $0xffff;
	v2 =	vand.u32 $0xFFFFFFF8, v2  }
0x1c6: {  	v2 =	vor.u32 v5, v2;
	_ =	sdelay $0x3  }
0x1c7: {  	v3 =	vadd.s32 v33, v20;
	[tilespmem:v18+s26+$0x7800 ss:$0x1] =	vst.idx.msk $0xffff, v1  }
0x1c8: {  	v1 =	vld.idx.msk [tilespmem:v2+s2+$0x0], $0xffff;
	v2 =	vand.u32 $0xFFFFFFF8, v3  }
0x1c9: {  	v2 =	vor.u32 v6, v2;
	_ =	sdelay $0x3  }
0x1ca: {  	v3 =	vadd.s32 v36, v20;
	[tilespmem:v18+s26+$0x7880 ss:$0x1] =	vst.idx.msk $0xffff, v1  }
0x1cb: {  	v1 =	vld.idx.msk [tilespmem:v2+s2+$0x0], $0xffff;
	v2 =	vand.u32 $0xFFFFFFF8, v3  }
0x1cc: {  	v2 =	vor.u32 v7, v2;
	_ =	sdelay $0x3  }
0x1cd: {  	v3 =	vadd.s32 v32, v19;
	[tilespmem:v18+s26+$0x7900 ss:$0x1] =	vst.idx.msk $0xffff, v1  }
0x1ce: {  	v1 =	vld.idx.msk [tilespmem:v2+s2+$0x0], $0xffff;
	v2 =	vand.u32 $0xFFFFFFF8, v3  }
0x1cf: {  	v2 =	vor.u32 v4, v2;
	_ =	sdelay $0x3  }
0x1d0: {  	v3 =	vadd.s32 v34, v19;
	[tilespmem:v18+s26+$0x7980 ss:$0x1] =	vst.idx.msk $0xffff, v1  }
0x1d1: {  	v1 =	vld.idx.msk [tilespmem:v2+s2+$0x0], $0xffff;
	v2 =	vand.u32 $0xFFFFFFF8, v3  }
0x1d2: {  	v2 =	vor.u32 v5, v2;
	_ =	sdelay $0x3  }
0x1d3: {  	v3 =	vadd.s32 v33, v19;
	[tilespmem:v18+s26+$0x7810 ss:$0x1] =	vst.idx.msk $0xffff, v1  }
0x1d4: {  	v1 =	vld.idx.msk [tilespmem:v2+s2+$0x0], $0xffff;
	v2 =	vand.u32 $0xFFFFFFF8, v3  }
0x1d5: {  	v2 =	vor.u32 v6, v2;
	_ =	sdelay $0x3  }
0x1d6: {  	v3 =	vadd.s32 v36, v19;
	[tilespmem:v18+s26+$0x7890 ss:$0x1] =	vst.idx.msk $0xffff, v1  }
0x1d7: {  	v1 =	vld.idx.msk [tilespmem:v2+s2+$0x0], $0xffff;
	v2 =	vand.u32 $0xFFFFFFF8, v3  }
0x1d8: {  	v2 =	vor.u32 v7, v2;
	_ =	sdelay $0x3  }
0x1d9: {  	[tilespmem:v18+s26+$0x7910 ss:$0x1] =	vst.idx.msk $0xffff, v1;
	v1 =	vadd.s32 v35, v20  }
0x1da: {  	v2 =	vld.idx.msk [tilespmem:v2+s2+$0x0], $0xffff;
	v1 =	vand.u32 $0xFFFFFFF8, v1  }
0x1db: {  	v1 =	vor.u32 v12, v1;
	_ =	sdelay $0x3  }
0x1dc: {  	[tilespmem:v18+s26+$0x7990 ss:$0x1] =	vst.idx.msk $0xffff, v2;
	v2 =	vadd.s32 v37, v20  }
0x1dd: {  	v1 =	vld.idx.msk [tilespmem:v1+s2+$0x0], $0xffff;
	v2 =	vand.u32 $0xFFFFFFF8, v2  }
0x1de: {  	v2 =	vor.u32 v13, v2;
	_ =	sdelay $0x2  }
0x1df: {  	v63 =	vadd.s32 $0x36, v0  }
0x1e0: {  	v3 =	vadd.s32 v63, v20;
	[tilespmem:v18+s26+$0x8200 ss:$0x1] =	vst.idx.msk $0xffff, v1  }
0x1e1: {  	v1 =	vld.idx.msk [tilespmem:v2+s2+$0x0], $0xffff;
	v2 =	vand.u32 $0xFFFFFFF8, v3  }
0x1e2: {  	v2 =	vor.u32 v14, v2;
	_ =	sdelay $0x2  }
0x1e3: {  	v59 =	vadd.s32 $0x37, v0  }
0x1e4: {  	v3 =	vadd.s32 v59, v20;
	[tilespmem:v18+s26+$0x8280 ss:$0x1] =	vst.idx.msk $0xffff, v1  }
0x1e5: {  	v1 =	vld.idx.msk [tilespmem:v2+s2+$0x0], $0xffff;
	v2 =	vand.u32 $0xFFFFFFF8, v3  }
0x1e6: {  	v2 =	vor.u32 v15, v2;
	_ =	sdelay $0x3  }
0x1e7: {  	v3 =	vadd.s32 v35, v19;
	[tilespmem:v18+s26+$0x8300 ss:$0x1] =	vst.idx.msk $0xffff, v1  }
0x1e8: {  	v1 =	vld.idx.msk [tilespmem:v2+s2+$0x0], $0xffff;
	v2 =	vand.u32 $0xFFFFFFF8, v3  }
0x1e9: {  	v2 =	vor.u32 v12, v2;
	_ =	sdelay $0x3  }
0x1ea: {  	v3 =	vadd.s32 v37, v19;
	[tilespmem:v18+s26+$0x8380 ss:$0x1] =	vst.idx.msk $0xffff, v1  }
0x1eb: {  	v1 =	vld.idx.msk [tilespmem:v2+s2+$0x0], $0xffff;
	v2 =	vand.u32 $0xFFFFFFF8, v3  }
0x1ec: {  	v2 =	vor.u32 v13, v2;
	_ =	sdelay $0x3  }
0x1ed: {  	v3 =	vadd.s32 v63, v19;
	[tilespmem:v18+s26+$0x8210 ss:$0x1] =	vst.idx.msk $0xffff, v1  }
0x1ee: {  	v1 =	vld.idx.msk [tilespmem:v2+s2+$0x0], $0xffff;
	v2 =	vand.u32 $0xFFFFFFF8, v3  }
0x1ef: {  	v2 =	vor.u32 v14, v2;
	_ =	sdelay $0x3  }
0x1f0: {  	v3 =	vadd.s32 v59, v19;
	[tilespmem:v18+s26+$0x8290 ss:$0x1] =	vst.idx.msk $0xffff, v1  }
0x1f1: {  	v1 =	vand.u32 $0xFFFFFFF8, v3;
	v2 =	vld.idx.msk [tilespmem:v2+s2+$0x0], $0xffff  }
0x1f2: {  	v3 =	vor.u32 v15, v1;
	_ =	sdelay $0x2  }
0x1f3: {  	v1 =	vadd.s32 $0x38, v0  }
0x1f4: {  	[tilespmem:v18+s26+$0x8310 ss:$0x1] =	vst.idx.msk $0xffff, v2;
	v2 =	vadd.s32 v1, v20  }
0x1f5: {  	v3 =	vld.idx.msk [tilespmem:v3+s2+$0x0], $0xffff;
	v2 =	vand.u32 $0xFFFFFFF8, v2  }
0x1f6: {  	v8 =	vor.u32 v4, v2;
	_ =	sdelay $0x2  }
0x1f7: {  	v2 =	vadd.s32 $0x39, v0  }
0x1f8: {  	[tilespmem:v18+s26+$0x8390 ss:$0x1] =	vst.idx.msk $0xffff, v3;
	v3 =	vadd.s32 v2, v20  }
0x1f9: {  	v8 =	vld.idx.msk [tilespmem:v8+s2+$0x0], $0xffff;
	v3 =	vand.u32 $0xFFFFFFF8, v3  }
0x1fa: {  	v9 =	vor.u32 v5, v3;
	_ =	sdelay $0x2  }
0x1fb: {  	v3 =	vadd.s32 $0x3A, v0  }
0x1fc: {  	v10 =	vadd.s32 v3, v20;
	[tilespmem:v18+s26+$0x8C00 ss:$0x1] =	vst.idx.msk $0xffff, v8  }
0x1fd: {  	v8 =	vand.u32 $0xFFFFFFF8, v10;
	v9 =	vld.idx.msk [tilespmem:v9+s2+$0x0], $0xffff  }
0x1fe: {  	v10 =	vor.u32 v6, v8;
	_ =	sdelay $0x2  }
0x1ff: {  	v8 =	vadd.s32 $0x3B, v0  }
0x200: {  	v11 =	vadd.s32 v8, v20;
	[tilespmem:v18+s26+$0x8C80 ss:$0x1] =	vst.idx.msk $0xffff, v9  }
0x201: {  	v9 =	vld.idx.msk [tilespmem:v10+s2+$0x0], $0xffff;
	v10 =	vand.u32 $0xFFFFFFF8, v11  }
0x202: {  	v10 =	vor.u32 v7, v10;
	_ =	sdelay $0x3  }
0x203: {  	v11 =	vadd.s32 v1, v19;
	[tilespmem:v18+s26+$0x8D00 ss:$0x1] =	vst.idx.msk $0xffff, v9  }
0x204: {  	v9 =	vld.idx.msk [tilespmem:v10+s2+$0x0], $0xffff;
	v10 =	vand.u32 $0xFFFFFFF8, v11  }
0x205: {  	v10 =	vor.u32 v4, v10;
	_ =	sdelay $0x3  }
0x206: {  	v11 =	vadd.s32 v2, v19;
	[tilespmem:v18+s26+$0x8D80 ss:$0x1] =	vst.idx.msk $0xffff, v9  }
0x207: {  	v9 =	vld.idx.msk [tilespmem:v10+s2+$0x0], $0xffff;
	v10 =	vand.u32 $0xFFFFFFF8, v11  }
0x208: {  	v10 =	vor.u32 v5, v10;
	_ =	sdelay $0x3  }
0x209: {  	v11 =	vadd.s32 v3, v19;
	[tilespmem:v18+s26+$0x8C10 ss:$0x1] =	vst.idx.msk $0xffff, v9  }
0x20a: {  	v9 =	vld.idx.msk [tilespmem:v10+s2+$0x0], $0xffff;
	v10 =	vand.u32 $0xFFFFFFF8, v11  }
0x20b: {  	v10 =	vor.u32 v6, v10;
	_ =	sdelay $0x3  }
0x20c: {  	v11 =	vadd.s32 v8, v19;
	[tilespmem:v18+s26+$0x8C90 ss:$0x1] =	vst.idx.msk $0xffff, v9  }
0x20d: {  	v9 =	vand.u32 $0xFFFFFFF8, v11;
	v10 =	vld.idx.msk [tilespmem:v10+s2+$0x0], $0xffff  }
0x20e: {  	v11 =	vor.u32 v7, v9;
	_ =	sdelay $0x2  }
0x20f: {  	v9 =	vadd.s32 $0x3C, v0  }
0x210: {  	[tilespmem:v18+s26+$0x8D10 ss:$0x1] =	vst.idx.msk $0xffff, v10;
	v10 =	vadd.s32 v9, v20  }
0x211: {  	v11 =	vld.idx.msk [tilespmem:v11+s2+$0x0], $0xffff;
	v10 =	vand.u32 $0xFFFFFFF8, v10  }
0x212: {  	v16 =	vor.u32 v12, v10;
	_ =	sdelay $0x2  }
0x213: {  	v10 =	vadd.s32 $0x3D, v0  }
0x214: {  	[tilespmem:v18+s26+$0x8D90 ss:$0x1] =	vst.idx.msk $0xffff, v11;
	v11 =	vadd.s32 v10, v20  }
0x215: {  	v16 =	vld.idx.msk [tilespmem:v16+s2+$0x0], $0xffff;
	v11 =	vand.u32 $0xFFFFFFF8, v11  }
0x216: {  	v24 =	vmov v21;
	v21 =	vor.u32 v13, v11;
	_ =	sdelay $0x2  }
0x217: {  	v11 =	vadd.s32 $0x3E, v0  }
0x218: {  	v23 =	vmov v22;
	v22 =	vadd.s32 v11, v20;
	[tilespmem:v18+s26+$0x9600 ss:$0x1] =	vst.idx.msk $0xffff, v16  }
0x219: {  	v16 =	vand.u32 $0xFFFFFFF8, v22;
	v21 =	vld.idx.msk [tilespmem:v21+s2+$0x0], $0xffff  }
0x21a: {  	v22 =	vor.u32 v14, v16;
	_ =	sdelay $0x2  }
0x21b: {  	v16 =	vadd.s32 $0x3F, v0  }
0x21c: {  	v20 =	vadd.s32 v16, v20;
	[tilespmem:v18+s26+$0x9680 ss:$0x1] =	vst.idx.msk $0xffff, v21  }
0x21d: {  	v20 =	vand.u32 $0xFFFFFFF8, v20;
	v21 =	vld.idx.msk [tilespmem:v22+s2+$0x0], $0xffff  }
0x21e: {  	v20 =	vor.u32 v15, v20;
	_ =	sdelay $0x3  }
0x21f: {  	[tilespmem:v18+s26+$0x9700 ss:$0x1] =	vst.idx.msk $0xffff, v21;
	v21 =	vadd.s32 v9, v19  }
0x220: {  	v20 =	vld.idx.msk [tilespmem:v20+s2+$0x0], $0xffff;
	v21 =	vand.u32 $0xFFFFFFF8, v21  }
0x221: {  	v21 =	vor.u32 v12, v21;
	_ =	sdelay $0x3  }
0x222: {  	[tilespmem:v18+s26+$0x9780 ss:$0x1] =	vst.idx.msk $0xffff, v20;
	v20 =	vadd.s32 v10, v19  }
0x223: {  	v21 =	vld.idx.msk [tilespmem:v21+s2+$0x0], $0xffff;
	v20 =	vand.u32 $0xFFFFFFF8, v20  }
0x224: {  	v20 =	vor.u32 v13, v20;
	_ =	sdelay $0x3  }
0x225: {  	[tilespmem:v18+s26+$0x9610 ss:$0x1] =	vst.idx.msk $0xffff, v21;
	v21 =	vadd.s32 v11, v19  }
0x226: {  	v20 =	vld.idx.msk [tilespmem:v20+s2+$0x0], $0xffff;
	v21 =	vand.u32 $0xFFFFFFF8, v21  }
0x227: {  	v21 =	vor.u32 v14, v21;
	_ =	sdelay $0x3  }
0x228: {  	v19 =	vadd.s32 v16, v19;
	[tilespmem:v18+s26+$0x9690 ss:$0x1] =	vst.idx.msk $0xffff, v20  }
0x229: {  	v19 =	vand.u32 $0xFFFFFFF8, v19;
	v20 =	vld.idx.msk [tilespmem:v21+s2+$0x0], $0xffff  }
0x22a: {  	v19 =	vor.u32 v15, v19;
	_ =	sdelay $0x3  }
0x22b: {  	[tilespmem:v18+s26+$0x9710 ss:$0x1] =	vst.idx.msk $0xffff, v20  }
0x22c: {  	p2 =	sne.s32 s25, $0x180;
	v19 =	vld.idx.msk [tilespmem:v19+s2+$0x0], $0xffff  }
.Ltmp5:
0x22d: {  	_ = 	snop;
	(pc) =	sbr.rel @p2 .LBB2_6-.Ltmp5, $2  }
0x22e: {  	_ =	sdelay $0x2  }
0x22f: {  	s25 =	sadd.s32 $0x80, s25;
	v22 =	vmov v23;
	v21 =	vmov v24;
	[tilespmem:v18+s26+$0x9790 ss:$0x1] =	vst.idx.msk $0xffff, v19  }
0x230: {  	s22 =	sadd.s32 $0x1, s22  }
0x231: {  	p2 =	sne.s32 s22, $0x5  }
.Ltmp6:
0x232: {  	_ = 	snop;
	(pc) =	sbr.rel @p2 .LBB2_5-.Ltmp6, $2  }
0x233: {  	_ =	sdelay $0x2  }
0x234: {  	s23 =	sadd.s32 $0x200, s23;
	s24 =	sadd.s32 $0x80, s24  }
0x235: {  	s22 =	smul.u32 $0x140, s21  }
0x236: {  	s21 =	sor.u32 $0x20, s21  }
0x237: {  	p2 =	sgt.u32 s21, $0x4E1;
	s22 =	sadd.s32 s1, s22  }
0x238: {  	[hbm4b:s22+s13] =	stream.strided.scatter [tilespmem:s15], [sflag:$0x1], $0xA000, s14, s13, $0x38;
	[tilespmem:$0x1F410] =	vst v63  }
.Ltmp7:
0x239: {  	_ = 	snop;
	(pc) =	sbr.rel @p2 .LBB2_16-.Ltmp7, $4  }
0x23a: {  	s22 =	simm.s32 @!p1 $0x2  }
0x23b: {  	_ =	swait.ge @!p1 [sflag:s22], $0xA000  }
0x23c: {  	[sflag:s22] =	ssyncset.done @!p1 $0x0  }
0x23d: {  	[sflag:s22] =	ssyncadd.s32 @!p1 $0xFFFF6000  }
0x23e: {  	_ =	swait.ge [sflag:s16], $0x280  }
0x23f: {  	[sflag:s16] =	ssyncset.done $0x0  }
0x240: {  	s23 =	simm.s32 $0x0;
	[sflag:s16] =	ssyncadd.s32 $0xFFFFFD80  }
0x241: {  	v17 =	vld [tilespmem:s23+$0xAC90];
	_ =	sdelay $0x1  }
0x242: {  	s22 =	simm.s32 $0x10;
	v21 =	vld [tilespmem:$0x1FFE0]  }
0x243: {  	v18 =	vld [tilespmem:s22+$0xAC90];
	_ =	sdelay $0x1  }
0x244: {  	v17 =	vadd.f32 $-2.400000100e+00, v17;
	_ =	sdelay $0x1  }
0x245: {  	v17 =	vmul.f32 v17, v21  }
0x246: {  	v18 =	vadd.f32 $-2.400000100e+00, v18  }
0x247: {  	v17 =	vmax.f32 v17, $0.0e+00  }
0x248: {  	v18 =	vmul.f32 v18, v21;
	v17 =	vmin.f32 v17, $3.300000000e+01  }
0x249: {  	s24 =	simm.s32 $0x20;
	v17 =	vadd.f32 $8.388608000e+06, v17  }
0x24a: {  	v19 =	vmax.f32 v18, $0.0e+00;
	v18 =	vld [tilespmem:s24+$0xAC90]  }
0x24b: {  	v17 =	vadd.f32 $-8.388608000e+06, v17;
	_ =	sdelay $0x1  }
0x24c: {  	v17 =	vtrunc.f32 v17  }
0x24d: {  	s25 =	simm.s32 $0xC0;
	v19 =	vmin.f32 v19, $3.300000000e+01;
	v17 =	vcvt.f32.s32 v17  }
.LBB2_10:
0x24e: {  	s26 =	sshra.s32 s25, $0x2;
	p1 =	sne.s32 s25, $0x9C0;
	s25 =	sadd.s32 $0x40, s25;
	v20 =	vadd.f32 $-2.400000100e+00, v18;
	v19 =	vadd.f32 $8.388608000e+06, v19  }
.Ltmp8:
0x24f: {  	v18 =	vld [tilespmem:s26+$0xAC90];
	[tilespmem:s23+$0xB190] =	vst v17;
	s23 =	smov.u32 s22;
	s22 =	smov.u32 s24;
	(pc) =	sbr.rel @p1 .LBB2_10-.Ltmp8, $3  }
0x250: {  	s24 =	smov.u32 s26;
	v17 =	vmul.f32 v20, v21;
	v19 =	vadd.f32 $-8.388608000e+06, v19;
	_ =	sdelay $0x1  }
0x251: {  	v17 =	vmax.f32 v17, $0.0e+00;
	v20 =	vtrunc.f32 v19  }
0x252: {  	v19 =	vmin.f32 v17, $3.300000000e+01;
	v17 =	vcvt.f32.s32 v20  }
0x253: {  	v18 =	vadd.f32 $-2.400000100e+00, v18;
	_ =	sdelay $0x1  }
0x254: {  	v18 =	vmul.f32 v18, v21;
	_ =	sdelay $0x1  }
0x255: {  	v18 =	vmax.f32 v18, $0.0e+00  }
0x256: {  	v19 =	vadd.f32 $8.388608000e+06, v19;
	v18 =	vmin.f32 v18, $3.300000000e+01  }
0x257: {  	v18 =	vadd.f32 $8.388608000e+06, v18  }
0x258: {  	v19 =	vadd.f32 $-8.388608000e+06, v19  }
0x259: {  	p1 =	sgt.u32 s21, $0x4A1;
	v18 =	vadd.f32 $-8.388608000e+06, v18  }
0x25a: {  	s25 =	smul.u32 @!p1 $0x280, s21;
	v19 =	vtrunc.f32 v19  }
0x25b: {  	v19 =	vcvt.f32.s32 v19;
	v18 =	vtrunc.f32 v18  }
0x25c: {  	[tilespmem:s23+$0xB190] =	vst v17;
	s23 =	sshrl.u32 @!p1 s25, $0x3;
	v17 =	vcvt.f32.s32 v18  }
0x25d: {  	[tilespmem:s22+$0xB190] =	vst v19;
	s22 =	sadd.s32 @!p1 s4, s23  }
0x25e: {  	s23 =	simm.s32 @!p1 $0x0;
	s22 =	sadd.s32 @!p1 $0x1400, s22;
	[tilespmem:s24+$0xB190] =	vst v17;
	s24 =	simm.s32 @!p1 $0xAC90  }
0x25f: {  	[tilespmem:s24], [sflag:$0x4] =	stream.linear.gather @!p1 [hbm4b:s22+s23], $0x280, $0x38;
	[tilespmem:$0x1F410] =	vst v63  }
0x260: {  	s22 =	simm.s32 $0x0;
	s23 =	simm.s32 $0x15410;
	s24 =	simm.s32 $0xB1A0  }
.LBB2_12:
0x261: {  	v43 =	vld [tilespmem:$0x1FDD0]  }
0x262: {  	v44 =	vld [tilespmem:$0x1FDE0]  }
0x263: {  	v45 =	vld [tilespmem:$0x1FDF0]  }
0x264: {  	v46 =	vld [tilespmem:$0x1FE00]  }
0x265: {  	v47 =	vld [tilespmem:$0x1FE10]  }
0x266: {  	v48 =	vld [tilespmem:$0x1FE20]  }
0x267: {  	v49 =	vld [tilespmem:$0x1FE30]  }
0x268: {  	v50 =	vld [tilespmem:$0x1FE40]  }
0x269: {  	v51 =	vld [tilespmem:$0x1FE50]  }
0x26a: {  	v52 =	vld [tilespmem:$0x1FE60]  }
0x26b: {  	v53 =	vld [tilespmem:$0x1FE70]  }
0x26c: {  	v54 =	vld [tilespmem:$0x1FE80]  }
0x26d: {  	v55 =	vld [tilespmem:$0x1FE90]  }
0x26e: {  	v56 =	vld [tilespmem:$0x1FEA0]  }
0x26f: {  	v57 =	vld [tilespmem:$0x1FEB0]  }
0x270: {  	v58 =	vld [tilespmem:$0x1FEC0]  }
0x271: {  	v60 =	vld [tilespmem:$0x1FED0]  }
0x272: {  	v61 =	vld [tilespmem:$0x1FEE0]  }
0x273: {  	v62 =	vld [tilespmem:$0x1FEF0]  }
0x274: {  	v25 =	vld [tilespmem:$0x1FF00]  }
0x275: {  	v26 =	vld [tilespmem:$0x1FF10]  }
0x276: {  	v27 =	vld [tilespmem:$0x1FF20]  }
0x277: {  	v28 =	vld [tilespmem:$0x1FF30]  }
0x278: {  	v29 =	vld [tilespmem:$0x1FF40]  }
0x279: {  	v30 =	vld [tilespmem:$0x1FF50]  }
0x27a: {  	v31 =	vld [tilespmem:$0x1FF60]  }
0x27b: {  	v32 =	vld [tilespmem:$0x1FF70]  }
0x27c: {  	v33 =	vld [tilespmem:$0x1FF80]  }
0x27d: {  	v34 =	vld [tilespmem:$0x1FF90]  }
0x27e: {  	v35 =	vld [tilespmem:$0x1FFA0]  }
0x27f: {  	v36 =	vld [tilespmem:$0x1FFB0]  }
0x280: {  	v17 =	vmov s24;
	v37 =	vld [tilespmem:$0x1FFC0]  }
0x281: {  	v18 =	vmov s23;
	s25 =	simm.s32 $0x0;
	v38 =	vld [tilespmem:$0x1FFD0];
	[tilespmem:$0x1FC90] =	vst v17  }
.LBB2_13:
0x282: {  	v17 =	vld [tilespmem:$0x1FC90];
	_ =	sdelay $0x6  }
0x283: {  	s26 =	sshra.s32 s25, $0x2  }
0x284: {  	v19 =	vld.idx.msk [tilespmem:v17+s26+$0xFFFFFFF0 ss:$0x1], $0xffff;
	_ =	sdelay $0x4  }
0x285: {  	v20 =	vmul.u32 $0x50, v19;
	_ =	sdelay $0x1  }
0x286: {  	v19 =	vadd.s32 v0, v20  }
0x287: {  	v19 =	vand.u32 $0xFFFFFFF8, v19  }
0x288: {  	v19 =	vor.u32 v4, v19;
	_ =	sdelay $0x3  }
0x289: {  	v39 =	vld [tilespmem:$0x1FFF0];
	v21 =	vadd.s32 v22, v20  }
0x28a: {  	v21 =	vand.u32 $0xFFFFFFF8, v21;
	v19 =	vld.idx.msk [tilespmem:v19+s2+$0x0], $0xffff  }
0x28b: {  	v21 =	vor.u32 v5, v21;
	_ =	sdelay $0x2  }
0x28c: {  	v40 =	vld [tilespmem:$0x1FCB0]  }
0x28d: {  	v22 =	vld.idx.msk [tilespmem:v17+s26+$0x0 ss:$0x1], $0xffff;
	[tilespmem:v18+s26+$0x0 ss:$0x1] =	vst.idx.msk $0xffff, v19;
	v19 =	vadd.s32 v39, v20  }
0x28e: {  	v21 =	vld.idx.msk [tilespmem:v21+s2+$0x0], $0xffff;
	v19 =	vand.u32 $0xFFFFFFF8, v19  }
0x28f: {  	v19 =	vor.u32 v6, v19;
	_ =	sdelay $0x3  }
0x290: {  	[tilespmem:v18+s26+$0x80 ss:$0x1] =	vst.idx.msk $0xffff, v21;
	v21 =	vadd.s32 v40, v20  }
0x291: {  	v17 =	vld.idx.msk [tilespmem:v19+s2+$0x0], $0xffff;
	v19 =	vand.u32 $0xFFFFFFF8, v21  }
0x292: {  	v21 =	vor.u32 v7, v19;
	_ =	sdelay $0x1  }
0x293: {  	v19 =	vmul.u32 $0x50, v22;
	_ =	sdelay $0x1  }
0x294: {  	[tilespmem:v18+s26+$0x100 ss:$0x1] =	vst.idx.msk $0xffff, v17;
	v17 =	vadd.s32 v0, v19  }
0x295: {  	v21 =	vld.idx.msk [tilespmem:v21+s2+$0x0], $0xffff;
	v17 =	vand.u32 $0xFFFFFFF8, v17  }
0x296: {  	v17 =	vor.u32 v4, v17;
	_ =	sdelay $0x3  }
0x297: {  	[tilespmem:v18+s26+$0x180 ss:$0x1] =	vst.idx.msk $0xffff, v21;
	v21 =	vadd.s32 v23, v19  }
0x298: {  	v17 =	vld.idx.msk [tilespmem:v17+s2+$0x0], $0xffff;
	v21 =	vand.u32 $0xFFFFFFF8, v21  }
0x299: {  	v21 =	vor.u32 v5, v21;
	_ =	sdelay $0x3  }
0x29a: {  	[tilespmem:v18+s26+$0x10 ss:$0x1] =	vst.idx.msk $0xffff, v17;
	v17 =	vadd.s32 v39, v19  }
0x29b: {  	v21 =	vld.idx.msk [tilespmem:v21+s2+$0x0], $0xffff;
	v17 =	vand.u32 $0xFFFFFFF8, v17  }
0x29c: {  	v17 =	vor.u32 v6, v17;
	_ =	sdelay $0x3  }
0x29d: {  	v39 =	vld [tilespmem:$0x1FCC0];
	[tilespmem:v18+s26+$0x90 ss:$0x1] =	vst.idx.msk $0xffff, v21;
	v21 =	vadd.s32 v40, v19  }
0x29e: {  	v17 =	vld.idx.msk [tilespmem:v17+s2+$0x0], $0xffff;
	v21 =	vand.u32 $0xFFFFFFF8, v21  }
0x29f: {  	v21 =	vor.u32 v7, v21;
	_ =	sdelay $0x3  }
0x2a0: {  	v40 =	vld [tilespmem:$0x1FCD0];
	[tilespmem:v18+s26+$0x110 ss:$0x1] =	vst.idx.msk $0xffff, v17;
	v17 =	vadd.s32 v39, v20  }
0x2a1: {  	v21 =	vld.idx.msk [tilespmem:v21+s2+$0x0], $0xffff;
	v17 =	vand.u32 $0xFFFFFFF8, v17  }
0x2a2: {  	v17 =	vor.u32 v12, v17;
	_ =	sdelay $0x3  }
0x2a3: {  	v41 =	vld [tilespmem:$0x1FCE0];
	[tilespmem:v18+s26+$0x190 ss:$0x1] =	vst.idx.msk $0xffff, v21;
	v21 =	vadd.s32 v40, v20  }
0x2a4: {  	v17 =	vld.idx.msk [tilespmem:v17+s2+$0x0], $0xffff;
	v21 =	vand.u32 $0xFFFFFFF8, v21  }
0x2a5: {  	v21 =	vor.u32 v13, v21;
	_ =	sdelay $0x3  }
0x2a6: {  	v42 =	vld [tilespmem:$0x1FCF0];
	[tilespmem:v18+s26+$0xA00 ss:$0x1] =	vst.idx.msk $0xffff, v17;
	v17 =	vadd.s32 v41, v20  }
0x2a7: {  	v21 =	vld.idx.msk [tilespmem:v21+s2+$0x0], $0xffff;
	v17 =	vand.u32 $0xFFFFFFF8, v17  }
0x2a8: {  	v17 =	vor.u32 v14, v17;
	_ =	sdelay $0x3  }
0x2a9: {  	[tilespmem:v18+s26+$0xA80 ss:$0x1] =	vst.idx.msk $0xffff, v21;
	v21 =	vadd.s32 v42, v20  }
0x2aa: {  	v17 =	vld.idx.msk [tilespmem:v17+s2+$0x0], $0xffff;
	v21 =	vand.u32 $0xFFFFFFF8, v21  }
0x2ab: {  	v21 =	vor.u32 v15, v21;
	_ =	sdelay $0x3  }
0x2ac: {  	[tilespmem:v18+s26+$0xB00 ss:$0x1] =	vst.idx.msk $0xffff, v17;
	v17 =	vadd.s32 v39, v19  }
0x2ad: {  	v21 =	vld.idx.msk [tilespmem:v21+s2+$0x0], $0xffff;
	v17 =	vand.u32 $0xFFFFFFF8, v17  }
0x2ae: {  	v17 =	vor.u32 v12, v17;
	_ =	sdelay $0x3  }
0x2af: {  	[tilespmem:v18+s26+$0xB80 ss:$0x1] =	vst.idx.msk $0xffff, v21;
	v21 =	vadd.s32 v40, v19  }
0x2b0: {  	v17 =	vld.idx.msk [tilespmem:v17+s2+$0x0], $0xffff;
	v21 =	vand.u32 $0xFFFFFFF8, v21  }
0x2b1: {  	v21 =	vor.u32 v13, v21;
	_ =	sdelay $0x3  }
0x2b2: {  	[tilespmem:v18+s26+$0xA10 ss:$0x1] =	vst.idx.msk $0xffff, v17;
	v17 =	vadd.s32 v41, v19  }
0x2b3: {  	v21 =	vld.idx.msk [tilespmem:v21+s2+$0x0], $0xffff;
	v17 =	vand.u32 $0xFFFFFFF8, v17  }
0x2b4: {  	v17 =	vor.u32 v14, v17;
	_ =	sdelay $0x3  }
0x2b5: {  	v39 =	vld [tilespmem:$0x1FD00];
	[tilespmem:v18+s26+$0xA90 ss:$0x1] =	vst.idx.msk $0xffff, v21;
	v21 =	vadd.s32 v42, v19  }
0x2b6: {  	v17 =	vld.idx.msk [tilespmem:v17+s2+$0x0], $0xffff;
	v21 =	vand.u32 $0xFFFFFFF8, v21  }
0x2b7: {  	v21 =	vor.u32 v15, v21;
	_ =	sdelay $0x3  }
0x2b8: {  	v40 =	vld [tilespmem:$0x1FD10];
	[tilespmem:v18+s26+$0xB10 ss:$0x1] =	vst.idx.msk $0xffff, v17;
	v17 =	vadd.s32 v39, v20  }
0x2b9: {  	v21 =	vld.idx.msk [tilespmem:v21+s2+$0x0], $0xffff;
	v17 =	vand.u32 $0xFFFFFFF8, v17  }
0x2ba: {  	v17 =	vor.u32 v4, v17;
	_ =	sdelay $0x3  }
0x2bb: {  	v41 =	vld [tilespmem:$0x1FD20];
	[tilespmem:v18+s26+$0xB90 ss:$0x1] =	vst.idx.msk $0xffff, v21;
	v21 =	vadd.s32 v40, v20  }
0x2bc: {  	v17 =	vld.idx.msk [tilespmem:v17+s2+$0x0], $0xffff;
	v21 =	vand.u32 $0xFFFFFFF8, v21  }
0x2bd: {  	v21 =	vor.u32 v5, v21;
	_ =	sdelay $0x3  }
0x2be: {  	v42 =	vld [tilespmem:$0x1FD30];
	[tilespmem:v18+s26+$0x1400 ss:$0x1] =	vst.idx.msk $0xffff, v17;
	v17 =	vadd.s32 v41, v20  }
0x2bf: {  	v21 =	vld.idx.msk [tilespmem:v21+s2+$0x0], $0xffff;
	v17 =	vand.u32 $0xFFFFFFF8, v17  }
0x2c0: {  	v17 =	vor.u32 v6, v17;
	_ =	sdelay $0x3  }
0x2c1: {  	[tilespmem:v18+s26+$0x1480 ss:$0x1] =	vst.idx.msk $0xffff, v21;
	v21 =	vadd.s32 v42, v20  }
0x2c2: {  	v17 =	vld.idx.msk [tilespmem:v17+s2+$0x0], $0xffff;
	v21 =	vand.u32 $0xFFFFFFF8, v21  }
0x2c3: {  	v21 =	vor.u32 v7, v21;
	_ =	sdelay $0x3  }
0x2c4: {  	[tilespmem:v18+s26+$0x1500 ss:$0x1] =	vst.idx.msk $0xffff, v17;
	v17 =	vadd.s32 v39, v19  }
0x2c5: {  	v21 =	vld.idx.msk [tilespmem:v21+s2+$0x0], $0xffff;
	v17 =	vand.u32 $0xFFFFFFF8, v17  }
0x2c6: {  	v17 =	vor.u32 v4, v17;
	_ =	sdelay $0x3  }
0x2c7: {  	[tilespmem:v18+s26+$0x1580 ss:$0x1] =	vst.idx.msk $0xffff, v21;
	v21 =	vadd.s32 v40, v19  }
0x2c8: {  	v17 =	vld.idx.msk [tilespmem:v17+s2+$0x0], $0xffff;
	v21 =	vand.u32 $0xFFFFFFF8, v21  }
0x2c9: {  	v21 =	vor.u32 v5, v21;
	_ =	sdelay $0x3  }
0x2ca: {  	[tilespmem:v18+s26+$0x1410 ss:$0x1] =	vst.idx.msk $0xffff, v17;
	v17 =	vadd.s32 v41, v19  }
0x2cb: {  	v21 =	vld.idx.msk [tilespmem:v21+s2+$0x0], $0xffff;
	v17 =	vand.u32 $0xFFFFFFF8, v17  }
0x2cc: {  	v17 =	vor.u32 v6, v17;
	_ =	sdelay $0x3  }
0x2cd: {  	v39 =	vld [tilespmem:$0x1FD40];
	[tilespmem:v18+s26+$0x1490 ss:$0x1] =	vst.idx.msk $0xffff, v21;
	v21 =	vadd.s32 v42, v19  }
0x2ce: {  	v17 =	vld.idx.msk [tilespmem:v17+s2+$0x0], $0xffff;
	v21 =	vand.u32 $0xFFFFFFF8, v21  }
0x2cf: {  	v21 =	vor.u32 v7, v21;
	_ =	sdelay $0x3  }
0x2d0: {  	v40 =	vld [tilespmem:$0x1FD50];
	[tilespmem:v18+s26+$0x1510 ss:$0x1] =	vst.idx.msk $0xffff, v17;
	v17 =	vadd.s32 v39, v20  }
0x2d1: {  	v21 =	vld.idx.msk [tilespmem:v21+s2+$0x0], $0xffff;
	v17 =	vand.u32 $0xFFFFFFF8, v17  }
0x2d2: {  	v17 =	vor.u32 v12, v17;
	_ =	sdelay $0x3  }
0x2d3: {  	v41 =	vld [tilespmem:$0x1FD60];
	[tilespmem:v18+s26+$0x1590 ss:$0x1] =	vst.idx.msk $0xffff, v21;
	v21 =	vadd.s32 v40, v20  }
0x2d4: {  	v17 =	vld.idx.msk [tilespmem:v17+s2+$0x0], $0xffff;
	v21 =	vand.u32 $0xFFFFFFF8, v21  }
0x2d5: {  	v21 =	vor.u32 v13, v21;
	_ =	sdelay $0x3  }
0x2d6: {  	v42 =	vld [tilespmem:$0x1FD70];
	[tilespmem:v18+s26+$0x1E00 ss:$0x1] =	vst.idx.msk $0xffff, v17;
	v17 =	vadd.s32 v41, v20  }
0x2d7: {  	v21 =	vld.idx.msk [tilespmem:v21+s2+$0x0], $0xffff;
	v17 =	vand.u32 $0xFFFFFFF8, v17  }
0x2d8: {  	v17 =	vor.u32 v14, v17;
	_ =	sdelay $0x3  }
0x2d9: {  	[tilespmem:v18+s26+$0x1E80 ss:$0x1] =	vst.idx.msk $0xffff, v21;
	v21 =	vadd.s32 v42, v20  }
0x2da: {  	v17 =	vld.idx.msk [tilespmem:v17+s2+$0x0], $0xffff;
	v21 =	vand.u32 $0xFFFFFFF8, v21  }
0x2db: {  	v21 =	vor.u32 v15, v21;
	_ =	sdelay $0x3  }
0x2dc: {  	[tilespmem:v18+s26+$0x1F00 ss:$0x1] =	vst.idx.msk $0xffff, v17;
	v17 =	vadd.s32 v39, v19  }
0x2dd: {  	v21 =	vld.idx.msk [tilespmem:v21+s2+$0x0], $0xffff;
	v17 =	vand.u32 $0xFFFFFFF8, v17  }
0x2de: {  	v17 =	vor.u32 v12, v17;
	_ =	sdelay $0x3  }
0x2df: {  	[tilespmem:v18+s26+$0x1F80 ss:$0x1] =	vst.idx.msk $0xffff, v21;
	v21 =	vadd.s32 v40, v19  }
0x2e0: {  	v17 =	vld.idx.msk [tilespmem:v17+s2+$0x0], $0xffff;
	v21 =	vand.u32 $0xFFFFFFF8, v21  }
0x2e1: {  	v21 =	vor.u32 v13, v21;
	_ =	sdelay $0x3  }
0x2e2: {  	[tilespmem:v18+s26+$0x1E10 ss:$0x1] =	vst.idx.msk $0xffff, v17;
	v17 =	vadd.s32 v41, v19  }
0x2e3: {  	v21 =	vld.idx.msk [tilespmem:v21+s2+$0x0], $0xffff;
	v17 =	vand.u32 $0xFFFFFFF8, v17  }
0x2e4: {  	v17 =	vor.u32 v14, v17;
	_ =	sdelay $0x3  }
0x2e5: {  	v39 =	vld [tilespmem:$0x1FD80];
	[tilespmem:v18+s26+$0x1E90 ss:$0x1] =	vst.idx.msk $0xffff, v21;
	v21 =	vadd.s32 v42, v19  }
0x2e6: {  	v17 =	vld.idx.msk [tilespmem:v17+s2+$0x0], $0xffff;
	v21 =	vand.u32 $0xFFFFFFF8, v21  }
0x2e7: {  	v21 =	vor.u32 v15, v21;
	_ =	sdelay $0x3  }
0x2e8: {  	v40 =	vld [tilespmem:$0x1FD90];
	[tilespmem:v18+s26+$0x1F10 ss:$0x1] =	vst.idx.msk $0xffff, v17;
	v17 =	vadd.s32 v39, v20  }
0x2e9: {  	v21 =	vld.idx.msk [tilespmem:v21+s2+$0x0], $0xffff;
	v17 =	vand.u32 $0xFFFFFFF8, v17  }
0x2ea: {  	v17 =	vor.u32 v4, v17;
	_ =	sdelay $0x3  }
0x2eb: {  	v41 =	vld [tilespmem:$0x1FDA0];
	[tilespmem:v18+s26+$0x1F90 ss:$0x1] =	vst.idx.msk $0xffff, v21;
	v21 =	vadd.s32 v40, v20  }
0x2ec: {  	v17 =	vld.idx.msk [tilespmem:v17+s2+$0x0], $0xffff;
	v21 =	vand.u32 $0xFFFFFFF8, v21  }
0x2ed: {  	v21 =	vor.u32 v5, v21;
	_ =	sdelay $0x3  }
0x2ee: {  	v42 =	vld [tilespmem:$0x1FDB0];
	[tilespmem:v18+s26+$0x2800 ss:$0x1] =	vst.idx.msk $0xffff, v17;
	v17 =	vadd.s32 v41, v20  }
0x2ef: {  	v21 =	vld.idx.msk [tilespmem:v21+s2+$0x0], $0xffff;
	v17 =	vand.u32 $0xFFFFFFF8, v17  }
0x2f0: {  	v17 =	vor.u32 v6, v17;
	_ =	sdelay $0x3  }
0x2f1: {  	[tilespmem:v18+s26+$0x2880 ss:$0x1] =	vst.idx.msk $0xffff, v21;
	v21 =	vadd.s32 v42, v20  }
0x2f2: {  	v17 =	vld.idx.msk [tilespmem:v17+s2+$0x0], $0xffff;
	v21 =	vand.u32 $0xFFFFFFF8, v21  }
0x2f3: {  	v21 =	vor.u32 v7, v21;
	_ =	sdelay $0x3  }
0x2f4: {  	[tilespmem:v18+s26+$0x2900 ss:$0x1] =	vst.idx.msk $0xffff, v17;
	v17 =	vadd.s32 v39, v19  }
0x2f5: {  	v21 =	vld.idx.msk [tilespmem:v21+s2+$0x0], $0xffff;
	v17 =	vand.u32 $0xFFFFFFF8, v17  }
0x2f6: {  	v17 =	vor.u32 v4, v17;
	_ =	sdelay $0x3  }
0x2f7: {  	[tilespmem:v18+s26+$0x2980 ss:$0x1] =	vst.idx.msk $0xffff, v21;
	v21 =	vadd.s32 v40, v19  }
0x2f8: {  	v17 =	vld.idx.msk [tilespmem:v17+s2+$0x0], $0xffff;
	v21 =	vand.u32 $0xFFFFFFF8, v21  }
0x2f9: {  	v21 =	vor.u32 v5, v21;
	_ =	sdelay $0x3  }
0x2fa: {  	[tilespmem:v18+s26+$0x2810 ss:$0x1] =	vst.idx.msk $0xffff, v17;
	v17 =	vadd.s32 v41, v19  }
0x2fb: {  	v21 =	vld.idx.msk [tilespmem:v21+s2+$0x0], $0xffff;
	v17 =	vand.u32 $0xFFFFFFF8, v17  }
0x2fc: {  	v17 =	vor.u32 v6, v17;
	_ =	sdelay $0x3  }
0x2fd: {  	[tilespmem:v18+s26+$0x2890 ss:$0x1] =	vst.idx.msk $0xffff, v21;
	v21 =	vadd.s32 v42, v19;
	v42 =	vld [tilespmem:$0x1FDC0]  }
0x2fe: {  	v17 =	vld.idx.msk [tilespmem:v17+s2+$0x0], $0xffff;
	v21 =	vand.u32 $0xFFFFFFF8, v21  }
0x2ff: {  	v21 =	vor.u32 v7, v21;
	_ =	sdelay $0x3  }
0x300: {  	[tilespmem:v18+s26+$0x2910 ss:$0x1] =	vst.idx.msk $0xffff, v17;
	v17 =	vadd.s32 v42, v20  }
0x301: {  	v21 =	vld.idx.msk [tilespmem:v21+s2+$0x0], $0xffff;
	v17 =	vand.u32 $0xFFFFFFF8, v17  }
0x302: {  	v17 =	vor.u32 v12, v17;
	_ =	sdelay $0x3  }
0x303: {  	[tilespmem:v18+s26+$0x2990 ss:$0x1] =	vst.idx.msk $0xffff, v21;
	v21 =	vadd.s32 v43, v20  }
0x304: {  	v17 =	vld.idx.msk [tilespmem:v17+s2+$0x0], $0xffff;
	v21 =	vand.u32 $0xFFFFFFF8, v21  }
0x305: {  	v21 =	vor.u32 v13, v21;
	_ =	sdelay $0x3  }
0x306: {  	[tilespmem:v18+s26+$0x3200 ss:$0x1] =	vst.idx.msk $0xffff, v17;
	v17 =	vadd.s32 v44, v20  }
0x307: {  	v21 =	vld.idx.msk [tilespmem:v21+s2+$0x0], $0xffff;
	v17 =	vand.u32 $0xFFFFFFF8, v17  }
0x308: {  	v17 =	vor.u32 v14, v17;
	_ =	sdelay $0x3  }
0x309: {  	[tilespmem:v18+s26+$0x3280 ss:$0x1] =	vst.idx.msk $0xffff, v21;
	v21 =	vadd.s32 v45, v20  }
0x30a: {  	v17 =	vld.idx.msk [tilespmem:v17+s2+$0x0], $0xffff;
	v21 =	vand.u32 $0xFFFFFFF8, v21  }
0x30b: {  	v21 =	vor.u32 v15, v21;
	_ =	sdelay $0x3  }
0x30c: {  	[tilespmem:v18+s26+$0x3300 ss:$0x1] =	vst.idx.msk $0xffff, v17;
	v17 =	vadd.s32 v42, v19  }
0x30d: {  	v21 =	vld.idx.msk [tilespmem:v21+s2+$0x0], $0xffff;
	v17 =	vand.u32 $0xFFFFFFF8, v17  }
0x30e: {  	v17 =	vor.u32 v12, v17;
	_ =	sdelay $0x3  }
0x30f: {  	[tilespmem:v18+s26+$0x3380 ss:$0x1] =	vst.idx.msk $0xffff, v21;
	v21 =	vadd.s32 v43, v19  }
0x310: {  	v17 =	vld.idx.msk [tilespmem:v17+s2+$0x0], $0xffff;
	v21 =	vand.u32 $0xFFFFFFF8, v21  }
0x311: {  	v21 =	vor.u32 v13, v21;
	_ =	sdelay $0x3  }
0x312: {  	[tilespmem:v18+s26+$0x3210 ss:$0x1] =	vst.idx.msk $0xffff, v17;
	v17 =	vadd.s32 v44, v19  }
0x313: {  	v21 =	vld.idx.msk [tilespmem:v21+s2+$0x0], $0xffff;
	v17 =	vand.u32 $0xFFFFFFF8, v17  }
0x314: {  	v17 =	vor.u32 v14, v17;
	_ =	sdelay $0x3  }
0x315: {  	[tilespmem:v18+s26+$0x3290 ss:$0x1] =	vst.idx.msk $0xffff, v21;
	v21 =	vadd.s32 v45, v19  }
0x316: {  	v17 =	vld.idx.msk [tilespmem:v17+s2+$0x0], $0xffff;
	v21 =	vand.u32 $0xFFFFFFF8, v21  }
0x317: {  	v21 =	vor.u32 v15, v21;
	_ =	sdelay $0x3  }
0x318: {  	[tilespmem:v18+s26+$0x3310 ss:$0x1] =	vst.idx.msk $0xffff, v17;
	v17 =	vadd.s32 v46, v20  }
0x319: {  	v21 =	vld.idx.msk [tilespmem:v21+s2+$0x0], $0xffff;
	v17 =	vand.u32 $0xFFFFFFF8, v17  }
0x31a: {  	v17 =	vor.u32 v4, v17;
	_ =	sdelay $0x3  }
0x31b: {  	[tilespmem:v18+s26+$0x3390 ss:$0x1] =	vst.idx.msk $0xffff, v21;
	v21 =	vadd.s32 v47, v20  }
0x31c: {  	v17 =	vld.idx.msk [tilespmem:v17+s2+$0x0], $0xffff;
	v21 =	vand.u32 $0xFFFFFFF8, v21  }
0x31d: {  	v21 =	vor.u32 v5, v21;
	_ =	sdelay $0x3  }
0x31e: {  	[tilespmem:v18+s26+$0x3C00 ss:$0x1] =	vst.idx.msk $0xffff, v17;
	v17 =	vadd.s32 v48, v20  }
0x31f: {  	v21 =	vld.idx.msk [tilespmem:v21+s2+$0x0], $0xffff;
	v17 =	vand.u32 $0xFFFFFFF8, v17  }
0x320: {  	v17 =	vor.u32 v6, v17;
	_ =	sdelay $0x3  }
0x321: {  	[tilespmem:v18+s26+$0x3C80 ss:$0x1] =	vst.idx.msk $0xffff, v21;
	v21 =	vadd.s32 v49, v20  }
0x322: {  	v17 =	vld.idx.msk [tilespmem:v17+s2+$0x0], $0xffff;
	v21 =	vand.u32 $0xFFFFFFF8, v21  }
0x323: {  	v21 =	vor.u32 v7, v21;
	_ =	sdelay $0x3  }
0x324: {  	[tilespmem:v18+s26+$0x3D00 ss:$0x1] =	vst.idx.msk $0xffff, v17;
	v17 =	vadd.s32 v46, v19  }
0x325: {  	v21 =	vld.idx.msk [tilespmem:v21+s2+$0x0], $0xffff;
	v17 =	vand.u32 $0xFFFFFFF8, v17  }
0x326: {  	v17 =	vor.u32 v4, v17;
	_ =	sdelay $0x3  }
0x327: {  	[tilespmem:v18+s26+$0x3D80 ss:$0x1] =	vst.idx.msk $0xffff, v21;
	v21 =	vadd.s32 v47, v19  }
0x328: {  	v17 =	vld.idx.msk [tilespmem:v17+s2+$0x0], $0xffff;
	v21 =	vand.u32 $0xFFFFFFF8, v21  }
0x329: {  	v21 =	vor.u32 v5, v21;
	_ =	sdelay $0x3  }
0x32a: {  	[tilespmem:v18+s26+$0x3C10 ss:$0x1] =	vst.idx.msk $0xffff, v17;
	v17 =	vadd.s32 v48, v19  }
0x32b: {  	v21 =	vld.idx.msk [tilespmem:v21+s2+$0x0], $0xffff;
	v17 =	vand.u32 $0xFFFFFFF8, v17  }
0x32c: {  	v17 =	vor.u32 v6, v17;
	_ =	sdelay $0x3  }
0x32d: {  	[tilespmem:v18+s26+$0x3C90 ss:$0x1] =	vst.idx.msk $0xffff, v21;
	v21 =	vadd.s32 v49, v19  }
0x32e: {  	v17 =	vld.idx.msk [tilespmem:v17+s2+$0x0], $0xffff;
	v21 =	vand.u32 $0xFFFFFFF8, v21  }
0x32f: {  	v21 =	vor.u32 v7, v21;
	_ =	sdelay $0x3  }
0x330: {  	[tilespmem:v18+s26+$0x3D10 ss:$0x1] =	vst.idx.msk $0xffff, v17;
	v17 =	vadd.s32 v50, v20  }
0x331: {  	v21 =	vld.idx.msk [tilespmem:v21+s2+$0x0], $0xffff;
	v17 =	vand.u32 $0xFFFFFFF8, v17  }
0x332: {  	v17 =	vor.u32 v12, v17;
	_ =	sdelay $0x3  }
0x333: {  	[tilespmem:v18+s26+$0x3D90 ss:$0x1] =	vst.idx.msk $0xffff, v21;
	v21 =	vadd.s32 v51, v20  }
0x334: {  	v17 =	vld.idx.msk [tilespmem:v17+s2+$0x0], $0xffff;
	v21 =	vand.u32 $0xFFFFFFF8, v21  }
0x335: {  	v21 =	vor.u32 v13, v21;
	_ =	sdelay $0x3  }
0x336: {  	[tilespmem:v18+s26+$0x4600 ss:$0x1] =	vst.idx.msk $0xffff, v17;
	v17 =	vadd.s32 v52, v20  }
0x337: {  	v21 =	vld.idx.msk [tilespmem:v21+s2+$0x0], $0xffff;
	v17 =	vand.u32 $0xFFFFFFF8, v17  }
0x338: {  	v17 =	vor.u32 v14, v17;
	_ =	sdelay $0x3  }
0x339: {  	[tilespmem:v18+s26+$0x4680 ss:$0x1] =	vst.idx.msk $0xffff, v21;
	v21 =	vadd.s32 v54, v20  }
0x33a: {  	v17 =	vld.idx.msk [tilespmem:v17+s2+$0x0], $0xffff;
	v21 =	vand.u32 $0xFFFFFFF8, v21  }
0x33b: {  	v21 =	vor.u32 v15, v21;
	_ =	sdelay $0x3  }
0x33c: {  	[tilespmem:v18+s26+$0x4700 ss:$0x1] =	vst.idx.msk $0xffff, v17;
	v17 =	vadd.s32 v50, v19  }
0x33d: {  	v21 =	vld.idx.msk [tilespmem:v21+s2+$0x0], $0xffff;
	v17 =	vand.u32 $0xFFFFFFF8, v17  }
0x33e: {  	v17 =	vor.u32 v12, v17;
	_ =	sdelay $0x3  }
0x33f: {  	[tilespmem:v18+s26+$0x4780 ss:$0x1] =	vst.idx.msk $0xffff, v21;
	v21 =	vadd.s32 v51, v19  }
0x340: {  	v17 =	vld.idx.msk [tilespmem:v17+s2+$0x0], $0xffff;
	v21 =	vand.u32 $0xFFFFFFF8, v21  }
0x341: {  	v21 =	vor.u32 v13, v21;
	_ =	sdelay $0x3  }
0x342: {  	[tilespmem:v18+s26+$0x4610 ss:$0x1] =	vst.idx.msk $0xffff, v17;
	v17 =	vadd.s32 v52, v19  }
0x343: {  	v21 =	vld.idx.msk [tilespmem:v21+s2+$0x0], $0xffff;
	v17 =	vand.u32 $0xFFFFFFF8, v17  }
0x344: {  	v17 =	vor.u32 v14, v17;
	_ =	sdelay $0x3  }
0x345: {  	[tilespmem:v18+s26+$0x4690 ss:$0x1] =	vst.idx.msk $0xffff, v21;
	v21 =	vadd.s32 v54, v19  }
0x346: {  	v17 =	vld.idx.msk [tilespmem:v17+s2+$0x0], $0xffff;
	v21 =	vand.u32 $0xFFFFFFF8, v21  }
0x347: {  	v21 =	vor.u32 v15, v21;
	_ =	sdelay $0x3  }
0x348: {  	[tilespmem:v18+s26+$0x4710 ss:$0x1] =	vst.idx.msk $0xffff, v17;
	v17 =	vadd.s32 v53, v20  }
0x349: {  	v21 =	vld.idx.msk [tilespmem:v21+s2+$0x0], $0xffff;
	v17 =	vand.u32 $0xFFFFFFF8, v17  }
0x34a: {  	v17 =	vor.u32 v4, v17;
	_ =	sdelay $0x3  }
0x34b: {  	[tilespmem:v18+s26+$0x4790 ss:$0x1] =	vst.idx.msk $0xffff, v21;
	v21 =	vadd.s32 v56, v20  }
0x34c: {  	v17 =	vld.idx.msk [tilespmem:v17+s2+$0x0], $0xffff;
	v21 =	vand.u32 $0xFFFFFFF8, v21  }
0x34d: {  	v21 =	vor.u32 v5, v21;
	_ =	sdelay $0x3  }
0x34e: {  	[tilespmem:v18+s26+$0x5000 ss:$0x1] =	vst.idx.msk $0xffff, v17;
	v17 =	vadd.s32 v55, v20  }
0x34f: {  	v21 =	vld.idx.msk [tilespmem:v21+s2+$0x0], $0xffff;
	v17 =	vand.u32 $0xFFFFFFF8, v17  }
0x350: {  	v17 =	vor.u32 v6, v17;
	_ =	sdelay $0x3  }
0x351: {  	[tilespmem:v18+s26+$0x5080 ss:$0x1] =	vst.idx.msk $0xffff, v21;
	v21 =	vadd.s32 v57, v20  }
0x352: {  	v17 =	vld.idx.msk [tilespmem:v17+s2+$0x0], $0xffff;
	v21 =	vand.u32 $0xFFFFFFF8, v21  }
0x353: {  	v21 =	vor.u32 v7, v21;
	_ =	sdelay $0x3  }
0x354: {  	[tilespmem:v18+s26+$0x5100 ss:$0x1] =	vst.idx.msk $0xffff, v17;
	v17 =	vadd.s32 v53, v19  }
0x355: {  	v21 =	vld.idx.msk [tilespmem:v21+s2+$0x0], $0xffff;
	v17 =	vand.u32 $0xFFFFFFF8, v17  }
0x356: {  	v17 =	vor.u32 v4, v17;
	_ =	sdelay $0x3  }
0x357: {  	[tilespmem:v18+s26+$0x5180 ss:$0x1] =	vst.idx.msk $0xffff, v21;
	v21 =	vadd.s32 v56, v19  }
0x358: {  	v17 =	vld.idx.msk [tilespmem:v17+s2+$0x0], $0xffff;
	v21 =	vand.u32 $0xFFFFFFF8, v21  }
0x359: {  	v21 =	vor.u32 v5, v21;
	_ =	sdelay $0x3  }
0x35a: {  	[tilespmem:v18+s26+$0x5010 ss:$0x1] =	vst.idx.msk $0xffff, v17;
	v17 =	vadd.s32 v55, v19  }
0x35b: {  	v21 =	vld.idx.msk [tilespmem:v21+s2+$0x0], $0xffff;
	v17 =	vand.u32 $0xFFFFFFF8, v17  }
0x35c: {  	v17 =	vor.u32 v6, v17;
	_ =	sdelay $0x3  }
0x35d: {  	[tilespmem:v18+s26+$0x5090 ss:$0x1] =	vst.idx.msk $0xffff, v21;
	v21 =	vadd.s32 v57, v19  }
0x35e: {  	v17 =	vld.idx.msk [tilespmem:v17+s2+$0x0], $0xffff;
	v21 =	vand.u32 $0xFFFFFFF8, v21  }
0x35f: {  	v21 =	vor.u32 v7, v21;
	_ =	sdelay $0x3  }
0x360: {  	[tilespmem:v18+s26+$0x5110 ss:$0x1] =	vst.idx.msk $0xffff, v17;
	v17 =	vadd.s32 v58, v20  }
0x361: {  	v21 =	vld.idx.msk [tilespmem:v21+s2+$0x0], $0xffff;
	v17 =	vand.u32 $0xFFFFFFF8, v17  }
0x362: {  	v17 =	vor.u32 v12, v17;
	_ =	sdelay $0x3  }
0x363: {  	[tilespmem:v18+s26+$0x5190 ss:$0x1] =	vst.idx.msk $0xffff, v21;
	v21 =	vadd.s32 v61, v20  }
0x364: {  	v17 =	vld.idx.msk [tilespmem:v17+s2+$0x0], $0xffff;
	v21 =	vand.u32 $0xFFFFFFF8, v21  }
0x365: {  	v21 =	vor.u32 v13, v21;
	_ =	sdelay $0x3  }
0x366: {  	[tilespmem:v18+s26+$0x5A00 ss:$0x1] =	vst.idx.msk $0xffff, v17;
	v17 =	vadd.s32 v60, v20  }
0x367: {  	v21 =	vld.idx.msk [tilespmem:v21+s2+$0x0], $0xffff;
	v17 =	vand.u32 $0xFFFFFFF8, v17  }
0x368: {  	v17 =	vor.u32 v14, v17;
	_ =	sdelay $0x3  }
0x369: {  	[tilespmem:v18+s26+$0x5A80 ss:$0x1] =	vst.idx.msk $0xffff, v21;
	v21 =	vadd.s32 v25, v20  }
0x36a: {  	v17 =	vld.idx.msk [tilespmem:v17+s2+$0x0], $0xffff;
	v21 =	vand.u32 $0xFFFFFFF8, v21  }
0x36b: {  	v21 =	vor.u32 v15, v21;
	_ =	sdelay $0x3  }
0x36c: {  	[tilespmem:v18+s26+$0x5B00 ss:$0x1] =	vst.idx.msk $0xffff, v17;
	v17 =	vadd.s32 v58, v19  }
0x36d: {  	v21 =	vld.idx.msk [tilespmem:v21+s2+$0x0], $0xffff;
	v17 =	vand.u32 $0xFFFFFFF8, v17  }
0x36e: {  	v17 =	vor.u32 v12, v17;
	_ =	sdelay $0x3  }
0x36f: {  	[tilespmem:v18+s26+$0x5B80 ss:$0x1] =	vst.idx.msk $0xffff, v21;
	v21 =	vadd.s32 v61, v19  }
0x370: {  	v17 =	vld.idx.msk [tilespmem:v17+s2+$0x0], $0xffff;
	v21 =	vand.u32 $0xFFFFFFF8, v21  }
0x371: {  	v21 =	vor.u32 v13, v21;
	_ =	sdelay $0x3  }
0x372: {  	[tilespmem:v18+s26+$0x5A10 ss:$0x1] =	vst.idx.msk $0xffff, v17;
	v17 =	vadd.s32 v60, v19  }
0x373: {  	v21 =	vld.idx.msk [tilespmem:v21+s2+$0x0], $0xffff;
	v17 =	vand.u32 $0xFFFFFFF8, v17  }
0x374: {  	v17 =	vor.u32 v14, v17;
	_ =	sdelay $0x3  }
0x375: {  	[tilespmem:v18+s26+$0x5A90 ss:$0x1] =	vst.idx.msk $0xffff, v21;
	v21 =	vadd.s32 v25, v19  }
0x376: {  	v17 =	vld.idx.msk [tilespmem:v17+s2+$0x0], $0xffff;
	v21 =	vand.u32 $0xFFFFFFF8, v21  }
0x377: {  	v21 =	vor.u32 v15, v21;
	_ =	sdelay $0x3  }
0x378: {  	[tilespmem:v18+s26+$0x5B10 ss:$0x1] =	vst.idx.msk $0xffff, v17;
	v17 =	vadd.s32 v62, v20  }
0x379: {  	v21 =	vld.idx.msk [tilespmem:v21+s2+$0x0], $0xffff;
	v17 =	vand.u32 $0xFFFFFFF8, v17  }
0x37a: {  	v17 =	vor.u32 v4, v17;
	_ =	sdelay $0x3  }
0x37b: {  	[tilespmem:v18+s26+$0x5B90 ss:$0x1] =	vst.idx.msk $0xffff, v21;
	v21 =	vadd.s32 v26, v20  }
0x37c: {  	v17 =	vld.idx.msk [tilespmem:v17+s2+$0x0], $0xffff;
	v21 =	vand.u32 $0xFFFFFFF8, v21  }
0x37d: {  	v21 =	vor.u32 v5, v21;
	_ =	sdelay $0x3  }
0x37e: {  	[tilespmem:v18+s26+$0x6400 ss:$0x1] =	vst.idx.msk $0xffff, v17;
	v17 =	vadd.s32 v27, v20  }
0x37f: {  	v21 =	vld.idx.msk [tilespmem:v21+s2+$0x0], $0xffff;
	v17 =	vand.u32 $0xFFFFFFF8, v17  }
0x380: {  	v17 =	vor.u32 v6, v17;
	_ =	sdelay $0x3  }
0x381: {  	[tilespmem:v18+s26+$0x6480 ss:$0x1] =	vst.idx.msk $0xffff, v21;
	v21 =	vadd.s32 v29, v20  }
0x382: {  	v17 =	vld.idx.msk [tilespmem:v17+s2+$0x0], $0xffff;
	v21 =	vand.u32 $0xFFFFFFF8, v21  }
0x383: {  	v21 =	vor.u32 v7, v21;
	_ =	sdelay $0x3  }
0x384: {  	[tilespmem:v18+s26+$0x6500 ss:$0x1] =	vst.idx.msk $0xffff, v17;
	v17 =	vadd.s32 v62, v19  }
0x385: {  	v21 =	vld.idx.msk [tilespmem:v21+s2+$0x0], $0xffff;
	v17 =	vand.u32 $0xFFFFFFF8, v17  }
0x386: {  	v17 =	vor.u32 v4, v17;
	_ =	sdelay $0x3  }
0x387: {  	[tilespmem:v18+s26+$0x6580 ss:$0x1] =	vst.idx.msk $0xffff, v21;
	v21 =	vadd.s32 v26, v19  }
0x388: {  	v17 =	vld.idx.msk [tilespmem:v17+s2+$0x0], $0xffff;
	v21 =	vand.u32 $0xFFFFFFF8, v21  }
0x389: {  	v21 =	vor.u32 v5, v21;
	_ =	sdelay $0x3  }
0x38a: {  	[tilespmem:v18+s26+$0x6410 ss:$0x1] =	vst.idx.msk $0xffff, v17;
	v17 =	vadd.s32 v27, v19  }
0x38b: {  	v21 =	vld.idx.msk [tilespmem:v21+s2+$0x0], $0xffff;
	v17 =	vand.u32 $0xFFFFFFF8, v17  }
0x38c: {  	v17 =	vor.u32 v6, v17;
	_ =	sdelay $0x3  }
0x38d: {  	[tilespmem:v18+s26+$0x6490 ss:$0x1] =	vst.idx.msk $0xffff, v21;
	v21 =	vadd.s32 v29, v19  }
0x38e: {  	v17 =	vld.idx.msk [tilespmem:v17+s2+$0x0], $0xffff;
	v21 =	vand.u32 $0xFFFFFFF8, v21  }
0x38f: {  	v21 =	vor.u32 v7, v21;
	_ =	sdelay $0x3  }
0x390: {  	[tilespmem:v18+s26+$0x6510 ss:$0x1] =	vst.idx.msk $0xffff, v17;
	v17 =	vadd.s32 v28, v20  }
0x391: {  	v21 =	vld.idx.msk [tilespmem:v21+s2+$0x0], $0xffff;
	v17 =	vand.u32 $0xFFFFFFF8, v17  }
0x392: {  	v17 =	vor.u32 v12, v17;
	_ =	sdelay $0x3  }
0x393: {  	[tilespmem:v18+s26+$0x6590 ss:$0x1] =	vst.idx.msk $0xffff, v21;
	v21 =	vadd.s32 v31, v20  }
0x394: {  	v17 =	vld.idx.msk [tilespmem:v17+s2+$0x0], $0xffff;
	v21 =	vand.u32 $0xFFFFFFF8, v21  }
0x395: {  	v21 =	vor.u32 v13, v21;
	_ =	sdelay $0x3  }
0x396: {  	[tilespmem:v18+s26+$0x6E00 ss:$0x1] =	vst.idx.msk $0xffff, v17;
	v17 =	vadd.s32 v30, v20  }
0x397: {  	v21 =	vld.idx.msk [tilespmem:v21+s2+$0x0], $0xffff;
	v17 =	vand.u32 $0xFFFFFFF8, v17  }
0x398: {  	v17 =	vor.u32 v14, v17;
	_ =	sdelay $0x3  }
0x399: {  	[tilespmem:v18+s26+$0x6E80 ss:$0x1] =	vst.idx.msk $0xffff, v21;
	v21 =	vadd.s32 v32, v20  }
0x39a: {  	v17 =	vld.idx.msk [tilespmem:v17+s2+$0x0], $0xffff;
	v21 =	vand.u32 $0xFFFFFFF8, v21  }
0x39b: {  	v21 =	vor.u32 v15, v21;
	_ =	sdelay $0x3  }
0x39c: {  	[tilespmem:v18+s26+$0x6F00 ss:$0x1] =	vst.idx.msk $0xffff, v17;
	v17 =	vadd.s32 v28, v19  }
0x39d: {  	v21 =	vld.idx.msk [tilespmem:v21+s2+$0x0], $0xffff;
	v17 =	vand.u32 $0xFFFFFFF8, v17  }
0x39e: {  	v17 =	vor.u32 v12, v17;
	_ =	sdelay $0x3  }
0x39f: {  	[tilespmem:v18+s26+$0x6F80 ss:$0x1] =	vst.idx.msk $0xffff, v21;
	v21 =	vadd.s32 v31, v19  }
0x3a0: {  	v17 =	vld.idx.msk [tilespmem:v17+s2+$0x0], $0xffff;
	v21 =	vand.u32 $0xFFFFFFF8, v21  }
0x3a1: {  	v21 =	vor.u32 v13, v21;
	_ =	sdelay $0x3  }
0x3a2: {  	[tilespmem:v18+s26+$0x6E10 ss:$0x1] =	vst.idx.msk $0xffff, v17;
	v17 =	vadd.s32 v30, v19  }
0x3a3: {  	v21 =	vld.idx.msk [tilespmem:v21+s2+$0x0], $0xffff;
	v17 =	vand.u32 $0xFFFFFFF8, v17  }
0x3a4: {  	v17 =	vor.u32 v14, v17;
	_ =	sdelay $0x3  }
0x3a5: {  	[tilespmem:v18+s26+$0x6E90 ss:$0x1] =	vst.idx.msk $0xffff, v21;
	v21 =	vadd.s32 v32, v19  }
0x3a6: {  	v17 =	vld.idx.msk [tilespmem:v17+s2+$0x0], $0xffff;
	v21 =	vand.u32 $0xFFFFFFF8, v21  }
0x3a7: {  	v21 =	vor.u32 v15, v21;
	_ =	sdelay $0x3  }
0x3a8: {  	[tilespmem:v18+s26+$0x6F10 ss:$0x1] =	vst.idx.msk $0xffff, v17;
	v17 =	vadd.s32 v33, v20  }
0x3a9: {  	v21 =	vld.idx.msk [tilespmem:v21+s2+$0x0], $0xffff;
	v17 =	vand.u32 $0xFFFFFFF8, v17  }
0x3aa: {  	v17 =	vor.u32 v4, v17;
	_ =	sdelay $0x3  }
0x3ab: {  	[tilespmem:v18+s26+$0x6F90 ss:$0x1] =	vst.idx.msk $0xffff, v21;
	v21 =	vadd.s32 v35, v20  }
0x3ac: {  	v17 =	vld.idx.msk [tilespmem:v17+s2+$0x0], $0xffff;
	v21 =	vand.u32 $0xFFFFFFF8, v21  }
0x3ad: {  	v21 =	vor.u32 v5, v21;
	_ =	sdelay $0x3  }
0x3ae: {  	[tilespmem:v18+s26+$0x7800 ss:$0x1] =	vst.idx.msk $0xffff, v17;
	v17 =	vadd.s32 v34, v20  }
0x3af: {  	v21 =	vld.idx.msk [tilespmem:v21+s2+$0x0], $0xffff;
	v17 =	vand.u32 $0xFFFFFFF8, v17  }
0x3b0: {  	v17 =	vor.u32 v6, v17;
	_ =	sdelay $0x3  }
0x3b1: {  	[tilespmem:v18+s26+$0x7880 ss:$0x1] =	vst.idx.msk $0xffff, v21;
	v21 =	vadd.s32 v37, v20  }
0x3b2: {  	v17 =	vld.idx.msk [tilespmem:v17+s2+$0x0], $0xffff;
	v21 =	vand.u32 $0xFFFFFFF8, v21  }
0x3b3: {  	v21 =	vor.u32 v7, v21;
	_ =	sdelay $0x3  }
0x3b4: {  	[tilespmem:v18+s26+$0x7900 ss:$0x1] =	vst.idx.msk $0xffff, v17;
	v17 =	vadd.s32 v33, v19  }
0x3b5: {  	v21 =	vld.idx.msk [tilespmem:v21+s2+$0x0], $0xffff;
	v17 =	vand.u32 $0xFFFFFFF8, v17  }
0x3b6: {  	v17 =	vor.u32 v4, v17;
	_ =	sdelay $0x3  }
0x3b7: {  	[tilespmem:v18+s26+$0x7980 ss:$0x1] =	vst.idx.msk $0xffff, v21;
	v21 =	vadd.s32 v35, v19  }
0x3b8: {  	v17 =	vld.idx.msk [tilespmem:v17+s2+$0x0], $0xffff;
	v21 =	vand.u32 $0xFFFFFFF8, v21  }
0x3b9: {  	v21 =	vor.u32 v5, v21;
	_ =	sdelay $0x3  }
0x3ba: {  	[tilespmem:v18+s26+$0x7810 ss:$0x1] =	vst.idx.msk $0xffff, v17;
	v17 =	vadd.s32 v34, v19  }
0x3bb: {  	v21 =	vld.idx.msk [tilespmem:v21+s2+$0x0], $0xffff;
	v17 =	vand.u32 $0xFFFFFFF8, v17  }
0x3bc: {  	v17 =	vor.u32 v6, v17;
	_ =	sdelay $0x3  }
0x3bd: {  	[tilespmem:v18+s26+$0x7890 ss:$0x1] =	vst.idx.msk $0xffff, v21;
	v21 =	vadd.s32 v37, v19  }
0x3be: {  	v17 =	vld.idx.msk [tilespmem:v17+s2+$0x0], $0xffff;
	v21 =	vand.u32 $0xFFFFFFF8, v21  }
0x3bf: {  	v21 =	vor.u32 v7, v21;
	_ =	sdelay $0x3  }
0x3c0: {  	[tilespmem:v18+s26+$0x7910 ss:$0x1] =	vst.idx.msk $0xffff, v17;
	v17 =	vadd.s32 v36, v20  }
0x3c1: {  	v21 =	vld.idx.msk [tilespmem:v21+s2+$0x0], $0xffff;
	v17 =	vand.u32 $0xFFFFFFF8, v17  }
0x3c2: {  	v17 =	vor.u32 v12, v17;
	_ =	sdelay $0x3  }
0x3c3: {  	[tilespmem:v18+s26+$0x7990 ss:$0x1] =	vst.idx.msk $0xffff, v21;
	v21 =	vadd.s32 v38, v20  }
0x3c4: {  	v17 =	vld.idx.msk [tilespmem:v17+s2+$0x0], $0xffff;
	v21 =	vand.u32 $0xFFFFFFF8, v21  }
0x3c5: {  	v21 =	vor.u32 v13, v21;
	_ =	sdelay $0x3  }
0x3c6: {  	[tilespmem:v18+s26+$0x8200 ss:$0x1] =	vst.idx.msk $0xffff, v17;
	v17 =	vadd.s32 v63, v20  }
0x3c7: {  	v21 =	vld.idx.msk [tilespmem:v21+s2+$0x0], $0xffff;
	v17 =	vand.u32 $0xFFFFFFF8, v17  }
0x3c8: {  	v17 =	vor.u32 v14, v17;
	_ =	sdelay $0x3  }
0x3c9: {  	[tilespmem:v18+s26+$0x8280 ss:$0x1] =	vst.idx.msk $0xffff, v21;
	v21 =	vadd.s32 v59, v20  }
0x3ca: {  	v17 =	vld.idx.msk [tilespmem:v17+s2+$0x0], $0xffff;
	v21 =	vand.u32 $0xFFFFFFF8, v21  }
0x3cb: {  	v21 =	vor.u32 v15, v21;
	_ =	sdelay $0x3  }
0x3cc: {  	[tilespmem:v18+s26+$0x8300 ss:$0x1] =	vst.idx.msk $0xffff, v17;
	v17 =	vadd.s32 v36, v19  }
0x3cd: {  	v21 =	vld.idx.msk [tilespmem:v21+s2+$0x0], $0xffff;
	v17 =	vand.u32 $0xFFFFFFF8, v17  }
0x3ce: {  	v17 =	vor.u32 v12, v17;
	_ =	sdelay $0x3  }
0x3cf: {  	[tilespmem:v18+s26+$0x8380 ss:$0x1] =	vst.idx.msk $0xffff, v21;
	v21 =	vadd.s32 v38, v19  }
0x3d0: {  	v17 =	vld.idx.msk [tilespmem:v17+s2+$0x0], $0xffff;
	v21 =	vand.u32 $0xFFFFFFF8, v21  }
0x3d1: {  	v21 =	vor.u32 v13, v21;
	_ =	sdelay $0x3  }
0x3d2: {  	[tilespmem:v18+s26+$0x8210 ss:$0x1] =	vst.idx.msk $0xffff, v17;
	v17 =	vadd.s32 v63, v19  }
0x3d3: {  	v21 =	vld.idx.msk [tilespmem:v21+s2+$0x0], $0xffff;
	v17 =	vand.u32 $0xFFFFFFF8, v17  }
0x3d4: {  	v17 =	vor.u32 v14, v17;
	_ =	sdelay $0x3  }
0x3d5: {  	[tilespmem:v18+s26+$0x8290 ss:$0x1] =	vst.idx.msk $0xffff, v21;
	v21 =	vadd.s32 v59, v19  }
0x3d6: {  	v17 =	vld.idx.msk [tilespmem:v17+s2+$0x0], $0xffff;
	v21 =	vand.u32 $0xFFFFFFF8, v21  }
0x3d7: {  	v21 =	vor.u32 v15, v21;
	_ =	sdelay $0x3  }
0x3d8: {  	[tilespmem:v18+s26+$0x8310 ss:$0x1] =	vst.idx.msk $0xffff, v17;
	v17 =	vadd.s32 v1, v20  }
0x3d9: {  	v21 =	vld.idx.msk [tilespmem:v21+s2+$0x0], $0xffff;
	v17 =	vand.u32 $0xFFFFFFF8, v17  }
0x3da: {  	v17 =	vor.u32 v4, v17;
	_ =	sdelay $0x3  }
0x3db: {  	[tilespmem:v18+s26+$0x8390 ss:$0x1] =	vst.idx.msk $0xffff, v21;
	v21 =	vadd.s32 v2, v20  }
0x3dc: {  	v17 =	vld.idx.msk [tilespmem:v17+s2+$0x0], $0xffff;
	v21 =	vand.u32 $0xFFFFFFF8, v21  }
0x3dd: {  	v21 =	vor.u32 v5, v21;
	_ =	sdelay $0x3  }
0x3de: {  	[tilespmem:v18+s26+$0x8C00 ss:$0x1] =	vst.idx.msk $0xffff, v17;
	v17 =	vadd.s32 v3, v20  }
0x3df: {  	v21 =	vld.idx.msk [tilespmem:v21+s2+$0x0], $0xffff;
	v17 =	vand.u32 $0xFFFFFFF8, v17  }
0x3e0: {  	v17 =	vor.u32 v6, v17;
	_ =	sdelay $0x3  }
0x3e1: {  	[tilespmem:v18+s26+$0x8C80 ss:$0x1] =	vst.idx.msk $0xffff, v21;
	v21 =	vadd.s32 v8, v20  }
0x3e2: {  	v17 =	vld.idx.msk [tilespmem:v17+s2+$0x0], $0xffff;
	v21 =	vand.u32 $0xFFFFFFF8, v21  }
0x3e3: {  	v21 =	vor.u32 v7, v21;
	_ =	sdelay $0x3  }
0x3e4: {  	[tilespmem:v18+s26+$0x8D00 ss:$0x1] =	vst.idx.msk $0xffff, v17;
	v17 =	vadd.s32 v1, v19  }
0x3e5: {  	v21 =	vld.idx.msk [tilespmem:v21+s2+$0x0], $0xffff;
	v17 =	vand.u32 $0xFFFFFFF8, v17  }
0x3e6: {  	v17 =	vor.u32 v4, v17;
	_ =	sdelay $0x3  }
0x3e7: {  	[tilespmem:v18+s26+$0x8D80 ss:$0x1] =	vst.idx.msk $0xffff, v21;
	v21 =	vadd.s32 v2, v19  }
0x3e8: {  	v17 =	vld.idx.msk [tilespmem:v17+s2+$0x0], $0xffff;
	v21 =	vand.u32 $0xFFFFFFF8, v21  }
0x3e9: {  	v21 =	vor.u32 v5, v21;
	_ =	sdelay $0x3  }
0x3ea: {  	[tilespmem:v18+s26+$0x8C10 ss:$0x1] =	vst.idx.msk $0xffff, v17;
	v17 =	vadd.s32 v3, v19  }
0x3eb: {  	v21 =	vld.idx.msk [tilespmem:v21+s2+$0x0], $0xffff;
	v17 =	vand.u32 $0xFFFFFFF8, v17  }
0x3ec: {  	v17 =	vor.u32 v6, v17;
	_ =	sdelay $0x3  }
0x3ed: {  	[tilespmem:v18+s26+$0x8C90 ss:$0x1] =	vst.idx.msk $0xffff, v21;
	v21 =	vadd.s32 v8, v19  }
0x3ee: {  	v17 =	vld.idx.msk [tilespmem:v17+s2+$0x0], $0xffff;
	v21 =	vand.u32 $0xFFFFFFF8, v21  }
0x3ef: {  	v21 =	vor.u32 v7, v21;
	_ =	sdelay $0x3  }
0x3f0: {  	[tilespmem:v18+s26+$0x8D10 ss:$0x1] =	vst.idx.msk $0xffff, v17;
	v17 =	vadd.s32 v9, v20  }
0x3f1: {  	v21 =	vld.idx.msk [tilespmem:v21+s2+$0x0], $0xffff;
	v17 =	vand.u32 $0xFFFFFFF8, v17  }
0x3f2: {  	v17 =	vor.u32 v12, v17;
	_ =	sdelay $0x3  }
0x3f3: {  	[tilespmem:v18+s26+$0x8D90 ss:$0x1] =	vst.idx.msk $0xffff, v21;
	v21 =	vadd.s32 v10, v20  }
0x3f4: {  	v17 =	vld.idx.msk [tilespmem:v17+s2+$0x0], $0xffff;
	v21 =	vand.u32 $0xFFFFFFF8, v21  }
0x3f5: {  	v21 =	vor.u32 v13, v21;
	_ =	sdelay $0x3  }
0x3f6: {  	[tilespmem:v18+s26+$0x9600 ss:$0x1] =	vst.idx.msk $0xffff, v17;
	v17 =	vadd.s32 v11, v20  }
0x3f7: {  	v21 =	vld.idx.msk [tilespmem:v21+s2+$0x0], $0xffff;
	v17 =	vand.u32 $0xFFFFFFF8, v17  }
0x3f8: {  	v17 =	vor.u32 v14, v17;
	_ =	sdelay $0x3  }
0x3f9: {  	v20 =	vadd.s32 v16, v20;
	[tilespmem:v18+s26+$0x9680 ss:$0x1] =	vst.idx.msk $0xffff, v21  }
0x3fa: {  	v20 =	vand.u32 $0xFFFFFFF8, v20;
	v17 =	vld.idx.msk [tilespmem:v17+s2+$0x0], $0xffff  }
0x3fb: {  	v20 =	vor.u32 v15, v20;
	_ =	sdelay $0x3  }
0x3fc: {  	[tilespmem:v18+s26+$0x9700 ss:$0x1] =	vst.idx.msk $0xffff, v17;
	v17 =	vadd.s32 v9, v19  }
0x3fd: {  	v20 =	vld.idx.msk [tilespmem:v20+s2+$0x0], $0xffff;
	v17 =	vand.u32 $0xFFFFFFF8, v17  }
0x3fe: {  	v17 =	vor.u32 v12, v17;
	_ =	sdelay $0x3  }
0x3ff: {  	[tilespmem:v18+s26+$0x9780 ss:$0x1] =	vst.idx.msk $0xffff, v20;
	v20 =	vadd.s32 v10, v19  }
0x400: {  	v17 =	vld.idx.msk [tilespmem:v17+s2+$0x0], $0xffff;
	v20 =	vand.u32 $0xFFFFFFF8, v20  }
0x401: {  	v20 =	vor.u32 v13, v20;
	_ =	sdelay $0x3  }
0x402: {  	[tilespmem:v18+s26+$0x9610 ss:$0x1] =	vst.idx.msk $0xffff, v17;
	v17 =	vadd.s32 v11, v19  }
0x403: {  	v20 =	vld.idx.msk [tilespmem:v20+s2+$0x0], $0xffff;
	v17 =	vand.u32 $0xFFFFFFF8, v17  }
0x404: {  	v17 =	vor.u32 v14, v17;
	_ =	sdelay $0x3  }
0x405: {  	v19 =	vadd.s32 v16, v19;
	[tilespmem:v18+s26+$0x9690 ss:$0x1] =	vst.idx.msk $0xffff, v20  }
0x406: {  	v19 =	vand.u32 $0xFFFFFFF8, v19;
	v17 =	vld.idx.msk [tilespmem:v17+s2+$0x0], $0xffff  }
0x407: {  	v19 =	vor.u32 v15, v19;
	_ =	sdelay $0x3  }
0x408: {  	[tilespmem:v18+s26+$0x9710 ss:$0x1] =	vst.idx.msk $0xffff, v17  }
0x409: {  	p1 =	sne.s32 s25, $0x180;
	v17 =	vld.idx.msk [tilespmem:v19+s2+$0x0], $0xffff  }
.Ltmp9:
0x40a: {  	_ = 	snop;
	(pc) =	sbr.rel @p1 .LBB2_13-.Ltmp9, $2  }
0x40b: {  	_ =	sdelay $0x2  }
0x40c: {  	s25 =	sadd.s32 $0x80, s25;
	v22 =	vmov v23;
	[tilespmem:v18+s26+$0x9790 ss:$0x1] =	vst.idx.msk $0xffff, v17  }
0x40d: {  	s22 =	sadd.s32 $0x1, s22  }
0x40e: {  	p1 =	sne.s32 s22, $0x5  }
.Ltmp10:
0x40f: {  	_ = 	snop;
	(pc) =	sbr.rel @p1 .LBB2_12-.Ltmp10, $2  }
0x410: {  	_ =	sdelay $0x2  }
0x411: {  	s23 =	sadd.s32 $0x200, s23;
	s24 =	sadd.s32 $0x80, s24  }
.Ltmp11:
0x412: {  	(pc) =	sbr.rel .LBB2_16-.Ltmp11, $3  }
0x413: {  	s21 =	smul.u32 $0x140, s21;
	_ =	sdelay $0x1  }
0x414: {  	s21 =	sadd.s32 s1, s21  }
0x415: {  	v21 =	vmov v24;
	[hbm4b:s21+s13] =	stream.strided.scatter [tilespmem:s17], [sflag:$0x2], $0xA000, s14, s13, $0x38;
	[tilespmem:$0x1F410] =	vst v63  }
.LBB2_18:
0x416: {  	_ =	sfence.sel $0x180000  }
0x417: {  	[bflag:$0x0] =	sbarrier.arrive $0xFFFF  }
0x418: {  	_ =	strace $0x90000047  }
0x419: {  	s0 =	sadd.s32 @!p0 $0x100000, s0;
	[bflag:$0x2] =	sbarrier.arrive $0xFFFF  }
0x41a: {  	[sflag:s0] =	ssyncadd.tile.s32 @!p0 $0x1;
	_ =	shalt  }
.Lfunc_end2:
_tile_overlayer_lowered:
.L_overlay_start_2:
0x41b: {  	(tag) =	ssettag $0x2  }
0x41c: {  	s0 =	rddreg [dreg:$0x0];
	s2 =	stileid.u32  }
0x41d: {  	s1 =	rddreg [dreg:$0x1];
	p0 =	sne.s32 s2, $0x0  }
0x41e: {  	s3 =	rddreg [dreg:$0x2];
	[bflag:$0x3] =	sbarrier.arrive $0xFFFF;
	s2 =	simm.s32 @!p0 $0x1C05  }
0x41f: {  	[timem:s3], [sflag:s2] =	dma.local @!p0 [hbm:s0], s1  }
0x420: {  	s0 =	simm.s32 @!p0 $0x5  }
0x421: {  	_ =	swait.ge @!p0 [sflag:s0], s1  }
0x422: {  	s1 =	ssub.s32 @!p0 $0x0, s1;
	[sflag:s0] =	ssyncset.done @!p0 $0x0  }
0x423: {  	[sflag:s0] =	ssyncadd.s32 @!p0 s1  }
0x424: {  	[bflag:$0x3] =	sbarrier.arrive $0xFFFF  }
0x425: {  	_ =	shalt  }

// kernel: sparse-core-data-format-call.cloned.1.call-start
scs
called_computation_lowered:
.L_overlay_start_0:
0x0: {  	s2 =	sld [smem:$0x3FD9]  }
0x1: {  	s3 =	sld [smem:$0x3FFE];
	_ =	sdelay $0x1  }
0x2: {  	s1 =	srdreg.scid  }
0x3: {  	s0 =	sand.u32 $0x1, s1  }
0x4: {  	s18 =	sshll.u32 s0, $0xA;
	s2 =	sadd.s32 s3, s2  }
0x5: {  	s2 =	sadd.s32 s2, s18  }
0x6: {  	[smem:$0x3FC6] =	sst s2  }
0x7: {  	_ = 	snop  }
0x8: {  	s2 =	sld [smem:$0x3FD0];
	(tm) =	ssettm $0x1  }
0x9: {  	s19 =	sld [smem:$0x3FFB];
	_ =	sdelay $0x3  }
0xa: {  	_ =	strace s19  }
0xb: {  	s3 =	sld [smem:$0x3FFC];
	_ =	sdelay $0x3  }
0xc: {  	_ =	strace s3  }
0xd: {  	s3 =	sld [smem:$0x3FFD];
	_ =	sdelay $0x3  }
0xe: {  	_ =	strace s3  }
0xf: {  	_ =	strace $0x8FFFFFFF  }
0x10: {  	s20 =	sld [smem:$0x3FDB];
	_ =	sdelay $0x1  }
0x11: {  	s4 =	simm.s32 $_scs_section_size  }
0x12: {  	s5 =	simm.s32 $_size__tile_overlayer_lowered;
	s6 =	simm.s32 $_tile_overlayer_lowered  }
0x13: {  	s23 =	simm.s32 $0x1BFF;
	s22 =	sshll.u32 s6, $0x1;
	s3 =	sadd.s32 s4, s20  }
0x14: {  	s7 =	simm.s32 $0x0;
	s21 =	sshll.u32 s5, $0x1;
	s5 =	sadd.s32 s22, s3  }
0x15: {  	[timem:s7], [sflag:s23] =	dma.local [hbm:s5], s21  }
0x16: {  	_ =	swait.ge [sflag:s23], s21  }
0x17: {  	s4 =	ssub.s32 $0x0, s21;
	[sflag:s23] =	ssyncset.done $0x0  }
0x18: {  	[sflag:s23] =	ssyncadd.s32 s4;
	_ =	sdelay $0x1  }
0x19: {  	s24 =	simm.s32 $0x1B8B  }
0x1a: {  	_ =	swait.ge [sflag:s24], $0x1  }
0x1b: {  	[sflag:s24] =	ssyncset.done $0x0  }
0x1c: {  	s26 =	simm.s32 $0x1B8E;
	s25 =	sld [smem:$0x3FFE];
	[sflag:s24] =	ssyncadd.s32 $0xFFFFFFFF  }
0x1d: {  	s27 =	simm.s32 $execute0_lowered;
	[smem:$0x3FD2] =	sst s26  }
0x1e: {  	s5 =	sshll.u32 s27, $0x1;
	_ =	strace $0x80000049;
	[dreg:$0x1] =	wrdreg $0xFFFFFFFF  }
0x1f: {  	s28 =	simm.s32 $_size_execute0_lowered;
	s3 =	sadd.s32 s3, s5;
	[dreg:$0x0] =	wrdreg $0x0  }
0x20: {  	s5 =	sshll.u32 s28, $0x1;
	[dreg:$0x2] =	wrdreg s3  }
0x21: {  	[dreg:$0x3] =	wrdreg s5  }
0x22: {  	[dreg:$0x4] =	wrdreg $0xC0  }
0x23: {  	_ =	task [dreg:s7], $0x5FFFF  }
0x24: {  	[dreg:$0x1] =	wrdreg $0xFFFFFFFF  }
0x25: {  	[dreg:$0x0] =	wrdreg $0x60  }
0x26: {  	[dreg:$0x2] =	wrdreg s2  }
0x27: {  	[dreg:$0x3] =	wrdreg s25  }
0x28: {  	[dreg:$0x4] =	wrdreg $0x9  }
0x29: {  	_ =	task.clear_ibuf [dreg:s7], $0x5FFFF;
	_ =	strace $0x90000049  }
0x2a: {  	s29 =	simm.s32 $0x9;
	_ =	strace $0x8000004B  }
0x2b: {  	_ =	swait.ge [sflag:s29], $0x1  }
0x2c: {  	[sflag:s29] =	ssyncadd.s32 $0xFFFFFFFF  }
0x2d: {  	_ =	strace $0x9000004B  }
0x2e: {  	_ =	sfence  }
0x2f: {  	s30 =	sld [smem:$0x0];
	_ =	sdelay $0x2  }
0x30: {  	s31 =	sshll.u32 s1, $0xD;
	s1 =	sshrl.u32 s1, $0x2  }
0x31: {  	s3 =	sand.u32 $0x4000, s31;
	s1 =	sadd.s32 s1, s30  }
0x32: {  	s0 =	sor.u32 s3, s0;
	s1 =	sshll.u32 s1, $0x11  }
0x33: {  	s0 =	sor.u32 s1, s0  }
0x34: {  	s0 =	sadd.s32 $0x8F2B, s0  }
0x35: {  	[sflag:s0] =	ssyncadd.remote.s32 $0x1  }
0x36: {  	_ =	sfence.sel $0xFFFF  }
0x37: {  	[dreg:$0x0] =	wrdreg $0xFFFFFFFF;
	(pc) =	sbr.abs _section_cstart, $3  }
0x38: {  	[dreg:$0x1] =	wrdreg $0xFFFFFFFF  }
0x39: {  	_ =	task.clear_ibuf [dreg:s7], $0x2FFFF;
	_ =	strace $0x9FFFFFFF  }
0x3a: {  	(tm) =	ssettm $0x7FFFFFFF  }
0x3b: {  	_ =	shalt  }
tec
execute0_lowered:
.L_overlay_start_1:
0x0: {  	(tag) =	ssettag $0x1  }
0x1: {  	s0 =	srdreg.scid;
	s2 =	rddreg [dreg:$0x0]  }
0x2: {  	s6 =	rddreg [dreg:$0x1];
	s7 =	simm.s32 $0x1;
	s8 =	simm.s32 $0x2  }
0x3: {  	s15 =	simm.s32 $0x0;
	s9 =	simm.s32 $0xC3800;
	s1 =	sshll.u32 s0, $0x4  }
0x4: {  	s10 =	simm.s32 $0x0;
	s0 =	stileid.u32;
	s1 =	sand.u32 $0x10, s1  }
0x5: {  	s16 =	simm.s32 $0x0;
	s17 =	simm.s32 $0x0;
	s1 =	sor.u32 s0, s1  }
0x6: {  	s12 =	simm.s32 $0x0;
	s13 =	simm.s32 $0x0;
	s3 =	sshll.u32 s1, $0x1  }
0x7: {  	s14 =	simm.s32 $0x0;
	s28 =	simm.s32 $0x0;
	s5 =	ssub.s32 $0x186A, s3  }
.Ltmp0:
0x8: {  	s6 =	sadd.s32 $0x400, s6;
	s4 =	sand.u32 $0x3E, s5;
	(pc) =	sbr.rel .LBB1_1-.Ltmp0, $4  }
0x9: {  	s1 =	rddreg [dreg:$0x2];
	_ =	strace $0x8000004A;
	p0 =	sne.s32 s4, $0x0  }
0xa: {  	s5 =	sshrl.u32 s5, $0x6;
	s4 =	simm.s32 $0x1;
	s7 =	simm.s32 @!p0 $0x0  }
0xb: {  	s11 =	smov.u32 s3;
	[sflag:s4] =	ssyncpa.u1 $0x0;
	s5 =	sadd.s32 s7, s5  }
0xc: {  	[sflag:s8] =	ssyncpa.u1 $0x0;
	s8 =	simm.s32 $0x100;
	s7 =	sadd.s32 $0x1, s5  }
.LBB1_11:
0xd: {  	s18 =	sadd.s32 $0x40, s11  }
0xe: {  	s15 =	sadd.s32 $0x4, s12;
	s19 =	smov.u32 s12;
	p1 =	sgt.s32 s18, $0x1869  }
0xf: {  	s19 =	smov.u32 @p1 s15  }
0x10: {  	s21 =	smov.u32 s13;
	s15 =	sadd.s32 $0x4, s13;
	p2 =	sgt.s32 s19, $0x3  }
0x11: {  	s21 =	smov.u32 @p2 s15  }
0x12: {  	s18 =	smov.u32 @p1 s3;
	p1 =	sgt.s32 s21, $0x3  }
0x13: {  	p0 =	slt.u32 s14, $0x2;
	s21 =	simm.s32 @p1 $0x0;
	p1 =	sne.s32 s14, s7  }
.Ltmp1:
0x14: {  	s20 =	simm.s32 @!p0 $0x2;
	(pc) =	sbr.rel @!p1 .LBB1_12-.Ltmp1, $4  }
0x15: {  	s16 =	smov.u32 s12;
	s17 =	smov.u32 s13;
	_ =	swait.ge @!p0 [sflag:s20], $0x4000  }
0x16: {  	s10 =	sadd.s32 $0x4000, s10;
	[sflag:s20] =	ssyncset.done @!p0 $0x0;
	s19 =	simm.s32 @p2 $0x0  }
0x17: {  	s15 =	smov.u32 s11;
	[sflag:s20] =	ssyncadd.s32 @!p0 $0xFFFFC000;
	s11 =	smov.u32 s18  }
0x18: {  	s12 =	smov.u32 s19;
	s14 =	sadd.s32 $0x1, s14;
	s13 =	smov.u32 s21  }
.LBB1_1:
0x19: {  	p0 =	sge.u32 s14, s5  }
0x1a: {  	s18 =	smul.u32 @!p0 $0x186A00, s13  }
0x1b: {  	s19 =	sxor.u32 @!p0 $0xFFFFFFFF, s14;
	s20 =	smul.u32 @!p0 $0x61A80, s12  }
0x1c: {  	s31 =	sadd.s32 $0xFFFFFFFF, s14;
	s19 =	sshll.u32 @!p0 s19, $0xE;
	s18 =	sadd.s32 @!p0 s2, s18  }
0x1d: {  	s21 =	sshll.u32 @!p0 s11, $0x6;
	s19 =	sand.u32 @!p0 $0x4000, s19;
	s18 =	sadd.s32 @!p0 s20, s18  }
0x1e: {  	s20 =	simm.s32 @!p0 $0x400;
	s18 =	sadd.s32 @!p0 s21, s18;
	s21 =	simm.s32 @!p0 $0x30D400  }
0x1f: {  	[tilespmem:s19], [sflag:$0x1] =	stream.strided.gather @!p0 [hbm4b:s18+s20], $0x4000, s21, s20, $0x38;
	[tilespmem:$0x10000] =	vst v63  }
0x20: {  	p0 =	sge.u32 s31, s5  }
.Ltmp2:
0x21: {  	_ = 	snop;
	(pc) =	sbr.rel @p0 .LBB1_11-.Ltmp2, $1  }
0x22: {  	_ =	sdelay $0x3  }
0x23: {  	s18 =	sand.u32 $0x4000, s10  }
0x24: {  	_ =	swait.ge [sflag:s4], $0x4000;
	s21 =	sshll.u32 s14, $0xE;
	s19 =	sor.u32 $0x8040, s18  }
0x25: {  	s20 =	sor.u32 $0x40, s18;
	[sflag:s4] =	ssyncset.done $0x0;
	s31 =	sand.u32 $0x4000, s21  }
0x26: {  	s21 =	simm.s32 $0x0;
	[sflag:s4] =	ssyncadd.s32 $0xFFFFC000;
	s18 =	sor.u32 $0x8000, s31  }
.LBB1_3:
0x27: {  	s22 =	smov.u32 s20;
	s23 =	smov.u32 s19;
	s24 =	simm.s32 $0x0  }
.LBB1_4:
0x28: {  	s25 =	simm.s32 $0x0;
	p1 =	por $0x1, $0x1  }
.LBB1_5:
0x29: {  	s26 =	sshll.u32 s25, $0x2  }
0x2a: {  	s26 =	sshra.s32 s26, $0x2  }
0x2b: {  	s26 =	sadd.s32 s26, s22  }
0x2c: {  	v0 =	vmov s26;
	_ =	sdelay $0x4  }
0x2d: {  	v6 =	vld.idx.msk [tilespmem:v0+s28+$0x30 ss:$0x1], $0xffff  }
0x2e: {  	v7 =	vld.idx.msk [tilespmem:v0+s28+$0xFFFFFFC0 ss:$0x1], $0xffff  }
0x2f: {  	v5 =	vld.idx.msk [tilespmem:v0+s28+$0xFFFFFFD0 ss:$0x1], $0xffff  }
0x30: {  	v1 =	vld.idx.msk [tilespmem:v0+s28+$0xFFFFFFE0 ss:$0x1], $0xffff  }
0x31: {  	s31 =	sshra.s32 s25, $0x2;
	v2 =	vld.idx.msk [tilespmem:v0+s28+$0xFFFFFFF0 ss:$0x1], $0xffff  }
0x32: {  	s25 =	sadd.s32 s31, s23;
	v3 =	vld.idx.msk [tilespmem:v0+s28+$0x0 ss:$0x1], $0xffff  }
0x33: {  	v4 =	vld.idx.msk [tilespmem:v0+s28+$0x10 ss:$0x1], $0xffff;
	[tilespmem:s25+$0x30] =	vst v6  }
0x34: {  	p0 =	por p1, p1;
	s27 =	simm.s32 $0x400;
	s26 =	simm.s32 $0x80;
	[tilespmem:s25+$0xFFFFFFC0] =	vst v7;
	v6 =	vld.idx.msk [tilespmem:v0+s28+$0x20 ss:$0x1], $0xffff  }
.LBB1_6:
0x35: {  	p1 =	sne.s32 s27, $0x600;
	v7 =	vld.idx.msk [tilespmem:v0+s26+$0x30 ss:$0x1], $0xffff;
	[tilespmem:s25+$0xFFFFFFD0] =	vst v5  }
0x36: {  	v8 =	vld.idx.msk [tilespmem:v0+s26+$0xFFFFFFC0 ss:$0x1], $0xffff;
	[tilespmem:s25+$0xFFFFFFE0] =	vst v1  }
0x37: {  	v5 =	vld.idx.msk [tilespmem:v0+s26+$0xFFFFFFD0 ss:$0x1], $0xffff;
	[tilespmem:s25+$0xFFFFFFF0] =	vst v2  }
.Ltmp3:
0x38: {  	v1 =	vld.idx.msk [tilespmem:v0+s26+$0xFFFFFFE0 ss:$0x1], $0xffff;
	[tilespmem:s25+$0x0] =	vst v3;
	(pc) =	sbr.rel @p1 .LBB1_6-.Ltmp3, $4  }
0x39: {  	v2 =	vld.idx.msk [tilespmem:v0+s26+$0xFFFFFFF0 ss:$0x1], $0xffff;
	[tilespmem:s25+$0x10] =	vst v4  }
0x3a: {  	v3 =	vld.idx.msk [tilespmem:v0+s26+$0x0 ss:$0x1], $0xffff;
	[tilespmem:s25+$0x20] =	vst v6;
	s25 =	sadd.s32 $0x100, s25  }
0x3b: {  	v4 =	vld.idx.msk [tilespmem:v0+s26+$0x10 ss:$0x1], $0xffff;
	[tilespmem:s25+$0x30] =	vst v7  }
0x3c: {  	[tilespmem:s25+$0xFFFFFFC0] =	vst v8;
	v6 =	vld.idx.msk [tilespmem:v0+s26+$0x20 ss:$0x1], $0xffff;
	s26 =	sshra.s32 s27, $0x2;
	s27 =	sadd.s32 $0x200, s27  }
0x3d: {  	_ =	sdelay $0x2  }
0x3e: {  	[tilespmem:s25+$0xFFFFFFD0] =	vst v5  }
0x3f: {  	v56 =	vld.idx.msk [tilespmem:v0+s26+$0x30 ss:$0x1], $0xffff;
	[tilespmem:s25+$0xFFFFFFE0] =	vst v1  }
0x40: {  	v57 =	vld.idx.msk [tilespmem:v0+s26+$0xFFFFFFC0 ss:$0x1], $0xffff;
	[tilespmem:s25+$0xFFFFFFF0] =	vst v2  }
0x41: {  	v58 =	vld.idx.msk [tilespmem:v0+s26+$0xFFFFFFD0 ss:$0x1], $0xffff;
	[tilespmem:s25+$0x0] =	vst v3  }
0x42: {  	v59 =	vld.idx.msk [tilespmem:v0+s26+$0xFFFFFFE0 ss:$0x1], $0xffff;
	[tilespmem:s25+$0x10] =	vst v4  }
0x43: {  	v60 =	vld.idx.msk [tilespmem:v0+s26+$0xFFFFFFF0 ss:$0x1], $0xffff;
	s31 =	sadd.s32 $0x100, s25;
	[tilespmem:s25+$0x20] =	vst v6  }
0x44: {  	v61 =	vld.idx.msk [tilespmem:v0+s26+$0x0 ss:$0x1], $0xffff;
	[tilespmem:s31+$0x30] =	vst v56  }
0x45: {  	v62 =	vld.idx.msk [tilespmem:v0+s26+$0x10 ss:$0x1], $0xffff;
	[tilespmem:s31+$0xFFFFFFC0] =	vst v57  }
0x46: {  	v63 =	vld.idx.msk [tilespmem:v0+s26+$0x20 ss:$0x1], $0xffff;
	[tilespmem:s31+$0xFFFFFFD0] =	vst v58  }
.Ltmp4:
0x47: {  	[tilespmem:s31+$0xFFFFFFE0] =	vst v59;
	(pc) =	sbr.rel @p0 .LBB1_5-.Ltmp4, $4  }
0x48: {  	[tilespmem:s31+$0xFFFFFFF0] =	vst v60  }
0x49: {  	[tilespmem:s31+$0x0] =	vst v61  }
0x4a: {  	[tilespmem:s31+$0x10] =	vst v62  }
0x4b: {  	p1 =	por $0x0, $0x0;
	s25 =	simm.s32 $0x200;
	[tilespmem:s31+$0x20] =	vst v63  }
0x4c: {  	s24 =	sadd.s32 $0x1, s24  }
0x4d: {  	p0 =	sne.s32 s24, $0x4  }
.Ltmp5:
0x4e: {  	_ = 	snop;
	(pc) =	sbr.rel @p0 .LBB1_4-.Ltmp5, $2  }
0x4f: {  	_ =	sdelay $0x2  }
0x50: {  	s23 =	sadd.s32 $0x400, s23;
	s22 =	sadd.s32 $0x400, s22  }
0x51: {  	s21 =	sadd.s32 $0x1, s21  }
0x52: {  	p0 =	sne.s32 s21, $0x4  }
.Ltmp6:
0x53: {  	_ = 	snop;
	(pc) =	sbr.rel @p0 .LBB1_3-.Ltmp6, $2  }
0x54: {  	_ =	sdelay $0x2  }
0x55: {  	s19 =	sadd.s32 $0x1000, s19;
	s20 =	sadd.s32 $0x1000, s20  }
0x56: {  	s15 =	sand.u32 $0x1FFFFFF, s15  }
0x57: {  	s19 =	smulhi.u32 $0x29E71ED, s15  }
0x58: {  	s17 =	smul.u32 $0x187000, s17  }
0x59: {  	s16 =	smul.u32 $0x61C00, s16;
	s19 =	sshrl.u32 s19, $0x6  }
0x5a: {  	s19 =	smul.u32 $0x1870, s19  }
.Ltmp7:
0x5b: {  	_ = 	snop;
	(pc) =	sbr.rel .LBB1_11-.Ltmp7, $4  }
0x5c: {  	s17 =	sadd.s32 s6, s17;
	s15 =	ssub.s32 s15, s19  }
0x5d: {  	s16 =	sadd.s32 s16, s17;
	s15 =	sshll.u32 s15, $0x4  }
0x5e: {  	s15 =	sadd.s32 s15, s16  }
0x5f: {  	[hbm4b:s15+s8] =	stream.strided.scatter [tilespmem:s18], [sflag:$0x2], $0x4000, s9, s8, $0x38;
	[tilespmem:$0x10000] =	vst v63  }
.LBB1_12:
0x60: {  	_ =	sfence.sel $0x180000  }
0x61: {  	s2 =	simm.s32 $0x1;
	[bflag:$0x0] =	sbarrier.arrive $0xFFFF  }
0x62: {  	s31 =	simm.s32 $0x2;
	[sflag:s2] =	ssyncpa.u1 $0x1  }
0x63: {  	[sflag:s31] =	ssyncpa.u1 $0x1  }
0x64: {  	p0 =	sne.s32 s0, $0x0;
	_ =	strace $0x9000004A  }
0x65: {  	s0 =	sadd.s32 @!p0 $0x100000, s1;
	[bflag:$0x2] =	sbarrier.arrive $0xFFFF  }
0x66: {  	[sflag:s0] =	ssyncadd.tile.s32 @!p0 $0x1;
	_ =	shalt  }
.Lfunc_end1:
_tile_overlayer_lowered:
.L_overlay_start_2:
0x67: {  	(tag) =	ssettag $0x2  }
0x68: {  	s0 =	rddreg [dreg:$0x0];
	s2 =	stileid.u32  }
0x69: {  	s1 =	rddreg [dreg:$0x1];
	p0 =	sne.s32 s2, $0x0  }
0x6a: {  	s3 =	rddreg [dreg:$0x2];
	[bflag:$0x3] =	sbarrier.arrive $0xFFFF;
	s2 =	simm.s32 @!p0 $0x1C01  }
0x6b: {  	[timem:s3], [sflag:s2] =	dma.local @!p0 [hbm:s0], s1  }
0x6c: {  	s0 =	simm.s32 @!p0 $0x1  }
0x6d: {  	_ =	swait.ge @!p0 [sflag:s0], s1  }
0x6e: {  	s1 =	ssub.s32 @!p0 $0x0, s1;
	[sflag:s0] =	ssyncset.done @!p0 $0x0  }
0x6f: {  	[sflag:s0] =	ssyncadd.s32 @!p0 s1  }
0x70: {  	[bflag:$0x3] =	sbarrier.arrive $0xFFFF  }
0x71: {  	_ =	shalt  }

</sc_bundles>
